<compile_context>
chip_gen: v7x
topology: tpu7x:2x2x1
jax: 0.10.2.dev20260603
libtpu: 0.0.44.dev20260713+nightly
codegen_flags: <defaults>
</compile_context>

<pallas_src>
import functools

import jax
import jax.numpy as jnp
from jax import lax
from jax.experimental import pallas as pl
from jax.experimental.pallas import tpu as pltpu
from jax.experimental.pallas import tpu_sc as plsc

B, C_IN, N, K, CH = 8, 3, 16384, 20, 16
R = B * N
BNK = B * N * K
D = 8
LW = K * D
LE = K * CH
P = 2048
GRID = R // P

NC, NS = 2, 16
NW = NC * NS
E_W = BNK // NW
SUP = 2048
INNER = 128
N_SUP = E_W // SUP


def _sc_gather(table, idx_flat):

    @functools.partial(
        pl.kernel,
        mesh=plsc.VectorSubcoreMesh(core_axis_name="c", subcore_axis_name="s"),
        out_type=jax.ShapeDtypeStruct((BNK, D), jnp.float32),
        scratch_types=[
            pltpu.VMEM((SUP,), jnp.int32),
            pltpu.VMEM((SUP,), jnp.int32),
            pltpu.VMEM((SUP, D), jnp.float32),
            pltpu.VMEM((SUP, D), jnp.float32),
            pltpu.SemaphoreType.DMA,
            pltpu.SemaphoreType.DMA,
            pltpu.SemaphoreType.DMA,
        ],
        compiler_params=pltpu.CompilerParams(use_tc_tiling_on_sc=False),
    )
    def gather_kernel(table_hbm, idx_hbm, out_hbm,
                      ib0, ib1, rb0, rb1, si, sg, ss):
        wid = lax.axis_index("s") * NC + lax.axis_index("c")
        wbase = wid * E_W
        ibufs = (ib0, ib1)
        rbufs = (rb0, rb1)

        def start_idx(c, buf):
            pltpu.async_copy(idx_hbm.at[pl.ds(wbase + c * SUP, SUP)],
                             ibufs[buf], si)

        def wait_idx(buf):
            pltpu.make_async_copy(idx_hbm.at[pl.ds(0, SUP)],
                                  ibufs[buf], si).wait()

        def start_store(c, buf):
            pltpu.async_copy(rbufs[buf],
                             out_hbm.at[pl.ds(wbase + c * SUP, SUP)], ss)

        def wait_store(buf):
            pltpu.make_async_copy(rbufs[buf],
                                  out_hbm.at[pl.ds(0, SUP)], ss).wait()

        def run_gathers(buf):
            copies = []
            for j in range(SUP // INNER):
                copies.append(
                    pltpu.async_copy(
                        table_hbm.at[ibufs[buf].at[pl.ds(j * INNER, INNER)]],
                        rbufs[buf].at[pl.ds(j * INNER, INNER)],
                        sg,
                    )
                )
            for c in copies:
                c.wait()

        def process(c, buf, prefetch, storewait):
            wait_idx(buf)
            if prefetch:
                start_idx(c + 1, 1 - buf)
            if storewait:
                wait_store(buf)
            run_gathers(buf)
            start_store(c, buf)

        start_idx(0, 0)
        process(0, 0, True, False)
        process(1, 1, True, False)

        def body(j, carry):
            process(2 * j, 0, True, True)
            process(2 * j + 1, 1, True, True)
            return carry

        lax.fori_loop(1, N_SUP // 2 - 1, body, 0)

        process(N_SUP - 2, 0, True, True)
        process(N_SUP - 1, 1, False, True)
        wait_store(0)
        wait_store(1)

    return gather_kernel(table, idx_flat)


def _full(shape):
    return pl.BlockSpec(shape, lambda i: (0, 0))


def _rows(width):
    return pl.BlockSpec((P, width), lambda i: (i, 0))


def _pass_a_kernel(g_ref, x_ref, bd1_ref, bd1n_ref, wx_ref, wxn_ref, acc_ref):
    g = g_ref[...]
    x = x_ref[...]
    y1 = jnp.dot(g, bd1_ref[...], preferred_element_type=jnp.float32,
                 precision=lax.Precision.DEFAULT)
    y1 += jnp.dot(x, wx_ref[...], preferred_element_type=jnp.float32,
                  precision=lax.Precision.DEFAULT)
    y1n = jnp.dot(g, bd1n_ref[...], preferred_element_type=jnp.float32,
                  precision=lax.Precision.DEFAULT)
    y1n += jnp.dot(x, wxn_ref[...], preferred_element_type=jnp.float32,
                   precision=lax.Precision.DEFAULT)
    part = jnp.stack(
        [
            jnp.sum(y1, axis=0),
            jnp.sum(y1 * y1, axis=0),
            jnp.sum(y1n, axis=0),
            jnp.sum(y1n * y1n, axis=0),
        ]
    )
    part = jnp.concatenate([part, jnp.zeros((4, LE), jnp.float32)], axis=0)

    @pl.when(pl.program_id(0) == 0)
    def _():
        acc_ref[...] = jnp.zeros_like(acc_ref)

    acc_ref[...] += part


def _pass_b_kernel(g_ref, x_ref, bd1_ref, bd1n_ref, wx_ref, wxn_ref,
                   prm_ref, m2_ref, m2n_ref,
                   eo_ref, s2_ref, s2n_ref, acc_ref):
    g = g_ref[...]
    x = x_ref[...]
    y1 = jnp.dot(g, bd1_ref[...], preferred_element_type=jnp.float32,
                 precision=lax.Precision.DEFAULT)
    y1 += jnp.dot(x, wx_ref[...], preferred_element_type=jnp.float32,
                  precision=lax.Precision.DEFAULT)
    y1n = jnp.dot(g, bd1n_ref[...], preferred_element_type=jnp.float32,
                  precision=lax.Precision.DEFAULT)
    y1n += jnp.dot(x, wxn_ref[...], preferred_element_type=jnp.float32,
                   precision=lax.Precision.DEFAULT)
    xa = y1 * prm_ref[0:1, :] + prm_ref[1:2, :]
    xa = jnp.where(xa > 0, xa, 0.2 * xa)
    eo = y1n * prm_ref[2:3, :] + prm_ref[3:4, :]
    eo = jnp.where(eo > 0, eo, 0.2 * eo)
    eo_ref[...] = eo
    s2 = jnp.dot(xa, m2_ref[...], preferred_element_type=jnp.float32,
                 precision=lax.Precision.DEFAULT)
    s2n = jnp.dot(eo, m2n_ref[...], preferred_element_type=jnp.float32,
                  precision=lax.Precision.DEFAULT)
    s2_ref[...] = s2
    s2n_ref[...] = s2n
    sums = jnp.stack(
        [jnp.sum(s2), jnp.sum(s2 * s2), jnp.sum(s2n), jnp.sum(s2n * s2n)]
    )
    part = jnp.concatenate(
        [jnp.broadcast_to(sums[:, None], (4, 128)),
         jnp.zeros((4, 128), jnp.float32)], axis=0)

    @pl.when(pl.program_id(0) == 0)
    def _():
        acc_ref[...] = jnp.zeros_like(acc_ref)

    acc_ref[...] += part


def _pass_c_kernel(g_ref, x_ref, bd1n_ref, wxn_ref, prm_ref, scal_ref,
                   s2_ref, s2n_ref, exp_ref, msum_ref, out_ref):
    g = g_ref[...]
    x = x_ref[...]
    y1n = jnp.dot(g, bd1n_ref[...], preferred_element_type=jnp.float32,
                  precision=lax.Precision.DEFAULT)
    y1n += jnp.dot(x, wxn_ref[...], preferred_element_type=jnp.float32,
                   precision=lax.Precision.DEFAULT)
    eo = y1n * prm_ref[2:3, :] + prm_ref[3:4, :]
    eo = jnp.where(eo > 0, eo, 0.2 * eo)
    x2 = s2_ref[...] * scal_ref[0:1, 0:1] + scal_ref[0:1, 1:2]
    e2 = s2n_ref[...] * scal_ref[0:1, 2:3] + scal_ref[0:1, 3:4]
    att = x2 + e2
    att = jnp.where(att > 0, att, 0.2 * att)
    att = att - jnp.max(att, axis=1, keepdims=True)
    att = jnp.exp(att)
    att = att / jnp.sum(att, axis=1, keepdims=True)
    att_x = jnp.dot(att, exp_ref[...], preferred_element_type=jnp.float32,
                    precision=lax.Precision.DEFAULT)
    out_ref[...] = jnp.dot(att_x * eo, msum_ref[...],
                           preferred_element_type=jnp.float32,
                           precision=lax.Precision.DEFAULT)


def kernel(x, pos, idx, dis, w1, g1, b1, w2, g2, b2, w1n, g1n, b1n, w2n, g2n, b2n):
    f32 = jnp.float32
    xt = jnp.transpose(x, (0, 2, 1)).reshape(R, C_IN)
    table = jnp.pad(xt, ((0, 0), (0, D - C_IN)))
    idx_flat = (idx + (jnp.arange(B, dtype=idx.dtype) * N)[:, None, None]).reshape(-1)

    w1a_t = jnp.pad(w1[:, :C_IN].T, ((0, D - C_IN), (0, 0)))
    w1na_t = jnp.pad(w1n[:, :C_IN].T, ((0, D - C_IN), (0, 0)))
    d1_t = jnp.pad((w1[:, C_IN:] - w1[:, :C_IN]).T, ((0, D - C_IN), (0, 0)))
    d1n_t = jnp.pad((w1n[:, C_IN:] - w1n[:, :C_IN]).T, ((0, D - C_IN), (0, 0)))
    eye_k = jnp.eye(K, dtype=f32)
    bd1 = jnp.kron(eye_k, w1a_t)
    bd1n = jnp.kron(eye_k, w1na_t)
    wx = jnp.tile(d1_t, (1, K))
    wxn = jnp.tile(d1n_t, (1, K))
    m2 = jnp.kron(eye_k, w2[0][:, None])
    m2n = jnp.kron(eye_k, w2n[0][:, None])
    expand = jnp.kron(eye_k, jnp.ones((1, CH), f32))
    msum = jnp.kron(jnp.ones((K, 1), f32), jnp.eye(CH, dtype=f32))

    g_flat = _sc_gather(table, idx_flat)
    g2d = g_flat.reshape(R, LW)

    acc1 = pl.pallas_call(
        _pass_a_kernel,
        grid=(GRID,),
        in_specs=[_rows(LW), _rows(D), _full((LW, LE)), _full((LW, LE)),
                  _full((D, LE)), _full((D, LE))],
        out_specs=_full((8, LE)),
        out_shape=jax.ShapeDtypeStruct((8, LE), f32),
    )(g2d, table, bd1, bd1n, wx, wxn)

    m = f32(BNK)
    sum1 = acc1[0].reshape(K, CH).sum(0)
    sq1 = acc1[1].reshape(K, CH).sum(0)
    sum1n = acc1[2].reshape(K, CH).sum(0)
    sq1n = acc1[3].reshape(K, CH).sum(0)
    mean1 = sum1 / m
    var1 = sq1 / m - mean1 * mean1
    mean1n = sum1n / m
    var1n = sq1n / m - mean1n * mean1n
    sc1 = g1 / jnp.sqrt(var1 + 1e-5)
    sh1 = b1 - mean1 * sc1
    sc1n = g1n / jnp.sqrt(var1n + 1e-5)
    sh1n = b1n - mean1n * sc1n
    prm = jnp.stack([jnp.tile(sc1, K), jnp.tile(sh1, K),
                     jnp.tile(sc1n, K), jnp.tile(sh1n, K)])

    eo2d, s2, s2n, acc2 = pl.pallas_call(
        _pass_b_kernel,
        grid=(GRID,),
        in_specs=[_rows(LW), _rows(D), _full((LW, LE)), _full((LW, LE)),
                  _full((D, LE)), _full((D, LE)), _full((4, LE)),
                  _full((LE, K)), _full((LE, K))],
        out_specs=[_rows(LE), _rows(K), _rows(K), _full((8, 128))],
        out_shape=[
            jax.ShapeDtypeStruct((R, LE), f32),
            jax.ShapeDtypeStruct((R, K), f32),
            jax.ShapeDtypeStruct((R, K), f32),
            jax.ShapeDtypeStruct((8, 128), f32),
        ],
    )(g2d, table, bd1, bd1n, wx, wxn, prm, m2, m2n)

    mean2 = acc2[0, 0] / m
    var2 = acc2[1, 0] / m - mean2 * mean2
    mean2n = acc2[2, 0] / m
    var2n = acc2[3, 0] / m - mean2n * mean2n
    a2 = g2[0] / jnp.sqrt(var2 + 1e-5)
    c2 = b2[0] - mean2 * a2
    a2n = g2n[0] / jnp.sqrt(var2n + 1e-5)
    c2n = b2n[0] - mean2n * a2n
    scal = jnp.zeros((1, 128), f32)
    scal = scal.at[0, 0].set(a2).at[0, 1].set(c2)
    scal = scal.at[0, 2].set(a2n).at[0, 3].set(c2n)

    out2d = pl.pallas_call(
        _pass_c_kernel,
        grid=(GRID,),
        in_specs=[_rows(LW), _rows(D), _full((LW, LE)), _full((D, LE)),
                  _full((4, LE)), _full((1, 128)), _rows(K), _rows(K),
                  _full((K, LE)), _full((LE, CH))],
        out_specs=_rows(CH),
        out_shape=jax.ShapeDtypeStruct((R, CH), f32),
    )(g2d, table, bd1n, wxn, prm, scal, s2, s2n, expand, msum)

    out = out2d.reshape(B, N, CH)
    edge_o = eo2d.reshape(B, N, K, CH)
    return (out, edge_o)

# --- scband reference (transcript-rebuilt; emitter-appended) ---
"""Pipeline reference for scband-gaplayer-single-80049600462883 (READ-ONLY COPY).

The authoritative reference and input builder live on the scoring server;
editing this copy changes nothing except your own understanding.
"""

import jax, jax.numpy as jnp
import numpy as np

B, C_IN, N, K, CH = 8, 3, 16384, 20, 16


def setup_inputs(seed: int = 0):
    key = jax.random.key(seed)
    ks = jax.random.split(key, 8)
    x = jax.random.normal(ks[0], (B, C_IN, N), dtype=jnp.float32)
    pos = jax.random.normal(ks[1], (B, C_IN, N), dtype=jnp.float32)
    idx = jax.random.randint(ks[2], (B, N, K), 0, N, dtype=jnp.int32)
    dis = jax.random.normal(ks[3], (B, 1, N, K), dtype=jnp.float32)
    w1 = jax.random.normal(ks[4], (CH, 2 * C_IN), dtype=jnp.float32) * 0.1
    w2 = jax.random.normal(ks[5], (1, CH), dtype=jnp.float32) * 0.1
    w1n = jax.random.normal(ks[6], (CH, 2 * C_IN), dtype=jnp.float32) * 0.1
    w2n = jax.random.normal(ks[7], (1, CH), dtype=jnp.float32) * 0.1
    return {
        'x': x, 'pos': pos, 'idx': idx, 'dis': dis,
        'w1': w1, 'g1': jnp.ones((CH,), jnp.float32), 'b1': jnp.zeros((CH,), jnp.float32),
        'w2': w2, 'g2': jnp.ones((1,), jnp.float32), 'b2': jnp.zeros((1,), jnp.float32),
        'w1n': w1n, 'g1n': jnp.ones((CH,), jnp.float32), 'b1n': jnp.zeros((CH,), jnp.float32),
        'w2n': w2n, 'g2n': jnp.ones((1,), jnp.float32), 'b2n': jnp.zeros((1,), jnp.float32),
    }


def _conv_bn(t, w, gamma, beta, lrelu):
    # t: [B, N, K, Cin]; 1x1 conv == per-point linear; BatchNorm2d in training mode
    y = jnp.einsum('bnkc,oc->bnko', t, w)
    mean = jnp.mean(y, axis=(0, 1, 2))
    var = jnp.var(y, axis=(0, 1, 2))  # biased var, matches torch BN normalization
    y = (y - mean) / jnp.sqrt(var + 1e-5) * gamma + beta
    if lrelu:
        y = jnp.where(y > 0, y, 0.2 * y)
    return y


def reference(x, pos, idx, dis, w1, g1, b1, w2, g2, b2, w1n, g1n, b1n, w2n, g2n, b2n):
    Bb, Cd, Np = x.shape
    k = idx.shape[-1]
    xt = jnp.transpose(x, (0, 2, 1))  # [B, N, C]
    idx_base = (jnp.arange(Bb, dtype=idx.dtype)[:, None, None]) * Np
    idx1 = (idx + idx_base).reshape(-1)
    feature = jnp.take(xt.reshape(Bb * Np, Cd), idx1, axis=0).reshape(Bb, Np, k, Cd)
    x_rep = jnp.broadcast_to(xt[:, :, None, :], (Bb, Np, k, Cd))
    # edge2 in torch layout [B, 2C, N, K]; here kept channels-last [B, N, K, 2C]
    edge_mix = jnp.concatenate([feature - x_rep, x_rep], axis=3)
    xa = _conv_bn(edge_mix, w1, g1, b1, True)        # [B, N, K, CH]
    edge_o = _conv_bn(edge_mix, w1n, g1n, b1n, True)  # [B, N, K, CH] (== torch edge_o.permute(0,2,3,1))
    x2 = _conv_bn(xa, w2, g2, b2, False)              # [B, N, K, 1]
    e2 = _conv_bn(edge_o, w2n, g2n, b2n, False)       # [B, N, K, 1]
    att = x2 + e2
    att = jnp.where(att > 0, att, 0.2 * att)
    att = jax.nn.softmax(att[..., 0], axis=-1)        # softmax over K
    out = jnp.einsum('bnk,bnkc->bnc', att, edge_o)    # == matmul(x, edge_o).squeeze()
    return (out, edge_o)

if __name__ == "__main__":
    import jax
    _d = setup_inputs()
    print(jax.jit(kernel)(*tuple(_d.values())))

</pallas_src>

<mosaic_0001>
#map = affine_map<(d0, d1) -> (0, 0)>
#map1 = affine_map<(d0, d1) -> (0)>
module attributes {stable_mosaic.version = 14 : i64} {
  func.func @gather_kernel(%arg0: i32, %arg1: i32, %arg2: memref<131072x8xf32, #tpu.memory_space<hbm>>, %arg3: memref<2621440xi32, #tpu.memory_space<hbm>>, %arg4: memref<2621440x8xf32, #tpu.memory_space<hbm>>, %arg5: memref<2048xi32, #tpu.memory_space<vmem>>, %arg6: memref<2048xi32, #tpu.memory_space<vmem>>, %arg7: memref<2048x8xf32, #tpu.memory_space<vmem>>, %arg8: memref<2048x8xf32, #tpu.memory_space<vmem>>, %arg9: memref<!tpu.dma_semaphore, #tpu.memory_space<semaphore_mem>>, %arg10: memref<!tpu.dma_semaphore, #tpu.memory_space<semaphore_mem>>, %arg11: memref<!tpu.dma_semaphore, #tpu.memory_space<semaphore_mem>>) attributes {dimension_semantics = [#tpu.dimension_semantics<core_parallel>, #tpu.dimension_semantics<subcore_parallel>], iteration_bounds = array<i64: 2, 16>, scalar_prefetch = 0 : i64, scratch_operands = 7 : i64, tpu.core_type = #tpu.core_type<sc_vector_subcore>, window_params = [{transform_indices = #map}, {transform_indices = #map1}, {transform_indices = #map}]} {
    %mul3A = arith.constant 2 : i32
    %mul3A_0 = arith.muli %arg1, %mul3A : i32
    %add3A = arith.addi %mul3A_0, %arg0 : i32
    %mul3A_1 = arith.constant 81920 : i32
    %mul3A_2 = arith.muli %add3A, %mul3A_1 : i32
    %add3A_3 = arith.constant 0 : i32
    %add3A_4 = arith.addi %mul3A_2, %add3A_3 : i32
    %dma_start3A = tpu.memref_slice %arg3[%add3A_4] : memref<2621440xi32, #tpu.memory_space<hbm>> -> memref<2048xi32, #tpu.memory_space<hbm>>
    %dma_start3A_5 = tpu.memref_slice %arg3[%add3A_4] : memref<2621440xi32, #tpu.memory_space<hbm>> -> memref<2048xi32, #tpu.memory_space<hbm>>
    tpu.enqueue_dma source(%dma_start3A_5 : memref<2048xi32, #tpu.memory_space<hbm>>) target(%arg5 : memref<2048xi32, #tpu.memory_space<vmem>>) target_semaphore(%arg9 : memref<!tpu.dma_semaphore, #tpu.memory_space<semaphore_mem>>)
    %dma_wait3A = arith.constant 0 : i32
    %dma_wait3A_6 = tpu.memref_slice %arg3[%dma_wait3A] : memref<2621440xi32, #tpu.memory_space<hbm>> -> memref<2048xi32, #tpu.memory_space<hbm>>
    %dma_wait3A_7 = arith.constant 0 : i32
    %dma_wait3A_8 = tpu.memref_slice %arg3[%dma_wait3A_7] : memref<2621440xi32, #tpu.memory_space<hbm>> -> memref<2048xi32, #tpu.memory_space<hbm>>
    tpu.wait_dma2 semaphore(%arg9 : memref<!tpu.dma_semaphore, #tpu.memory_space<semaphore_mem>>) src(%dma_wait3A_8 : memref<2048xi32, #tpu.memory_space<hbm>>) dst(%arg5 : memref<2048xi32, #tpu.memory_space<vmem>>)
    %add3A_9 = arith.constant 2048 : i32
    %add3A_10 = arith.addi %mul3A_2, %add3A_9 : i32
    %dma_start3A_11 = tpu.memref_slice %arg3[%add3A_10] : memref<2621440xi32, #tpu.memory_space<hbm>> -> memref<2048xi32, #tpu.memory_space<hbm>>
    %dma_start3A_12 = tpu.memref_slice %arg3[%add3A_10] : memref<2621440xi32, #tpu.memory_space<hbm>> -> memref<2048xi32, #tpu.memory_space<hbm>>
    tpu.enqueue_dma source(%dma_start3A_12 : memref<2048xi32, #tpu.memory_space<hbm>>) target(%arg6 : memref<2048xi32, #tpu.memory_space<vmem>>) target_semaphore(%arg9 : memref<!tpu.dma_semaphore, #tpu.memory_space<semaphore_mem>>)
    %dma_start3A_13 = arith.constant 0 : i32
    %dma_start3A_14 = arith.constant 0 : i32
    %dma_start3A_15 = tpu.memref_slice %arg7[%dma_start3A_13, %dma_start3A_14] : memref<2048x8xf32, #tpu.memory_space<vmem>> -> memref<128x8xf32, #tpu.memory_space<vmem>>
    %dma_start3A_16 = arith.constant 0 : i32
    %dma_start3A_17 = tpu.memref_slice %arg5[%dma_start3A_16] : memref<2048xi32, #tpu.memory_space<vmem>> -> memref<128xi32, #tpu.memory_space<vmem>>
    %dma_start3A_18 = arith.constant 0 : i32
    %dma_start3A_19 = arith.constant 0 : i32
    %dma_start3A_20 = tpu.memref_slice %arg2[%dma_start3A_18, %dma_start3A_19] : memref<131072x8xf32, #tpu.memory_space<hbm>> -> memref<131072x8xf32, #tpu.memory_space<hbm>>
    tpu.enqueue_indirect_dma source(%dma_start3A_20 : memref<131072x8xf32, #tpu.memory_space<hbm>>) target(%dma_start3A_15 : memref<128x8xf32, #tpu.memory_space<vmem>>) offsets(%dma_start3A_17 : memref<128xi32, #tpu.memory_space<vmem>>) semaphore(%arg10 : memref<!tpu.dma_semaphore, #tpu.memory_space<semaphore_mem>>)
    %dma_start3A_21 = arith.constant 128 : i32
    %dma_start3A_22 = arith.constant 0 : i32
    %dma_start3A_23 = tpu.memref_slice %arg7[%dma_start3A_21, %dma_start3A_22] : memref<2048x8xf32, #tpu.memory_space<vmem>> -> memref<128x8xf32, #tpu.memory_space<vmem>>
    %dma_start3A_24 = arith.constant 128 : i32
    %dma_start3A_25 = tpu.memref_slice %arg5[%dma_start3A_24] : memref<2048xi32, #tpu.memory_space<vmem>> -> memref<128xi32, #tpu.memory_space<vmem>>
    %dma_start3A_26 = arith.constant 0 : i32
    %dma_start3A_27 = arith.constant 0 : i32
    %dma_start3A_28 = tpu.memref_slice %arg2[%dma_start3A_26, %dma_start3A_27] : memref<131072x8xf32, #tpu.memory_space<hbm>> -> memref<131072x8xf32, #tpu.memory_space<hbm>>
    tpu.enqueue_indirect_dma source(%dma_start3A_28 : memref<131072x8xf32, #tpu.memory_space<hbm>>) target(%dma_start3A_23 : memref<128x8xf32, #tpu.memory_space<vmem>>) offsets(%dma_start3A_25 : memref<128xi32, #tpu.memory_space<vmem>>) semaphore(%arg10 : memref<!tpu.dma_semaphore, #tpu.memory_space<semaphore_mem>>)
    %dma_start3A_29 = arith.constant 256 : i32
    %dma_start3A_30 = arith.constant 0 : i32
    %dma_start3A_31 = tpu.memref_slice %arg7[%dma_start3A_29, %dma_start3A_30] : memref<2048x8xf32, #tpu.memory_space<vmem>> -> memref<128x8xf32, #tpu.memory_space<vmem>>
    %dma_start3A_32 = arith.constant 256 : i32
    %dma_start3A_33 = tpu.memref_slice %arg5[%dma_start3A_32] : memref<2048xi32, #tpu.memory_space<vmem>> -> memref<128xi32, #tpu.memory_space<vmem>>
    %dma_start3A_34 = arith.constant 0 : i32
    %dma_start3A_35 = arith.constant 0 : i32
    %dma_start3A_36 = tpu.memref_slice %arg2[%dma_start3A_34, %dma_start3A_35] : memref<131072x8xf32, #tpu.memory_space<hbm>> -> memref<131072x8xf32, #tpu.memory_space<hbm>>
    tpu.enqueue_indirect_dma source(%dma_start3A_36 : memref<131072x8xf32, #tpu.memory_space<hbm>>) target(%dma_start3A_31 : memref<128x8xf32, #tpu.memory_space<vmem>>) offsets(%dma_start3A_33 : memref<128xi32, #tpu.memory_space<vmem>>) semaphore(%arg10 : memref<!tpu.dma_semaphore, #tpu.memory_space<semaphore_mem>>)
    %dma_start3A_37 = arith.constant 384 : i32
    %dma_start3A_38 = arith.constant 0 : i32
    %dma_start3A_39 = tpu.memref_slice %arg7[%dma_start3A_37, %dma_start3A_38] : memref<2048x8xf32, #tpu.memory_space<vmem>> -> memref<128x8xf32, #tpu.memory_space<vmem>>
    %dma_start3A_40 = arith.constant 384 : i32
    %dma_start3A_41 = tpu.memref_slice %arg5[%dma_start3A_40] : memref<2048xi32, #tpu.memory_space<vmem>> -> memref<128xi32, #tpu.memory_space<vmem>>
    %dma_start3A_42 = arith.constant 0 : i32
    %dma_start3A_43 = arith.constant 0 : i32
    %dma_start3A_44 = tpu.memref_slice %arg2[%dma_start3A_42, %dma_start3A_43] : memref<131072x8xf32, #tpu.memory_space<hbm>> -> memref<131072x8xf32, #tpu.memory_space<hbm>>
    tpu.enqueue_indirect_dma source(%dma_start3A_44 : memref<131072x8xf32, #tpu.memory_space<hbm>>) target(%dma_start3A_39 : memref<128x8xf32, #tpu.memory_space<vmem>>) offsets(%dma_start3A_41 : memref<128xi32, #tpu.memory_space<vmem>>) semaphore(%arg10 : memref<!tpu.dma_semaphore, #tpu.memory_space<semaphore_mem>>)
    %dma_start3A_45 = arith.constant 512 : i32
    %dma_start3A_46 = arith.constant 0 : i32
    %dma_start3A_47 = tpu.memref_slice %arg7[%dma_start3A_45, %dma_start3A_46] : memref<2048x8xf32, #tpu.memory_space<vmem>> -> memref<128x8xf32, #tpu.memory_space<vmem>>
    %dma_start3A_48 = arith.constant 512 : i32
    %dma_start3A_49 = tpu.memref_slice %arg5[%dma_start3A_48] : memref<2048xi32, #tpu.memory_space<vmem>> -> memref<128xi32, #tpu.memory_space<vmem>>
    %dma_start3A_50 = arith.constant 0 : i32
    %dma_start3A_51 = arith.constant 0 : i32
    %dma_start3A_52 = tpu.memref_slice %arg2[%dma_start3A_50, %dma_start3A_51] : memref<131072x8xf32, #tpu.memory_space<hbm>> -> memref<131072x8xf32, #tpu.memory_space<hbm>>
    tpu.enqueue_indirect_dma source(%dma_start3A_52 : memref<131072x8xf32, #tpu.memory_space<hbm>>) target(%dma_start3A_47 : memref<128x8xf32, #tpu.memory_space<vmem>>) offsets(%dma_start3A_49 : memref<128xi32, #tpu.memory_space<vmem>>) semaphore(%arg10 : memref<!tpu.dma_semaphore, #tpu.memory_space<semaphore_mem>>)
    %dma_start3A_53 = arith.constant 640 : i32
    %dma_start3A_54 = arith.constant 0 : i32
    %dma_start3A_55 = tpu.memref_slice %arg7[%dma_start3A_53, %dma_start3A_54] : memref<2048x8xf32, #tpu.memory_space<vmem>> -> memref<128x8xf32, #tpu.memory_space<vmem>>
    %dma_start3A_56 = arith.constant 640 : i32
    %dma_start3A_57 = tpu.memref_slice %arg5[%dma_start3A_56] : memref<2048xi32, #tpu.memory_space<vmem>> -> memref<128xi32, #tpu.memory_space<vmem>>
    %dma_start3A_58 = arith.constant 0 : i32
    %dma_start3A_59 = arith.constant 0 : i32
    %dma_start3A_60 = tpu.memref_slice %arg2[%dma_start3A_58, %dma_start3A_59] : memref<131072x8xf32, #tpu.memory_space<hbm>> -> memref<131072x8xf32, #tpu.memory_space<hbm>>
    tpu.enqueue_indirect_dma source(%dma_start3A_60 : memref<131072x8xf32, #tpu.memory_space<hbm>>) target(%dma_start3A_55 : memref<128x8xf32, #tpu.memory_space<vmem>>) offsets(%dma_start3A_57 : memref<128xi32, #tpu.memory_space<vmem>>) semaphore(%arg10 : memref<!tpu.dma_semaphore, #tpu.memory_space<semaphore_mem>>)
    %dma_start3A_61 = arith.constant 768 : i32
    %dma_start3A_62 = arith.constant 0 : i32
    %dma_start3A_63 = tpu.memref_slice %arg7[%dma_start3A_61, %dma_start3A_62] : memref<2048x8xf32, #tpu.memory_space<vmem>> -> memref<128x8xf32, #tpu.memory_space<vmem>>
    %dma_start3A_64 = arith.constant 768 : i32
    %dma_start3A_65 = tpu.memref_slice %arg5[%dma_start3A_64] : memref<2048xi32, #tpu.memory_space<vmem>> -> memref<128xi32, #tpu.memory_space<vmem>>
    %dma_start3A_66 = arith.constant 0 : i32
    %dma_start3A_67 = arith.constant 0 : i32
    %dma_start3A_68 = tpu.memref_slice %arg2[%dma_start3A_66, %dma_start3A_67] : memref<131072x8xf32, #tpu.memory_space<hbm>> -> memref<131072x8xf32, #tpu.memory_space<hbm>>
    tpu.enqueue_indirect_dma source(%dma_start3A_68 : memref<131072x8xf32, #tpu.memory_space<hbm>>) target(%dma_start3A_63 : memref<128x8xf32, #tpu.memory_space<vmem>>) offsets(%dma_start3A_65 : memref<128xi32, #tpu.memory_space<vmem>>) semaphore(%arg10 : memref<!tpu.dma_semaphore, #tpu.memory_space<semaphore_mem>>)
    %dma_start3A_69 = arith.constant 896 : i32
    %dma_start3A_70 = arith.constant 0 : i32
    %dma_start3A_71 = tpu.memref_slice %arg7[%dma_start3A_69, %dma_start3A_70] : memref<2048x8xf32, #tpu.memory_space<vmem>> -> memref<128x8xf32, #tpu.memory_space<vmem>>
    %dma_start3A_72 = arith.constant 896 : i32
    %dma_start3A_73 = tpu.memref_slice %arg5[%dma_start3A_72] : memref<2048xi32, #tpu.memory_space<vmem>> -> memref<128xi32, #tpu.memory_space<vmem>>
    %dma_start3A_74 = arith.constant 0 : i32
    %dma_start3A_75 = arith.constant 0 : i32
    %dma_start3A_76 = tpu.memref_slice %arg2[%dma_start3A_74, %dma_start3A_75] : memref<131072x8xf32, #tpu.memory_space<hbm>> -> memref<131072x8xf32, #tpu.memory_space<hbm>>
    tpu.enqueue_indirect_dma source(%dma_start3A_76 : memref<131072x8xf32, #tpu.memory_space<hbm>>) target(%dma_start3A_71 : memref<128x8xf32, #tpu.memory_space<vmem>>) offsets(%dma_start3A_73 : memref<128xi32, #tpu.memory_space<vmem>>) semaphore(%arg10 : memref<!tpu.dma_semaphore, #tpu.memory_space<semaphore_mem>>)
    %dma_start3A_77 = arith.constant 1024 : i32
    %dma_start3A_78 = arith.constant 0 : i32
    %dma_start3A_79 = tpu.memref_slice %arg7[%dma_start3A_77, %dma_start3A_78] : memref<2048x8xf32, #tpu.memory_space<vmem>> -> memref<128x8xf32, #tpu.memory_space<vmem>>
    %dma_start3A_80 = arith.constant 1024 : i32
    %dma_start3A_81 = tpu.memref_slice %arg5[%dma_start3A_80] : memref<2048xi32, #tpu.memory_space<vmem>> -> memref<128xi32, #tpu.memory_space<vmem>>
    %dma_start3A_82 = arith.constant 0 : i32
    %dma_start3A_83 = arith.constant 0 : i32
    %dma_start3A_84 = tpu.memref_slice %arg2[%dma_start3A_82, %dma_start3A_83] : memref<131072x8xf32, #tpu.memory_space<hbm>> -> memref<131072x8xf32, #tpu.memory_space<hbm>>
    tpu.enqueue_indirect_dma source(%dma_start3A_84 : memref<131072x8xf32, #tpu.memory_space<hbm>>) target(%dma_start3A_79 : memref<128x8xf32, #tpu.memory_space<vmem>>) offsets(%dma_start3A_81 : memref<128xi32, #tpu.memory_space<vmem>>) semaphore(%arg10 : memref<!tpu.dma_semaphore, #tpu.memory_space<semaphore_mem>>)
    %dma_start3A_85 = arith.constant 1152 : i32
    %dma_start3A_86 = arith.constant 0 : i32
    %dma_start3A_87 = tpu.memref_slice %arg7[%dma_start3A_85, %dma_start3A_86] : memref<2048x8xf32, #tpu.memory_space<vmem>> -> memref<128x8xf32, #tpu.memory_space<vmem>>
    %dma_start3A_88 = arith.constant 1152 : i32
    %dma_start3A_89 = tpu.memref_slice %arg5[%dma_start3A_88] : memref<2048xi32, #tpu.memory_space<vmem>> -> memref<128xi32, #tpu.memory_space<vmem>>
    %dma_start3A_90 = arith.constant 0 : i32
    %dma_start3A_91 = arith.constant 0 : i32
    %dma_start3A_92 = tpu.memref_slice %arg2[%dma_start3A_90, %dma_start3A_91] : memref<131072x8xf32, #tpu.memory_space<hbm>> -> memref<131072x8xf32, #tpu.memory_space<hbm>>
    tpu.enqueue_indirect_dma source(%dma_start3A_92 : memref<131072x8xf32, #tpu.memory_space<hbm>>) target(%dma_start3A_87 : memref<128x8xf32, #tpu.memory_space<vmem>>) offsets(%dma_start3A_89 : memref<128xi32, #tpu.memory_space<vmem>>) semaphore(%arg10 : memref<!tpu.dma_semaphore, #tpu.memory_space<semaphore_mem>>)
    %dma_start3A_93 = arith.constant 1280 : i32
    %dma_start3A_94 = arith.constant 0 : i32
    %dma_start3A_95 = tpu.memref_slice %arg7[%dma_start3A_93, %dma_start3A_94] : memref<2048x8xf32, #tpu.memory_space<vmem>> -> memref<128x8xf32, #tpu.memory_space<vmem>>
    %dma_start3A_96 = arith.constant 1280 : i32
    %dma_start3A_97 = tpu.memref_slice %arg5[%dma_start3A_96] : memref<2048xi32, #tpu.memory_space<vmem>> -> memref<128xi32, #tpu.memory_space<vmem>>
    %dma_start3A_98 = arith.constant 0 : i32
    %dma_start3A_99 = arith.constant 0 : i32
    %dma_start3A_100 = tpu.memref_slice %arg2[%dma_start3A_98, %dma_start3A_99] : memref<131072x8xf32, #tpu.memory_space<hbm>> -> memref<131072x8xf32, #tpu.memory_space<hbm>>
    tpu.enqueue_indirect_dma source(%dma_start3A_100 : memref<131072x8xf32, #tpu.memory_space<hbm>>) target(%dma_start3A_95 : memref<128x8xf32, #tpu.memory_space<vmem>>) offsets(%dma_start3A_97 : memref<128xi32, #tpu.memory_space<vmem>>) semaphore(%arg10 : memref<!tpu.dma_semaphore, #tpu.memory_space<semaphore_mem>>)
    %dma_start3A_101 = arith.constant 1408 : i32
    %dma_start3A_102 = arith.constant 0 : i32
    %dma_start3A_103 = tpu.memref_slice %arg7[%dma_start3A_101, %dma_start3A_102] : memref<2048x8xf32, #tpu.memory_space<vmem>> -> memref<128x8xf32, #tpu.memory_space<vmem>>
    %dma_start3A_104 = arith.constant 1408 : i32
    %dma_start3A_105 = tpu.memref_slice %arg5[%dma_start3A_104] : memref<2048xi32, #tpu.memory_space<vmem>> -> memref<128xi32, #tpu.memory_space<vmem>>
    %dma_start3A_106 = arith.constant 0 : i32
    %dma_start3A_107 = arith.constant 0 : i32
    %dma_start3A_108 = tpu.memref_slice %arg2[%dma_start3A_106, %dma_start3A_107] : memref<131072x8xf32, #tpu.memory_space<hbm>> -> memref<131072x8xf32, #tpu.memory_space<hbm>>
    tpu.enqueue_indirect_dma source(%dma_start3A_108 : memref<131072x8xf32, #tpu.memory_space<hbm>>) target(%dma_start3A_103 : memref<128x8xf32, #tpu.memory_space<vmem>>) offsets(%dma_start3A_105 : memref<128xi32, #tpu.memory_space<vmem>>) semaphore(%arg10 : memref<!tpu.dma_semaphore, #tpu.memory_space<semaphore_mem>>)
    %dma_start3A_109 = arith.constant 1536 : i32
    %dma_start3A_110 = arith.constant 0 : i32
    %dma_start3A_111 = tpu.memref_slice %arg7[%dma_start3A_109, %dma_start3A_110] : memref<2048x8xf32, #tpu.memory_space<vmem>> -> memref<128x8xf32, #tpu.memory_space<vmem>>
    %dma_start3A_112 = arith.constant 1536 : i32
    %dma_start3A_113 = tpu.memref_slice %arg5[%dma_start3A_112] : memref<2048xi32, #tpu.memory_space<vmem>> -> memref<128xi32, #tpu.memory_space<vmem>>
    %dma_start3A_114 = arith.constant 0 : i32
    %dma_start3A_115 = arith.constant 0 : i32
    %dma_start3A_116 = tpu.memref_slice %arg2[%dma_start3A_114, %dma_start3A_115] : memref<131072x8xf32, #tpu.memory_space<hbm>> -> memref<131072x8xf32, #tpu.memory_space<hbm>>
    tpu.enqueue_indirect_dma source(%dma_start3A_116 : memref<131072x8xf32, #tpu.memory_space<hbm>>) target(%dma_start3A_111 : memref<128x8xf32, #tpu.memory_space<vmem>>) offsets(%dma_start3A_113 : memref<128xi32, #tpu.memory_space<vmem>>) semaphore(%arg10 : memref<!tpu.dma_semaphore, #tpu.memory_space<semaphore_mem>>)
    %dma_start3A_117 = arith.constant 1664 : i32
    %dma_start3A_118 = arith.constant 0 : i32
    %dma_start3A_119 = tpu.memref_slice %arg7[%dma_start3A_117, %dma_start3A_118] : memref<2048x8xf32, #tpu.memory_space<vmem>> -> memref<128x8xf32, #tpu.memory_space<vmem>>
    %dma_start3A_120 = arith.constant 1664 : i32
    %dma_start3A_121 = tpu.memref_slice %arg5[%dma_start3A_120] : memref<2048xi32, #tpu.memory_space<vmem>> -> memref<128xi32, #tpu.memory_space<vmem>>
    %dma_start3A_122 = arith.constant 0 : i32
    %dma_start3A_123 = arith.constant 0 : i32
    %dma_start3A_124 = tpu.memref_slice %arg2[%dma_start3A_122, %dma_start3A_123] : memref<131072x8xf32, #tpu.memory_space<hbm>> -> memref<131072x8xf32, #tpu.memory_space<hbm>>
    tpu.enqueue_indirect_dma source(%dma_start3A_124 : memref<131072x8xf32, #tpu.memory_space<hbm>>) target(%dma_start3A_119 : memref<128x8xf32, #tpu.memory_space<vmem>>) offsets(%dma_start3A_121 : memref<128xi32, #tpu.memory_space<vmem>>) semaphore(%arg10 : memref<!tpu.dma_semaphore, #tpu.memory_space<semaphore_mem>>)
    %dma_start3A_125 = arith.constant 1792 : i32
    %dma_start3A_126 = arith.constant 0 : i32
    %dma_start3A_127 = tpu.memref_slice %arg7[%dma_start3A_125, %dma_start3A_126] : memref<2048x8xf32, #tpu.memory_space<vmem>> -> memref<128x8xf32, #tpu.memory_space<vmem>>
    %dma_start3A_128 = arith.constant 1792 : i32
    %dma_start3A_129 = tpu.memref_slice %arg5[%dma_start3A_128] : memref<2048xi32, #tpu.memory_space<vmem>> -> memref<128xi32, #tpu.memory_space<vmem>>
    %dma_start3A_130 = arith.constant 0 : i32
    %dma_start3A_131 = arith.constant 0 : i32
    %dma_start3A_132 = tpu.memref_slice %arg2[%dma_start3A_130, %dma_start3A_131] : memref<131072x8xf32, #tpu.memory_space<hbm>> -> memref<131072x8xf32, #tpu.memory_space<hbm>>
    tpu.enqueue_indirect_dma source(%dma_start3A_132 : memref<131072x8xf32, #tpu.memory_space<hbm>>) target(%dma_start3A_127 : memref<128x8xf32, #tpu.memory_space<vmem>>) offsets(%dma_start3A_129 : memref<128xi32, #tpu.memory_space<vmem>>) semaphore(%arg10 : memref<!tpu.dma_semaphore, #tpu.memory_space<semaphore_mem>>)
    %dma_start3A_133 = arith.constant 1920 : i32
    %dma_start3A_134 = arith.constant 0 : i32
    %dma_start3A_135 = tpu.memref_slice %arg7[%dma_start3A_133, %dma_start3A_134] : memref<2048x8xf32, #tpu.memory_space<vmem>> -> memref<128x8xf32, #tpu.memory_space<vmem>>
    %dma_start3A_136 = arith.constant 1920 : i32
    %dma_start3A_137 = tpu.memref_slice %arg5[%dma_start3A_136] : memref<2048xi32, #tpu.memory_space<vmem>> -> memref<128xi32, #tpu.memory_space<vmem>>
    %dma_start3A_138 = arith.constant 0 : i32
    %dma_start3A_139 = arith.constant 0 : i32
    %dma_start3A_140 = tpu.memref_slice %arg2[%dma_start3A_138, %dma_start3A_139] : memref<131072x8xf32, #tpu.memory_space<hbm>> -> memref<131072x8xf32, #tpu.memory_space<hbm>>
    tpu.enqueue_indirect_dma source(%dma_start3A_140 : memref<131072x8xf32, #tpu.memory_space<hbm>>) target(%dma_start3A_135 : memref<128x8xf32, #tpu.memory_space<vmem>>) offsets(%dma_start3A_137 : memref<128xi32, #tpu.memory_space<vmem>>) semaphore(%arg10 : memref<!tpu.dma_semaphore, #tpu.memory_space<semaphore_mem>>)
    %dma_wait3A_141 = arith.constant 0 : i32
    %dma_wait3A_142 = arith.constant 0 : i32
    %dma_wait3A_143 = tpu.memref_slice %arg7[%dma_wait3A_141, %dma_wait3A_142] : memref<2048x8xf32, #tpu.memory_space<vmem>> -> memref<128x8xf32, #tpu.memory_space<vmem>>
    %dma_wait3A_144 = arith.constant 0 : i32
    %dma_wait3A_145 = tpu.memref_slice %arg5[%dma_wait3A_144] : memref<2048xi32, #tpu.memory_space<vmem>> -> memref<128xi32, #tpu.memory_space<vmem>>
    %dma_wait3A_146 = arith.constant 0 : i32
    %dma_wait3A_147 = arith.constant 0 : i32
    %dma_wait3A_148 = tpu.memref_slice %arg2[%dma_wait3A_146, %dma_wait3A_147] : memref<131072x8xf32, #tpu.memory_space<hbm>> -> memref<131072x8xf32, #tpu.memory_space<hbm>>
    tpu.wait_indirect_dma semaphore(%arg10 : memref<!tpu.dma_semaphore, #tpu.memory_space<semaphore_mem>>) src(%dma_wait3A_148 : memref<131072x8xf32, #tpu.memory_space<hbm>>) dst(%dma_wait3A_143 : memref<128x8xf32, #tpu.memory_space<vmem>>)
    %dma_wait3A_149 = arith.constant 128 : i32
    %dma_wait3A_150 = arith.constant 0 : i32
    %dma_wait3A_151 = tpu.memref_slice %arg7[%dma_wait3A_149, %dma_wait3A_150] : memref<2048x8xf32, #tpu.memory_space<vmem>> -> memref<128x8xf32, #tpu.memory_space<vmem>>
    %dma_wait3A_152 = arith.constant 128 : i32
    %dma_wait3A_153 = tpu.memref_slice %arg5[%dma_wait3A_152] : memref<2048xi32, #tpu.memory_space<vmem>> -> memref<128xi32, #tpu.memory_space<vmem>>
    %dma_wait3A_154 = arith.constant 0 : i32
    %dma_wait3A_155 = arith.constant 0 : i32
    %dma_wait3A_156 = tpu.memref_slice %arg2[%dma_wait3A_154, %dma_wait3A_155] : memref<131072x8xf32, #tpu.memory_space<hbm>> -> memref<131072x8xf32, #tpu.memory_space<hbm>>
    tpu.wait_indirect_dma semaphore(%arg10 : memref<!tpu.dma_semaphore, #tpu.memory_space<semaphore_mem>>) src(%dma_wait3A_156 : memref<131072x8xf32, #tpu.memory_space<hbm>>) dst(%dma_wait3A_151 : memref<128x8xf32, #tpu.memory_space<vmem>>)
    %dma_wait3A_157 = arith.constant 256 : i32
    %dma_wait3A_158 = arith.constant 0 : i32
    %dma_wait3A_159 = tpu.memref_slice %arg7[%dma_wait3A_157, %dma_wait3A_158] : memref<2048x8xf32, #tpu.memory_space<vmem>> -> memref<128x8xf32, #tpu.memory_space<vmem>>
    %dma_wait3A_160 = arith.constant 256 : i32
    %dma_wait3A_161 = tpu.memref_slice %arg5[%dma_wait3A_160] : memref<2048xi32, #tpu.memory_space<vmem>> -> memref<128xi32, #tpu.memory_space<vmem>>
    %dma_wait3A_162 = arith.constant 0 : i32
    %dma_wait3A_163 = arith.constant 0 : i32
    %dma_wait3A_164 = tpu.memref_slice %arg2[%dma_wait3A_162, %dma_wait3A_163] : memref<131072x8xf32, #tpu.memory_space<hbm>> -> memref<131072x8xf32, #tpu.memory_space<hbm>>
    tpu.wait_indirect_dma semaphore(%arg10 : memref<!tpu.dma_semaphore, #tpu.memory_space<semaphore_mem>>) src(%dma_wait3A_164 : memref<131072x8xf32, #tpu.memory_space<hbm>>) dst(%dma_wait3A_159 : memref<128x8xf32, #tpu.memory_space<vmem>>)
    %dma_wait3A_165 = arith.constant 384 : i32
    %dma_wait3A_166 = arith.constant 0 : i32
    %dma_wait3A_167 = tpu.memref_slice %arg7[%dma_wait3A_165, %dma_wait3A_166] : memref<2048x8xf32, #tpu.memory_space<vmem>> -> memref<128x8xf32, #tpu.memory_space<vmem>>
    %dma_wait3A_168 = arith.constant 384 : i32
    %dma_wait3A_169 = tpu.memref_slice %arg5[%dma_wait3A_168] : memref<2048xi32, #tpu.memory_space<vmem>> -> memref<128xi32, #tpu.memory_space<vmem>>
    %dma_wait3A_170 = arith.constant 0 : i32
    %dma_wait3A_171 = arith.constant 0 : i32
    %dma_wait3A_172 = tpu.memref_slice %arg2[%dma_wait3A_170, %dma_wait3A_171] : memref<131072x8xf32, #tpu.memory_space<hbm>> -> memref<131072x8xf32, #tpu.memory_space<hbm>>
    tpu.wait_indirect_dma semaphore(%arg10 : memref<!tpu.dma_semaphore, #tpu.memory_space<semaphore_mem>>) src(%dma_wait3A_172 : memref<131072x8xf32, #tpu.memory_space<hbm>>) dst(%dma_wait3A_167 : memref<128x8xf32, #tpu.memory_space<vmem>>)
    %dma_wait3A_173 = arith.constant 512 : i32
    %dma_wait3A_174 = arith.constant 0 : i32
    %dma_wait3A_175 = tpu.memref_slice %arg7[%dma_wait3A_173, %dma_wait3A_174] : memref<2048x8xf32, #tpu.memory_space<vmem>> -> memref<128x8xf32, #tpu.memory_space<vmem>>
    %dma_wait3A_176 = arith.constant 512 : i32
    %dma_wait3A_177 = tpu.memref_slice %arg5[%dma_wait3A_176] : memref<2048xi32, #tpu.memory_space<vmem>> -> memref<128xi32, #tpu.memory_space<vmem>>
    %dma_wait3A_178 = arith.constant 0 : i32
    %dma_wait3A_179 = arith.constant 0 : i32
    %dma_wait3A_180 = tpu.memref_slice %arg2[%dma_wait3A_178, %dma_wait3A_179] : memref<131072x8xf32, #tpu.memory_space<hbm>> -> memref<131072x8xf32, #tpu.memory_space<hbm>>
    tpu.wait_indirect_dma semaphore(%arg10 : memref<!tpu.dma_semaphore, #tpu.memory_space<semaphore_mem>>) src(%dma_wait3A_180 : memref<131072x8xf32, #tpu.memory_space<hbm>>) dst(%dma_wait3A_175 : memref<128x8xf32, #tpu.memory_space<vmem>>)
    %dma_wait3A_181 = arith.constant 640 : i32
    %dma_wait3A_182 = arith.constant 0 : i32
    %dma_wait3A_183 = tpu.memref_slice %arg7[%dma_wait3A_181, %dma_wait3A_182] : memref<2048x8xf32, #tpu.memory_space<vmem>> -> memref<128x8xf32, #tpu.memory_space<vmem>>
    %dma_wait3A_184 = arith.constant 640 : i32
    %dma_wait3A_185 = tpu.memref_slice %arg5[%dma_wait3A_184] : memref<2048xi32, #tpu.memory_space<vmem>> -> memref<128xi32, #tpu.memory_space<vmem>>
    %dma_wait3A_186 = arith.constant 0 : i32
    %dma_wait3A_187 = arith.constant 0 : i32
    %dma_wait3A_188 = tpu.memref_slice %arg2[%dma_wait3A_186, %dma_wait3A_187] : memref<131072x8xf32, #tpu.memory_space<hbm>> -> memref<131072x8xf32, #tpu.memory_space<hbm>>
    tpu.wait_indirect_dma semaphore(%arg10 : memref<!tpu.dma_semaphore, #tpu.memory_space<semaphore_mem>>) src(%dma_wait3A_188 : memref<131072x8xf32, #tpu.memory_space<hbm>>) dst(%dma_wait3A_183 : memref<128x8xf32, #tpu.memory_space<vmem>>)
    %dma_wait3A_189 = arith.constant 768 : i32
    %dma_wait3A_190 = arith.constant 0 : i32
    %dma_wait3A_191 = tpu.memref_slice %arg7[%dma_wait3A_189, %dma_wait3A_190] : memref<2048x8xf32, #tpu.memory_space<vmem>> -> memref<128x8xf32, #tpu.memory_space<vmem>>
    %dma_wait3A_192 = arith.constant 768 : i32
    %dma_wait3A_193 = tpu.memref_slice %arg5[%dma_wait3A_192] : memref<2048xi32, #tpu.memory_space<vmem>> -> memref<128xi32, #tpu.memory_space<vmem>>
    %dma_wait3A_194 = arith.constant 0 : i32
    %dma_wait3A_195 = arith.constant 0 : i32
    %dma_wait3A_196 = tpu.memref_slice %arg2[%dma_wait3A_194, %dma_wait3A_195] : memref<131072x8xf32, #tpu.memory_space<hbm>> -> memref<131072x8xf32, #tpu.memory_space<hbm>>
    tpu.wait_indirect_dma semaphore(%arg10 : memref<!tpu.dma_semaphore, #tpu.memory_space<semaphore_mem>>) src(%dma_wait3A_196 : memref<131072x8xf32, #tpu.memory_space<hbm>>) dst(%dma_wait3A_191 : memref<128x8xf32, #tpu.memory_space<vmem>>)
    %dma_wait3A_197 = arith.constant 896 : i32
    %dma_wait3A_198 = arith.constant 0 : i32
    %dma_wait3A_199 = tpu.memref_slice %arg7[%dma_wait3A_197, %dma_wait3A_198] : memref<2048x8xf32, #tpu.memory_space<vmem>> -> memref<128x8xf32, #tpu.memory_space<vmem>>
    %dma_wait3A_200 = arith.constant 896 : i32
    %dma_wait3A_201 = tpu.memref_slice %arg5[%dma_wait3A_200] : memref<2048xi32, #tpu.memory_space<vmem>> -> memref<128xi32, #tpu.memory_space<vmem>>
    %dma_wait3A_202 = arith.constant 0 : i32
    %dma_wait3A_203 = arith.constant 0 : i32
    %dma_wait3A_204 = tpu.memref_slice %arg2[%dma_wait3A_202, %dma_wait3A_203] : memref<131072x8xf32, #tpu.memory_space<hbm>> -> memref<131072x8xf32, #tpu.memory_space<hbm>>
    tpu.wait_indirect_dma semaphore(%arg10 : memref<!tpu.dma_semaphore, #tpu.memory_space<semaphore_mem>>) src(%dma_wait3A_204 : memref<131072x8xf32, #tpu.memory_space<hbm>>) dst(%dma_wait3A_199 : memref<128x8xf32, #tpu.memory_space<vmem>>)
    %dma_wait3A_205 = arith.constant 1024 : i32
    %dma_wait3A_206 = arith.constant 0 : i32
    %dma_wait3A_207 = tpu.memref_slice %arg7[%dma_wait3A_205, %dma_wait3A_206] : memref<2048x8xf32, #tpu.memory_space<vmem>> -> memref<128x8xf32, #tpu.memory_space<vmem>>
    %dma_wait3A_208 = arith.constant 1024 : i32
    %dma_wait3A_209 = tpu.memref_slice %arg5[%dma_wait3A_208] : memref<2048xi32, #tpu.memory_space<vmem>> -> memref<128xi32, #tpu.memory_space<vmem>>
    %dma_wait3A_210 = arith.constant 0 : i32
    %dma_wait3A_211 = arith.constant 0 : i32
    %dma_wait3A_212 = tpu.memref_slice %arg2[%dma_wait3A_210, %dma_wait3A_211] : memref<131072x8xf32, #tpu.memory_space<hbm>> -> memref<131072x8xf32, #tpu.memory_space<hbm>>
    tpu.wait_indirect_dma semaphore(%arg10 : memref<!tpu.dma_semaphore, #tpu.memory_space<semaphore_mem>>) src(%dma_wait3A_212 : memref<131072x8xf32, #tpu.memory_space<hbm>>) dst(%dma_wait3A_207 : memref<128x8xf32, #tpu.memory_space<vmem>>)
    %dma_wait3A_213 = arith.constant 1152 : i32
    %dma_wait3A_214 = arith.constant 0 : i32
    %dma_wait3A_215 = tpu.memref_slice %arg7[%dma_wait3A_213, %dma_wait3A_214] : memref<2048x8xf32, #tpu.memory_space<vmem>> -> memref<128x8xf32, #tpu.memory_space<vmem>>
    %dma_wait3A_216 = arith.constant 1152 : i32
    %dma_wait3A_217 = tpu.memref_slice %arg5[%dma_wait3A_216] : memref<2048xi32, #tpu.memory_space<vmem>> -> memref<128xi32, #tpu.memory_space<vmem>>
    %dma_wait3A_218 = arith.constant 0 : i32
    %dma_wait3A_219 = arith.constant 0 : i32
    %dma_wait3A_220 = tpu.memref_slice %arg2[%dma_wait3A_218, %dma_wait3A_219] : memref<131072x8xf32, #tpu.memory_space<hbm>> -> memref<131072x8xf32, #tpu.memory_space<hbm>>
    tpu.wait_indirect_dma semaphore(%arg10 : memref<!tpu.dma_semaphore, #tpu.memory_space<semaphore_mem>>) src(%dma_wait3A_220 : memref<131072x8xf32, #tpu.memory_space<hbm>>) dst(%dma_wait3A_215 : memref<128x8xf32, #tpu.memory_space<vmem>>)
    %dma_wait3A_221 = arith.constant 1280 : i32
    %dma_wait3A_222 = arith.constant 0 : i32
    %dma_wait3A_223 = tpu.memref_slice %arg7[%dma_wait3A_221, %dma_wait3A_222] : memref<2048x8xf32, #tpu.memory_space<vmem>> -> memref<128x8xf32, #tpu.memory_space<vmem>>
    %dma_wait3A_224 = arith.constant 1280 : i32
    %dma_wait3A_225 = tpu.memref_slice %arg5[%dma_wait3A_224] : memref<2048xi32, #tpu.memory_space<vmem>> -> memref<128xi32, #tpu.memory_space<vmem>>
    %dma_wait3A_226 = arith.constant 0 : i32
    %dma_wait3A_227 = arith.constant 0 : i32
    %dma_wait3A_228 = tpu.memref_slice %arg2[%dma_wait3A_226, %dma_wait3A_227] : memref<131072x8xf32, #tpu.memory_space<hbm>> -> memref<131072x8xf32, #tpu.memory_space<hbm>>
    tpu.wait_indirect_dma semaphore(%arg10 : memref<!tpu.dma_semaphore, #tpu.memory_space<semaphore_mem>>) src(%dma_wait3A_228 : memref<131072x8xf32, #tpu.memory_space<hbm>>) dst(%dma_wait3A_223 : memref<128x8xf32, #tpu.memory_space<vmem>>)
    %dma_wait3A_229 = arith.constant 1408 : i32
    %dma_wait3A_230 = arith.constant 0 : i32
    %dma_wait3A_231 = tpu.memref_slice %arg7[%dma_wait3A_229, %dma_wait3A_230] : memref<2048x8xf32, #tpu.memory_space<vmem>> -> memref<128x8xf32, #tpu.memory_space<vmem>>
    %dma_wait3A_232 = arith.constant 1408 : i32
    %dma_wait3A_233 = tpu.memref_slice %arg5[%dma_wait3A_232] : memref<2048xi32, #tpu.memory_space<vmem>> -> memref<128xi32, #tpu.memory_space<vmem>>
    %dma_wait3A_234 = arith.constant 0 : i32
    %dma_wait3A_235 = arith.constant 0 : i32
    %dma_wait3A_236 = tpu.memref_slice %arg2[%dma_wait3A_234, %dma_wait3A_235] : memref<131072x8xf32, #tpu.memory_space<hbm>> -> memref<131072x8xf32, #tpu.memory_space<hbm>>
    tpu.wait_indirect_dma semaphore(%arg10 : memref<!tpu.dma_semaphore, #tpu.memory_space<semaphore_mem>>) src(%dma_wait3A_236 : memref<131072x8xf32, #tpu.memory_space<hbm>>) dst(%dma_wait3A_231 : memref<128x8xf32, #tpu.memory_space<vmem>>)
    %dma_wait3A_237 = arith.constant 1536 : i32
    %dma_wait3A_238 = arith.constant 0 : i32
    %dma_wait3A_239 = tpu.memref_slice %arg7[%dma_wait3A_237, %dma_wait3A_238] : memref<2048x8xf32, #tpu.memory_space<vmem>> -> memref<128x8xf32, #tpu.memory_space<vmem>>
    %dma_wait3A_240 = arith.constant 1536 : i32
    %dma_wait3A_241 = tpu.memref_slice %arg5[%dma_wait3A_240] : memref<2048xi32, #tpu.memory_space<vmem>> -> memref<128xi32, #tpu.memory_space<vmem>>
    %dma_wait3A_242 = arith.constant 0 : i32
    %dma_wait3A_243 = arith.constant 0 : i32
    %dma_wait3A_244 = tpu.memref_slice %arg2[%dma_wait3A_242, %dma_wait3A_243] : memref<131072x8xf32, #tpu.memory_space<hbm>> -> memref<131072x8xf32, #tpu.memory_space<hbm>>
    tpu.wait_indirect_dma semaphore(%arg10 : memref<!tpu.dma_semaphore, #tpu.memory_space<semaphore_mem>>) src(%dma_wait3A_244 : memref<131072x8xf32, #tpu.memory_space<hbm>>) dst(%dma_wait3A_239 : memref<128x8xf32, #tpu.memory_space<vmem>>)
    %dma_wait3A_245 = arith.constant 1664 : i32
    %dma_wait3A_246 = arith.constant 0 : i32
    %dma_wait3A_247 = tpu.memref_slice %arg7[%dma_wait3A_245, %dma_wait3A_246] : memref<2048x8xf32, #tpu.memory_space<vmem>> -> memref<128x8xf32, #tpu.memory_space<vmem>>
    %dma_wait3A_248 = arith.constant 1664 : i32
    %dma_wait3A_249 = tpu.memref_slice %arg5[%dma_wait3A_248] : memref<2048xi32, #tpu.memory_space<vmem>> -> memref<128xi32, #tpu.memory_space<vmem>>
    %dma_wait3A_250 = arith.constant 0 : i32
    %dma_wait3A_251 = arith.constant 0 : i32
    %dma_wait3A_252 = tpu.memref_slice %arg2[%dma_wait3A_250, %dma_wait3A_251] : memref<131072x8xf32, #tpu.memory_space<hbm>> -> memref<131072x8xf32, #tpu.memory_space<hbm>>
    tpu.wait_indirect_dma semaphore(%arg10 : memref<!tpu.dma_semaphore, #tpu.memory_space<semaphore_mem>>) src(%dma_wait3A_252 : memref<131072x8xf32, #tpu.memory_space<hbm>>) dst(%dma_wait3A_247 : memref<128x8xf32, #tpu.memory_space<vmem>>)
    %dma_wait3A_253 = arith.constant 1792 : i32
    %dma_wait3A_254 = arith.constant 0 : i32
    %dma_wait3A_255 = tpu.memref_slice %arg7[%dma_wait3A_253, %dma_wait3A_254] : memref<2048x8xf32, #tpu.memory_space<vmem>> -> memref<128x8xf32, #tpu.memory_space<vmem>>
    %dma_wait3A_256 = arith.constant 1792 : i32
    %dma_wait3A_257 = tpu.memref_slice %arg5[%dma_wait3A_256] : memref<2048xi32, #tpu.memory_space<vmem>> -> memref<128xi32, #tpu.memory_space<vmem>>
    %dma_wait3A_258 = arith.constant 0 : i32
    %dma_wait3A_259 = arith.constant 0 : i32
    %dma_wait3A_260 = tpu.memref_slice %arg2[%dma_wait3A_258, %dma_wait3A_259] : memref<131072x8xf32, #tpu.memory_space<hbm>> -> memref<131072x8xf32, #tpu.memory_space<hbm>>
    tpu.wait_indirect_dma semaphore(%arg10 : memref<!tpu.dma_semaphore, #tpu.memory_space<semaphore_mem>>) src(%dma_wait3A_260 : memref<131072x8xf32, #tpu.memory_space<hbm>>) dst(%dma_wait3A_255 : memref<128x8xf32, #tpu.memory_space<vmem>>)
    %dma_wait3A_261 = arith.constant 1920 : i32
    %dma_wait3A_262 = arith.constant 0 : i32
    %dma_wait3A_263 = tpu.memref_slice %arg7[%dma_wait3A_261, %dma_wait3A_262] : memref<2048x8xf32, #tpu.memory_space<vmem>> -> memref<128x8xf32, #tpu.memory_space<vmem>>
    %dma_wait3A_264 = arith.constant 1920 : i32
    %dma_wait3A_265 = tpu.memref_slice %arg5[%dma_wait3A_264] : memref<2048xi32, #tpu.memory_space<vmem>> -> memref<128xi32, #tpu.memory_space<vmem>>
    %dma_wait3A_266 = arith.constant 0 : i32
    %dma_wait3A_267 = arith.constant 0 : i32
    %dma_wait3A_268 = tpu.memref_slice %arg2[%dma_wait3A_266, %dma_wait3A_267] : memref<131072x8xf32, #tpu.memory_space<hbm>> -> memref<131072x8xf32, #tpu.memory_space<hbm>>
    tpu.wait_indirect_dma semaphore(%arg10 : memref<!tpu.dma_semaphore, #tpu.memory_space<semaphore_mem>>) src(%dma_wait3A_268 : memref<131072x8xf32, #tpu.memory_space<hbm>>) dst(%dma_wait3A_263 : memref<128x8xf32, #tpu.memory_space<vmem>>)
    %add3A_269 = arith.constant 0 : i32
    %add3A_270 = arith.addi %mul3A_2, %add3A_269 : i32
    %dma_start3A_271 = arith.constant 0 : i32
    %dma_start3A_272 = tpu.memref_slice %arg4[%add3A_270, %dma_start3A_271] : memref<2621440x8xf32, #tpu.memory_space<hbm>> -> memref<2048x8xf32, #tpu.memory_space<hbm>>
    %dma_start3A_273 = arith.constant 0 : i32
    %dma_start3A_274 = tpu.memref_slice %arg4[%add3A_270, %dma_start3A_273] : memref<2621440x8xf32, #tpu.memory_space<hbm>> -> memref<2048x8xf32, #tpu.memory_space<hbm>>
    tpu.enqueue_dma source(%arg7 : memref<2048x8xf32, #tpu.memory_space<vmem>>) target(%dma_start3A_274 : memref<2048x8xf32, #tpu.memory_space<hbm>>) target_semaphore(%arg11 : memref<!tpu.dma_semaphore, #tpu.memory_space<semaphore_mem>>)
    %dma_wait3A_275 = arith.constant 0 : i32
    %dma_wait3A_276 = tpu.memref_slice %arg3[%dma_wait3A_275] : memref<2621440xi32, #tpu.memory_space<hbm>> -> memref<2048xi32, #tpu.memory_space<hbm>>
    %dma_wait3A_277 = arith.constant 0 : i32
    %dma_wait3A_278 = tpu.memref_slice %arg3[%dma_wait3A_277] : memref<2621440xi32, #tpu.memory_space<hbm>> -> memref<2048xi32, #tpu.memory_space<hbm>>
    tpu.wait_dma2 semaphore(%arg9 : memref<!tpu.dma_semaphore, #tpu.memory_space<semaphore_mem>>) src(%dma_wait3A_278 : memref<2048xi32, #tpu.memory_space<hbm>>) dst(%arg6 : memref<2048xi32, #tpu.memory_space<vmem>>)
    %add3A_279 = arith.constant 4096 : i32
    %add3A_280 = arith.addi %mul3A_2, %add3A_279 : i32
    %dma_start3A_281 = tpu.memref_slice %arg3[%add3A_280] : memref<2621440xi32, #tpu.memory_space<hbm>> -> memref<2048xi32, #tpu.memory_space<hbm>>
    %dma_start3A_282 = tpu.memref_slice %arg3[%add3A_280] : memref<2621440xi32, #tpu.memory_space<hbm>> -> memref<2048xi32, #tpu.memory_space<hbm>>
    tpu.enqueue_dma source(%dma_start3A_282 : memref<2048xi32, #tpu.memory_space<hbm>>) target(%arg5 : memref<2048xi32, #tpu.memory_space<vmem>>) target_semaphore(%arg9 : memref<!tpu.dma_semaphore, #tpu.memory_space<semaphore_mem>>)
    %dma_start3A_283 = arith.constant 0 : i32
    %dma_start3A_284 = arith.constant 0 : i32
    %dma_start3A_285 = tpu.memref_slice %arg8[%dma_start3A_283, %dma_start3A_284] : memref<2048x8xf32, #tpu.memory_space<vmem>> -> memref<128x8xf32, #tpu.memory_space<vmem>>
    %dma_start3A_286 = arith.constant 0 : i32
    %dma_start3A_287 = tpu.memref_slice %arg6[%dma_start3A_286] : memref<2048xi32, #tpu.memory_space<vmem>> -> memref<128xi32, #tpu.memory_space<vmem>>
    %dma_start3A_288 = arith.constant 0 : i32
    %dma_start3A_289 = arith.constant 0 : i32
    %dma_start3A_290 = tpu.memref_slice %arg2[%dma_start3A_288, %dma_start3A_289] : memref<131072x8xf32, #tpu.memory_space<hbm>> -> memref<131072x8xf32, #tpu.memory_space<hbm>>
    tpu.enqueue_indirect_dma source(%dma_start3A_290 : memref<131072x8xf32, #tpu.memory_space<hbm>>) target(%dma_start3A_285 : memref<128x8xf32, #tpu.memory_space<vmem>>) offsets(%dma_start3A_287 : memref<128xi32, #tpu.memory_space<vmem>>) semaphore(%arg10 : memref<!tpu.dma_semaphore, #tpu.memory_space<semaphore_mem>>)
    %dma_start3A_291 = arith.constant 128 : i32
    %dma_start3A_292 = arith.constant 0 : i32
    %dma_start3A_293 = tpu.memref_slice %arg8[%dma_start3A_291, %dma_start3A_292] : memref<2048x8xf32, #tpu.memory_space<vmem>> -> memref<128x8xf32, #tpu.memory_space<vmem>>
    %dma_start3A_294 = arith.constant 128 : i32
    %dma_start3A_295 = tpu.memref_slice %arg6[%dma_start3A_294] : memref<2048xi32, #tpu.memory_space<vmem>> -> memref<128xi32, #tpu.memory_space<vmem>>
    %dma_start3A_296 = arith.constant 0 : i32
    %dma_start3A_297 = arith.constant 0 : i32
    %dma_start3A_298 = tpu.memref_slice %arg2[%dma_start3A_296, %dma_start3A_297] : memref<131072x8xf32, #tpu.memory_space<hbm>> -> memref<131072x8xf32, #tpu.memory_space<hbm>>
    tpu.enqueue_indirect_dma source(%dma_start3A_298 : memref<131072x8xf32, #tpu.memory_space<hbm>>) target(%dma_start3A_293 : memref<128x8xf32, #tpu.memory_space<vmem>>) offsets(%dma_start3A_295 : memref<128xi32, #tpu.memory_space<vmem>>) semaphore(%arg10 : memref<!tpu.dma_semaphore, #tpu.memory_space<semaphore_mem>>)
    %dma_start3A_299 = arith.constant 256 : i32
    %dma_start3A_300 = arith.constant 0 : i32
    %dma_start3A_301 = tpu.memref_slice %arg8[%dma_start3A_299, %dma_start3A_300] : memref<2048x8xf32, #tpu.memory_space<vmem>> -> memref<128x8xf32, #tpu.memory_space<vmem>>
    %dma_start3A_302 = arith.constant 256 : i32
    %dma_start3A_303 = tpu.memref_slice %arg6[%dma_start3A_302] : memref<2048xi32, #tpu.memory_space<vmem>> -> memref<128xi32, #tpu.memory_space<vmem>>
    %dma_start3A_304 = arith.constant 0 : i32
    %dma_start3A_305 = arith.constant 0 : i32
    %dma_start3A_306 = tpu.memref_slice %arg2[%dma_start3A_304, %dma_start3A_305] : memref<131072x8xf32, #tpu.memory_space<hbm>> -> memref<131072x8xf32, #tpu.memory_space<hbm>>
    tpu.enqueue_indirect_dma source(%dma_start3A_306 : memref<131072x8xf32, #tpu.memory_space<hbm>>) target(%dma_start3A_301 : memref<128x8xf32, #tpu.memory_space<vmem>>) offsets(%dma_start3A_303 : memref<128xi32, #tpu.memory_space<vmem>>) semaphore(%arg10 : memref<!tpu.dma_semaphore, #tpu.memory_space<semaphore_mem>>)
    %dma_start3A_307 = arith.constant 384 : i32
    %dma_start3A_308 = arith.constant 0 : i32
    %dma_start3A_309 = tpu.memref_slice %arg8[%dma_start3A_307, %dma_start3A_308] : memref<2048x8xf32, #tpu.memory_space<vmem>> -> memref<128x8xf32, #tpu.memory_space<vmem>>
    %dma_start3A_310 = arith.constant 384 : i32
    %dma_start3A_311 = tpu.memref_slice %arg6[%dma_start3A_310] : memref<2048xi32, #tpu.memory_space<vmem>> -> memref<128xi32, #tpu.memory_space<vmem>>
    %dma_start3A_312 = arith.constant 0 : i32
    %dma_start3A_313 = arith.constant 0 : i32
    %dma_start3A_314 = tpu.memref_slice %arg2[%dma_start3A_312, %dma_start3A_313] : memref<131072x8xf32, #tpu.memory_space<hbm>> -> memref<131072x8xf32, #tpu.memory_space<hbm>>
    tpu.enqueue_indirect_dma source(%dma_start3A_314 : memref<131072x8xf32, #tpu.memory_space<hbm>>) target(%dma_start3A_309 : memref<128x8xf32, #tpu.memory_space<vmem>>) offsets(%dma_start3A_311 : memref<128xi32, #tpu.memory_space<vmem>>) semaphore(%arg10 : memref<!tpu.dma_semaphore, #tpu.memory_space<semaphore_mem>>)
    %dma_start3A_315 = arith.constant 512 : i32
    %dma_start3A_316 = arith.constant 0 : i32
    %dma_start3A_317 = tpu.memref_slice %arg8[%dma_start3A_315, %dma_start3A_316] : memref<2048x8xf32, #tpu.memory_space<vmem>> -> memref<128x8xf32, #tpu.memory_space<vmem>>
    %dma_start3A_318 = arith.constant 512 : i32
    %dma_start3A_319 = tpu.memref_slice %arg6[%dma_start3A_318] : memref<2048xi32, #tpu.memory_space<vmem>> -> memref<128xi32, #tpu.memory_space<vmem>>
    %dma_start3A_320 = arith.constant 0 : i32
    %dma_start3A_321 = arith.constant 0 : i32
    %dma_start3A_322 = tpu.memref_slice %arg2[%dma_start3A_320, %dma_start3A_321] : memref<131072x8xf32, #tpu.memory_space<hbm>> -> memref<131072x8xf32, #tpu.memory_space<hbm>>
    tpu.enqueue_indirect_dma source(%dma_start3A_322 : memref<131072x8xf32, #tpu.memory_space<hbm>>) target(%dma_start3A_317 : memref<128x8xf32, #tpu.memory_space<vmem>>) offsets(%dma_start3A_319 : memref<128xi32, #tpu.memory_space<vmem>>) semaphore(%arg10 : memref<!tpu.dma_semaphore, #tpu.memory_space<semaphore_mem>>)
    %dma_start3A_323 = arith.constant 640 : i32
    %dma_start3A_324 = arith.constant 0 : i32
    %dma_start3A_325 = tpu.memref_slice %arg8[%dma_start3A_323, %dma_start3A_324] : memref<2048x8xf32, #tpu.memory_space<vmem>> -> memref<128x8xf32, #tpu.memory_space<vmem>>
    %dma_start3A_326 = arith.constant 640 : i32
    %dma_start3A_327 = tpu.memref_slice %arg6[%dma_start3A_326] : memref<2048xi32, #tpu.memory_space<vmem>> -> memref<128xi32, #tpu.memory_space<vmem>>
    %dma_start3A_328 = arith.constant 0 : i32
    %dma_start3A_329 = arith.constant 0 : i32
    %dma_start3A_330 = tpu.memref_slice %arg2[%dma_start3A_328, %dma_start3A_329] : memref<131072x8xf32, #tpu.memory_space<hbm>> -> memref<131072x8xf32, #tpu.memory_space<hbm>>
    tpu.enqueue_indirect_dma source(%dma_start3A_330 : memref<131072x8xf32, #tpu.memory_space<hbm>>) target(%dma_start3A_325 : memref<128x8xf32, #tpu.memory_space<vmem>>) offsets(%dma_start3A_327 : memref<128xi32, #tpu.memory_space<vmem>>) semaphore(%arg10 : memref<!tpu.dma_semaphore, #tpu.memory_space<semaphore_mem>>)
    %dma_start3A_331 = arith.constant 768 : i32
    %dma_start3A_332 = arith.constant 0 : i32
    %dma_start3A_333 = tpu.memref_slice %arg8[%dma_start3A_331, %dma_start3A_332] : memref<2048x8xf32, #tpu.memory_space<vmem>> -> memref<128x8xf32, #tpu.memory_space<vmem>>
    %dma_start3A_334 = arith.constant 768 : i32
    %dma_start3A_335 = tpu.memref_slice %arg6[%dma_start3A_334] : memref<2048xi32, #tpu.memory_space<vmem>> -> memref<128xi32, #tpu.memory_space<vmem>>
    %dma_start3A_336 = arith.constant 0 : i32
    %dma_start3A_337 = arith.constant 0 : i32
    %dma_start3A_338 = tpu.memref_slice %arg2[%dma_start3A_336, %dma_start3A_337] : memref<131072x8xf32, #tpu.memory_space<hbm>> -> memref<131072x8xf32, #tpu.memory_space<hbm>>
    tpu.enqueue_indirect_dma source(%dma_start3A_338 : memref<131072x8xf32, #tpu.memory_space<hbm>>) target(%dma_start3A_333 : memref<128x8xf32, #tpu.memory_space<vmem>>) offsets(%dma_start3A_335 : memref<128xi32, #tpu.memory_space<vmem>>) semaphore(%arg10 : memref<!tpu.dma_semaphore, #tpu.memory_space<semaphore_mem>>)
    %dma_start3A_339 = arith.constant 896 : i32
    %dma_start3A_340 = arith.constant 0 : i32
    %dma_start3A_341 = tpu.memref_slice %arg8[%dma_start3A_339, %dma_start3A_340] : memref<2048x8xf32, #tpu.memory_space<vmem>> -> memref<128x8xf32, #tpu.memory_space<vmem>>
    %dma_start3A_342 = arith.constant 896 : i32
    %dma_start3A_343 = tpu.memref_slice %arg6[%dma_start3A_342] : memref<2048xi32, #tpu.memory_space<vmem>> -> memref<128xi32, #tpu.memory_space<vmem>>
    %dma_start3A_344 = arith.constant 0 : i32
    %dma_start3A_345 = arith.constant 0 : i32
    %dma_start3A_346 = tpu.memref_slice %arg2[%dma_start3A_344, %dma_start3A_345] : memref<131072x8xf32, #tpu.memory_space<hbm>> -> memref<131072x8xf32, #tpu.memory_space<hbm>>
    tpu.enqueue_indirect_dma source(%dma_start3A_346 : memref<131072x8xf32, #tpu.memory_space<hbm>>) target(%dma_start3A_341 : memref<128x8xf32, #tpu.memory_space<vmem>>) offsets(%dma_start3A_343 : memref<128xi32, #tpu.memory_space<vmem>>) semaphore(%arg10 : memref<!tpu.dma_semaphore, #tpu.memory_space<semaphore_mem>>)
    %dma_start3A_347 = arith.constant 1024 : i32
    %dma_start3A_348 = arith.constant 0 : i32
    %dma_start3A_349 = tpu.memref_slice %arg8[%dma_start3A_347, %dma_start3A_348] : memref<2048x8xf32, #tpu.memory_space<vmem>> -> memref<128x8xf32, #tpu.memory_space<vmem>>
    %dma_start3A_350 = arith.constant 1024 : i32
    %dma_start3A_351 = tpu.memref_slice %arg6[%dma_start3A_350] : memref<2048xi32, #tpu.memory_space<vmem>> -> memref<128xi32, #tpu.memory_space<vmem>>
    %dma_start3A_352 = arith.constant 0 : i32
    %dma_start3A_353 = arith.constant 0 : i32
    %dma_start3A_354 = tpu.memref_slice %arg2[%dma_start3A_352, %dma_start3A_353] : memref<131072x8xf32, #tpu.memory_space<hbm>> -> memref<131072x8xf32, #tpu.memory_space<hbm>>
    tpu.enqueue_indirect_dma source(%dma_start3A_354 : memref<131072x8xf32, #tpu.memory_space<hbm>>) target(%dma_start3A_349 : memref<128x8xf32, #tpu.memory_space<vmem>>) offsets(%dma_start3A_351 : memref<128xi32, #tpu.memory_space<vmem>>) semaphore(%arg10 : memref<!tpu.dma_semaphore, #tpu.memory_space<semaphore_mem>>)
    %dma_start3A_355 = arith.constant 1152 : i32
    %dma_start3A_356 = arith.constant 0 : i32
    %dma_start3A_357 = tpu.memref_slice %arg8[%dma_start3A_355, %dma_start3A_356] : memref<2048x8xf32, #tpu.memory_space<vmem>> -> memref<128x8xf32, #tpu.memory_space<vmem>>
    %dma_start3A_358 = arith.constant 1152 : i32
    %dma_start3A_359 = tpu.memref_slice %arg6[%dma_start3A_358] : memref<2048xi32, #tpu.memory_space<vmem>> -> memref<128xi32, #tpu.memory_space<vmem>>
    %dma_start3A_360 = arith.constant 0 : i32
    %dma_start3A_361 = arith.constant 0 : i32
    %dma_start3A_362 = tpu.memref_slice %arg2[%dma_start3A_360, %dma_start3A_361] : memref<131072x8xf32, #tpu.memory_space<hbm>> -> memref<131072x8xf32, #tpu.memory_space<hbm>>
    tpu.enqueue_indirect_dma source(%dma_start3A_362 : memref<131072x8xf32, #tpu.memory_space<hbm>>) target(%dma_start3A_357 : memref<128x8xf32, #tpu.memory_space<vmem>>) offsets(%dma_start3A_359 : memref<128xi32, #tpu.memory_space<vmem>>) semaphore(%arg10 : memref<!tpu.dma_semaphore, #tpu.memory_space<semaphore_mem>>)
    %dma_start3A_363 = arith.constant 1280 : i32
    %dma_start3A_364 = arith.constant 0 : i32
    %dma_start3A_365 = tpu.memref_slice %arg8[%dma_start3A_363, %dma_start3A_364] : memref<2048x8xf32, #tpu.memory_space<vmem>> -> memref<128x8xf32, #tpu.memory_space<vmem>>
    %dma_start3A_366 = arith.constant 1280 : i32
    %dma_start3A_367 = tpu.memref_slice %arg6[%dma_start3A_366] : memref<2048xi32, #tpu.memory_space<vmem>> -> memref<128xi32, #tpu.memory_space<vmem>>
    %dma_start3A_368 = arith.constant 0 : i32
    %dma_start3A_369 = arith.constant 0 : i32
    %dma_start3A_370 = tpu.memref_slice %arg2[%dma_start3A_368, %dma_start3A_369] : memref<131072x8xf32, #tpu.memory_space<hbm>> -> memref<131072x8xf32, #tpu.memory_space<hbm>>
    tpu.enqueue_indirect_dma source(%dma_start3A_370 : memref<131072x8xf32, #tpu.memory_space<hbm>>) target(%dma_start3A_365 : memref<128x8xf32, #tpu.memory_space<vmem>>) offsets(%dma_start3A_367 : memref<128xi32, #tpu.memory_space<vmem>>) semaphore(%arg10 : memref<!tpu.dma_semaphore, #tpu.memory_space<semaphore_mem>>)
    %dma_start3A_371 = arith.constant 1408 : i32
    %dma_start3A_372 = arith.constant 0 : i32
    %dma_start3A_373 = tpu.memref_slice %arg8[%dma_start3A_371, %dma_start3A_372] : memref<2048x8xf32, #tpu.memory_space<vmem>> -> memref<128x8xf32, #tpu.memory_space<vmem>>
    %dma_start3A_374 = arith.constant 1408 : i32
    %dma_start3A_375 = tpu.memref_slice %arg6[%dma_start3A_374] : memref<2048xi32, #tpu.memory_space<vmem>> -> memref<128xi32, #tpu.memory_space<vmem>>
    %dma_start3A_376 = arith.constant 0 : i32
    %dma_start3A_377 = arith.constant 0 : i32
    %dma_start3A_378 = tpu.memref_slice %arg2[%dma_start3A_376, %dma_start3A_377] : memref<131072x8xf32, #tpu.memory_space<hbm>> -> memref<131072x8xf32, #tpu.memory_space<hbm>>
    tpu.enqueue_indirect_dma source(%dma_start3A_378 : memref<131072x8xf32, #tpu.memory_space<hbm>>) target(%dma_start3A_373 : memref<128x8xf32, #tpu.memory_space<vmem>>) offsets(%dma_start3A_375 : memref<128xi32, #tpu.memory_space<vmem>>) semaphore(%arg10 : memref<!tpu.dma_semaphore, #tpu.memory_space<semaphore_mem>>)
    %dma_start3A_379 = arith.constant 1536 : i32
    %dma_start3A_380 = arith.constant 0 : i32
    %dma_start3A_381 = tpu.memref_slice %arg8[%dma_start3A_379, %dma_start3A_380] : memref<2048x8xf32, #tpu.memory_space<vmem>> -> memref<128x8xf32, #tpu.memory_space<vmem>>
    %dma_start3A_382 = arith.constant 1536 : i32
    %dma_start3A_383 = tpu.memref_slice %arg6[%dma_start3A_382] : memref<2048xi32, #tpu.memory_space<vmem>> -> memref<128xi32, #tpu.memory_space<vmem>>
    %dma_start3A_384 = arith.constant 0 : i32
    %dma_start3A_385 = arith.constant 0 : i32
    %dma_start3A_386 = tpu.memref_slice %arg2[%dma_start3A_384, %dma_start3A_385] : memref<131072x8xf32, #tpu.memory_space<hbm>> -> memref<131072x8xf32, #tpu.memory_space<hbm>>
    tpu.enqueue_indirect_dma source(%dma_start3A_386 : memref<131072x8xf32, #tpu.memory_space<hbm>>) target(%dma_start3A_381 : memref<128x8xf32, #tpu.memory_space<vmem>>) offsets(%dma_start3A_383 : memref<128xi32, #tpu.memory_space<vmem>>) semaphore(%arg10 : memref<!tpu.dma_semaphore, #tpu.memory_space<semaphore_mem>>)
    %dma_start3A_387 = arith.constant 1664 : i32
    %dma_start3A_388 = arith.constant 0 : i32
    %dma_start3A_389 = tpu.memref_slice %arg8[%dma_start3A_387, %dma_start3A_388] : memref<2048x8xf32, #tpu.memory_space<vmem>> -> memref<128x8xf32, #tpu.memory_space<vmem>>
    %dma_start3A_390 = arith.constant 1664 : i32
    %dma_start3A_391 = tpu.memref_slice %arg6[%dma_start3A_390] : memref<2048xi32, #tpu.memory_space<vmem>> -> memref<128xi32, #tpu.memory_space<vmem>>
    %dma_start3A_392 = arith.constant 0 : i32
    %dma_start3A_393 = arith.constant 0 : i32
    %dma_start3A_394 = tpu.memref_slice %arg2[%dma_start3A_392, %dma_start3A_393] : memref<131072x8xf32, #tpu.memory_space<hbm>> -> memref<131072x8xf32, #tpu.memory_space<hbm>>
    tpu.enqueue_indirect_dma source(%dma_start3A_394 : memref<131072x8xf32, #tpu.memory_space<hbm>>) target(%dma_start3A_389 : memref<128x8xf32, #tpu.memory_space<vmem>>) offsets(%dma_start3A_391 : memref<128xi32, #tpu.memory_space<vmem>>) semaphore(%arg10 : memref<!tpu.dma_semaphore, #tpu.memory_space<semaphore_mem>>)
    %dma_start3A_395 = arith.constant 1792 : i32
    %dma_start3A_396 = arith.constant 0 : i32
    %dma_start3A_397 = tpu.memref_slice %arg8[%dma_start3A_395, %dma_start3A_396] : memref<2048x8xf32, #tpu.memory_space<vmem>> -> memref<128x8xf32, #tpu.memory_space<vmem>>
    %dma_start3A_398 = arith.constant 1792 : i32
    %dma_start3A_399 = tpu.memref_slice %arg6[%dma_start3A_398] : memref<2048xi32, #tpu.memory_space<vmem>> -> memref<128xi32, #tpu.memory_space<vmem>>
    %dma_start3A_400 = arith.constant 0 : i32
    %dma_start3A_401 = arith.constant 0 : i32
    %dma_start3A_402 = tpu.memref_slice %arg2[%dma_start3A_400, %dma_start3A_401] : memref<131072x8xf32, #tpu.memory_space<hbm>> -> memref<131072x8xf32, #tpu.memory_space<hbm>>
    tpu.enqueue_indirect_dma source(%dma_start3A_402 : memref<131072x8xf32, #tpu.memory_space<hbm>>) target(%dma_start3A_397 : memref<128x8xf32, #tpu.memory_space<vmem>>) offsets(%dma_start3A_399 : memref<128xi32, #tpu.memory_space<vmem>>) semaphore(%arg10 : memref<!tpu.dma_semaphore, #tpu.memory_space<semaphore_mem>>)
    %dma_start3A_403 = arith.constant 1920 : i32
    %dma_start3A_404 = arith.constant 0 : i32
    %dma_start3A_405 = tpu.memref_slice %arg8[%dma_start3A_403, %dma_start3A_404] : memref<2048x8xf32, #tpu.memory_space<vmem>> -> memref<128x8xf32, #tpu.memory_space<vmem>>
    %dma_start3A_406 = arith.constant 1920 : i32
    %dma_start3A_407 = tpu.memref_slice %arg6[%dma_start3A_406] : memref<2048xi32, #tpu.memory_space<vmem>> -> memref<128xi32, #tpu.memory_space<vmem>>
    %dma_start3A_408 = arith.constant 0 : i32
    %dma_start3A_409 = arith.constant 0 : i32
    %dma_start3A_410 = tpu.memref_slice %arg2[%dma_start3A_408, %dma_start3A_409] : memref<131072x8xf32, #tpu.memory_space<hbm>> -> memref<131072x8xf32, #tpu.memory_space<hbm>>
    tpu.enqueue_indirect_dma source(%dma_start3A_410 : memref<131072x8xf32, #tpu.memory_space<hbm>>) target(%dma_start3A_405 : memref<128x8xf32, #tpu.memory_space<vmem>>) offsets(%dma_start3A_407 : memref<128xi32, #tpu.memory_space<vmem>>) semaphore(%arg10 : memref<!tpu.dma_semaphore, #tpu.memory_space<semaphore_mem>>)
    %dma_wait3A_411 = arith.constant 0 : i32
    %dma_wait3A_412 = arith.constant 0 : i32
    %dma_wait3A_413 = tpu.memref_slice %arg8[%dma_wait3A_411, %dma_wait3A_412] : memref<2048x8xf32, #tpu.memory_space<vmem>> -> memref<128x8xf32, #tpu.memory_space<vmem>>
    %dma_wait3A_414 = arith.constant 0 : i32
    %dma_wait3A_415 = tpu.memref_slice %arg6[%dma_wait3A_414] : memref<2048xi32, #tpu.memory_space<vmem>> -> memref<128xi32, #tpu.memory_space<vmem>>
    %dma_wait3A_416 = arith.constant 0 : i32
    %dma_wait3A_417 = arith.constant 0 : i32
    %dma_wait3A_418 = tpu.memref_slice %arg2[%dma_wait3A_416, %dma_wait3A_417] : memref<131072x8xf32, #tpu.memory_space<hbm>> -> memref<131072x8xf32, #tpu.memory_space<hbm>>
    tpu.wait_indirect_dma semaphore(%arg10 : memref<!tpu.dma_semaphore, #tpu.memory_space<semaphore_mem>>) src(%dma_wait3A_418 : memref<131072x8xf32, #tpu.memory_space<hbm>>) dst(%dma_wait3A_413 : memref<128x8xf32, #tpu.memory_space<vmem>>)
    %dma_wait3A_419 = arith.constant 128 : i32
    %dma_wait3A_420 = arith.constant 0 : i32
    %dma_wait3A_421 = tpu.memref_slice %arg8[%dma_wait3A_419, %dma_wait3A_420] : memref<2048x8xf32, #tpu.memory_space<vmem>> -> memref<128x8xf32, #tpu.memory_space<vmem>>
    %dma_wait3A_422 = arith.constant 128 : i32
    %dma_wait3A_423 = tpu.memref_slice %arg6[%dma_wait3A_422] : memref<2048xi32, #tpu.memory_space<vmem>> -> memref<128xi32, #tpu.memory_space<vmem>>
    %dma_wait3A_424 = arith.constant 0 : i32
    %dma_wait3A_425 = arith.constant 0 : i32
    %dma_wait3A_426 = tpu.memref_slice %arg2[%dma_wait3A_424, %dma_wait3A_425] : memref<131072x8xf32, #tpu.memory_space<hbm>> -> memref<131072x8xf32, #tpu.memory_space<hbm>>
    tpu.wait_indirect_dma semaphore(%arg10 : memref<!tpu.dma_semaphore, #tpu.memory_space<semaphore_mem>>) src(%dma_wait3A_426 : memref<131072x8xf32, #tpu.memory_space<hbm>>) dst(%dma_wait3A_421 : memref<128x8xf32, #tpu.memory_space<vmem>>)
    %dma_wait3A_427 = arith.constant 256 : i32
    %dma_wait3A_428 = arith.constant 0 : i32
    %dma_wait3A_429 = tpu.memref_slice %arg8[%dma_wait3A_427, %dma_wait3A_428] : memref<2048x8xf32, #tpu.memory_space<vmem>> -> memref<128x8xf32, #tpu.memory_space<vmem>>
    %dma_wait3A_430 = arith.constant 256 : i32
    %dma_wait3A_431 = tpu.memref_slice %arg6[%dma_wait3A_430] : memref<2048xi32, #tpu.memory_space<vmem>> -> memref<128xi32, #tpu.memory_space<vmem>>
    %dma_wait3A_432 = arith.constant 0 : i32
    %dma_wait3A_433 = arith.constant 0 : i32
    %dma_wait3A_434 = tpu.memref_slice %arg2[%dma_wait3A_432, %dma_wait3A_433] : memref<131072x8xf32, #tpu.memory_space<hbm>> -> memref<131072x8xf32, #tpu.memory_space<hbm>>
    tpu.wait_indirect_dma semaphore(%arg10 : memref<!tpu.dma_semaphore, #tpu.memory_space<semaphore_mem>>) src(%dma_wait3A_434 : memref<131072x8xf32, #tpu.memory_space<hbm>>) dst(%dma_wait3A_429 : memref<128x8xf32, #tpu.memory_space<vmem>>)
    %dma_wait3A_435 = arith.constant 384 : i32
    %dma_wait3A_436 = arith.constant 0 : i32
    %dma_wait3A_437 = tpu.memref_slice %arg8[%dma_wait3A_435, %dma_wait3A_436] : memref<2048x8xf32, #tpu.memory_space<vmem>> -> memref<128x8xf32, #tpu.memory_space<vmem>>
    %dma_wait3A_438 = arith.constant 384 : i32
    %dma_wait3A_439 = tpu.memref_slice %arg6[%dma_wait3A_438] : memref<2048xi32, #tpu.memory_space<vmem>> -> memref<128xi32, #tpu.memory_space<vmem>>
    %dma_wait3A_440 = arith.constant 0 : i32
    %dma_wait3A_441 = arith.constant 0 : i32
    %dma_wait3A_442 = tpu.memref_slice %arg2[%dma_wait3A_440, %dma_wait3A_441] : memref<131072x8xf32, #tpu.memory_space<hbm>> -> memref<131072x8xf32, #tpu.memory_space<hbm>>
    tpu.wait_indirect_dma semaphore(%arg10 : memref<!tpu.dma_semaphore, #tpu.memory_space<semaphore_mem>>) src(%dma_wait3A_442 : memref<131072x8xf32, #tpu.memory_space<hbm>>) dst(%dma_wait3A_437 : memref<128x8xf32, #tpu.memory_space<vmem>>)
    %dma_wait3A_443 = arith.constant 512 : i32
    %dma_wait3A_444 = arith.constant 0 : i32
    %dma_wait3A_445 = tpu.memref_slice %arg8[%dma_wait3A_443, %dma_wait3A_444] : memref<2048x8xf32, #tpu.memory_space<vmem>> -> memref<128x8xf32, #tpu.memory_space<vmem>>
    %dma_wait3A_446 = arith.constant 512 : i32
    %dma_wait3A_447 = tpu.memref_slice %arg6[%dma_wait3A_446] : memref<2048xi32, #tpu.memory_space<vmem>> -> memref<128xi32, #tpu.memory_space<vmem>>
    %dma_wait3A_448 = arith.constant 0 : i32
    %dma_wait3A_449 = arith.constant 0 : i32
    %dma_wait3A_450 = tpu.memref_slice %arg2[%dma_wait3A_448, %dma_wait3A_449] : memref<131072x8xf32, #tpu.memory_space<hbm>> -> memref<131072x8xf32, #tpu.memory_space<hbm>>
    tpu.wait_indirect_dma semaphore(%arg10 : memref<!tpu.dma_semaphore, #tpu.memory_space<semaphore_mem>>) src(%dma_wait3A_450 : memref<131072x8xf32, #tpu.memory_space<hbm>>) dst(%dma_wait3A_445 : memref<128x8xf32, #tpu.memory_space<vmem>>)
    %dma_wait3A_451 = arith.constant 640 : i32
    %dma_wait3A_452 = arith.constant 0 : i32
    %dma_wait3A_453 = tpu.memref_slice %arg8[%dma_wait3A_451, %dma_wait3A_452] : memref<2048x8xf32, #tpu.memory_space<vmem>> -> memref<128x8xf32, #tpu.memory_space<vmem>>
    %dma_wait3A_454 = arith.constant 640 : i32
    %dma_wait3A_455 = tpu.memref_slice %arg6[%dma_wait3A_454] : memref<2048xi32, #tpu.memory_space<vmem>> -> memref<128xi32, #tpu.memory_space<vmem>>
    %dma_wait3A_456 = arith.constant 0 : i32
    %dma_wait3A_457 = arith.constant 0 : i32
    %dma_wait3A_458 = tpu.memref_slice %arg2[%dma_wait3A_456, %dma_wait3A_457] : memref<131072x8xf32, #tpu.memory_space<hbm>> -> memref<131072x8xf32, #tpu.memory_space<hbm>>
    tpu.wait_indirect_dma semaphore(%arg10 : memref<!tpu.dma_semaphore, #tpu.memory_space<semaphore_mem>>) src(%dma_wait3A_458 : memref<131072x8xf32, #tpu.memory_space<hbm>>) dst(%dma_wait3A_453 : memref<128x8xf32, #tpu.memory_space<vmem>>)
    %dma_wait3A_459 = arith.constant 768 : i32
    %dma_wait3A_460 = arith.constant 0 : i32
    %dma_wait3A_461 = tpu.memref_slice %arg8[%dma_wait3A_459, %dma_wait3A_460] : memref<2048x8xf32, #tpu.memory_space<vmem>> -> memref<128x8xf32, #tpu.memory_space<vmem>>
    %dma_wait3A_462 = arith.constant 768 : i32
    %dma_wait3A_463 = tpu.memref_slice %arg6[%dma_wait3A_462] : memref<2048xi32, #tpu.memory_space<vmem>> -> memref<128xi32, #tpu.memory_space<vmem>>
    %dma_wait3A_464 = arith.constant 0 : i32
    %dma_wait3A_465 = arith.constant 0 : i32
    %dma_wait3A_466 = tpu.memref_slice %arg2[%dma_wait3A_464, %dma_wait3A_465] : memref<131072x8xf32, #tpu.memory_space<hbm>> -> memref<131072x8xf32, #tpu.memory_space<hbm>>
    tpu.wait_indirect_dma semaphore(%arg10 : memref<!tpu.dma_semaphore, #tpu.memory_space<semaphore_mem>>) src(%dma_wait3A_466 : memref<131072x8xf32, #tpu.memory_space<hbm>>) dst(%dma_wait3A_461 : memref<128x8xf32, #tpu.memory_space<vmem>>)
    %dma_wait3A_467 = arith.constant 896 : i32
    %dma_wait3A_468 = arith.constant 0 : i32
    %dma_wait3A_469 = tpu.memref_slice %arg8[%dma_wait3A_467, %dma_wait3A_468] : memref<2048x8xf32, #tpu.memory_space<vmem>> -> memref<128x8xf32, #tpu.memory_space<vmem>>
    %dma_wait3A_470 = arith.constant 896 : i32
    %dma_wait3A_471 = tpu.memref_slice %arg6[%dma_wait3A_470] : memref<2048xi32, #tpu.memory_space<vmem>> -> memref<128xi32, #tpu.memory_space<vmem>>
    %dma_wait3A_472 = arith.constant 0 : i32
    %dma_wait3A_473 = arith.constant 0 : i32
    %dma_wait3A_474 = tpu.memref_slice %arg2[%dma_wait3A_472, %dma_wait3A_473] : memref<131072x8xf32, #tpu.memory_space<hbm>> -> memref<131072x8xf32, #tpu.memory_space<hbm>>
    tpu.wait_indirect_dma semaphore(%arg10 : memref<!tpu.dma_semaphore, #tpu.memory_space<semaphore_mem>>) src(%dma_wait3A_474 : memref<131072x8xf32, #tpu.memory_space<hbm>>) dst(%dma_wait3A_469 : memref<128x8xf32, #tpu.memory_space<vmem>>)
    %dma_wait3A_475 = arith.constant 1024 : i32
    %dma_wait3A_476 = arith.constant 0 : i32
    %dma_wait3A_477 = tpu.memref_slice %arg8[%dma_wait3A_475, %dma_wait3A_476] : memref<2048x8xf32, #tpu.memory_space<vmem>> -> memref<128x8xf32, #tpu.memory_space<vmem>>
    %dma_wait3A_478 = arith.constant 1024 : i32
    %dma_wait3A_479 = tpu.memref_slice %arg6[%dma_wait3A_478] : memref<2048xi32, #tpu.memory_space<vmem>> -> memref<128xi32, #tpu.memory_space<vmem>>
    %dma_wait3A_480 = arith.constant 0 : i32
    %dma_wait3A_481 = arith.constant 0 : i32
    %dma_wait3A_482 = tpu.memref_slice %arg2[%dma_wait3A_480, %dma_wait3A_481] : memref<131072x8xf32, #tpu.memory_space<hbm>> -> memref<131072x8xf32, #tpu.memory_space<hbm>>
    tpu.wait_indirect_dma semaphore(%arg10 : memref<!tpu.dma_semaphore, #tpu.memory_space<semaphore_mem>>) src(%dma_wait3A_482 : memref<131072x8xf32, #tpu.memory_space<hbm>>) dst(%dma_wait3A_477 : memref<128x8xf32, #tpu.memory_space<vmem>>)
    %dma_wait3A_483 = arith.constant 1152 : i32
    %dma_wait3A_484 = arith.constant 0 : i32
    %dma_wait3A_485 = tpu.memref_slice %arg8[%dma_wait3A_483, %dma_wait3A_484] : memref<2048x8xf32, #tpu.memory_space<vmem>> -> memref<128x8xf32, #tpu.memory_space<vmem>>
    %dma_wait3A_486 = arith.constant 1152 : i32
    %dma_wait3A_487 = tpu.memref_slice %arg6[%dma_wait3A_486] : memref<2048xi32, #tpu.memory_space<vmem>> -> memref<128xi32, #tpu.memory_space<vmem>>
    %dma_wait3A_488 = arith.constant 0 : i32
    %dma_wait3A_489 = arith.constant 0 : i32
    %dma_wait3A_490 = tpu.memref_slice %arg2[%dma_wait3A_488, %dma_wait3A_489] : memref<131072x8xf32, #tpu.memory_space<hbm>> -> memref<131072x8xf32, #tpu.memory_space<hbm>>
    tpu.wait_indirect_dma semaphore(%arg10 : memref<!tpu.dma_semaphore, #tpu.memory_space<semaphore_mem>>) src(%dma_wait3A_490 : memref<131072x8xf32, #tpu.memory_space<hbm>>) dst(%dma_wait3A_485 : memref<128x8xf32, #tpu.memory_space<vmem>>)
    %dma_wait3A_491 = arith.constant 1280 : i32
    %dma_wait3A_492 = arith.constant 0 : i32
    %dma_wait3A_493 = tpu.memref_slice %arg8[%dma_wait3A_491, %dma_wait3A_492] : memref<2048x8xf32, #tpu.memory_space<vmem>> -> memref<128x8xf32, #tpu.memory_space<vmem>>
    %dma_wait3A_494 = arith.constant 1280 : i32
    %dma_wait3A_495 = tpu.memref_slice %arg6[%dma_wait3A_494] : memref<2048xi32, #tpu.memory_space<vmem>> -> memref<128xi32, #tpu.memory_space<vmem>>
    %dma_wait3A_496 = arith.constant 0 : i32
    %dma_wait3A_497 = arith.constant 0 : i32
    %dma_wait3A_498 = tpu.memref_slice %arg2[%dma_wait3A_496, %dma_wait3A_497] : memref<131072x8xf32, #tpu.memory_space<hbm>> -> memref<131072x8xf32, #tpu.memory_space<hbm>>
    tpu.wait_indirect_dma semaphore(%arg10 : memref<!tpu.dma_semaphore, #tpu.memory_space<semaphore_mem>>) src(%dma_wait3A_498 : memref<131072x8xf32, #tpu.memory_space<hbm>>) dst(%dma_wait3A_493 : memref<128x8xf32, #tpu.memory_space<vmem>>)
    %dma_wait3A_499 = arith.constant 1408 : i32
    %dma_wait3A_500 = arith.constant 0 : i32
    %dma_wait3A_501 = tpu.memref_slice %arg8[%dma_wait3A_499, %dma_wait3A_500] : memref<2048x8xf32, #tpu.memory_space<vmem>> -> memref<128x8xf32, #tpu.memory_space<vmem>>
    %dma_wait3A_502 = arith.constant 1408 : i32
    %dma_wait3A_503 = tpu.memref_slice %arg6[%dma_wait3A_502] : memref<2048xi32, #tpu.memory_space<vmem>> -> memref<128xi32, #tpu.memory_space<vmem>>
    %dma_wait3A_504 = arith.constant 0 : i32
    %dma_wait3A_505 = arith.constant 0 : i32
    %dma_wait3A_506 = tpu.memref_slice %arg2[%dma_wait3A_504, %dma_wait3A_505] : memref<131072x8xf32, #tpu.memory_space<hbm>> -> memref<131072x8xf32, #tpu.memory_space<hbm>>
    tpu.wait_indirect_dma semaphore(%arg10 : memref<!tpu.dma_semaphore, #tpu.memory_space<semaphore_mem>>) src(%dma_wait3A_506 : memref<131072x8xf32, #tpu.memory_space<hbm>>) dst(%dma_wait3A_501 : memref<128x8xf32, #tpu.memory_space<vmem>>)
    %dma_wait3A_507 = arith.constant 1536 : i32
    %dma_wait3A_508 = arith.constant 0 : i32
    %dma_wait3A_509 = tpu.memref_slice %arg8[%dma_wait3A_507, %dma_wait3A_508] : memref<2048x8xf32, #tpu.memory_space<vmem>> -> memref<128x8xf32, #tpu.memory_space<vmem>>
    %dma_wait3A_510 = arith.constant 1536 : i32
    %dma_wait3A_511 = tpu.memref_slice %arg6[%dma_wait3A_510] : memref<2048xi32, #tpu.memory_space<vmem>> -> memref<128xi32, #tpu.memory_space<vmem>>
    %dma_wait3A_512 = arith.constant 0 : i32
    %dma_wait3A_513 = arith.constant 0 : i32
    %dma_wait3A_514 = tpu.memref_slice %arg2[%dma_wait3A_512, %dma_wait3A_513] : memref<131072x8xf32, #tpu.memory_space<hbm>> -> memref<131072x8xf32, #tpu.memory_space<hbm>>
    tpu.wait_indirect_dma semaphore(%arg10 : memref<!tpu.dma_semaphore, #tpu.memory_space<semaphore_mem>>) src(%dma_wait3A_514 : memref<131072x8xf32, #tpu.memory_space<hbm>>) dst(%dma_wait3A_509 : memref<128x8xf32, #tpu.memory_space<vmem>>)
    %dma_wait3A_515 = arith.constant 1664 : i32
    %dma_wait3A_516 = arith.constant 0 : i32
    %dma_wait3A_517 = tpu.memref_slice %arg8[%dma_wait3A_515, %dma_wait3A_516] : memref<2048x8xf32, #tpu.memory_space<vmem>> -> memref<128x8xf32, #tpu.memory_space<vmem>>
    %dma_wait3A_518 = arith.constant 1664 : i32
    %dma_wait3A_519 = tpu.memref_slice %arg6[%dma_wait3A_518] : memref<2048xi32, #tpu.memory_space<vmem>> -> memref<128xi32, #tpu.memory_space<vmem>>
    %dma_wait3A_520 = arith.constant 0 : i32
    %dma_wait3A_521 = arith.constant 0 : i32
    %dma_wait3A_522 = tpu.memref_slice %arg2[%dma_wait3A_520, %dma_wait3A_521] : memref<131072x8xf32, #tpu.memory_space<hbm>> -> memref<131072x8xf32, #tpu.memory_space<hbm>>
    tpu.wait_indirect_dma semaphore(%arg10 : memref<!tpu.dma_semaphore, #tpu.memory_space<semaphore_mem>>) src(%dma_wait3A_522 : memref<131072x8xf32, #tpu.memory_space<hbm>>) dst(%dma_wait3A_517 : memref<128x8xf32, #tpu.memory_space<vmem>>)
    %dma_wait3A_523 = arith.constant 1792 : i32
    %dma_wait3A_524 = arith.constant 0 : i32
    %dma_wait3A_525 = tpu.memref_slice %arg8[%dma_wait3A_523, %dma_wait3A_524] : memref<2048x8xf32, #tpu.memory_space<vmem>> -> memref<128x8xf32, #tpu.memory_space<vmem>>
    %dma_wait3A_526 = arith.constant 1792 : i32
    %dma_wait3A_527 = tpu.memref_slice %arg6[%dma_wait3A_526] : memref<2048xi32, #tpu.memory_space<vmem>> -> memref<128xi32, #tpu.memory_space<vmem>>
    %dma_wait3A_528 = arith.constant 0 : i32
    %dma_wait3A_529 = arith.constant 0 : i32
    %dma_wait3A_530 = tpu.memref_slice %arg2[%dma_wait3A_528, %dma_wait3A_529] : memref<131072x8xf32, #tpu.memory_space<hbm>> -> memref<131072x8xf32, #tpu.memory_space<hbm>>
    tpu.wait_indirect_dma semaphore(%arg10 : memref<!tpu.dma_semaphore, #tpu.memory_space<semaphore_mem>>) src(%dma_wait3A_530 : memref<131072x8xf32, #tpu.memory_space<hbm>>) dst(%dma_wait3A_525 : memref<128x8xf32, #tpu.memory_space<vmem>>)
    %dma_wait3A_531 = arith.constant 1920 : i32
    %dma_wait3A_532 = arith.constant 0 : i32
    %dma_wait3A_533 = tpu.memref_slice %arg8[%dma_wait3A_531, %dma_wait3A_532] : memref<2048x8xf32, #tpu.memory_space<vmem>> -> memref<128x8xf32, #tpu.memory_space<vmem>>
    %dma_wait3A_534 = arith.constant 1920 : i32
    %dma_wait3A_535 = tpu.memref_slice %arg6[%dma_wait3A_534] : memref<2048xi32, #tpu.memory_space<vmem>> -> memref<128xi32, #tpu.memory_space<vmem>>
    %dma_wait3A_536 = arith.constant 0 : i32
    %dma_wait3A_537 = arith.constant 0 : i32
    %dma_wait3A_538 = tpu.memref_slice %arg2[%dma_wait3A_536, %dma_wait3A_537] : memref<131072x8xf32, #tpu.memory_space<hbm>> -> memref<131072x8xf32, #tpu.memory_space<hbm>>
    tpu.wait_indirect_dma semaphore(%arg10 : memref<!tpu.dma_semaphore, #tpu.memory_space<semaphore_mem>>) src(%dma_wait3A_538 : memref<131072x8xf32, #tpu.memory_space<hbm>>) dst(%dma_wait3A_533 : memref<128x8xf32, #tpu.memory_space<vmem>>)
    %add3A_539 = arith.constant 2048 : i32
    %add3A_540 = arith.addi %mul3A_2, %add3A_539 : i32
    %dma_start3A_541 = arith.constant 0 : i32
    %dma_start3A_542 = tpu.memref_slice %arg4[%add3A_540, %dma_start3A_541] : memref<2621440x8xf32, #tpu.memory_space<hbm>> -> memref<2048x8xf32, #tpu.memory_space<hbm>>
    %dma_start3A_543 = arith.constant 0 : i32
    %dma_start3A_544 = tpu.memref_slice %arg4[%add3A_540, %dma_start3A_543] : memref<2621440x8xf32, #tpu.memory_space<hbm>> -> memref<2048x8xf32, #tpu.memory_space<hbm>>
    tpu.enqueue_dma source(%arg8 : memref<2048x8xf32, #tpu.memory_space<vmem>>) target(%dma_start3A_544 : memref<2048x8xf32, #tpu.memory_space<hbm>>) target_semaphore(%arg11 : memref<!tpu.dma_semaphore, #tpu.memory_space<semaphore_mem>>)
    %scan3A = arith.constant 0 : i32
    %scan3A_545 = arith.constant 1 : i32
    %scan3A_546 = arith.constant 18 : i32
    %scan3A_547 = arith.addi %scan3A_545, %scan3A_546 : i32
    %scan3A_548 = arith.constant 1 : i32
    scf.for %scan3A_1110 = %scan3A_545 to %scan3A_547 step %scan3A_548  : i32 {
      %mul3A_1111 = arith.constant 2 : i32
      %mul3A_1112 = arith.muli %mul3A_1111, %scan3A_1110 : i32
      %dma_wait3A_1113 = arith.constant 0 : i32
      %dma_wait3A_1114 = tpu.memref_slice %arg3[%dma_wait3A_1113] : memref<2621440xi32, #tpu.memory_space<hbm>> -> memref<2048xi32, #tpu.memory_space<hbm>>
      %dma_wait3A_1115 = arith.constant 0 : i32
      %dma_wait3A_1116 = tpu.memref_slice %arg3[%dma_wait3A_1115] : memref<2621440xi32, #tpu.memory_space<hbm>> -> memref<2048xi32, #tpu.memory_space<hbm>>
      tpu.wait_dma2 semaphore(%arg9 : memref<!tpu.dma_semaphore, #tpu.memory_space<semaphore_mem>>) src(%dma_wait3A_1116 : memref<2048xi32, #tpu.memory_space<hbm>>) dst(%arg5 : memref<2048xi32, #tpu.memory_space<vmem>>)
      %add3A_1117 = arith.constant 1 : i32
      %add3A_1118 = arith.addi %mul3A_1112, %add3A_1117 : i32
      %mul3A_1119 = arith.constant 2048 : i32
      %mul3A_1120 = arith.muli %add3A_1118, %mul3A_1119 : i32
      %add3A_1121 = arith.addi %mul3A_2, %mul3A_1120 : i32
      %dma_start3A_1122 = tpu.memref_slice %arg3[%add3A_1121] : memref<2621440xi32, #tpu.memory_space<hbm>> -> memref<2048xi32, #tpu.memory_space<hbm>>
      %dma_start3A_1123 = tpu.memref_slice %arg3[%add3A_1121] : memref<2621440xi32, #tpu.memory_space<hbm>> -> memref<2048xi32, #tpu.memory_space<hbm>>
      tpu.enqueue_dma source(%dma_start3A_1123 : memref<2048xi32, #tpu.memory_space<hbm>>) target(%arg6 : memref<2048xi32, #tpu.memory_space<vmem>>) target_semaphore(%arg9 : memref<!tpu.dma_semaphore, #tpu.memory_space<semaphore_mem>>)
      %dma_wait3A_1124 = arith.constant 0 : i32
      %dma_wait3A_1125 = arith.constant 0 : i32
      %dma_wait3A_1126 = tpu.memref_slice %arg4[%dma_wait3A_1124, %dma_wait3A_1125] : memref<2621440x8xf32, #tpu.memory_space<hbm>> -> memref<2048x8xf32, #tpu.memory_space<hbm>>
      %dma_wait3A_1127 = arith.constant 0 : i32
      %dma_wait3A_1128 = arith.constant 0 : i32
      %dma_wait3A_1129 = tpu.memref_slice %arg4[%dma_wait3A_1127, %dma_wait3A_1128] : memref<2621440x8xf32, #tpu.memory_space<hbm>> -> memref<2048x8xf32, #tpu.memory_space<hbm>>
      tpu.wait_dma2 semaphore(%arg11 : memref<!tpu.dma_semaphore, #tpu.memory_space<semaphore_mem>>) src(%arg7 : memref<2048x8xf32, #tpu.memory_space<vmem>>) dst(%dma_wait3A_1129 : memref<2048x8xf32, #tpu.memory_space<hbm>>)
      %dma_start3A_1130 = arith.constant 0 : i32
      %dma_start3A_1131 = arith.constant 0 : i32
      %dma_start3A_1132 = tpu.memref_slice %arg7[%dma_start3A_1130, %dma_start3A_1131] : memref<2048x8xf32, #tpu.memory_space<vmem>> -> memref<128x8xf32, #tpu.memory_space<vmem>>
      %dma_start3A_1133 = arith.constant 0 : i32
      %dma_start3A_1134 = tpu.memref_slice %arg5[%dma_start3A_1133] : memref<2048xi32, #tpu.memory_space<vmem>> -> memref<128xi32, #tpu.memory_space<vmem>>
      %dma_start3A_1135 = arith.constant 0 : i32
      %dma_start3A_1136 = arith.constant 0 : i32
      %dma_start3A_1137 = tpu.memref_slice %arg2[%dma_start3A_1135, %dma_start3A_1136] : memref<131072x8xf32, #tpu.memory_space<hbm>> -> memref<131072x8xf32, #tpu.memory_space<hbm>>
      tpu.enqueue_indirect_dma source(%dma_start3A_1137 : memref<131072x8xf32, #tpu.memory_space<hbm>>) target(%dma_start3A_1132 : memref<128x8xf32, #tpu.memory_space<vmem>>) offsets(%dma_start3A_1134 : memref<128xi32, #tpu.memory_space<vmem>>) semaphore(%arg10 : memref<!tpu.dma_semaphore, #tpu.memory_space<semaphore_mem>>)
      %dma_start3A_1138 = arith.constant 128 : i32
      %dma_start3A_1139 = arith.constant 0 : i32
      %dma_start3A_1140 = tpu.memref_slice %arg7[%dma_start3A_1138, %dma_start3A_1139] : memref<2048x8xf32, #tpu.memory_space<vmem>> -> memref<128x8xf32, #tpu.memory_space<vmem>>
      %dma_start3A_1141 = arith.constant 128 : i32
      %dma_start3A_1142 = tpu.memref_slice %arg5[%dma_start3A_1141] : memref<2048xi32, #tpu.memory_space<vmem>> -> memref<128xi32, #tpu.memory_space<vmem>>
      %dma_start3A_1143 = arith.constant 0 : i32
      %dma_start3A_1144 = arith.constant 0 : i32
      %dma_start3A_1145 = tpu.memref_slice %arg2[%dma_start3A_1143, %dma_start3A_1144] : memref<131072x8xf32, #tpu.memory_space<hbm>> -> memref<131072x8xf32, #tpu.memory_space<hbm>>
      tpu.enqueue_indirect_dma source(%dma_start3A_1145 : memref<131072x8xf32, #tpu.memory_space<hbm>>) target(%dma_start3A_1140 : memref<128x8xf32, #tpu.memory_space<vmem>>) offsets(%dma_start3A_1142 : memref<128xi32, #tpu.memory_space<vmem>>) semaphore(%arg10 : memref<!tpu.dma_semaphore, #tpu.memory_space<semaphore_mem>>)
      %dma_start3A_1146 = arith.constant 256 : i32
      %dma_start3A_1147 = arith.constant 0 : i32
      %dma_start3A_1148 = tpu.memref_slice %arg7[%dma_start3A_1146, %dma_start3A_1147] : memref<2048x8xf32, #tpu.memory_space<vmem>> -> memref<128x8xf32, #tpu.memory_space<vmem>>
      %dma_start3A_1149 = arith.constant 256 : i32
      %dma_start3A_1150 = tpu.memref_slice %arg5[%dma_start3A_1149] : memref<2048xi32, #tpu.memory_space<vmem>> -> memref<128xi32, #tpu.memory_space<vmem>>
      %dma_start3A_1151 = arith.constant 0 : i32
      %dma_start3A_1152 = arith.constant 0 : i32
      %dma_start3A_1153 = tpu.memref_slice %arg2[%dma_start3A_1151, %dma_start3A_1152] : memref<131072x8xf32, #tpu.memory_space<hbm>> -> memref<131072x8xf32, #tpu.memory_space<hbm>>
      tpu.enqueue_indirect_dma source(%dma_start3A_1153 : memref<131072x8xf32, #tpu.memory_space<hbm>>) target(%dma_start3A_1148 : memref<128x8xf32, #tpu.memory_space<vmem>>) offsets(%dma_start3A_1150 : memref<128xi32, #tpu.memory_space<vmem>>) semaphore(%arg10 : memref<!tpu.dma_semaphore, #tpu.memory_space<semaphore_mem>>)
      %dma_start3A_1154 = arith.constant 384 : i32
      %dma_start3A_1155 = arith.constant 0 : i32
      %dma_start3A_1156 = tpu.memref_slice %arg7[%dma_start3A_1154, %dma_start3A_1155] : memref<2048x8xf32, #tpu.memory_space<vmem>> -> memref<128x8xf32, #tpu.memory_space<vmem>>
      %dma_start3A_1157 = arith.constant 384 : i32
      %dma_start3A_1158 = tpu.memref_slice %arg5[%dma_start3A_1157] : memref<2048xi32, #tpu.memory_space<vmem>> -> memref<128xi32, #tpu.memory_space<vmem>>
      %dma_start3A_1159 = arith.constant 0 : i32
      %dma_start3A_1160 = arith.constant 0 : i32
      %dma_start3A_1161 = tpu.memref_slice %arg2[%dma_start3A_1159, %dma_start3A_1160] : memref<131072x8xf32, #tpu.memory_space<hbm>> -> memref<131072x8xf32, #tpu.memory_space<hbm>>
      tpu.enqueue_indirect_dma source(%dma_start3A_1161 : memref<131072x8xf32, #tpu.memory_space<hbm>>) target(%dma_start3A_1156 : memref<128x8xf32, #tpu.memory_space<vmem>>) offsets(%dma_start3A_1158 : memref<128xi32, #tpu.memory_space<vmem>>) semaphore(%arg10 : memref<!tpu.dma_semaphore, #tpu.memory_space<semaphore_mem>>)
      %dma_start3A_1162 = arith.constant 512 : i32
      %dma_start3A_1163 = arith.constant 0 : i32
      %dma_start3A_1164 = tpu.memref_slice %arg7[%dma_start3A_1162, %dma_start3A_1163] : memref<2048x8xf32, #tpu.memory_space<vmem>> -> memref<128x8xf32, #tpu.memory_space<vmem>>
      %dma_start3A_1165 = arith.constant 512 : i32
      %dma_start3A_1166 = tpu.memref_slice %arg5[%dma_start3A_1165] : memref<2048xi32, #tpu.memory_space<vmem>> -> memref<128xi32, #tpu.memory_space<vmem>>
      %dma_start3A_1167 = arith.constant 0 : i32
      %dma_start3A_1168 = arith.constant 0 : i32
      %dma_start3A_1169 = tpu.memref_slice %arg2[%dma_start3A_1167, %dma_start3A_1168] : memref<131072x8xf32, #tpu.memory_space<hbm>> -> memref<131072x8xf32, #tpu.memory_space<hbm>>
      tpu.enqueue_indirect_dma source(%dma_start3A_1169 : memref<131072x8xf32, #tpu.memory_space<hbm>>) target(%dma_start3A_1164 : memref<128x8xf32, #tpu.memory_space<vmem>>) offsets(%dma_start3A_1166 : memref<128xi32, #tpu.memory_space<vmem>>) semaphore(%arg10 : memref<!tpu.dma_semaphore, #tpu.memory_space<semaphore_mem>>)
      %dma_start3A_1170 = arith.constant 640 : i32
      %dma_start3A_1171 = arith.constant 0 : i32
      %dma_start3A_1172 = tpu.memref_slice %arg7[%dma_start3A_1170, %dma_start3A_1171] : memref<2048x8xf32, #tpu.memory_space<vmem>> -> memref<128x8xf32, #tpu.memory_space<vmem>>
      %dma_start3A_1173 = arith.constant 640 : i32
      %dma_start3A_1174 = tpu.memref_slice %arg5[%dma_start3A_1173] : memref<2048xi32, #tpu.memory_space<vmem>> -> memref<128xi32, #tpu.memory_space<vmem>>
      %dma_start3A_1175 = arith.constant 0 : i32
      %dma_start3A_1176 = arith.constant 0 : i32
      %dma_start3A_1177 = tpu.memref_slice %arg2[%dma_start3A_1175, %dma_start3A_1176] : memref<131072x8xf32, #tpu.memory_space<hbm>> -> memref<131072x8xf32, #tpu.memory_space<hbm>>
      tpu.enqueue_indirect_dma source(%dma_start3A_1177 : memref<131072x8xf32, #tpu.memory_space<hbm>>) target(%dma_start3A_1172 : memref<128x8xf32, #tpu.memory_space<vmem>>) offsets(%dma_start3A_1174 : memref<128xi32, #tpu.memory_space<vmem>>) semaphore(%arg10 : memref<!tpu.dma_semaphore, #tpu.memory_space<semaphore_mem>>)
      %dma_start3A_1178 = arith.constant 768 : i32
      %dma_start3A_1179 = arith.constant 0 : i32
      %dma_start3A_1180 = tpu.memref_slice %arg7[%dma_start3A_1178, %dma_start3A_1179] : memref<2048x8xf32, #tpu.memory_space<vmem>> -> memref<128x8xf32, #tpu.memory_space<vmem>>
      %dma_start3A_1181 = arith.constant 768 : i32
      %dma_start3A_1182 = tpu.memref_slice %arg5[%dma_start3A_1181] : memref<2048xi32, #tpu.memory_space<vmem>> -> memref<128xi32, #tpu.memory_space<vmem>>
      %dma_start3A_1183 = arith.constant 0 : i32
      %dma_start3A_1184 = arith.constant 0 : i32
      %dma_start3A_1185 = tpu.memref_slice %arg2[%dma_start3A_1183, %dma_start3A_1184] : memref<131072x8xf32, #tpu.memory_space<hbm>> -> memref<131072x8xf32, #tpu.memory_space<hbm>>
      tpu.enqueue_indirect_dma source(%dma_start3A_1185 : memref<131072x8xf32, #tpu.memory_space<hbm>>) target(%dma_start3A_1180 : memref<128x8xf32, #tpu.memory_space<vmem>>) offsets(%dma_start3A_1182 : memref<128xi32, #tpu.memory_space<vmem>>) semaphore(%arg10 : memref<!tpu.dma_semaphore, #tpu.memory_space<semaphore_mem>>)
      %dma_start3A_1186 = arith.constant 896 : i32
      %dma_start3A_1187 = arith.constant 0 : i32
      %dma_start3A_1188 = tpu.memref_slice %arg7[%dma_start3A_1186, %dma_start3A_1187] : memref<2048x8xf32, #tpu.memory_space<vmem>> -> memref<128x8xf32, #tpu.memory_space<vmem>>
      %dma_start3A_1189 = arith.constant 896 : i32
      %dma_start3A_1190 = tpu.memref_slice %arg5[%dma_start3A_1189] : memref<2048xi32, #tpu.memory_space<vmem>> -> memref<128xi32, #tpu.memory_space<vmem>>
      %dma_start3A_1191 = arith.constant 0 : i32
      %dma_start3A_1192 = arith.constant 0 : i32
      %dma_start3A_1193 = tpu.memref_slice %arg2[%dma_start3A_1191, %dma_start3A_1192] : memref<131072x8xf32, #tpu.memory_space<hbm>> -> memref<131072x8xf32, #tpu.memory_space<hbm>>
      tpu.enqueue_indirect_dma source(%dma_start3A_1193 : memref<131072x8xf32, #tpu.memory_space<hbm>>) target(%dma_start3A_1188 : memref<128x8xf32, #tpu.memory_space<vmem>>) offsets(%dma_start3A_1190 : memref<128xi32, #tpu.memory_space<vmem>>) semaphore(%arg10 : memref<!tpu.dma_semaphore, #tpu.memory_space<semaphore_mem>>)
      %dma_start3A_1194 = arith.constant 1024 : i32
      %dma_start3A_1195 = arith.constant 0 : i32
      %dma_start3A_1196 = tpu.memref_slice %arg7[%dma_start3A_1194, %dma_start3A_1195] : memref<2048x8xf32, #tpu.memory_space<vmem>> -> memref<128x8xf32, #tpu.memory_space<vmem>>
      %dma_start3A_1197 = arith.constant 1024 : i32
      %dma_start3A_1198 = tpu.memref_slice %arg5[%dma_start3A_1197] : memref<2048xi32, #tpu.memory_space<vmem>> -> memref<128xi32, #tpu.memory_space<vmem>>
      %dma_start3A_1199 = arith.constant 0 : i32
      %dma_start3A_1200 = arith.constant 0 : i32
      %dma_start3A_1201 = tpu.memref_slice %arg2[%dma_start3A_1199, %dma_start3A_1200] : memref<131072x8xf32, #tpu.memory_space<hbm>> -> memref<131072x8xf32, #tpu.memory_space<hbm>>
      tpu.enqueue_indirect_dma source(%dma_start3A_1201 : memref<131072x8xf32, #tpu.memory_space<hbm>>) target(%dma_start3A_1196 : memref<128x8xf32, #tpu.memory_space<vmem>>) offsets(%dma_start3A_1198 : memref<128xi32, #tpu.memory_space<vmem>>) semaphore(%arg10 : memref<!tpu.dma_semaphore, #tpu.memory_space<semaphore_mem>>)
      %dma_start3A_1202 = arith.constant 1152 : i32
      %dma_start3A_1203 = arith.constant 0 : i32
      %dma_start3A_1204 = tpu.memref_slice %arg7[%dma_start3A_1202, %dma_start3A_1203] : memref<2048x8xf32, #tpu.memory_space<vmem>> -> memref<128x8xf32, #tpu.memory_space<vmem>>
      %dma_start3A_1205 = arith.constant 1152 : i32
      %dma_start3A_1206 = tpu.memref_slice %arg5[%dma_start3A_1205] : memref<2048xi32, #tpu.memory_space<vmem>> -> memref<128xi32, #tpu.memory_space<vmem>>
      %dma_start3A_1207 = arith.constant 0 : i32
      %dma_start3A_1208 = arith.constant 0 : i32
      %dma_start3A_1209 = tpu.memref_slice %arg2[%dma_start3A_1207, %dma_start3A_1208] : memref<131072x8xf32, #tpu.memory_space<hbm>> -> memref<131072x8xf32, #tpu.memory_space<hbm>>
      tpu.enqueue_indirect_dma source(%dma_start3A_1209 : memref<131072x8xf32, #tpu.memory_space<hbm>>) target(%dma_start3A_1204 : memref<128x8xf32, #tpu.memory_space<vmem>>) offsets(%dma_start3A_1206 : memref<128xi32, #tpu.memory_space<vmem>>) semaphore(%arg10 : memref<!tpu.dma_semaphore, #tpu.memory_space<semaphore_mem>>)
      %dma_start3A_1210 = arith.constant 1280 : i32
      %dma_start3A_1211 = arith.constant 0 : i32
      %dma_start3A_1212 = tpu.memref_slice %arg7[%dma_start3A_1210, %dma_start3A_1211] : memref<2048x8xf32, #tpu.memory_space<vmem>> -> memref<128x8xf32, #tpu.memory_space<vmem>>
      %dma_start3A_1213 = arith.constant 1280 : i32
      %dma_start3A_1214 = tpu.memref_slice %arg5[%dma_start3A_1213] : memref<2048xi32, #tpu.memory_space<vmem>> -> memref<128xi32, #tpu.memory_space<vmem>>
      %dma_start3A_1215 = arith.constant 0 : i32
      %dma_start3A_1216 = arith.constant 0 : i32
      %dma_start3A_1217 = tpu.memref_slice %arg2[%dma_start3A_1215, %dma_start3A_1216] : memref<131072x8xf32, #tpu.memory_space<hbm>> -> memref<131072x8xf32, #tpu.memory_space<hbm>>
      tpu.enqueue_indirect_dma source(%dma_start3A_1217 : memref<131072x8xf32, #tpu.memory_space<hbm>>) target(%dma_start3A_1212 : memref<128x8xf32, #tpu.memory_space<vmem>>) offsets(%dma_start3A_1214 : memref<128xi32, #tpu.memory_space<vmem>>) semaphore(%arg10 : memref<!tpu.dma_semaphore, #tpu.memory_space<semaphore_mem>>)
      %dma_start3A_1218 = arith.constant 1408 : i32
      %dma_start3A_1219 = arith.constant 0 : i32
      %dma_start3A_1220 = tpu.memref_slice %arg7[%dma_start3A_1218, %dma_start3A_1219] : memref<2048x8xf32, #tpu.memory_space<vmem>> -> memref<128x8xf32, #tpu.memory_space<vmem>>
      %dma_start3A_1221 = arith.constant 1408 : i32
      %dma_start3A_1222 = tpu.memref_slice %arg5[%dma_start3A_1221] : memref<2048xi32, #tpu.memory_space<vmem>> -> memref<128xi32, #tpu.memory_space<vmem>>
      %dma_start3A_1223 = arith.constant 0 : i32
      %dma_start3A_1224 = arith.constant 0 : i32
      %dma_start3A_1225 = tpu.memref_slice %arg2[%dma_start3A_1223, %dma_start3A_1224] : memref<131072x8xf32, #tpu.memory_space<hbm>> -> memref<131072x8xf32, #tpu.memory_space<hbm>>
      tpu.enqueue_indirect_dma source(%dma_start3A_1225 : memref<131072x8xf32, #tpu.memory_space<hbm>>) target(%dma_start3A_1220 : memref<128x8xf32, #tpu.memory_space<vmem>>) offsets(%dma_start3A_1222 : memref<128xi32, #tpu.memory_space<vmem>>) semaphore(%arg10 : memref<!tpu.dma_semaphore, #tpu.memory_space<semaphore_mem>>)
      %dma_start3A_1226 = arith.constant 1536 : i32
      %dma_start3A_1227 = arith.constant 0 : i32
      %dma_start3A_1228 = tpu.memref_slice %arg7[%dma_start3A_1226, %dma_start3A_1227] : memref<2048x8xf32, #tpu.memory_space<vmem>> -> memref<128x8xf32, #tpu.memory_space<vmem>>
      %dma_start3A_1229 = arith.constant 1536 : i32
      %dma_start3A_1230 = tpu.memref_slice %arg5[%dma_start3A_1229] : memref<2048xi32, #tpu.memory_space<vmem>> -> memref<128xi32, #tpu.memory_space<vmem>>
      %dma_start3A_1231 = arith.constant 0 : i32
      %dma_start3A_1232 = arith.constant 0 : i32
      %dma_start3A_1233 = tpu.memref_slice %arg2[%dma_start3A_1231, %dma_start3A_1232] : memref<131072x8xf32, #tpu.memory_space<hbm>> -> memref<131072x8xf32, #tpu.memory_space<hbm>>
      tpu.enqueue_indirect_dma source(%dma_start3A_1233 : memref<131072x8xf32, #tpu.memory_space<hbm>>) target(%dma_start3A_1228 : memref<128x8xf32, #tpu.memory_space<vmem>>) offsets(%dma_start3A_1230 : memref<128xi32, #tpu.memory_space<vmem>>) semaphore(%arg10 : memref<!tpu.dma_semaphore, #tpu.memory_space<semaphore_mem>>)
      %dma_start3A_1234 = arith.constant 1664 : i32
      %dma_start3A_1235 = arith.constant 0 : i32
      %dma_start3A_1236 = tpu.memref_slice %arg7[%dma_start3A_1234, %dma_start3A_1235] : memref<2048x8xf32, #tpu.memory_space<vmem>> -> memref<128x8xf32, #tpu.memory_space<vmem>>
      %dma_start3A_1237 = arith.constant 1664 : i32
      %dma_start3A_1238 = tpu.memref_slice %arg5[%dma_start3A_1237] : memref<2048xi32, #tpu.memory_space<vmem>> -> memref<128xi32, #tpu.memory_space<vmem>>
      %dma_start3A_1239 = arith.constant 0 : i32
      %dma_start3A_1240 = arith.constant 0 : i32
      %dma_start3A_1241 = tpu.memref_slice %arg2[%dma_start3A_1239, %dma_start3A_1240] : memref<131072x8xf32, #tpu.memory_space<hbm>> -> memref<131072x8xf32, #tpu.memory_space<hbm>>
      tpu.enqueue_indirect_dma source(%dma_start3A_1241 : memref<131072x8xf32, #tpu.memory_space<hbm>>) target(%dma_start3A_1236 : memref<128x8xf32, #tpu.memory_space<vmem>>) offsets(%dma_start3A_1238 : memref<128xi32, #tpu.memory_space<vmem>>) semaphore(%arg10 : memref<!tpu.dma_semaphore, #tpu.memory_space<semaphore_mem>>)
      %dma_start3A_1242 = arith.constant 1792 : i32
      %dma_start3A_1243 = arith.constant 0 : i32
      %dma_start3A_1244 = tpu.memref_slice %arg7[%dma_start3A_1242, %dma_start3A_1243] : memref<2048x8xf32, #tpu.memory_space<vmem>> -> memref<128x8xf32, #tpu.memory_space<vmem>>
      %dma_start3A_1245 = arith.constant 1792 : i32
      %dma_start3A_1246 = tpu.memref_slice %arg5[%dma_start3A_1245] : memref<2048xi32, #tpu.memory_space<vmem>> -> memref<128xi32, #tpu.memory_space<vmem>>
      %dma_start3A_1247 = arith.constant 0 : i32
      %dma_start3A_1248 = arith.constant 0 : i32
      %dma_start3A_1249 = tpu.memref_slice %arg2[%dma_start3A_1247, %dma_start3A_1248] : memref<131072x8xf32, #tpu.memory_space<hbm>> -> memref<131072x8xf32, #tpu.memory_space<hbm>>
      tpu.enqueue_indirect_dma source(%dma_start3A_1249 : memref<131072x8xf32, #tpu.memory_space<hbm>>) target(%dma_start3A_1244 : memref<128x8xf32, #tpu.memory_space<vmem>>) offsets(%dma_start3A_1246 : memref<128xi32, #tpu.memory_space<vmem>>) semaphore(%arg10 : memref<!tpu.dma_semaphore, #tpu.memory_space<semaphore_mem>>)
      %dma_start3A_1250 = arith.constant 1920 : i32
      %dma_start3A_1251 = arith.constant 0 : i32
      %dma_start3A_1252 = tpu.memref_slice %arg7[%dma_start3A_1250, %dma_start3A_1251] : memref<2048x8xf32, #tpu.memory_space<vmem>> -> memref<128x8xf32, #tpu.memory_space<vmem>>
      %dma_start3A_1253 = arith.constant 1920 : i32
      %dma_start3A_1254 = tpu.memref_slice %arg5[%dma_start3A_1253] : memref<2048xi32, #tpu.memory_space<vmem>> -> memref<128xi32, #tpu.memory_space<vmem>>
      %dma_start3A_1255 = arith.constant 0 : i32
      %dma_start3A_1256 = arith.constant 0 : i32
      %dma_start3A_1257 = tpu.memref_slice %arg2[%dma_start3A_1255, %dma_start3A_1256] : memref<131072x8xf32, #tpu.memory_space<hbm>> -> memref<131072x8xf32, #tpu.memory_space<hbm>>
      tpu.enqueue_indirect_dma source(%dma_start3A_1257 : memref<131072x8xf32, #tpu.memory_space<hbm>>) target(%dma_start3A_1252 : memref<128x8xf32, #tpu.memory_space<vmem>>) offsets(%dma_start3A_1254 : memref<128xi32, #tpu.memory_space<vmem>>) semaphore(%arg10 : memref<!tpu.dma_semaphore, #tpu.memory_space<semaphore_mem>>)
      %dma_wait3A_1258 = arith.constant 0 : i32
      %dma_wait3A_1259 = arith.constant 0 : i32
      %dma_wait3A_1260 = tpu.memref_slice %arg7[%dma_wait3A_1258, %dma_wait3A_1259] : memref<2048x8xf32, #tpu.memory_space<vmem>> -> memref<128x8xf32, #tpu.memory_space<vmem>>
      %dma_wait3A_1261 = arith.constant 0 : i32
      %dma_wait3A_1262 = tpu.memref_slice %arg5[%dma_wait3A_1261] : memref<2048xi32, #tpu.memory_space<vmem>> -> memref<128xi32, #tpu.memory_space<vmem>>
      %dma_wait3A_1263 = arith.constant 0 : i32
      %dma_wait3A_1264 = arith.constant 0 : i32
      %dma_wait3A_1265 = tpu.memref_slice %arg2[%dma_wait3A_1263, %dma_wait3A_1264] : memref<131072x8xf32, #tpu.memory_space<hbm>> -> memref<131072x8xf32, #tpu.memory_space<hbm>>
      tpu.wait_indirect_dma semaphore(%arg10 : memref<!tpu.dma_semaphore, #tpu.memory_space<semaphore_mem>>) src(%dma_wait3A_1265 : memref<131072x8xf32, #tpu.memory_space<hbm>>) dst(%dma_wait3A_1260 : memref<128x8xf32, #tpu.memory_space<vmem>>)
      %dma_wait3A_1266 = arith.constant 128 : i32
      %dma_wait3A_1267 = arith.constant 0 : i32
      %dma_wait3A_1268 = tpu.memref_slice %arg7[%dma_wait3A_1266, %dma_wait3A_1267] : memref<2048x8xf32, #tpu.memory_space<vmem>> -> memref<128x8xf32, #tpu.memory_space<vmem>>
      %dma_wait3A_1269 = arith.constant 128 : i32
      %dma_wait3A_1270 = tpu.memref_slice %arg5[%dma_wait3A_1269] : memref<2048xi32, #tpu.memory_space<vmem>> -> memref<128xi32, #tpu.memory_space<vmem>>
      %dma_wait3A_1271 = arith.constant 0 : i32
      %dma_wait3A_1272 = arith.constant 0 : i32
      %dma_wait3A_1273 = tpu.memref_slice %arg2[%dma_wait3A_1271, %dma_wait3A_1272] : memref<131072x8xf32, #tpu.memory_space<hbm>> -> memref<131072x8xf32, #tpu.memory_space<hbm>>
      tpu.wait_indirect_dma semaphore(%arg10 : memref<!tpu.dma_semaphore, #tpu.memory_space<semaphore_mem>>) src(%dma_wait3A_1273 : memref<131072x8xf32, #tpu.memory_space<hbm>>) dst(%dma_wait3A_1268 : memref<128x8xf32, #tpu.memory_space<vmem>>)
      %dma_wait3A_1274 = arith.constant 256 : i32
      %dma_wait3A_1275 = arith.constant 0 : i32
      %dma_wait3A_1276 = tpu.memref_slice %arg7[%dma_wait3A_1274, %dma_wait3A_1275] : memref<2048x8xf32, #tpu.memory_space<vmem>> -> memref<128x8xf32, #tpu.memory_space<vmem>>
      %dma_wait3A_1277 = arith.constant 256 : i32
      %dma_wait3A_1278 = tpu.memref_slice %arg5[%dma_wait3A_1277] : memref<2048xi32, #tpu.memory_space<vmem>> -> memref<128xi32, #tpu.memory_space<vmem>>
      %dma_wait3A_1279 = arith.constant 0 : i32
      %dma_wait3A_1280 = arith.constant 0 : i32
      %dma_wait3A_1281 = tpu.memref_slice %arg2[%dma_wait3A_1279, %dma_wait3A_1280] : memref<131072x8xf32, #tpu.memory_space<hbm>> -> memref<131072x8xf32, #tpu.memory_space<hbm>>
      tpu.wait_indirect_dma semaphore(%arg10 : memref<!tpu.dma_semaphore, #tpu.memory_space<semaphore_mem>>) src(%dma_wait3A_1281 : memref<131072x8xf32, #tpu.memory_space<hbm>>) dst(%dma_wait3A_1276 : memref<128x8xf32, #tpu.memory_space<vmem>>)
      %dma_wait3A_1282 = arith.constant 384 : i32
      %dma_wait3A_1283 = arith.constant 0 : i32
      %dma_wait3A_1284 = tpu.memref_slice %arg7[%dma_wait3A_1282, %dma_wait3A_1283] : memref<2048x8xf32, #tpu.memory_space<vmem>> -> memref<128x8xf32, #tpu.memory_space<vmem>>
      %dma_wait3A_1285 = arith.constant 384 : i32
      %dma_wait3A_1286 = tpu.memref_slice %arg5[%dma_wait3A_1285] : memref<2048xi32, #tpu.memory_space<vmem>> -> memref<128xi32, #tpu.memory_space<vmem>>
      %dma_wait3A_1287 = arith.constant 0 : i32
      %dma_wait3A_1288 = arith.constant 0 : i32
      %dma_wait3A_1289 = tpu.memref_slice %arg2[%dma_wait3A_1287, %dma_wait3A_1288] : memref<131072x8xf32, #tpu.memory_space<hbm>> -> memref<131072x8xf32, #tpu.memory_space<hbm>>
      tpu.wait_indirect_dma semaphore(%arg10 : memref<!tpu.dma_semaphore, #tpu.memory_space<semaphore_mem>>) src(%dma_wait3A_1289 : memref<131072x8xf32, #tpu.memory_space<hbm>>) dst(%dma_wait3A_1284 : memref<128x8xf32, #tpu.memory_space<vmem>>)
      %dma_wait3A_1290 = arith.constant 512 : i32
      %dma_wait3A_1291 = arith.constant 0 : i32
      %dma_wait3A_1292 = tpu.memref_slice %arg7[%dma_wait3A_1290, %dma_wait3A_1291] : memref<2048x8xf32, #tpu.memory_space<vmem>> -> memref<128x8xf32, #tpu.memory_space<vmem>>
      %dma_wait3A_1293 = arith.constant 512 : i32
      %dma_wait3A_1294 = tpu.memref_slice %arg5[%dma_wait3A_1293] : memref<2048xi32, #tpu.memory_space<vmem>> -> memref<128xi32, #tpu.memory_space<vmem>>
      %dma_wait3A_1295 = arith.constant 0 : i32
      %dma_wait3A_1296 = arith.constant 0 : i32
      %dma_wait3A_1297 = tpu.memref_slice %arg2[%dma_wait3A_1295, %dma_wait3A_1296] : memref<131072x8xf32, #tpu.memory_space<hbm>> -> memref<131072x8xf32, #tpu.memory_space<hbm>>
      tpu.wait_indirect_dma semaphore(%arg10 : memref<!tpu.dma_semaphore, #tpu.memory_space<semaphore_mem>>) src(%dma_wait3A_1297 : memref<131072x8xf32, #tpu.memory_space<hbm>>) dst(%dma_wait3A_1292 : memref<128x8xf32, #tpu.memory_space<vmem>>)
      %dma_wait3A_1298 = arith.constant 640 : i32
      %dma_wait3A_1299 = arith.constant 0 : i32
      %dma_wait3A_1300 = tpu.memref_slice %arg7[%dma_wait3A_1298, %dma_wait3A_1299] : memref<2048x8xf32, #tpu.memory_space<vmem>> -> memref<128x8xf32, #tpu.memory_space<vmem>>
      %dma_wait3A_1301 = arith.constant 640 : i32
      %dma_wait3A_1302 = tpu.memref_slice %arg5[%dma_wait3A_1301] : memref<2048xi32, #tpu.memory_space<vmem>> -> memref<128xi32, #tpu.memory_space<vmem>>
      %dma_wait3A_1303 = arith.constant 0 : i32
      %dma_wait3A_1304 = arith.constant 0 : i32
      %dma_wait3A_1305 = tpu.memref_slice %arg2[%dma_wait3A_1303, %dma_wait3A_1304] : memref<131072x8xf32, #tpu.memory_space<hbm>> -> memref<131072x8xf32, #tpu.memory_space<hbm>>
      tpu.wait_indirect_dma semaphore(%arg10 : memref<!tpu.dma_semaphore, #tpu.memory_space<semaphore_mem>>) src(%dma_wait3A_1305 : memref<131072x8xf32, #tpu.memory_space<hbm>>) dst(%dma_wait3A_1300 : memref<128x8xf32, #tpu.memory_space<vmem>>)
      %dma_wait3A_1306 = arith.constant 768 : i32
      %dma_wait3A_1307 = arith.constant 0 : i32
      %dma_wait3A_1308 = tpu.memref_slice %arg7[%dma_wait3A_1306, %dma_wait3A_1307] : memref<2048x8xf32, #tpu.memory_space<vmem>> -> memref<128x8xf32, #tpu.memory_space<vmem>>
      %dma_wait3A_1309 = arith.constant 768 : i32
      %dma_wait3A_1310 = tpu.memref_slice %arg5[%dma_wait3A_1309] : memref<2048xi32, #tpu.memory_space<vmem>> -> memref<128xi32, #tpu.memory_space<vmem>>
      %dma_wait3A_1311 = arith.constant 0 : i32
      %dma_wait3A_1312 = arith.constant 0 : i32
      %dma_wait3A_1313 = tpu.memref_slice %arg2[%dma_wait3A_1311, %dma_wait3A_1312] : memref<131072x8xf32, #tpu.memory_space<hbm>> -> memref<131072x8xf32, #tpu.memory_space<hbm>>
      tpu.wait_indirect_dma semaphore(%arg10 : memref<!tpu.dma_semaphore, #tpu.memory_space<semaphore_mem>>) src(%dma_wait3A_1313 : memref<131072x8xf32, #tpu.memory_space<hbm>>) dst(%dma_wait3A_1308 : memref<128x8xf32, #tpu.memory_space<vmem>>)
      %dma_wait3A_1314 = arith.constant 896 : i32
      %dma_wait3A_1315 = arith.constant 0 : i32
      %dma_wait3A_1316 = tpu.memref_slice %arg7[%dma_wait3A_1314, %dma_wait3A_1315] : memref<2048x8xf32, #tpu.memory_space<vmem>> -> memref<128x8xf32, #tpu.memory_space<vmem>>
      %dma_wait3A_1317 = arith.constant 896 : i32
      %dma_wait3A_1318 = tpu.memref_slice %arg5[%dma_wait3A_1317] : memref<2048xi32, #tpu.memory_space<vmem>> -> memref<128xi32, #tpu.memory_space<vmem>>
      %dma_wait3A_1319 = arith.constant 0 : i32
      %dma_wait3A_1320 = arith.constant 0 : i32
      %dma_wait3A_1321 = tpu.memref_slice %arg2[%dma_wait3A_1319, %dma_wait3A_1320] : memref<131072x8xf32, #tpu.memory_space<hbm>> -> memref<131072x8xf32, #tpu.memory_space<hbm>>
      tpu.wait_indirect_dma semaphore(%arg10 : memref<!tpu.dma_semaphore, #tpu.memory_space<semaphore_mem>>) src(%dma_wait3A_1321 : memref<131072x8xf32, #tpu.memory_space<hbm>>) dst(%dma_wait3A_1316 : memref<128x8xf32, #tpu.memory_space<vmem>>)
      %dma_wait3A_1322 = arith.constant 1024 : i32
      %dma_wait3A_1323 = arith.constant 0 : i32
      %dma_wait3A_1324 = tpu.memref_slice %arg7[%dma_wait3A_1322, %dma_wait3A_1323] : memref<2048x8xf32, #tpu.memory_space<vmem>> -> memref<128x8xf32, #tpu.memory_space<vmem>>
      %dma_wait3A_1325 = arith.constant 1024 : i32
      %dma_wait3A_1326 = tpu.memref_slice %arg5[%dma_wait3A_1325] : memref<2048xi32, #tpu.memory_space<vmem>> -> memref<128xi32, #tpu.memory_space<vmem>>
      %dma_wait3A_1327 = arith.constant 0 : i32
      %dma_wait3A_1328 = arith.constant 0 : i32
      %dma_wait3A_1329 = tpu.memref_slice %arg2[%dma_wait3A_1327, %dma_wait3A_1328] : memref<131072x8xf32, #tpu.memory_space<hbm>> -> memref<131072x8xf32, #tpu.memory_space<hbm>>
      tpu.wait_indirect_dma semaphore(%arg10 : memref<!tpu.dma_semaphore, #tpu.memory_space<semaphore_mem>>) src(%dma_wait3A_1329 : memref<131072x8xf32, #tpu.memory_space<hbm>>) dst(%dma_wait3A_1324 : memref<128x8xf32, #tpu.memory_space<vmem>>)
      %dma_wait3A_1330 = arith.constant 1152 : i32
      %dma_wait3A_1331 = arith.constant 0 : i32
      %dma_wait3A_1332 = tpu.memref_slice %arg7[%dma_wait3A_1330, %dma_wait3A_1331] : memref<2048x8xf32, #tpu.memory_space<vmem>> -> memref<128x8xf32, #tpu.memory_space<vmem>>
      %dma_wait3A_1333 = arith.constant 1152 : i32
      %dma_wait3A_1334 = tpu.memref_slice %arg5[%dma_wait3A_1333] : memref<2048xi32, #tpu.memory_space<vmem>> -> memref<128xi32, #tpu.memory_space<vmem>>
      %dma_wait3A_1335 = arith.constant 0 : i32
      %dma_wait3A_1336 = arith.constant 0 : i32
      %dma_wait3A_1337 = tpu.memref_slice %arg2[%dma_wait3A_1335, %dma_wait3A_1336] : memref<131072x8xf32, #tpu.memory_space<hbm>> -> memref<131072x8xf32, #tpu.memory_space<hbm>>
      tpu.wait_indirect_dma semaphore(%arg10 : memref<!tpu.dma_semaphore, #tpu.memory_space<semaphore_mem>>) src(%dma_wait3A_1337 : memref<131072x8xf32, #tpu.memory_space<hbm>>) dst(%dma_wait3A_1332 : memref<128x8xf32, #tpu.memory_space<vmem>>)
      %dma_wait3A_1338 = arith.constant 1280 : i32
      %dma_wait3A_1339 = arith.constant 0 : i32
      %dma_wait3A_1340 = tpu.memref_slice %arg7[%dma_wait3A_1338, %dma_wait3A_1339] : memref<2048x8xf32, #tpu.memory_space<vmem>> -> memref<128x8xf32, #tpu.memory_space<vmem>>
      %dma_wait3A_1341 = arith.constant 1280 : i32
      %dma_wait3A_1342 = tpu.memref_slice %arg5[%dma_wait3A_1341] : memref<2048xi32, #tpu.memory_space<vmem>> -> memref<128xi32, #tpu.memory_space<vmem>>
      %dma_wait3A_1343 = arith.constant 0 : i32
      %dma_wait3A_1344 = arith.constant 0 : i32
      %dma_wait3A_1345 = tpu.memref_slice %arg2[%dma_wait3A_1343, %dma_wait3A_1344] : memref<131072x8xf32, #tpu.memory_space<hbm>> -> memref<131072x8xf32, #tpu.memory_space<hbm>>
      tpu.wait_indirect_dma semaphore(%arg10 : memref<!tpu.dma_semaphore, #tpu.memory_space<semaphore_mem>>) src(%dma_wait3A_1345 : memref<131072x8xf32, #tpu.memory_space<hbm>>) dst(%dma_wait3A_1340 : memref<128x8xf32, #tpu.memory_space<vmem>>)
      %dma_wait3A_1346 = arith.constant 1408 : i32
      %dma_wait3A_1347 = arith.constant 0 : i32
      %dma_wait3A_1348 = tpu.memref_slice %arg7[%dma_wait3A_1346, %dma_wait3A_1347] : memref<2048x8xf32, #tpu.memory_space<vmem>> -> memref<128x8xf32, #tpu.memory_space<vmem>>
      %dma_wait3A_1349 = arith.constant 1408 : i32
      %dma_wait3A_1350 = tpu.memref_slice %arg5[%dma_wait3A_1349] : memref<2048xi32, #tpu.memory_space<vmem>> -> memref<128xi32, #tpu.memory_space<vmem>>
      %dma_wait3A_1351 = arith.constant 0 : i32
      %dma_wait3A_1352 = arith.constant 0 : i32
      %dma_wait3A_1353 = tpu.memref_slice %arg2[%dma_wait3A_1351, %dma_wait3A_1352] : memref<131072x8xf32, #tpu.memory_space<hbm>> -> memref<131072x8xf32, #tpu.memory_space<hbm>>
      tpu.wait_indirect_dma semaphore(%arg10 : memref<!tpu.dma_semaphore, #tpu.memory_space<semaphore_mem>>) src(%dma_wait3A_1353 : memref<131072x8xf32, #tpu.memory_space<hbm>>) dst(%dma_wait3A_1348 : memref<128x8xf32, #tpu.memory_space<vmem>>)
      %dma_wait3A_1354 = arith.constant 1536 : i32
      %dma_wait3A_1355 = arith.constant 0 : i32
      %dma_wait3A_1356 = tpu.memref_slice %arg7[%dma_wait3A_1354, %dma_wait3A_1355] : memref<2048x8xf32, #tpu.memory_space<vmem>> -> memref<128x8xf32, #tpu.memory_space<vmem>>
      %dma_wait3A_1357 = arith.constant 1536 : i32
      %dma_wait3A_1358 = tpu.memref_slice %arg5[%dma_wait3A_1357] : memref<2048xi32, #tpu.memory_space<vmem>> -> memref<128xi32, #tpu.memory_space<vmem>>
      %dma_wait3A_1359 = arith.constant 0 : i32
      %dma_wait3A_1360 = arith.constant 0 : i32
      %dma_wait3A_1361 = tpu.memref_slice %arg2[%dma_wait3A_1359, %dma_wait3A_1360] : memref<131072x8xf32, #tpu.memory_space<hbm>> -> memref<131072x8xf32, #tpu.memory_space<hbm>>
      tpu.wait_indirect_dma semaphore(%arg10 : memref<!tpu.dma_semaphore, #tpu.memory_space<semaphore_mem>>) src(%dma_wait3A_1361 : memref<131072x8xf32, #tpu.memory_space<hbm>>) dst(%dma_wait3A_1356 : memref<128x8xf32, #tpu.memory_space<vmem>>)
      %dma_wait3A_1362 = arith.constant 1664 : i32
      %dma_wait3A_1363 = arith.constant 0 : i32
      %dma_wait3A_1364 = tpu.memref_slice %arg7[%dma_wait3A_1362, %dma_wait3A_1363] : memref<2048x8xf32, #tpu.memory_space<vmem>> -> memref<128x8xf32, #tpu.memory_space<vmem>>
      %dma_wait3A_1365 = arith.constant 1664 : i32
      %dma_wait3A_1366 = tpu.memref_slice %arg5[%dma_wait3A_1365] : memref<2048xi32, #tpu.memory_space<vmem>> -> memref<128xi32, #tpu.memory_space<vmem>>
      %dma_wait3A_1367 = arith.constant 0 : i32
      %dma_wait3A_1368 = arith.constant 0 : i32
      %dma_wait3A_1369 = tpu.memref_slice %arg2[%dma_wait3A_1367, %dma_wait3A_1368] : memref<131072x8xf32, #tpu.memory_space<hbm>> -> memref<131072x8xf32, #tpu.memory_space<hbm>>
      tpu.wait_indirect_dma semaphore(%arg10 : memref<!tpu.dma_semaphore, #tpu.memory_space<semaphore_mem>>) src(%dma_wait3A_1369 : memref<131072x8xf32, #tpu.memory_space<hbm>>) dst(%dma_wait3A_1364 : memref<128x8xf32, #tpu.memory_space<vmem>>)
      %dma_wait3A_1370 = arith.constant 1792 : i32
      %dma_wait3A_1371 = arith.constant 0 : i32
      %dma_wait3A_1372 = tpu.memref_slice %arg7[%dma_wait3A_1370, %dma_wait3A_1371] : memref<2048x8xf32, #tpu.memory_space<vmem>> -> memref<128x8xf32, #tpu.memory_space<vmem>>
      %dma_wait3A_1373 = arith.constant 1792 : i32
      %dma_wait3A_1374 = tpu.memref_slice %arg5[%dma_wait3A_1373] : memref<2048xi32, #tpu.memory_space<vmem>> -> memref<128xi32, #tpu.memory_space<vmem>>
      %dma_wait3A_1375 = arith.constant 0 : i32
      %dma_wait3A_1376 = arith.constant 0 : i32
      %dma_wait3A_1377 = tpu.memref_slice %arg2[%dma_wait3A_1375, %dma_wait3A_1376] : memref<131072x8xf32, #tpu.memory_space<hbm>> -> memref<131072x8xf32, #tpu.memory_space<hbm>>
      tpu.wait_indirect_dma semaphore(%arg10 : memref<!tpu.dma_semaphore, #tpu.memory_space<semaphore_mem>>) src(%dma_wait3A_1377 : memref<131072x8xf32, #tpu.memory_space<hbm>>) dst(%dma_wait3A_1372 : memref<128x8xf32, #tpu.memory_space<vmem>>)
      %dma_wait3A_1378 = arith.constant 1920 : i32
      %dma_wait3A_1379 = arith.constant 0 : i32
      %dma_wait3A_1380 = tpu.memref_slice %arg7[%dma_wait3A_1378, %dma_wait3A_1379] : memref<2048x8xf32, #tpu.memory_space<vmem>> -> memref<128x8xf32, #tpu.memory_space<vmem>>
      %dma_wait3A_1381 = arith.constant 1920 : i32
      %dma_wait3A_1382 = tpu.memref_slice %arg5[%dma_wait3A_1381] : memref<2048xi32, #tpu.memory_space<vmem>> -> memref<128xi32, #tpu.memory_space<vmem>>
      %dma_wait3A_1383 = arith.constant 0 : i32
      %dma_wait3A_1384 = arith.constant 0 : i32
      %dma_wait3A_1385 = tpu.memref_slice %arg2[%dma_wait3A_1383, %dma_wait3A_1384] : memref<131072x8xf32, #tpu.memory_space<hbm>> -> memref<131072x8xf32, #tpu.memory_space<hbm>>
      tpu.wait_indirect_dma semaphore(%arg10 : memref<!tpu.dma_semaphore, #tpu.memory_space<semaphore_mem>>) src(%dma_wait3A_1385 : memref<131072x8xf32, #tpu.memory_space<hbm>>) dst(%dma_wait3A_1380 : memref<128x8xf32, #tpu.memory_space<vmem>>)
      %mul3A_1386 = arith.constant 2048 : i32
      %mul3A_1387 = arith.muli %mul3A_1112, %mul3A_1386 : i32
      %add3A_1388 = arith.addi %mul3A_2, %mul3A_1387 : i32
      %dma_start3A_1389 = arith.constant 0 : i32
      %dma_start3A_1390 = tpu.memref_slice %arg4[%add3A_1388, %dma_start3A_1389] : memref<2621440x8xf32, #tpu.memory_space<hbm>> -> memref<2048x8xf32, #tpu.memory_space<hbm>>
      %dma_start3A_1391 = arith.constant 0 : i32
      %dma_start3A_1392 = tpu.memref_slice %arg4[%add3A_1388, %dma_start3A_1391] : memref<2621440x8xf32, #tpu.memory_space<hbm>> -> memref<2048x8xf32, #tpu.memory_space<hbm>>
      tpu.enqueue_dma source(%arg7 : memref<2048x8xf32, #tpu.memory_space<vmem>>) target(%dma_start3A_1392 : memref<2048x8xf32, #tpu.memory_space<hbm>>) target_semaphore(%arg11 : memref<!tpu.dma_semaphore, #tpu.memory_space<semaphore_mem>>)
      %mul3A_1393 = arith.constant 2 : i32
      %mul3A_1394 = arith.muli %mul3A_1393, %scan3A_1110 : i32
      %add3A_1395 = arith.constant 1 : i32
      %add3A_1396 = arith.addi %mul3A_1394, %add3A_1395 : i32
      %dma_wait3A_1397 = arith.constant 0 : i32
      %dma_wait3A_1398 = tpu.memref_slice %arg3[%dma_wait3A_1397] : memref<2621440xi32, #tpu.memory_space<hbm>> -> memref<2048xi32, #tpu.memory_space<hbm>>
      %dma_wait3A_1399 = arith.constant 0 : i32
      %dma_wait3A_1400 = tpu.memref_slice %arg3[%dma_wait3A_1399] : memref<2621440xi32, #tpu.memory_space<hbm>> -> memref<2048xi32, #tpu.memory_space<hbm>>
      tpu.wait_dma2 semaphore(%arg9 : memref<!tpu.dma_semaphore, #tpu.memory_space<semaphore_mem>>) src(%dma_wait3A_1400 : memref<2048xi32, #tpu.memory_space<hbm>>) dst(%arg6 : memref<2048xi32, #tpu.memory_space<vmem>>)
      %add3A_1401 = arith.constant 1 : i32
      %add3A_1402 = arith.addi %add3A_1396, %add3A_1401 : i32
      %mul3A_1403 = arith.constant 2048 : i32
      %mul3A_1404 = arith.muli %add3A_1402, %mul3A_1403 : i32
      %add3A_1405 = arith.addi %mul3A_2, %mul3A_1404 : i32
      %dma_start3A_1406 = tpu.memref_slice %arg3[%add3A_1405] : memref<2621440xi32, #tpu.memory_space<hbm>> -> memref<2048xi32, #tpu.memory_space<hbm>>
      %dma_start3A_1407 = tpu.memref_slice %arg3[%add3A_1405] : memref<2621440xi32, #tpu.memory_space<hbm>> -> memref<2048xi32, #tpu.memory_space<hbm>>
      tpu.enqueue_dma source(%dma_start3A_1407 : memref<2048xi32, #tpu.memory_space<hbm>>) target(%arg5 : memref<2048xi32, #tpu.memory_space<vmem>>) target_semaphore(%arg9 : memref<!tpu.dma_semaphore, #tpu.memory_space<semaphore_mem>>)
      %dma_wait3A_1408 = arith.constant 0 : i32
      %dma_wait3A_1409 = arith.constant 0 : i32
      %dma_wait3A_1410 = tpu.memref_slice %arg4[%dma_wait3A_1408, %dma_wait3A_1409] : memref<2621440x8xf32, #tpu.memory_space<hbm>> -> memref<2048x8xf32, #tpu.memory_space<hbm>>
      %dma_wait3A_1411 = arith.constant 0 : i32
      %dma_wait3A_1412 = arith.constant 0 : i32
      %dma_wait3A_1413 = tpu.memref_slice %arg4[%dma_wait3A_1411, %dma_wait3A_1412] : memref<2621440x8xf32, #tpu.memory_space<hbm>> -> memref<2048x8xf32, #tpu.memory_space<hbm>>
      tpu.wait_dma2 semaphore(%arg11 : memref<!tpu.dma_semaphore, #tpu.memory_space<semaphore_mem>>) src(%arg8 : memref<2048x8xf32, #tpu.memory_space<vmem>>) dst(%dma_wait3A_1413 : memref<2048x8xf32, #tpu.memory_space<hbm>>)
      %dma_start3A_1414 = arith.constant 0 : i32
      %dma_start3A_1415 = arith.constant 0 : i32
      %dma_start3A_1416 = tpu.memref_slice %arg8[%dma_start3A_1414, %dma_start3A_1415] : memref<2048x8xf32, #tpu.memory_space<vmem>> -> memref<128x8xf32, #tpu.memory_space<vmem>>
      %dma_start3A_1417 = arith.constant 0 : i32
      %dma_start3A_1418 = tpu.memref_slice %arg6[%dma_start3A_1417] : memref<2048xi32, #tpu.memory_space<vmem>> -> memref<128xi32, #tpu.memory_space<vmem>>
      %dma_start3A_1419 = arith.constant 0 : i32
      %dma_start3A_1420 = arith.constant 0 : i32
      %dma_start3A_1421 = tpu.memref_slice %arg2[%dma_start3A_1419, %dma_start3A_1420] : memref<131072x8xf32, #tpu.memory_space<hbm>> -> memref<131072x8xf32, #tpu.memory_space<hbm>>
      tpu.enqueue_indirect_dma source(%dma_start3A_1421 : memref<131072x8xf32, #tpu.memory_space<hbm>>) target(%dma_start3A_1416 : memref<128x8xf32, #tpu.memory_space<vmem>>) offsets(%dma_start3A_1418 : memref<128xi32, #tpu.memory_space<vmem>>) semaphore(%arg10 : memref<!tpu.dma_semaphore, #tpu.memory_space<semaphore_mem>>)
      %dma_start3A_1422 = arith.constant 128 : i32
      %dma_start3A_1423 = arith.constant 0 : i32
      %dma_start3A_1424 = tpu.memref_slice %arg8[%dma_start3A_1422, %dma_start3A_1423] : memref<2048x8xf32, #tpu.memory_space<vmem>> -> memref<128x8xf32, #tpu.memory_space<vmem>>
      %dma_start3A_1425 = arith.constant 128 : i32
      %dma_start3A_1426 = tpu.memref_slice %arg6[%dma_start3A_1425] : memref<2048xi32, #tpu.memory_space<vmem>> -> memref<128xi32, #tpu.memory_space<vmem>>
      %dma_start3A_1427 = arith.constant 0 : i32
      %dma_start3A_1428 = arith.constant 0 : i32
      %dma_start3A_1429 = tpu.memref_slice %arg2[%dma_start3A_1427, %dma_start3A_1428] : memref<131072x8xf32, #tpu.memory_space<hbm>> -> memref<131072x8xf32, #tpu.memory_space<hbm>>
      tpu.enqueue_indirect_dma source(%dma_start3A_1429 : memref<131072x8xf32, #tpu.memory_space<hbm>>) target(%dma_start3A_1424 : memref<128x8xf32, #tpu.memory_space<vmem>>) offsets(%dma_start3A_1426 : memref<128xi32, #tpu.memory_space<vmem>>) semaphore(%arg10 : memref<!tpu.dma_semaphore, #tpu.memory_space<semaphore_mem>>)
      %dma_start3A_1430 = arith.constant 256 : i32
      %dma_start3A_1431 = arith.constant 0 : i32
      %dma_start3A_1432 = tpu.memref_slice %arg8[%dma_start3A_1430, %dma_start3A_1431] : memref<2048x8xf32, #tpu.memory_space<vmem>> -> memref<128x8xf32, #tpu.memory_space<vmem>>
      %dma_start3A_1433 = arith.constant 256 : i32
      %dma_start3A_1434 = tpu.memref_slice %arg6[%dma_start3A_1433] : memref<2048xi32, #tpu.memory_space<vmem>> -> memref<128xi32, #tpu.memory_space<vmem>>
      %dma_start3A_1435 = arith.constant 0 : i32
      %dma_start3A_1436 = arith.constant 0 : i32
      %dma_start3A_1437 = tpu.memref_slice %arg2[%dma_start3A_1435, %dma_start3A_1436] : memref<131072x8xf32, #tpu.memory_space<hbm>> -> memref<131072x8xf32, #tpu.memory_space<hbm>>
      tpu.enqueue_indirect_dma source(%dma_start3A_1437 : memref<131072x8xf32, #tpu.memory_space<hbm>>) target(%dma_start3A_1432 : memref<128x8xf32, #tpu.memory_space<vmem>>) offsets(%dma_start3A_1434 : memref<128xi32, #tpu.memory_space<vmem>>) semaphore(%arg10 : memref<!tpu.dma_semaphore, #tpu.memory_space<semaphore_mem>>)
      %dma_start3A_1438 = arith.constant 384 : i32
      %dma_start3A_1439 = arith.constant 0 : i32
      %dma_start3A_1440 = tpu.memref_slice %arg8[%dma_start3A_1438, %dma_start3A_1439] : memref<2048x8xf32, #tpu.memory_space<vmem>> -> memref<128x8xf32, #tpu.memory_space<vmem>>
      %dma_start3A_1441 = arith.constant 384 : i32
      %dma_start3A_1442 = tpu.memref_slice %arg6[%dma_start3A_1441] : memref<2048xi32, #tpu.memory_space<vmem>> -> memref<128xi32, #tpu.memory_space<vmem>>
      %dma_start3A_1443 = arith.constant 0 : i32
      %dma_start3A_1444 = arith.constant 0 : i32
      %dma_start3A_1445 = tpu.memref_slice %arg2[%dma_start3A_1443, %dma_start3A_1444] : memref<131072x8xf32, #tpu.memory_space<hbm>> -> memref<131072x8xf32, #tpu.memory_space<hbm>>
      tpu.enqueue_indirect_dma source(%dma_start3A_1445 : memref<131072x8xf32, #tpu.memory_space<hbm>>) target(%dma_start3A_1440 : memref<128x8xf32, #tpu.memory_space<vmem>>) offsets(%dma_start3A_1442 : memref<128xi32, #tpu.memory_space<vmem>>) semaphore(%arg10 : memref<!tpu.dma_semaphore, #tpu.memory_space<semaphore_mem>>)
      %dma_start3A_1446 = arith.constant 512 : i32
      %dma_start3A_1447 = arith.constant 0 : i32
      %dma_start3A_1448 = tpu.memref_slice %arg8[%dma_start3A_1446, %dma_start3A_1447] : memref<2048x8xf32, #tpu.memory_space<vmem>> -> memref<128x8xf32, #tpu.memory_space<vmem>>
      %dma_start3A_1449 = arith.constant 512 : i32
      %dma_start3A_1450 = tpu.memref_slice %arg6[%dma_start3A_1449] : memref<2048xi32, #tpu.memory_space<vmem>> -> memref<128xi32, #tpu.memory_space<vmem>>
      %dma_start3A_1451 = arith.constant 0 : i32
      %dma_start3A_1452 = arith.constant 0 : i32
      %dma_start3A_1453 = tpu.memref_slice %arg2[%dma_start3A_1451, %dma_start3A_1452] : memref<131072x8xf32, #tpu.memory_space<hbm>> -> memref<131072x8xf32, #tpu.memory_space<hbm>>
      tpu.enqueue_indirect_dma source(%dma_start3A_1453 : memref<131072x8xf32, #tpu.memory_space<hbm>>) target(%dma_start3A_1448 : memref<128x8xf32, #tpu.memory_space<vmem>>) offsets(%dma_start3A_1450 : memref<128xi32, #tpu.memory_space<vmem>>) semaphore(%arg10 : memref<!tpu.dma_semaphore, #tpu.memory_space<semaphore_mem>>)
      %dma_start3A_1454 = arith.constant 640 : i32
      %dma_start3A_1455 = arith.constant 0 : i32
      %dma_start3A_1456 = tpu.memref_slice %arg8[%dma_start3A_1454, %dma_start3A_1455] : memref<2048x8xf32, #tpu.memory_space<vmem>> -> memref<128x8xf32, #tpu.memory_space<vmem>>
      %dma_start3A_1457 = arith.constant 640 : i32
      %dma_start3A_1458 = tpu.memref_slice %arg6[%dma_start3A_1457] : memref<2048xi32, #tpu.memory_space<vmem>> -> memref<128xi32, #tpu.memory_space<vmem>>
      %dma_start3A_1459 = arith.constant 0 : i32
      %dma_start3A_1460 = arith.constant 0 : i32
      %dma_start3A_1461 = tpu.memref_slice %arg2[%dma_start3A_1459, %dma_start3A_1460] : memref<131072x8xf32, #tpu.memory_space<hbm>> -> memref<131072x8xf32, #tpu.memory_space<hbm>>
      tpu.enqueue_indirect_dma source(%dma_start3A_1461 : memref<131072x8xf32, #tpu.memory_space<hbm>>) target(%dma_start3A_1456 : memref<128x8xf32, #tpu.memory_space<vmem>>) offsets(%dma_start3A_1458 : memref<128xi32, #tpu.memory_space<vmem>>) semaphore(%arg10 : memref<!tpu.dma_semaphore, #tpu.memory_space<semaphore_mem>>)
      %dma_start3A_1462 = arith.constant 768 : i32
      %dma_start3A_1463 = arith.constant 0 : i32
      %dma_start3A_1464 = tpu.memref_slice %arg8[%dma_start3A_1462, %dma_start3A_1463] : memref<2048x8xf32, #tpu.memory_space<vmem>> -> memref<128x8xf32, #tpu.memory_space<vmem>>
      %dma_start3A_1465 = arith.constant 768 : i32
      %dma_start3A_1466 = tpu.memref_slice %arg6[%dma_start3A_1465] : memref<2048xi32, #tpu.memory_space<vmem>> -> memref<128xi32, #tpu.memory_space<vmem>>
      %dma_start3A_1467 = arith.constant 0 : i32
      %dma_start3A_1468 = arith.constant 0 : i32
      %dma_start3A_1469 = tpu.memref_slice %arg2[%dma_start3A_1467, %dma_start3A_1468] : memref<131072x8xf32, #tpu.memory_space<hbm>> -> memref<131072x8xf32, #tpu.memory_space<hbm>>
      tpu.enqueue_indirect_dma source(%dma_start3A_1469 : memref<131072x8xf32, #tpu.memory_space<hbm>>) target(%dma_start3A_1464 : memref<128x8xf32, #tpu.memory_space<vmem>>) offsets(%dma_start3A_1466 : memref<128xi32, #tpu.memory_space<vmem>>) semaphore(%arg10 : memref<!tpu.dma_semaphore, #tpu.memory_space<semaphore_mem>>)
      %dma_start3A_1470 = arith.constant 896 : i32
      %dma_start3A_1471 = arith.constant 0 : i32
      %dma_start3A_1472 = tpu.memref_slice %arg8[%dma_start3A_1470, %dma_start3A_1471] : memref<2048x8xf32, #tpu.memory_space<vmem>> -> memref<128x8xf32, #tpu.memory_space<vmem>>
      %dma_start3A_1473 = arith.constant 896 : i32
      %dma_start3A_1474 = tpu.memref_slice %arg6[%dma_start3A_1473] : memref<2048xi32, #tpu.memory_space<vmem>> -> memref<128xi32, #tpu.memory_space<vmem>>
      %dma_start3A_1475 = arith.constant 0 : i32
      %dma_start3A_1476 = arith.constant 0 : i32
      %dma_start3A_1477 = tpu.memref_slice %arg2[%dma_start3A_1475, %dma_start3A_1476] : memref<131072x8xf32, #tpu.memory_space<hbm>> -> memref<131072x8xf32, #tpu.memory_space<hbm>>
      tpu.enqueue_indirect_dma source(%dma_start3A_1477 : memref<131072x8xf32, #tpu.memory_space<hbm>>) target(%dma_start3A_1472 : memref<128x8xf32, #tpu.memory_space<vmem>>) offsets(%dma_start3A_1474 : memref<128xi32, #tpu.memory_space<vmem>>) semaphore(%arg10 : memref<!tpu.dma_semaphore, #tpu.memory_space<semaphore_mem>>)
      %dma_start3A_1478 = arith.constant 1024 : i32
      %dma_start3A_1479 = arith.constant 0 : i32
      %dma_start3A_1480 = tpu.memref_slice %arg8[%dma_start3A_1478, %dma_start3A_1479] : memref<2048x8xf32, #tpu.memory_space<vmem>> -> memref<128x8xf32, #tpu.memory_space<vmem>>
      %dma_start3A_1481 = arith.constant 1024 : i32
      %dma_start3A_1482 = tpu.memref_slice %arg6[%dma_start3A_1481] : memref<2048xi32, #tpu.memory_space<vmem>> -> memref<128xi32, #tpu.memory_space<vmem>>
      %dma_start3A_1483 = arith.constant 0 : i32
      %dma_start3A_1484 = arith.constant 0 : i32
      %dma_start3A_1485 = tpu.memref_slice %arg2[%dma_start3A_1483, %dma_start3A_1484] : memref<131072x8xf32, #tpu.memory_space<hbm>> -> memref<131072x8xf32, #tpu.memory_space<hbm>>
      tpu.enqueue_indirect_dma source(%dma_start3A_1485 : memref<131072x8xf32, #tpu.memory_space<hbm>>) target(%dma_start3A_1480 : memref<128x8xf32, #tpu.memory_space<vmem>>) offsets(%dma_start3A_1482 : memref<128xi32, #tpu.memory_space<vmem>>) semaphore(%arg10 : memref<!tpu.dma_semaphore, #tpu.memory_space<semaphore_mem>>)
      %dma_start3A_1486 = arith.constant 1152 : i32
      %dma_start3A_1487 = arith.constant 0 : i32
      %dma_start3A_1488 = tpu.memref_slice %arg8[%dma_start3A_1486, %dma_start3A_1487] : memref<2048x8xf32, #tpu.memory_space<vmem>> -> memref<128x8xf32, #tpu.memory_space<vmem>>
      %dma_start3A_1489 = arith.constant 1152 : i32
      %dma_start3A_1490 = tpu.memref_slice %arg6[%dma_start3A_1489] : memref<2048xi32, #tpu.memory_space<vmem>> -> memref<128xi32, #tpu.memory_space<vmem>>
      %dma_start3A_1491 = arith.constant 0 : i32
      %dma_start3A_1492 = arith.constant 0 : i32
      %dma_start3A_1493 = tpu.memref_slice %arg2[%dma_start3A_1491, %dma_start3A_1492] : memref<131072x8xf32, #tpu.memory_space<hbm>> -> memref<131072x8xf32, #tpu.memory_space<hbm>>
      tpu.enqueue_indirect_dma source(%dma_start3A_1493 : memref<131072x8xf32, #tpu.memory_space<hbm>>) target(%dma_start3A_1488 : memref<128x8xf32, #tpu.memory_space<vmem>>) offsets(%dma_start3A_1490 : memref<128xi32, #tpu.memory_space<vmem>>) semaphore(%arg10 : memref<!tpu.dma_semaphore, #tpu.memory_space<semaphore_mem>>)
      %dma_start3A_1494 = arith.constant 1280 : i32
      %dma_start3A_1495 = arith.constant 0 : i32
      %dma_start3A_1496 = tpu.memref_slice %arg8[%dma_start3A_1494, %dma_start3A_1495] : memref<2048x8xf32, #tpu.memory_space<vmem>> -> memref<128x8xf32, #tpu.memory_space<vmem>>
      %dma_start3A_1497 = arith.constant 1280 : i32
      %dma_start3A_1498 = tpu.memref_slice %arg6[%dma_start3A_1497] : memref<2048xi32, #tpu.memory_space<vmem>> -> memref<128xi32, #tpu.memory_space<vmem>>
      %dma_start3A_1499 = arith.constant 0 : i32
      %dma_start3A_1500 = arith.constant 0 : i32
      %dma_start3A_1501 = tpu.memref_slice %arg2[%dma_start3A_1499, %dma_start3A_1500] : memref<131072x8xf32, #tpu.memory_space<hbm>> -> memref<131072x8xf32, #tpu.memory_space<hbm>>
      tpu.enqueue_indirect_dma source(%dma_start3A_1501 : memref<131072x8xf32, #tpu.memory_space<hbm>>) target(%dma_start3A_1496 : memref<128x8xf32, #tpu.memory_space<vmem>>) offsets(%dma_start3A_1498 : memref<128xi32, #tpu.memory_space<vmem>>) semaphore(%arg10 : memref<!tpu.dma_semaphore, #tpu.memory_space<semaphore_mem>>)
      %dma_start3A_1502 = arith.constant 1408 : i32
      %dma_start3A_1503 = arith.constant 0 : i32
      %dma_start3A_1504 = tpu.memref_slice %arg8[%dma_start3A_1502, %dma_start3A_1503] : memref<2048x8xf32, #tpu.memory_space<vmem>> -> memref<128x8xf32, #tpu.memory_space<vmem>>
      %dma_start3A_1505 = arith.constant 1408 : i32
      %dma_start3A_1506 = tpu.memref_slice %arg6[%dma_start3A_1505] : memref<2048xi32, #tpu.memory_space<vmem>> -> memref<128xi32, #tpu.memory_space<vmem>>
      %dma_start3A_1507 = arith.constant 0 : i32
      %dma_start3A_1508 = arith.constant 0 : i32
      %dma_start3A_1509 = tpu.memref_slice %arg2[%dma_start3A_1507, %dma_start3A_1508] : memref<131072x8xf32, #tpu.memory_space<hbm>> -> memref<131072x8xf32, #tpu.memory_space<hbm>>
      tpu.enqueue_indirect_dma source(%dma_start3A_1509 : memref<131072x8xf32, #tpu.memory_space<hbm>>) target(%dma_start3A_1504 : memref<128x8xf32, #tpu.memory_space<vmem>>) offsets(%dma_start3A_1506 : memref<128xi32, #tpu.memory_space<vmem>>) semaphore(%arg10 : memref<!tpu.dma_semaphore, #tpu.memory_space<semaphore_mem>>)
      %dma_start3A_1510 = arith.constant 1536 : i32
      %dma_start3A_1511 = arith.constant 0 : i32
      %dma_start3A_1512 = tpu.memref_slice %arg8[%dma_start3A_1510, %dma_start3A_1511] : memref<2048x8xf32, #tpu.memory_space<vmem>> -> memref<128x8xf32, #tpu.memory_space<vmem>>
      %dma_start3A_1513 = arith.constant 1536 : i32
      %dma_start3A_1514 = tpu.memref_slice %arg6[%dma_start3A_1513] : memref<2048xi32, #tpu.memory_space<vmem>> -> memref<128xi32, #tpu.memory_space<vmem>>
      %dma_start3A_1515 = arith.constant 0 : i32
      %dma_start3A_1516 = arith.constant 0 : i32
      %dma_start3A_1517 = tpu.memref_slice %arg2[%dma_start3A_1515, %dma_start3A_1516] : memref<131072x8xf32, #tpu.memory_space<hbm>> -> memref<131072x8xf32, #tpu.memory_space<hbm>>
      tpu.enqueue_indirect_dma source(%dma_start3A_1517 : memref<131072x8xf32, #tpu.memory_space<hbm>>) target(%dma_start3A_1512 : memref<128x8xf32, #tpu.memory_space<vmem>>) offsets(%dma_start3A_1514 : memref<128xi32, #tpu.memory_space<vmem>>) semaphore(%arg10 : memref<!tpu.dma_semaphore, #tpu.memory_space<semaphore_mem>>)
      %dma_start3A_1518 = arith.constant 1664 : i32
      %dma_start3A_1519 = arith.constant 0 : i32
      %dma_start3A_1520 = tpu.memref_slice %arg8[%dma_start3A_1518, %dma_start3A_1519] : memref<2048x8xf32, #tpu.memory_space<vmem>> -> memref<128x8xf32, #tpu.memory_space<vmem>>
      %dma_start3A_1521 = arith.constant 1664 : i32
      %dma_start3A_1522 = tpu.memref_slice %arg6[%dma_start3A_1521] : memref<2048xi32, #tpu.memory_space<vmem>> -> memref<128xi32, #tpu.memory_space<vmem>>
      %dma_start3A_1523 = arith.constant 0 : i32
      %dma_start3A_1524 = arith.constant 0 : i32
      %dma_start3A_1525 = tpu.memref_slice %arg2[%dma_start3A_1523, %dma_start3A_1524] : memref<131072x8xf32, #tpu.memory_space<hbm>> -> memref<131072x8xf32, #tpu.memory_space<hbm>>
      tpu.enqueue_indirect_dma source(%dma_start3A_1525 : memref<131072x8xf32, #tpu.memory_space<hbm>>) target(%dma_start3A_1520 : memref<128x8xf32, #tpu.memory_space<vmem>>) offsets(%dma_start3A_1522 : memref<128xi32, #tpu.memory_space<vmem>>) semaphore(%arg10 : memref<!tpu.dma_semaphore, #tpu.memory_space<semaphore_mem>>)
      %dma_start3A_1526 = arith.constant 1792 : i32
      %dma_start3A_1527 = arith.constant 0 : i32
      %dma_start3A_1528 = tpu.memref_slice %arg8[%dma_start3A_1526, %dma_start3A_1527] : memref<2048x8xf32, #tpu.memory_space<vmem>> -> memref<128x8xf32, #tpu.memory_space<vmem>>
      %dma_start3A_1529 = arith.constant 1792 : i32
      %dma_start3A_1530 = tpu.memref_slice %arg6[%dma_start3A_1529] : memref<2048xi32, #tpu.memory_space<vmem>> -> memref<128xi32, #tpu.memory_space<vmem>>
      %dma_start3A_1531 = arith.constant 0 : i32
      %dma_start3A_1532 = arith.constant 0 : i32
      %dma_start3A_1533 = tpu.memref_slice %arg2[%dma_start3A_1531, %dma_start3A_1532] : memref<131072x8xf32, #tpu.memory_space<hbm>> -> memref<131072x8xf32, #tpu.memory_space<hbm>>
      tpu.enqueue_indirect_dma source(%dma_start3A_1533 : memref<131072x8xf32, #tpu.memory_space<hbm>>) target(%dma_start3A_1528 : memref<128x8xf32, #tpu.memory_space<vmem>>) offsets(%dma_start3A_1530 : memref<128xi32, #tpu.memory_space<vmem>>) semaphore(%arg10 : memref<!tpu.dma_semaphore, #tpu.memory_space<semaphore_mem>>)
      %dma_start3A_1534 = arith.constant 1920 : i32
      %dma_start3A_1535 = arith.constant 0 : i32
      %dma_start3A_1536 = tpu.memref_slice %arg8[%dma_start3A_1534, %dma_start3A_1535] : memref<2048x8xf32, #tpu.memory_space<vmem>> -> memref<128x8xf32, #tpu.memory_space<vmem>>
      %dma_start3A_1537 = arith.constant 1920 : i32
      %dma_start3A_1538 = tpu.memref_slice %arg6[%dma_start3A_1537] : memref<2048xi32, #tpu.memory_space<vmem>> -> memref<128xi32, #tpu.memory_space<vmem>>
      %dma_start3A_1539 = arith.constant 0 : i32
      %dma_start3A_1540 = arith.constant 0 : i32
      %dma_start3A_1541 = tpu.memref_slice %arg2[%dma_start3A_1539, %dma_start3A_1540] : memref<131072x8xf32, #tpu.memory_space<hbm>> -> memref<131072x8xf32, #tpu.memory_space<hbm>>
      tpu.enqueue_indirect_dma source(%dma_start3A_1541 : memref<131072x8xf32, #tpu.memory_space<hbm>>) target(%dma_start3A_1536 : memref<128x8xf32, #tpu.memory_space<vmem>>) offsets(%dma_start3A_1538 : memref<128xi32, #tpu.memory_space<vmem>>) semaphore(%arg10 : memref<!tpu.dma_semaphore, #tpu.memory_space<semaphore_mem>>)
      %dma_wait3A_1542 = arith.constant 0 : i32
      %dma_wait3A_1543 = arith.constant 0 : i32
      %dma_wait3A_1544 = tpu.memref_slice %arg8[%dma_wait3A_1542, %dma_wait3A_1543] : memref<2048x8xf32, #tpu.memory_space<vmem>> -> memref<128x8xf32, #tpu.memory_space<vmem>>
      %dma_wait3A_1545 = arith.constant 0 : i32
      %dma_wait3A_1546 = tpu.memref_slice %arg6[%dma_wait3A_1545] : memref<2048xi32, #tpu.memory_space<vmem>> -> memref<128xi32, #tpu.memory_space<vmem>>
      %dma_wait3A_1547 = arith.constant 0 : i32
      %dma_wait3A_1548 = arith.constant 0 : i32
      %dma_wait3A_1549 = tpu.memref_slice %arg2[%dma_wait3A_1547, %dma_wait3A_1548] : memref<131072x8xf32, #tpu.memory_space<hbm>> -> memref<131072x8xf32, #tpu.memory_space<hbm>>
      tpu.wait_indirect_dma semaphore(%arg10 : memref<!tpu.dma_semaphore, #tpu.memory_space<semaphore_mem>>) src(%dma_wait3A_1549 : memref<131072x8xf32, #tpu.memory_space<hbm>>) dst(%dma_wait3A_1544 : memref<128x8xf32, #tpu.memory_space<vmem>>)
      %dma_wait3A_1550 = arith.constant 128 : i32
      %dma_wait3A_1551 = arith.constant 0 : i32
      %dma_wait3A_1552 = tpu.memref_slice %arg8[%dma_wait3A_1550, %dma_wait3A_1551] : memref<2048x8xf32, #tpu.memory_space<vmem>> -> memref<128x8xf32, #tpu.memory_space<vmem>>
      %dma_wait3A_1553 = arith.constant 128 : i32
      %dma_wait3A_1554 = tpu.memref_slice %arg6[%dma_wait3A_1553] : memref<2048xi32, #tpu.memory_space<vmem>> -> memref<128xi32, #tpu.memory_space<vmem>>
      %dma_wait3A_1555 = arith.constant 0 : i32
      %dma_wait3A_1556 = arith.constant 0 : i32
      %dma_wait3A_1557 = tpu.memref_slice %arg2[%dma_wait3A_1555, %dma_wait3A_1556] : memref<131072x8xf32, #tpu.memory_space<hbm>> -> memref<131072x8xf32, #tpu.memory_space<hbm>>
      tpu.wait_indirect_dma semaphore(%arg10 : memref<!tpu.dma_semaphore, #tpu.memory_space<semaphore_mem>>) src(%dma_wait3A_1557 : memref<131072x8xf32, #tpu.memory_space<hbm>>) dst(%dma_wait3A_1552 : memref<128x8xf32, #tpu.memory_space<vmem>>)
      %dma_wait3A_1558 = arith.constant 256 : i32
      %dma_wait3A_1559 = arith.constant 0 : i32
      %dma_wait3A_1560 = tpu.memref_slice %arg8[%dma_wait3A_1558, %dma_wait3A_1559] : memref<2048x8xf32, #tpu.memory_space<vmem>> -> memref<128x8xf32, #tpu.memory_space<vmem>>
      %dma_wait3A_1561 = arith.constant 256 : i32
      %dma_wait3A_1562 = tpu.memref_slice %arg6[%dma_wait3A_1561] : memref<2048xi32, #tpu.memory_space<vmem>> -> memref<128xi32, #tpu.memory_space<vmem>>
      %dma_wait3A_1563 = arith.constant 0 : i32
      %dma_wait3A_1564 = arith.constant 0 : i32
      %dma_wait3A_1565 = tpu.memref_slice %arg2[%dma_wait3A_1563, %dma_wait3A_1564] : memref<131072x8xf32, #tpu.memory_space<hbm>> -> memref<131072x8xf32, #tpu.memory_space<hbm>>
      tpu.wait_indirect_dma semaphore(%arg10 : memref<!tpu.dma_semaphore, #tpu.memory_space<semaphore_mem>>) src(%dma_wait3A_1565 : memref<131072x8xf32, #tpu.memory_space<hbm>>) dst(%dma_wait3A_1560 : memref<128x8xf32, #tpu.memory_space<vmem>>)
      %dma_wait3A_1566 = arith.constant 384 : i32
      %dma_wait3A_1567 = arith.constant 0 : i32
      %dma_wait3A_1568 = tpu.memref_slice %arg8[%dma_wait3A_1566, %dma_wait3A_1567] : memref<2048x8xf32, #tpu.memory_space<vmem>> -> memref<128x8xf32, #tpu.memory_space<vmem>>
      %dma_wait3A_1569 = arith.constant 384 : i32
      %dma_wait3A_1570 = tpu.memref_slice %arg6[%dma_wait3A_1569] : memref<2048xi32, #tpu.memory_space<vmem>> -> memref<128xi32, #tpu.memory_space<vmem>>
      %dma_wait3A_1571 = arith.constant 0 : i32
      %dma_wait3A_1572 = arith.constant 0 : i32
      %dma_wait3A_1573 = tpu.memref_slice %arg2[%dma_wait3A_1571, %dma_wait3A_1572] : memref<131072x8xf32, #tpu.memory_space<hbm>> -> memref<131072x8xf32, #tpu.memory_space<hbm>>
      tpu.wait_indirect_dma semaphore(%arg10 : memref<!tpu.dma_semaphore, #tpu.memory_space<semaphore_mem>>) src(%dma_wait3A_1573 : memref<131072x8xf32, #tpu.memory_space<hbm>>) dst(%dma_wait3A_1568 : memref<128x8xf32, #tpu.memory_space<vmem>>)
      %dma_wait3A_1574 = arith.constant 512 : i32
      %dma_wait3A_1575 = arith.constant 0 : i32
      %dma_wait3A_1576 = tpu.memref_slice %arg8[%dma_wait3A_1574, %dma_wait3A_1575] : memref<2048x8xf32, #tpu.memory_space<vmem>> -> memref<128x8xf32, #tpu.memory_space<vmem>>
      %dma_wait3A_1577 = arith.constant 512 : i32
      %dma_wait3A_1578 = tpu.memref_slice %arg6[%dma_wait3A_1577] : memref<2048xi32, #tpu.memory_space<vmem>> -> memref<128xi32, #tpu.memory_space<vmem>>
      %dma_wait3A_1579 = arith.constant 0 : i32
      %dma_wait3A_1580 = arith.constant 0 : i32
      %dma_wait3A_1581 = tpu.memref_slice %arg2[%dma_wait3A_1579, %dma_wait3A_1580] : memref<131072x8xf32, #tpu.memory_space<hbm>> -> memref<131072x8xf32, #tpu.memory_space<hbm>>
      tpu.wait_indirect_dma semaphore(%arg10 : memref<!tpu.dma_semaphore, #tpu.memory_space<semaphore_mem>>) src(%dma_wait3A_1581 : memref<131072x8xf32, #tpu.memory_space<hbm>>) dst(%dma_wait3A_1576 : memref<128x8xf32, #tpu.memory_space<vmem>>)
      %dma_wait3A_1582 = arith.constant 640 : i32
      %dma_wait3A_1583 = arith.constant 0 : i32
      %dma_wait3A_1584 = tpu.memref_slice %arg8[%dma_wait3A_1582, %dma_wait3A_1583] : memref<2048x8xf32, #tpu.memory_space<vmem>> -> memref<128x8xf32, #tpu.memory_space<vmem>>
      %dma_wait3A_1585 = arith.constant 640 : i32
      %dma_wait3A_1586 = tpu.memref_slice %arg6[%dma_wait3A_1585] : memref<2048xi32, #tpu.memory_space<vmem>> -> memref<128xi32, #tpu.memory_space<vmem>>
      %dma_wait3A_1587 = arith.constant 0 : i32
      %dma_wait3A_1588 = arith.constant 0 : i32
      %dma_wait3A_1589 = tpu.memref_slice %arg2[%dma_wait3A_1587, %dma_wait3A_1588] : memref<131072x8xf32, #tpu.memory_space<hbm>> -> memref<131072x8xf32, #tpu.memory_space<hbm>>
      tpu.wait_indirect_dma semaphore(%arg10 : memref<!tpu.dma_semaphore, #tpu.memory_space<semaphore_mem>>) src(%dma_wait3A_1589 : memref<131072x8xf32, #tpu.memory_space<hbm>>) dst(%dma_wait3A_1584 : memref<128x8xf32, #tpu.memory_space<vmem>>)
      %dma_wait3A_1590 = arith.constant 768 : i32
      %dma_wait3A_1591 = arith.constant 0 : i32
      %dma_wait3A_1592 = tpu.memref_slice %arg8[%dma_wait3A_1590, %dma_wait3A_1591] : memref<2048x8xf32, #tpu.memory_space<vmem>> -> memref<128x8xf32, #tpu.memory_space<vmem>>
      %dma_wait3A_1593 = arith.constant 768 : i32
      %dma_wait3A_1594 = tpu.memref_slice %arg6[%dma_wait3A_1593] : memref<2048xi32, #tpu.memory_space<vmem>> -> memref<128xi32, #tpu.memory_space<vmem>>
      %dma_wait3A_1595 = arith.constant 0 : i32
      %dma_wait3A_1596 = arith.constant 0 : i32
      %dma_wait3A_1597 = tpu.memref_slice %arg2[%dma_wait3A_1595, %dma_wait3A_1596] : memref<131072x8xf32, #tpu.memory_space<hbm>> -> memref<131072x8xf32, #tpu.memory_space<hbm>>
      tpu.wait_indirect_dma semaphore(%arg10 : memref<!tpu.dma_semaphore, #tpu.memory_space<semaphore_mem>>) src(%dma_wait3A_1597 : memref<131072x8xf32, #tpu.memory_space<hbm>>) dst(%dma_wait3A_1592 : memref<128x8xf32, #tpu.memory_space<vmem>>)
      %dma_wait3A_1598 = arith.constant 896 : i32
      %dma_wait3A_1599 = arith.constant 0 : i32
      %dma_wait3A_1600 = tpu.memref_slice %arg8[%dma_wait3A_1598, %dma_wait3A_1599] : memref<2048x8xf32, #tpu.memory_space<vmem>> -> memref<128x8xf32, #tpu.memory_space<vmem>>
      %dma_wait3A_1601 = arith.constant 896 : i32
      %dma_wait3A_1602 = tpu.memref_slice %arg6[%dma_wait3A_1601] : memref<2048xi32, #tpu.memory_space<vmem>> -> memref<128xi32, #tpu.memory_space<vmem>>
      %dma_wait3A_1603 = arith.constant 0 : i32
      %dma_wait3A_1604 = arith.constant 0 : i32
      %dma_wait3A_1605 = tpu.memref_slice %arg2[%dma_wait3A_1603, %dma_wait3A_1604] : memref<131072x8xf32, #tpu.memory_space<hbm>> -> memref<131072x8xf32, #tpu.memory_space<hbm>>
      tpu.wait_indirect_dma semaphore(%arg10 : memref<!tpu.dma_semaphore, #tpu.memory_space<semaphore_mem>>) src(%dma_wait3A_1605 : memref<131072x8xf32, #tpu.memory_space<hbm>>) dst(%dma_wait3A_1600 : memref<128x8xf32, #tpu.memory_space<vmem>>)
      %dma_wait3A_1606 = arith.constant 1024 : i32
      %dma_wait3A_1607 = arith.constant 0 : i32
      %dma_wait3A_1608 = tpu.memref_slice %arg8[%dma_wait3A_1606, %dma_wait3A_1607] : memref<2048x8xf32, #tpu.memory_space<vmem>> -> memref<128x8xf32, #tpu.memory_space<vmem>>
      %dma_wait3A_1609 = arith.constant 1024 : i32
      %dma_wait3A_1610 = tpu.memref_slice %arg6[%dma_wait3A_1609] : memref<2048xi32, #tpu.memory_space<vmem>> -> memref<128xi32, #tpu.memory_space<vmem>>
      %dma_wait3A_1611 = arith.constant 0 : i32
      %dma_wait3A_1612 = arith.constant 0 : i32
      %dma_wait3A_1613 = tpu.memref_slice %arg2[%dma_wait3A_1611, %dma_wait3A_1612] : memref<131072x8xf32, #tpu.memory_space<hbm>> -> memref<131072x8xf32, #tpu.memory_space<hbm>>
      tpu.wait_indirect_dma semaphore(%arg10 : memref<!tpu.dma_semaphore, #tpu.memory_space<semaphore_mem>>) src(%dma_wait3A_1613 : memref<131072x8xf32, #tpu.memory_space<hbm>>) dst(%dma_wait3A_1608 : memref<128x8xf32, #tpu.memory_space<vmem>>)
      %dma_wait3A_1614 = arith.constant 1152 : i32
      %dma_wait3A_1615 = arith.constant 0 : i32
      %dma_wait3A_1616 = tpu.memref_slice %arg8[%dma_wait3A_1614, %dma_wait3A_1615] : memref<2048x8xf32, #tpu.memory_space<vmem>> -> memref<128x8xf32, #tpu.memory_space<vmem>>
      %dma_wait3A_1617 = arith.constant 1152 : i32
      %dma_wait3A_1618 = tpu.memref_slice %arg6[%dma_wait3A_1617] : memref<2048xi32, #tpu.memory_space<vmem>> -> memref<128xi32, #tpu.memory_space<vmem>>
      %dma_wait3A_1619 = arith.constant 0 : i32
      %dma_wait3A_1620 = arith.constant 0 : i32
      %dma_wait3A_1621 = tpu.memref_slice %arg2[%dma_wait3A_1619, %dma_wait3A_1620] : memref<131072x8xf32, #tpu.memory_space<hbm>> -> memref<131072x8xf32, #tpu.memory_space<hbm>>
      tpu.wait_indirect_dma semaphore(%arg10 : memref<!tpu.dma_semaphore, #tpu.memory_space<semaphore_mem>>) src(%dma_wait3A_1621 : memref<131072x8xf32, #tpu.memory_space<hbm>>) dst(%dma_wait3A_1616 : memref<128x8xf32, #tpu.memory_space<vmem>>)
      %dma_wait3A_1622 = arith.constant 1280 : i32
      %dma_wait3A_1623 = arith.constant 0 : i32
      %dma_wait3A_1624 = tpu.memref_slice %arg8[%dma_wait3A_1622, %dma_wait3A_1623] : memref<2048x8xf32, #tpu.memory_space<vmem>> -> memref<128x8xf32, #tpu.memory_space<vmem>>
      %dma_wait3A_1625 = arith.constant 1280 : i32
      %dma_wait3A_1626 = tpu.memref_slice %arg6[%dma_wait3A_1625] : memref<2048xi32, #tpu.memory_space<vmem>> -> memref<128xi32, #tpu.memory_space<vmem>>
      %dma_wait3A_1627 = arith.constant 0 : i32
      %dma_wait3A_1628 = arith.constant 0 : i32
      %dma_wait3A_1629 = tpu.memref_slice %arg2[%dma_wait3A_1627, %dma_wait3A_1628] : memref<131072x8xf32, #tpu.memory_space<hbm>> -> memref<131072x8xf32, #tpu.memory_space<hbm>>
      tpu.wait_indirect_dma semaphore(%arg10 : memref<!tpu.dma_semaphore, #tpu.memory_space<semaphore_mem>>) src(%dma_wait3A_1629 : memref<131072x8xf32, #tpu.memory_space<hbm>>) dst(%dma_wait3A_1624 : memref<128x8xf32, #tpu.memory_space<vmem>>)
      %dma_wait3A_1630 = arith.constant 1408 : i32
      %dma_wait3A_1631 = arith.constant 0 : i32
      %dma_wait3A_1632 = tpu.memref_slice %arg8[%dma_wait3A_1630, %dma_wait3A_1631] : memref<2048x8xf32, #tpu.memory_space<vmem>> -> memref<128x8xf32, #tpu.memory_space<vmem>>
      %dma_wait3A_1633 = arith.constant 1408 : i32
      %dma_wait3A_1634 = tpu.memref_slice %arg6[%dma_wait3A_1633] : memref<2048xi32, #tpu.memory_space<vmem>> -> memref<128xi32, #tpu.memory_space<vmem>>
      %dma_wait3A_1635 = arith.constant 0 : i32
      %dma_wait3A_1636 = arith.constant 0 : i32
      %dma_wait3A_1637 = tpu.memref_slice %arg2[%dma_wait3A_1635, %dma_wait3A_1636] : memref<131072x8xf32, #tpu.memory_space<hbm>> -> memref<131072x8xf32, #tpu.memory_space<hbm>>
      tpu.wait_indirect_dma semaphore(%arg10 : memref<!tpu.dma_semaphore, #tpu.memory_space<semaphore_mem>>) src(%dma_wait3A_1637 : memref<131072x8xf32, #tpu.memory_space<hbm>>) dst(%dma_wait3A_1632 : memref<128x8xf32, #tpu.memory_space<vmem>>)
      %dma_wait3A_1638 = arith.constant 1536 : i32
      %dma_wait3A_1639 = arith.constant 0 : i32
      %dma_wait3A_1640 = tpu.memref_slice %arg8[%dma_wait3A_1638, %dma_wait3A_1639] : memref<2048x8xf32, #tpu.memory_space<vmem>> -> memref<128x8xf32, #tpu.memory_space<vmem>>
      %dma_wait3A_1641 = arith.constant 1536 : i32
      %dma_wait3A_1642 = tpu.memref_slice %arg6[%dma_wait3A_1641] : memref<2048xi32, #tpu.memory_space<vmem>> -> memref<128xi32, #tpu.memory_space<vmem>>
      %dma_wait3A_1643 = arith.constant 0 : i32
      %dma_wait3A_1644 = arith.constant 0 : i32
      %dma_wait3A_1645 = tpu.memref_slice %arg2[%dma_wait3A_1643, %dma_wait3A_1644] : memref<131072x8xf32, #tpu.memory_space<hbm>> -> memref<131072x8xf32, #tpu.memory_space<hbm>>
      tpu.wait_indirect_dma semaphore(%arg10 : memref<!tpu.dma_semaphore, #tpu.memory_space<semaphore_mem>>) src(%dma_wait3A_1645 : memref<131072x8xf32, #tpu.memory_space<hbm>>) dst(%dma_wait3A_1640 : memref<128x8xf32, #tpu.memory_space<vmem>>)
      %dma_wait3A_1646 = arith.constant 1664 : i32
      %dma_wait3A_1647 = arith.constant 0 : i32
      %dma_wait3A_1648 = tpu.memref_slice %arg8[%dma_wait3A_1646, %dma_wait3A_1647] : memref<2048x8xf32, #tpu.memory_space<vmem>> -> memref<128x8xf32, #tpu.memory_space<vmem>>
      %dma_wait3A_1649 = arith.constant 1664 : i32
      %dma_wait3A_1650 = tpu.memref_slice %arg6[%dma_wait3A_1649] : memref<2048xi32, #tpu.memory_space<vmem>> -> memref<128xi32, #tpu.memory_space<vmem>>
      %dma_wait3A_1651 = arith.constant 0 : i32
      %dma_wait3A_1652 = arith.constant 0 : i32
      %dma_wait3A_1653 = tpu.memref_slice %arg2[%dma_wait3A_1651, %dma_wait3A_1652] : memref<131072x8xf32, #tpu.memory_space<hbm>> -> memref<131072x8xf32, #tpu.memory_space<hbm>>
      tpu.wait_indirect_dma semaphore(%arg10 : memref<!tpu.dma_semaphore, #tpu.memory_space<semaphore_mem>>) src(%dma_wait3A_1653 : memref<131072x8xf32, #tpu.memory_space<hbm>>) dst(%dma_wait3A_1648 : memref<128x8xf32, #tpu.memory_space<vmem>>)
      %dma_wait3A_1654 = arith.constant 1792 : i32
      %dma_wait3A_1655 = arith.constant 0 : i32
      %dma_wait3A_1656 = tpu.memref_slice %arg8[%dma_wait3A_1654, %dma_wait3A_1655] : memref<2048x8xf32, #tpu.memory_space<vmem>> -> memref<128x8xf32, #tpu.memory_space<vmem>>
      %dma_wait3A_1657 = arith.constant 1792 : i32
      %dma_wait3A_1658 = tpu.memref_slice %arg6[%dma_wait3A_1657] : memref<2048xi32, #tpu.memory_space<vmem>> -> memref<128xi32, #tpu.memory_space<vmem>>
      %dma_wait3A_1659 = arith.constant 0 : i32
      %dma_wait3A_1660 = arith.constant 0 : i32
      %dma_wait3A_1661 = tpu.memref_slice %arg2[%dma_wait3A_1659, %dma_wait3A_1660] : memref<131072x8xf32, #tpu.memory_space<hbm>> -> memref<131072x8xf32, #tpu.memory_space<hbm>>
      tpu.wait_indirect_dma semaphore(%arg10 : memref<!tpu.dma_semaphore, #tpu.memory_space<semaphore_mem>>) src(%dma_wait3A_1661 : memref<131072x8xf32, #tpu.memory_space<hbm>>) dst(%dma_wait3A_1656 : memref<128x8xf32, #tpu.memory_space<vmem>>)
      %dma_wait3A_1662 = arith.constant 1920 : i32
      %dma_wait3A_1663 = arith.constant 0 : i32
      %dma_wait3A_1664 = tpu.memref_slice %arg8[%dma_wait3A_1662, %dma_wait3A_1663] : memref<2048x8xf32, #tpu.memory_space<vmem>> -> memref<128x8xf32, #tpu.memory_space<vmem>>
      %dma_wait3A_1665 = arith.constant 1920 : i32
      %dma_wait3A_1666 = tpu.memref_slice %arg6[%dma_wait3A_1665] : memref<2048xi32, #tpu.memory_space<vmem>> -> memref<128xi32, #tpu.memory_space<vmem>>
      %dma_wait3A_1667 = arith.constant 0 : i32
      %dma_wait3A_1668 = arith.constant 0 : i32
      %dma_wait3A_1669 = tpu.memref_slice %arg2[%dma_wait3A_1667, %dma_wait3A_1668] : memref<131072x8xf32, #tpu.memory_space<hbm>> -> memref<131072x8xf32, #tpu.memory_space<hbm>>
      tpu.wait_indirect_dma semaphore(%arg10 : memref<!tpu.dma_semaphore, #tpu.memory_space<semaphore_mem>>) src(%dma_wait3A_1669 : memref<131072x8xf32, #tpu.memory_space<hbm>>) dst(%dma_wait3A_1664 : memref<128x8xf32, #tpu.memory_space<vmem>>)
      %mul3A_1670 = arith.constant 2048 : i32
      %mul3A_1671 = arith.muli %add3A_1396, %mul3A_1670 : i32
      %add3A_1672 = arith.addi %mul3A_2, %mul3A_1671 : i32
      %dma_start3A_1673 = arith.constant 0 : i32
      %dma_start3A_1674 = tpu.memref_slice %arg4[%add3A_1672, %dma_start3A_1673] : memref<2621440x8xf32, #tpu.memory_space<hbm>> -> memref<2048x8xf32, #tpu.memory_space<hbm>>
      %dma_start3A_1675 = arith.constant 0 : i32
      %dma_start3A_1676 = tpu.memref_slice %arg4[%add3A_1672, %dma_start3A_1675] : memref<2621440x8xf32, #tpu.memory_space<hbm>> -> memref<2048x8xf32, #tpu.memory_space<hbm>>
      tpu.enqueue_dma source(%arg8 : memref<2048x8xf32, #tpu.memory_space<vmem>>) target(%dma_start3A_1676 : memref<2048x8xf32, #tpu.memory_space<hbm>>) target_semaphore(%arg11 : memref<!tpu.dma_semaphore, #tpu.memory_space<semaphore_mem>>)
    }
    %scan3A_549 = arith.constant 18 : i32
    %dma_wait3A_550 = arith.constant 0 : i32
    %dma_wait3A_551 = tpu.memref_slice %arg3[%dma_wait3A_550] : memref<2621440xi32, #tpu.memory_space<hbm>> -> memref<2048xi32, #tpu.memory_space<hbm>>
    %dma_wait3A_552 = arith.constant 0 : i32
    %dma_wait3A_553 = tpu.memref_slice %arg3[%dma_wait3A_552] : memref<2621440xi32, #tpu.memory_space<hbm>> -> memref<2048xi32, #tpu.memory_space<hbm>>
    tpu.wait_dma2 semaphore(%arg9 : memref<!tpu.dma_semaphore, #tpu.memory_space<semaphore_mem>>) src(%dma_wait3A_553 : memref<2048xi32, #tpu.memory_space<hbm>>) dst(%arg5 : memref<2048xi32, #tpu.memory_space<vmem>>)
    %add3A_554 = arith.constant 79872 : i32
    %add3A_555 = arith.addi %mul3A_2, %add3A_554 : i32
    %dma_start3A_556 = tpu.memref_slice %arg3[%add3A_555] : memref<2621440xi32, #tpu.memory_space<hbm>> -> memref<2048xi32, #tpu.memory_space<hbm>>
    %dma_start3A_557 = tpu.memref_slice %arg3[%add3A_555] : memref<2621440xi32, #tpu.memory_space<hbm>> -> memref<2048xi32, #tpu.memory_space<hbm>>
    tpu.enqueue_dma source(%dma_start3A_557 : memref<2048xi32, #tpu.memory_space<hbm>>) target(%arg6 : memref<2048xi32, #tpu.memory_space<vmem>>) target_semaphore(%arg9 : memref<!tpu.dma_semaphore, #tpu.memory_space<semaphore_mem>>)
    %dma_wait3A_558 = arith.constant 0 : i32
    %dma_wait3A_559 = arith.constant 0 : i32
    %dma_wait3A_560 = tpu.memref_slice %arg4[%dma_wait3A_558, %dma_wait3A_559] : memref<2621440x8xf32, #tpu.memory_space<hbm>> -> memref<2048x8xf32, #tpu.memory_space<hbm>>
    %dma_wait3A_561 = arith.constant 0 : i32
    %dma_wait3A_562 = arith.constant 0 : i32
    %dma_wait3A_563 = tpu.memref_slice %arg4[%dma_wait3A_561, %dma_wait3A_562] : memref<2621440x8xf32, #tpu.memory_space<hbm>> -> memref<2048x8xf32, #tpu.memory_space<hbm>>
    tpu.wait_dma2 semaphore(%arg11 : memref<!tpu.dma_semaphore, #tpu.memory_space<semaphore_mem>>) src(%arg7 : memref<2048x8xf32, #tpu.memory_space<vmem>>) dst(%dma_wait3A_563 : memref<2048x8xf32, #tpu.memory_space<hbm>>)
    %dma_start3A_564 = arith.constant 0 : i32
    %dma_start3A_565 = arith.constant 0 : i32
    %dma_start3A_566 = tpu.memref_slice %arg7[%dma_start3A_564, %dma_start3A_565] : memref<2048x8xf32, #tpu.memory_space<vmem>> -> memref<128x8xf32, #tpu.memory_space<vmem>>
    %dma_start3A_567 = arith.constant 0 : i32
    %dma_start3A_568 = tpu.memref_slice %arg5[%dma_start3A_567] : memref<2048xi32, #tpu.memory_space<vmem>> -> memref<128xi32, #tpu.memory_space<vmem>>
    %dma_start3A_569 = arith.constant 0 : i32
    %dma_start3A_570 = arith.constant 0 : i32
    %dma_start3A_571 = tpu.memref_slice %arg2[%dma_start3A_569, %dma_start3A_570] : memref<131072x8xf32, #tpu.memory_space<hbm>> -> memref<131072x8xf32, #tpu.memory_space<hbm>>
    tpu.enqueue_indirect_dma source(%dma_start3A_571 : memref<131072x8xf32, #tpu.memory_space<hbm>>) target(%dma_start3A_566 : memref<128x8xf32, #tpu.memory_space<vmem>>) offsets(%dma_start3A_568 : memref<128xi32, #tpu.memory_space<vmem>>) semaphore(%arg10 : memref<!tpu.dma_semaphore, #tpu.memory_space<semaphore_mem>>)
    %dma_start3A_572 = arith.constant 128 : i32
    %dma_start3A_573 = arith.constant 0 : i32
    %dma_start3A_574 = tpu.memref_slice %arg7[%dma_start3A_572, %dma_start3A_573] : memref<2048x8xf32, #tpu.memory_space<vmem>> -> memref<128x8xf32, #tpu.memory_space<vmem>>
    %dma_start3A_575 = arith.constant 128 : i32
    %dma_start3A_576 = tpu.memref_slice %arg5[%dma_start3A_575] : memref<2048xi32, #tpu.memory_space<vmem>> -> memref<128xi32, #tpu.memory_space<vmem>>
    %dma_start3A_577 = arith.constant 0 : i32
    %dma_start3A_578 = arith.constant 0 : i32
    %dma_start3A_579 = tpu.memref_slice %arg2[%dma_start3A_577, %dma_start3A_578] : memref<131072x8xf32, #tpu.memory_space<hbm>> -> memref<131072x8xf32, #tpu.memory_space<hbm>>
    tpu.enqueue_indirect_dma source(%dma_start3A_579 : memref<131072x8xf32, #tpu.memory_space<hbm>>) target(%dma_start3A_574 : memref<128x8xf32, #tpu.memory_space<vmem>>) offsets(%dma_start3A_576 : memref<128xi32, #tpu.memory_space<vmem>>) semaphore(%arg10 : memref<!tpu.dma_semaphore, #tpu.memory_space<semaphore_mem>>)
    %dma_start3A_580 = arith.constant 256 : i32
    %dma_start3A_581 = arith.constant 0 : i32
    %dma_start3A_582 = tpu.memref_slice %arg7[%dma_start3A_580, %dma_start3A_581] : memref<2048x8xf32, #tpu.memory_space<vmem>> -> memref<128x8xf32, #tpu.memory_space<vmem>>
    %dma_start3A_583 = arith.constant 256 : i32
    %dma_start3A_584 = tpu.memref_slice %arg5[%dma_start3A_583] : memref<2048xi32, #tpu.memory_space<vmem>> -> memref<128xi32, #tpu.memory_space<vmem>>
    %dma_start3A_585 = arith.constant 0 : i32
    %dma_start3A_586 = arith.constant 0 : i32
    %dma_start3A_587 = tpu.memref_slice %arg2[%dma_start3A_585, %dma_start3A_586] : memref<131072x8xf32, #tpu.memory_space<hbm>> -> memref<131072x8xf32, #tpu.memory_space<hbm>>
    tpu.enqueue_indirect_dma source(%dma_start3A_587 : memref<131072x8xf32, #tpu.memory_space<hbm>>) target(%dma_start3A_582 : memref<128x8xf32, #tpu.memory_space<vmem>>) offsets(%dma_start3A_584 : memref<128xi32, #tpu.memory_space<vmem>>) semaphore(%arg10 : memref<!tpu.dma_semaphore, #tpu.memory_space<semaphore_mem>>)
    %dma_start3A_588 = arith.constant 384 : i32
    %dma_start3A_589 = arith.constant 0 : i32
    %dma_start3A_590 = tpu.memref_slice %arg7[%dma_start3A_588, %dma_start3A_589] : memref<2048x8xf32, #tpu.memory_space<vmem>> -> memref<128x8xf32, #tpu.memory_space<vmem>>
    %dma_start3A_591 = arith.constant 384 : i32
    %dma_start3A_592 = tpu.memref_slice %arg5[%dma_start3A_591] : memref<2048xi32, #tpu.memory_space<vmem>> -> memref<128xi32, #tpu.memory_space<vmem>>
    %dma_start3A_593 = arith.constant 0 : i32
    %dma_start3A_594 = arith.constant 0 : i32
    %dma_start3A_595 = tpu.memref_slice %arg2[%dma_start3A_593, %dma_start3A_594] : memref<131072x8xf32, #tpu.memory_space<hbm>> -> memref<131072x8xf32, #tpu.memory_space<hbm>>
    tpu.enqueue_indirect_dma source(%dma_start3A_595 : memref<131072x8xf32, #tpu.memory_space<hbm>>) target(%dma_start3A_590 : memref<128x8xf32, #tpu.memory_space<vmem>>) offsets(%dma_start3A_592 : memref<128xi32, #tpu.memory_space<vmem>>) semaphore(%arg10 : memref<!tpu.dma_semaphore, #tpu.memory_space<semaphore_mem>>)
    %dma_start3A_596 = arith.constant 512 : i32
    %dma_start3A_597 = arith.constant 0 : i32
    %dma_start3A_598 = tpu.memref_slice %arg7[%dma_start3A_596, %dma_start3A_597] : memref<2048x8xf32, #tpu.memory_space<vmem>> -> memref<128x8xf32, #tpu.memory_space<vmem>>
    %dma_start3A_599 = arith.constant 512 : i32
    %dma_start3A_600 = tpu.memref_slice %arg5[%dma_start3A_599] : memref<2048xi32, #tpu.memory_space<vmem>> -> memref<128xi32, #tpu.memory_space<vmem>>
    %dma_start3A_601 = arith.constant 0 : i32
    %dma_start3A_602 = arith.constant 0 : i32
    %dma_start3A_603 = tpu.memref_slice %arg2[%dma_start3A_601, %dma_start3A_602] : memref<131072x8xf32, #tpu.memory_space<hbm>> -> memref<131072x8xf32, #tpu.memory_space<hbm>>
    tpu.enqueue_indirect_dma source(%dma_start3A_603 : memref<131072x8xf32, #tpu.memory_space<hbm>>) target(%dma_start3A_598 : memref<128x8xf32, #tpu.memory_space<vmem>>) offsets(%dma_start3A_600 : memref<128xi32, #tpu.memory_space<vmem>>) semaphore(%arg10 : memref<!tpu.dma_semaphore, #tpu.memory_space<semaphore_mem>>)
    %dma_start3A_604 = arith.constant 640 : i32
    %dma_start3A_605 = arith.constant 0 : i32
    %dma_start3A_606 = tpu.memref_slice %arg7[%dma_start3A_604, %dma_start3A_605] : memref<2048x8xf32, #tpu.memory_space<vmem>> -> memref<128x8xf32, #tpu.memory_space<vmem>>
    %dma_start3A_607 = arith.constant 640 : i32
    %dma_start3A_608 = tpu.memref_slice %arg5[%dma_start3A_607] : memref<2048xi32, #tpu.memory_space<vmem>> -> memref<128xi32, #tpu.memory_space<vmem>>
    %dma_start3A_609 = arith.constant 0 : i32
    %dma_start3A_610 = arith.constant 0 : i32
    %dma_start3A_611 = tpu.memref_slice %arg2[%dma_start3A_609, %dma_start3A_610] : memref<131072x8xf32, #tpu.memory_space<hbm>> -> memref<131072x8xf32, #tpu.memory_space<hbm>>
    tpu.enqueue_indirect_dma source(%dma_start3A_611 : memref<131072x8xf32, #tpu.memory_space<hbm>>) target(%dma_start3A_606 : memref<128x8xf32, #tpu.memory_space<vmem>>) offsets(%dma_start3A_608 : memref<128xi32, #tpu.memory_space<vmem>>) semaphore(%arg10 : memref<!tpu.dma_semaphore, #tpu.memory_space<semaphore_mem>>)
    %dma_start3A_612 = arith.constant 768 : i32
    %dma_start3A_613 = arith.constant 0 : i32
    %dma_start3A_614 = tpu.memref_slice %arg7[%dma_start3A_612, %dma_start3A_613] : memref<2048x8xf32, #tpu.memory_space<vmem>> -> memref<128x8xf32, #tpu.memory_space<vmem>>
    %dma_start3A_615 = arith.constant 768 : i32
    %dma_start3A_616 = tpu.memref_slice %arg5[%dma_start3A_615] : memref<2048xi32, #tpu.memory_space<vmem>> -> memref<128xi32, #tpu.memory_space<vmem>>
    %dma_start3A_617 = arith.constant 0 : i32
    %dma_start3A_618 = arith.constant 0 : i32
    %dma_start3A_619 = tpu.memref_slice %arg2[%dma_start3A_617, %dma_start3A_618] : memref<131072x8xf32, #tpu.memory_space<hbm>> -> memref<131072x8xf32, #tpu.memory_space<hbm>>
    tpu.enqueue_indirect_dma source(%dma_start3A_619 : memref<131072x8xf32, #tpu.memory_space<hbm>>) target(%dma_start3A_614 : memref<128x8xf32, #tpu.memory_space<vmem>>) offsets(%dma_start3A_616 : memref<128xi32, #tpu.memory_space<vmem>>) semaphore(%arg10 : memref<!tpu.dma_semaphore, #tpu.memory_space<semaphore_mem>>)
    %dma_start3A_620 = arith.constant 896 : i32
    %dma_start3A_621 = arith.constant 0 : i32
    %dma_start3A_622 = tpu.memref_slice %arg7[%dma_start3A_620, %dma_start3A_621] : memref<2048x8xf32, #tpu.memory_space<vmem>> -> memref<128x8xf32, #tpu.memory_space<vmem>>
    %dma_start3A_623 = arith.constant 896 : i32
    %dma_start3A_624 = tpu.memref_slice %arg5[%dma_start3A_623] : memref<2048xi32, #tpu.memory_space<vmem>> -> memref<128xi32, #tpu.memory_space<vmem>>
    %dma_start3A_625 = arith.constant 0 : i32
    %dma_start3A_626 = arith.constant 0 : i32
    %dma_start3A_627 = tpu.memref_slice %arg2[%dma_start3A_625, %dma_start3A_626] : memref<131072x8xf32, #tpu.memory_space<hbm>> -> memref<131072x8xf32, #tpu.memory_space<hbm>>
    tpu.enqueue_indirect_dma source(%dma_start3A_627 : memref<131072x8xf32, #tpu.memory_space<hbm>>) target(%dma_start3A_622 : memref<128x8xf32, #tpu.memory_space<vmem>>) offsets(%dma_start3A_624 : memref<128xi32, #tpu.memory_space<vmem>>) semaphore(%arg10 : memref<!tpu.dma_semaphore, #tpu.memory_space<semaphore_mem>>)
    %dma_start3A_628 = arith.constant 1024 : i32
    %dma_start3A_629 = arith.constant 0 : i32
    %dma_start3A_630 = tpu.memref_slice %arg7[%dma_start3A_628, %dma_start3A_629] : memref<2048x8xf32, #tpu.memory_space<vmem>> -> memref<128x8xf32, #tpu.memory_space<vmem>>
    %dma_start3A_631 = arith.constant 1024 : i32
    %dma_start3A_632 = tpu.memref_slice %arg5[%dma_start3A_631] : memref<2048xi32, #tpu.memory_space<vmem>> -> memref<128xi32, #tpu.memory_space<vmem>>
    %dma_start3A_633 = arith.constant 0 : i32
    %dma_start3A_634 = arith.constant 0 : i32
    %dma_start3A_635 = tpu.memref_slice %arg2[%dma_start3A_633, %dma_start3A_634] : memref<131072x8xf32, #tpu.memory_space<hbm>> -> memref<131072x8xf32, #tpu.memory_space<hbm>>
    tpu.enqueue_indirect_dma source(%dma_start3A_635 : memref<131072x8xf32, #tpu.memory_space<hbm>>) target(%dma_start3A_630 : memref<128x8xf32, #tpu.memory_space<vmem>>) offsets(%dma_start3A_632 : memref<128xi32, #tpu.memory_space<vmem>>) semaphore(%arg10 : memref<!tpu.dma_semaphore, #tpu.memory_space<semaphore_mem>>)
    %dma_start3A_636 = arith.constant 1152 : i32
    %dma_start3A_637 = arith.constant 0 : i32
    %dma_start3A_638 = tpu.memref_slice %arg7[%dma_start3A_636, %dma_start3A_637] : memref<2048x8xf32, #tpu.memory_space<vmem>> -> memref<128x8xf32, #tpu.memory_space<vmem>>
    %dma_start3A_639 = arith.constant 1152 : i32
    %dma_start3A_640 = tpu.memref_slice %arg5[%dma_start3A_639] : memref<2048xi32, #tpu.memory_space<vmem>> -> memref<128xi32, #tpu.memory_space<vmem>>
    %dma_start3A_641 = arith.constant 0 : i32
    %dma_start3A_642 = arith.constant 0 : i32
    %dma_start3A_643 = tpu.memref_slice %arg2[%dma_start3A_641, %dma_start3A_642] : memref<131072x8xf32, #tpu.memory_space<hbm>> -> memref<131072x8xf32, #tpu.memory_space<hbm>>
    tpu.enqueue_indirect_dma source(%dma_start3A_643 : memref<131072x8xf32, #tpu.memory_space<hbm>>) target(%dma_start3A_638 : memref<128x8xf32, #tpu.memory_space<vmem>>) offsets(%dma_start3A_640 : memref<128xi32, #tpu.memory_space<vmem>>) semaphore(%arg10 : memref<!tpu.dma_semaphore, #tpu.memory_space<semaphore_mem>>)
    %dma_start3A_644 = arith.constant 1280 : i32
    %dma_start3A_645 = arith.constant 0 : i32
    %dma_start3A_646 = tpu.memref_slice %arg7[%dma_start3A_644, %dma_start3A_645] : memref<2048x8xf32, #tpu.memory_space<vmem>> -> memref<128x8xf32, #tpu.memory_space<vmem>>
    %dma_start3A_647 = arith.constant 1280 : i32
    %dma_start3A_648 = tpu.memref_slice %arg5[%dma_start3A_647] : memref<2048xi32, #tpu.memory_space<vmem>> -> memref<128xi32, #tpu.memory_space<vmem>>
    %dma_start3A_649 = arith.constant 0 : i32
    %dma_start3A_650 = arith.constant 0 : i32
    %dma_start3A_651 = tpu.memref_slice %arg2[%dma_start3A_649, %dma_start3A_650] : memref<131072x8xf32, #tpu.memory_space<hbm>> -> memref<131072x8xf32, #tpu.memory_space<hbm>>
    tpu.enqueue_indirect_dma source(%dma_start3A_651 : memref<131072x8xf32, #tpu.memory_space<hbm>>) target(%dma_start3A_646 : memref<128x8xf32, #tpu.memory_space<vmem>>) offsets(%dma_start3A_648 : memref<128xi32, #tpu.memory_space<vmem>>) semaphore(%arg10 : memref<!tpu.dma_semaphore, #tpu.memory_space<semaphore_mem>>)
    %dma_start3A_652 = arith.constant 1408 : i32
    %dma_start3A_653 = arith.constant 0 : i32
    %dma_start3A_654 = tpu.memref_slice %arg7[%dma_start3A_652, %dma_start3A_653] : memref<2048x8xf32, #tpu.memory_space<vmem>> -> memref<128x8xf32, #tpu.memory_space<vmem>>
    %dma_start3A_655 = arith.constant 1408 : i32
    %dma_start3A_656 = tpu.memref_slice %arg5[%dma_start3A_655] : memref<2048xi32, #tpu.memory_space<vmem>> -> memref<128xi32, #tpu.memory_space<vmem>>
    %dma_start3A_657 = arith.constant 0 : i32
    %dma_start3A_658 = arith.constant 0 : i32
    %dma_start3A_659 = tpu.memref_slice %arg2[%dma_start3A_657, %dma_start3A_658] : memref<131072x8xf32, #tpu.memory_space<hbm>> -> memref<131072x8xf32, #tpu.memory_space<hbm>>
    tpu.enqueue_indirect_dma source(%dma_start3A_659 : memref<131072x8xf32, #tpu.memory_space<hbm>>) target(%dma_start3A_654 : memref<128x8xf32, #tpu.memory_space<vmem>>) offsets(%dma_start3A_656 : memref<128xi32, #tpu.memory_space<vmem>>) semaphore(%arg10 : memref<!tpu.dma_semaphore, #tpu.memory_space<semaphore_mem>>)
    %dma_start3A_660 = arith.constant 1536 : i32
    %dma_start3A_661 = arith.constant 0 : i32
    %dma_start3A_662 = tpu.memref_slice %arg7[%dma_start3A_660, %dma_start3A_661] : memref<2048x8xf32, #tpu.memory_space<vmem>> -> memref<128x8xf32, #tpu.memory_space<vmem>>
    %dma_start3A_663 = arith.constant 1536 : i32
    %dma_start3A_664 = tpu.memref_slice %arg5[%dma_start3A_663] : memref<2048xi32, #tpu.memory_space<vmem>> -> memref<128xi32, #tpu.memory_space<vmem>>
    %dma_start3A_665 = arith.constant 0 : i32
    %dma_start3A_666 = arith.constant 0 : i32
    %dma_start3A_667 = tpu.memref_slice %arg2[%dma_start3A_665, %dma_start3A_666] : memref<131072x8xf32, #tpu.memory_space<hbm>> -> memref<131072x8xf32, #tpu.memory_space<hbm>>
    tpu.enqueue_indirect_dma source(%dma_start3A_667 : memref<131072x8xf32, #tpu.memory_space<hbm>>) target(%dma_start3A_662 : memref<128x8xf32, #tpu.memory_space<vmem>>) offsets(%dma_start3A_664 : memref<128xi32, #tpu.memory_space<vmem>>) semaphore(%arg10 : memref<!tpu.dma_semaphore, #tpu.memory_space<semaphore_mem>>)
    %dma_start3A_668 = arith.constant 1664 : i32
    %dma_start3A_669 = arith.constant 0 : i32
    %dma_start3A_670 = tpu.memref_slice %arg7[%dma_start3A_668, %dma_start3A_669] : memref<2048x8xf32, #tpu.memory_space<vmem>> -> memref<128x8xf32, #tpu.memory_space<vmem>>
    %dma_start3A_671 = arith.constant 1664 : i32
    %dma_start3A_672 = tpu.memref_slice %arg5[%dma_start3A_671] : memref<2048xi32, #tpu.memory_space<vmem>> -> memref<128xi32, #tpu.memory_space<vmem>>
    %dma_start3A_673 = arith.constant 0 : i32
    %dma_start3A_674 = arith.constant 0 : i32
    %dma_start3A_675 = tpu.memref_slice %arg2[%dma_start3A_673, %dma_start3A_674] : memref<131072x8xf32, #tpu.memory_space<hbm>> -> memref<131072x8xf32, #tpu.memory_space<hbm>>
    tpu.enqueue_indirect_dma source(%dma_start3A_675 : memref<131072x8xf32, #tpu.memory_space<hbm>>) target(%dma_start3A_670 : memref<128x8xf32, #tpu.memory_space<vmem>>) offsets(%dma_start3A_672 : memref<128xi32, #tpu.memory_space<vmem>>) semaphore(%arg10 : memref<!tpu.dma_semaphore, #tpu.memory_space<semaphore_mem>>)
    %dma_start3A_676 = arith.constant 1792 : i32
    %dma_start3A_677 = arith.constant 0 : i32
    %dma_start3A_678 = tpu.memref_slice %arg7[%dma_start3A_676, %dma_start3A_677] : memref<2048x8xf32, #tpu.memory_space<vmem>> -> memref<128x8xf32, #tpu.memory_space<vmem>>
    %dma_start3A_679 = arith.constant 1792 : i32
    %dma_start3A_680 = tpu.memref_slice %arg5[%dma_start3A_679] : memref<2048xi32, #tpu.memory_space<vmem>> -> memref<128xi32, #tpu.memory_space<vmem>>
    %dma_start3A_681 = arith.constant 0 : i32
    %dma_start3A_682 = arith.constant 0 : i32
    %dma_start3A_683 = tpu.memref_slice %arg2[%dma_start3A_681, %dma_start3A_682] : memref<131072x8xf32, #tpu.memory_space<hbm>> -> memref<131072x8xf32, #tpu.memory_space<hbm>>
    tpu.enqueue_indirect_dma source(%dma_start3A_683 : memref<131072x8xf32, #tpu.memory_space<hbm>>) target(%dma_start3A_678 : memref<128x8xf32, #tpu.memory_space<vmem>>) offsets(%dma_start3A_680 : memref<128xi32, #tpu.memory_space<vmem>>) semaphore(%arg10 : memref<!tpu.dma_semaphore, #tpu.memory_space<semaphore_mem>>)
    %dma_start3A_684 = arith.constant 1920 : i32
    %dma_start3A_685 = arith.constant 0 : i32
    %dma_start3A_686 = tpu.memref_slice %arg7[%dma_start3A_684, %dma_start3A_685] : memref<2048x8xf32, #tpu.memory_space<vmem>> -> memref<128x8xf32, #tpu.memory_space<vmem>>
    %dma_start3A_687 = arith.constant 1920 : i32
    %dma_start3A_688 = tpu.memref_slice %arg5[%dma_start3A_687] : memref<2048xi32, #tpu.memory_space<vmem>> -> memref<128xi32, #tpu.memory_space<vmem>>
    %dma_start3A_689 = arith.constant 0 : i32
    %dma_start3A_690 = arith.constant 0 : i32
    %dma_start3A_691 = tpu.memref_slice %arg2[%dma_start3A_689, %dma_start3A_690] : memref<131072x8xf32, #tpu.memory_space<hbm>> -> memref<131072x8xf32, #tpu.memory_space<hbm>>
    tpu.enqueue_indirect_dma source(%dma_start3A_691 : memref<131072x8xf32, #tpu.memory_space<hbm>>) target(%dma_start3A_686 : memref<128x8xf32, #tpu.memory_space<vmem>>) offsets(%dma_start3A_688 : memref<128xi32, #tpu.memory_space<vmem>>) semaphore(%arg10 : memref<!tpu.dma_semaphore, #tpu.memory_space<semaphore_mem>>)
    %dma_wait3A_692 = arith.constant 0 : i32
    %dma_wait3A_693 = arith.constant 0 : i32
    %dma_wait3A_694 = tpu.memref_slice %arg7[%dma_wait3A_692, %dma_wait3A_693] : memref<2048x8xf32, #tpu.memory_space<vmem>> -> memref<128x8xf32, #tpu.memory_space<vmem>>
    %dma_wait3A_695 = arith.constant 0 : i32
    %dma_wait3A_696 = tpu.memref_slice %arg5[%dma_wait3A_695] : memref<2048xi32, #tpu.memory_space<vmem>> -> memref<128xi32, #tpu.memory_space<vmem>>
    %dma_wait3A_697 = arith.constant 0 : i32
    %dma_wait3A_698 = arith.constant 0 : i32
    %dma_wait3A_699 = tpu.memref_slice %arg2[%dma_wait3A_697, %dma_wait3A_698] : memref<131072x8xf32, #tpu.memory_space<hbm>> -> memref<131072x8xf32, #tpu.memory_space<hbm>>
    tpu.wait_indirect_dma semaphore(%arg10 : memref<!tpu.dma_semaphore, #tpu.memory_space<semaphore_mem>>) src(%dma_wait3A_699 : memref<131072x8xf32, #tpu.memory_space<hbm>>) dst(%dma_wait3A_694 : memref<128x8xf32, #tpu.memory_space<vmem>>)
    %dma_wait3A_700 = arith.constant 128 : i32
    %dma_wait3A_701 = arith.constant 0 : i32
    %dma_wait3A_702 = tpu.memref_slice %arg7[%dma_wait3A_700, %dma_wait3A_701] : memref<2048x8xf32, #tpu.memory_space<vmem>> -> memref<128x8xf32, #tpu.memory_space<vmem>>
    %dma_wait3A_703 = arith.constant 128 : i32
    %dma_wait3A_704 = tpu.memref_slice %arg5[%dma_wait3A_703] : memref<2048xi32, #tpu.memory_space<vmem>> -> memref<128xi32, #tpu.memory_space<vmem>>
    %dma_wait3A_705 = arith.constant 0 : i32
    %dma_wait3A_706 = arith.constant 0 : i32
    %dma_wait3A_707 = tpu.memref_slice %arg2[%dma_wait3A_705, %dma_wait3A_706] : memref<131072x8xf32, #tpu.memory_space<hbm>> -> memref<131072x8xf32, #tpu.memory_space<hbm>>
    tpu.wait_indirect_dma semaphore(%arg10 : memref<!tpu.dma_semaphore, #tpu.memory_space<semaphore_mem>>) src(%dma_wait3A_707 : memref<131072x8xf32, #tpu.memory_space<hbm>>) dst(%dma_wait3A_702 : memref<128x8xf32, #tpu.memory_space<vmem>>)
    %dma_wait3A_708 = arith.constant 256 : i32
    %dma_wait3A_709 = arith.constant 0 : i32
    %dma_wait3A_710 = tpu.memref_slice %arg7[%dma_wait3A_708, %dma_wait3A_709] : memref<2048x8xf32, #tpu.memory_space<vmem>> -> memref<128x8xf32, #tpu.memory_space<vmem>>
    %dma_wait3A_711 = arith.constant 256 : i32
    %dma_wait3A_712 = tpu.memref_slice %arg5[%dma_wait3A_711] : memref<2048xi32, #tpu.memory_space<vmem>> -> memref<128xi32, #tpu.memory_space<vmem>>
    %dma_wait3A_713 = arith.constant 0 : i32
    %dma_wait3A_714 = arith.constant 0 : i32
    %dma_wait3A_715 = tpu.memref_slice %arg2[%dma_wait3A_713, %dma_wait3A_714] : memref<131072x8xf32, #tpu.memory_space<hbm>> -> memref<131072x8xf32, #tpu.memory_space<hbm>>
    tpu.wait_indirect_dma semaphore(%arg10 : memref<!tpu.dma_semaphore, #tpu.memory_space<semaphore_mem>>) src(%dma_wait3A_715 : memref<131072x8xf32, #tpu.memory_space<hbm>>) dst(%dma_wait3A_710 : memref<128x8xf32, #tpu.memory_space<vmem>>)
    %dma_wait3A_716 = arith.constant 384 : i32
    %dma_wait3A_717 = arith.constant 0 : i32
    %dma_wait3A_718 = tpu.memref_slice %arg7[%dma_wait3A_716, %dma_wait3A_717] : memref<2048x8xf32, #tpu.memory_space<vmem>> -> memref<128x8xf32, #tpu.memory_space<vmem>>
    %dma_wait3A_719 = arith.constant 384 : i32
    %dma_wait3A_720 = tpu.memref_slice %arg5[%dma_wait3A_719] : memref<2048xi32, #tpu.memory_space<vmem>> -> memref<128xi32, #tpu.memory_space<vmem>>
    %dma_wait3A_721 = arith.constant 0 : i32
    %dma_wait3A_722 = arith.constant 0 : i32
    %dma_wait3A_723 = tpu.memref_slice %arg2[%dma_wait3A_721, %dma_wait3A_722] : memref<131072x8xf32, #tpu.memory_space<hbm>> -> memref<131072x8xf32, #tpu.memory_space<hbm>>
    tpu.wait_indirect_dma semaphore(%arg10 : memref<!tpu.dma_semaphore, #tpu.memory_space<semaphore_mem>>) src(%dma_wait3A_723 : memref<131072x8xf32, #tpu.memory_space<hbm>>) dst(%dma_wait3A_718 : memref<128x8xf32, #tpu.memory_space<vmem>>)
    %dma_wait3A_724 = arith.constant 512 : i32
    %dma_wait3A_725 = arith.constant 0 : i32
    %dma_wait3A_726 = tpu.memref_slice %arg7[%dma_wait3A_724, %dma_wait3A_725] : memref<2048x8xf32, #tpu.memory_space<vmem>> -> memref<128x8xf32, #tpu.memory_space<vmem>>
    %dma_wait3A_727 = arith.constant 512 : i32
    %dma_wait3A_728 = tpu.memref_slice %arg5[%dma_wait3A_727] : memref<2048xi32, #tpu.memory_space<vmem>> -> memref<128xi32, #tpu.memory_space<vmem>>
    %dma_wait3A_729 = arith.constant 0 : i32
    %dma_wait3A_730 = arith.constant 0 : i32
    %dma_wait3A_731 = tpu.memref_slice %arg2[%dma_wait3A_729, %dma_wait3A_730] : memref<131072x8xf32, #tpu.memory_space<hbm>> -> memref<131072x8xf32, #tpu.memory_space<hbm>>
    tpu.wait_indirect_dma semaphore(%arg10 : memref<!tpu.dma_semaphore, #tpu.memory_space<semaphore_mem>>) src(%dma_wait3A_731 : memref<131072x8xf32, #tpu.memory_space<hbm>>) dst(%dma_wait3A_726 : memref<128x8xf32, #tpu.memory_space<vmem>>)
    %dma_wait3A_732 = arith.constant 640 : i32
    %dma_wait3A_733 = arith.constant 0 : i32
    %dma_wait3A_734 = tpu.memref_slice %arg7[%dma_wait3A_732, %dma_wait3A_733] : memref<2048x8xf32, #tpu.memory_space<vmem>> -> memref<128x8xf32, #tpu.memory_space<vmem>>
    %dma_wait3A_735 = arith.constant 640 : i32
    %dma_wait3A_736 = tpu.memref_slice %arg5[%dma_wait3A_735] : memref<2048xi32, #tpu.memory_space<vmem>> -> memref<128xi32, #tpu.memory_space<vmem>>
    %dma_wait3A_737 = arith.constant 0 : i32
    %dma_wait3A_738 = arith.constant 0 : i32
    %dma_wait3A_739 = tpu.memref_slice %arg2[%dma_wait3A_737, %dma_wait3A_738] : memref<131072x8xf32, #tpu.memory_space<hbm>> -> memref<131072x8xf32, #tpu.memory_space<hbm>>
    tpu.wait_indirect_dma semaphore(%arg10 : memref<!tpu.dma_semaphore, #tpu.memory_space<semaphore_mem>>) src(%dma_wait3A_739 : memref<131072x8xf32, #tpu.memory_space<hbm>>) dst(%dma_wait3A_734 : memref<128x8xf32, #tpu.memory_space<vmem>>)
    %dma_wait3A_740 = arith.constant 768 : i32
    %dma_wait3A_741 = arith.constant 0 : i32
    %dma_wait3A_742 = tpu.memref_slice %arg7[%dma_wait3A_740, %dma_wait3A_741] : memref<2048x8xf32, #tpu.memory_space<vmem>> -> memref<128x8xf32, #tpu.memory_space<vmem>>
    %dma_wait3A_743 = arith.constant 768 : i32
    %dma_wait3A_744 = tpu.memref_slice %arg5[%dma_wait3A_743] : memref<2048xi32, #tpu.memory_space<vmem>> -> memref<128xi32, #tpu.memory_space<vmem>>
    %dma_wait3A_745 = arith.constant 0 : i32
    %dma_wait3A_746 = arith.constant 0 : i32
    %dma_wait3A_747 = tpu.memref_slice %arg2[%dma_wait3A_745, %dma_wait3A_746] : memref<131072x8xf32, #tpu.memory_space<hbm>> -> memref<131072x8xf32, #tpu.memory_space<hbm>>
    tpu.wait_indirect_dma semaphore(%arg10 : memref<!tpu.dma_semaphore, #tpu.memory_space<semaphore_mem>>) src(%dma_wait3A_747 : memref<131072x8xf32, #tpu.memory_space<hbm>>) dst(%dma_wait3A_742 : memref<128x8xf32, #tpu.memory_space<vmem>>)
    %dma_wait3A_748 = arith.constant 896 : i32
    %dma_wait3A_749 = arith.constant 0 : i32
    %dma_wait3A_750 = tpu.memref_slice %arg7[%dma_wait3A_748, %dma_wait3A_749] : memref<2048x8xf32, #tpu.memory_space<vmem>> -> memref<128x8xf32, #tpu.memory_space<vmem>>
    %dma_wait3A_751 = arith.constant 896 : i32
    %dma_wait3A_752 = tpu.memref_slice %arg5[%dma_wait3A_751] : memref<2048xi32, #tpu.memory_space<vmem>> -> memref<128xi32, #tpu.memory_space<vmem>>
    %dma_wait3A_753 = arith.constant 0 : i32
    %dma_wait3A_754 = arith.constant 0 : i32
    %dma_wait3A_755 = tpu.memref_slice %arg2[%dma_wait3A_753, %dma_wait3A_754] : memref<131072x8xf32, #tpu.memory_space<hbm>> -> memref<131072x8xf32, #tpu.memory_space<hbm>>
    tpu.wait_indirect_dma semaphore(%arg10 : memref<!tpu.dma_semaphore, #tpu.memory_space<semaphore_mem>>) src(%dma_wait3A_755 : memref<131072x8xf32, #tpu.memory_space<hbm>>) dst(%dma_wait3A_750 : memref<128x8xf32, #tpu.memory_space<vmem>>)
    %dma_wait3A_756 = arith.constant 1024 : i32
    %dma_wait3A_757 = arith.constant 0 : i32
    %dma_wait3A_758 = tpu.memref_slice %arg7[%dma_wait3A_756, %dma_wait3A_757] : memref<2048x8xf32, #tpu.memory_space<vmem>> -> memref<128x8xf32, #tpu.memory_space<vmem>>
    %dma_wait3A_759 = arith.constant 1024 : i32
    %dma_wait3A_760 = tpu.memref_slice %arg5[%dma_wait3A_759] : memref<2048xi32, #tpu.memory_space<vmem>> -> memref<128xi32, #tpu.memory_space<vmem>>
    %dma_wait3A_761 = arith.constant 0 : i32
    %dma_wait3A_762 = arith.constant 0 : i32
    %dma_wait3A_763 = tpu.memref_slice %arg2[%dma_wait3A_761, %dma_wait3A_762] : memref<131072x8xf32, #tpu.memory_space<hbm>> -> memref<131072x8xf32, #tpu.memory_space<hbm>>
    tpu.wait_indirect_dma semaphore(%arg10 : memref<!tpu.dma_semaphore, #tpu.memory_space<semaphore_mem>>) src(%dma_wait3A_763 : memref<131072x8xf32, #tpu.memory_space<hbm>>) dst(%dma_wait3A_758 : memref<128x8xf32, #tpu.memory_space<vmem>>)
    %dma_wait3A_764 = arith.constant 1152 : i32
    %dma_wait3A_765 = arith.constant 0 : i32
    %dma_wait3A_766 = tpu.memref_slice %arg7[%dma_wait3A_764, %dma_wait3A_765] : memref<2048x8xf32, #tpu.memory_space<vmem>> -> memref<128x8xf32, #tpu.memory_space<vmem>>
    %dma_wait3A_767 = arith.constant 1152 : i32
    %dma_wait3A_768 = tpu.memref_slice %arg5[%dma_wait3A_767] : memref<2048xi32, #tpu.memory_space<vmem>> -> memref<128xi32, #tpu.memory_space<vmem>>
    %dma_wait3A_769 = arith.constant 0 : i32
    %dma_wait3A_770 = arith.constant 0 : i32
    %dma_wait3A_771 = tpu.memref_slice %arg2[%dma_wait3A_769, %dma_wait3A_770] : memref<131072x8xf32, #tpu.memory_space<hbm>> -> memref<131072x8xf32, #tpu.memory_space<hbm>>
    tpu.wait_indirect_dma semaphore(%arg10 : memref<!tpu.dma_semaphore, #tpu.memory_space<semaphore_mem>>) src(%dma_wait3A_771 : memref<131072x8xf32, #tpu.memory_space<hbm>>) dst(%dma_wait3A_766 : memref<128x8xf32, #tpu.memory_space<vmem>>)
    %dma_wait3A_772 = arith.constant 1280 : i32
    %dma_wait3A_773 = arith.constant 0 : i32
    %dma_wait3A_774 = tpu.memref_slice %arg7[%dma_wait3A_772, %dma_wait3A_773] : memref<2048x8xf32, #tpu.memory_space<vmem>> -> memref<128x8xf32, #tpu.memory_space<vmem>>
    %dma_wait3A_775 = arith.constant 1280 : i32
    %dma_wait3A_776 = tpu.memref_slice %arg5[%dma_wait3A_775] : memref<2048xi32, #tpu.memory_space<vmem>> -> memref<128xi32, #tpu.memory_space<vmem>>
    %dma_wait3A_777 = arith.constant 0 : i32
    %dma_wait3A_778 = arith.constant 0 : i32
    %dma_wait3A_779 = tpu.memref_slice %arg2[%dma_wait3A_777, %dma_wait3A_778] : memref<131072x8xf32, #tpu.memory_space<hbm>> -> memref<131072x8xf32, #tpu.memory_space<hbm>>
    tpu.wait_indirect_dma semaphore(%arg10 : memref<!tpu.dma_semaphore, #tpu.memory_space<semaphore_mem>>) src(%dma_wait3A_779 : memref<131072x8xf32, #tpu.memory_space<hbm>>) dst(%dma_wait3A_774 : memref<128x8xf32, #tpu.memory_space<vmem>>)
    %dma_wait3A_780 = arith.constant 1408 : i32
    %dma_wait3A_781 = arith.constant 0 : i32
    %dma_wait3A_782 = tpu.memref_slice %arg7[%dma_wait3A_780, %dma_wait3A_781] : memref<2048x8xf32, #tpu.memory_space<vmem>> -> memref<128x8xf32, #tpu.memory_space<vmem>>
    %dma_wait3A_783 = arith.constant 1408 : i32
    %dma_wait3A_784 = tpu.memref_slice %arg5[%dma_wait3A_783] : memref<2048xi32, #tpu.memory_space<vmem>> -> memref<128xi32, #tpu.memory_space<vmem>>
    %dma_wait3A_785 = arith.constant 0 : i32
    %dma_wait3A_786 = arith.constant 0 : i32
    %dma_wait3A_787 = tpu.memref_slice %arg2[%dma_wait3A_785, %dma_wait3A_786] : memref<131072x8xf32, #tpu.memory_space<hbm>> -> memref<131072x8xf32, #tpu.memory_space<hbm>>
    tpu.wait_indirect_dma semaphore(%arg10 : memref<!tpu.dma_semaphore, #tpu.memory_space<semaphore_mem>>) src(%dma_wait3A_787 : memref<131072x8xf32, #tpu.memory_space<hbm>>) dst(%dma_wait3A_782 : memref<128x8xf32, #tpu.memory_space<vmem>>)
    %dma_wait3A_788 = arith.constant 1536 : i32
    %dma_wait3A_789 = arith.constant 0 : i32
    %dma_wait3A_790 = tpu.memref_slice %arg7[%dma_wait3A_788, %dma_wait3A_789] : memref<2048x8xf32, #tpu.memory_space<vmem>> -> memref<128x8xf32, #tpu.memory_space<vmem>>
    %dma_wait3A_791 = arith.constant 1536 : i32
    %dma_wait3A_792 = tpu.memref_slice %arg5[%dma_wait3A_791] : memref<2048xi32, #tpu.memory_space<vmem>> -> memref<128xi32, #tpu.memory_space<vmem>>
    %dma_wait3A_793 = arith.constant 0 : i32
    %dma_wait3A_794 = arith.constant 0 : i32
    %dma_wait3A_795 = tpu.memref_slice %arg2[%dma_wait3A_793, %dma_wait3A_794] : memref<131072x8xf32, #tpu.memory_space<hbm>> -> memref<131072x8xf32, #tpu.memory_space<hbm>>
    tpu.wait_indirect_dma semaphore(%arg10 : memref<!tpu.dma_semaphore, #tpu.memory_space<semaphore_mem>>) src(%dma_wait3A_795 : memref<131072x8xf32, #tpu.memory_space<hbm>>) dst(%dma_wait3A_790 : memref<128x8xf32, #tpu.memory_space<vmem>>)
    %dma_wait3A_796 = arith.constant 1664 : i32
    %dma_wait3A_797 = arith.constant 0 : i32
    %dma_wait3A_798 = tpu.memref_slice %arg7[%dma_wait3A_796, %dma_wait3A_797] : memref<2048x8xf32, #tpu.memory_space<vmem>> -> memref<128x8xf32, #tpu.memory_space<vmem>>
    %dma_wait3A_799 = arith.constant 1664 : i32
    %dma_wait3A_800 = tpu.memref_slice %arg5[%dma_wait3A_799] : memref<2048xi32, #tpu.memory_space<vmem>> -> memref<128xi32, #tpu.memory_space<vmem>>
    %dma_wait3A_801 = arith.constant 0 : i32
    %dma_wait3A_802 = arith.constant 0 : i32
    %dma_wait3A_803 = tpu.memref_slice %arg2[%dma_wait3A_801, %dma_wait3A_802] : memref<131072x8xf32, #tpu.memory_space<hbm>> -> memref<131072x8xf32, #tpu.memory_space<hbm>>
    tpu.wait_indirect_dma semaphore(%arg10 : memref<!tpu.dma_semaphore, #tpu.memory_space<semaphore_mem>>) src(%dma_wait3A_803 : memref<131072x8xf32, #tpu.memory_space<hbm>>) dst(%dma_wait3A_798 : memref<128x8xf32, #tpu.memory_space<vmem>>)
    %dma_wait3A_804 = arith.constant 1792 : i32
    %dma_wait3A_805 = arith.constant 0 : i32
    %dma_wait3A_806 = tpu.memref_slice %arg7[%dma_wait3A_804, %dma_wait3A_805] : memref<2048x8xf32, #tpu.memory_space<vmem>> -> memref<128x8xf32, #tpu.memory_space<vmem>>
    %dma_wait3A_807 = arith.constant 1792 : i32
    %dma_wait3A_808 = tpu.memref_slice %arg5[%dma_wait3A_807] : memref<2048xi32, #tpu.memory_space<vmem>> -> memref<128xi32, #tpu.memory_space<vmem>>
    %dma_wait3A_809 = arith.constant 0 : i32
    %dma_wait3A_810 = arith.constant 0 : i32
    %dma_wait3A_811 = tpu.memref_slice %arg2[%dma_wait3A_809, %dma_wait3A_810] : memref<131072x8xf32, #tpu.memory_space<hbm>> -> memref<131072x8xf32, #tpu.memory_space<hbm>>
    tpu.wait_indirect_dma semaphore(%arg10 : memref<!tpu.dma_semaphore, #tpu.memory_space<semaphore_mem>>) src(%dma_wait3A_811 : memref<131072x8xf32, #tpu.memory_space<hbm>>) dst(%dma_wait3A_806 : memref<128x8xf32, #tpu.memory_space<vmem>>)
    %dma_wait3A_812 = arith.constant 1920 : i32
    %dma_wait3A_813 = arith.constant 0 : i32
    %dma_wait3A_814 = tpu.memref_slice %arg7[%dma_wait3A_812, %dma_wait3A_813] : memref<2048x8xf32, #tpu.memory_space<vmem>> -> memref<128x8xf32, #tpu.memory_space<vmem>>
    %dma_wait3A_815 = arith.constant 1920 : i32
    %dma_wait3A_816 = tpu.memref_slice %arg5[%dma_wait3A_815] : memref<2048xi32, #tpu.memory_space<vmem>> -> memref<128xi32, #tpu.memory_space<vmem>>
    %dma_wait3A_817 = arith.constant 0 : i32
    %dma_wait3A_818 = arith.constant 0 : i32
    %dma_wait3A_819 = tpu.memref_slice %arg2[%dma_wait3A_817, %dma_wait3A_818] : memref<131072x8xf32, #tpu.memory_space<hbm>> -> memref<131072x8xf32, #tpu.memory_space<hbm>>
    tpu.wait_indirect_dma semaphore(%arg10 : memref<!tpu.dma_semaphore, #tpu.memory_space<semaphore_mem>>) src(%dma_wait3A_819 : memref<131072x8xf32, #tpu.memory_space<hbm>>) dst(%dma_wait3A_814 : memref<128x8xf32, #tpu.memory_space<vmem>>)
    %add3A_820 = arith.constant 77824 : i32
    %add3A_821 = arith.addi %mul3A_2, %add3A_820 : i32
    %dma_start3A_822 = arith.constant 0 : i32
    %dma_start3A_823 = tpu.memref_slice %arg4[%add3A_821, %dma_start3A_822] : memref<2621440x8xf32, #tpu.memory_space<hbm>> -> memref<2048x8xf32, #tpu.memory_space<hbm>>
    %dma_start3A_824 = arith.constant 0 : i32
    %dma_start3A_825 = tpu.memref_slice %arg4[%add3A_821, %dma_start3A_824] : memref<2621440x8xf32, #tpu.memory_space<hbm>> -> memref<2048x8xf32, #tpu.memory_space<hbm>>
    tpu.enqueue_dma source(%arg7 : memref<2048x8xf32, #tpu.memory_space<vmem>>) target(%dma_start3A_825 : memref<2048x8xf32, #tpu.memory_space<hbm>>) target_semaphore(%arg11 : memref<!tpu.dma_semaphore, #tpu.memory_space<semaphore_mem>>)
    %dma_wait3A_826 = arith.constant 0 : i32
    %dma_wait3A_827 = tpu.memref_slice %arg3[%dma_wait3A_826] : memref<2621440xi32, #tpu.memory_space<hbm>> -> memref<2048xi32, #tpu.memory_space<hbm>>
    %dma_wait3A_828 = arith.constant 0 : i32
    %dma_wait3A_829 = tpu.memref_slice %arg3[%dma_wait3A_828] : memref<2621440xi32, #tpu.memory_space<hbm>> -> memref<2048xi32, #tpu.memory_space<hbm>>
    tpu.wait_dma2 semaphore(%arg9 : memref<!tpu.dma_semaphore, #tpu.memory_space<semaphore_mem>>) src(%dma_wait3A_829 : memref<2048xi32, #tpu.memory_space<hbm>>) dst(%arg6 : memref<2048xi32, #tpu.memory_space<vmem>>)
    %dma_wait3A_830 = arith.constant 0 : i32
    %dma_wait3A_831 = arith.constant 0 : i32
    %dma_wait3A_832 = tpu.memref_slice %arg4[%dma_wait3A_830, %dma_wait3A_831] : memref<2621440x8xf32, #tpu.memory_space<hbm>> -> memref<2048x8xf32, #tpu.memory_space<hbm>>
    %dma_wait3A_833 = arith.constant 0 : i32
    %dma_wait3A_834 = arith.constant 0 : i32
    %dma_wait3A_835 = tpu.memref_slice %arg4[%dma_wait3A_833, %dma_wait3A_834] : memref<2621440x8xf32, #tpu.memory_space<hbm>> -> memref<2048x8xf32, #tpu.memory_space<hbm>>
    tpu.wait_dma2 semaphore(%arg11 : memref<!tpu.dma_semaphore, #tpu.memory_space<semaphore_mem>>) src(%arg8 : memref<2048x8xf32, #tpu.memory_space<vmem>>) dst(%dma_wait3A_835 : memref<2048x8xf32, #tpu.memory_space<hbm>>)
    %dma_start3A_836 = arith.constant 0 : i32
    %dma_start3A_837 = arith.constant 0 : i32
    %dma_start3A_838 = tpu.memref_slice %arg8[%dma_start3A_836, %dma_start3A_837] : memref<2048x8xf32, #tpu.memory_space<vmem>> -> memref<128x8xf32, #tpu.memory_space<vmem>>
    %dma_start3A_839 = arith.constant 0 : i32
    %dma_start3A_840 = tpu.memref_slice %arg6[%dma_start3A_839] : memref<2048xi32, #tpu.memory_space<vmem>> -> memref<128xi32, #tpu.memory_space<vmem>>
    %dma_start3A_841 = arith.constant 0 : i32
    %dma_start3A_842 = arith.constant 0 : i32
    %dma_start3A_843 = tpu.memref_slice %arg2[%dma_start3A_841, %dma_start3A_842] : memref<131072x8xf32, #tpu.memory_space<hbm>> -> memref<131072x8xf32, #tpu.memory_space<hbm>>
    tpu.enqueue_indirect_dma source(%dma_start3A_843 : memref<131072x8xf32, #tpu.memory_space<hbm>>) target(%dma_start3A_838 : memref<128x8xf32, #tpu.memory_space<vmem>>) offsets(%dma_start3A_840 : memref<128xi32, #tpu.memory_space<vmem>>) semaphore(%arg10 : memref<!tpu.dma_semaphore, #tpu.memory_space<semaphore_mem>>)
    %dma_start3A_844 = arith.constant 128 : i32
    %dma_start3A_845 = arith.constant 0 : i32
    %dma_start3A_846 = tpu.memref_slice %arg8[%dma_start3A_844, %dma_start3A_845] : memref<2048x8xf32, #tpu.memory_space<vmem>> -> memref<128x8xf32, #tpu.memory_space<vmem>>
    %dma_start3A_847 = arith.constant 128 : i32
    %dma_start3A_848 = tpu.memref_slice %arg6[%dma_start3A_847] : memref<2048xi32, #tpu.memory_space<vmem>> -> memref<128xi32, #tpu.memory_space<vmem>>
    %dma_start3A_849 = arith.constant 0 : i32
    %dma_start3A_850 = arith.constant 0 : i32
    %dma_start3A_851 = tpu.memref_slice %arg2[%dma_start3A_849, %dma_start3A_850] : memref<131072x8xf32, #tpu.memory_space<hbm>> -> memref<131072x8xf32, #tpu.memory_space<hbm>>
    tpu.enqueue_indirect_dma source(%dma_start3A_851 : memref<131072x8xf32, #tpu.memory_space<hbm>>) target(%dma_start3A_846 : memref<128x8xf32, #tpu.memory_space<vmem>>) offsets(%dma_start3A_848 : memref<128xi32, #tpu.memory_space<vmem>>) semaphore(%arg10 : memref<!tpu.dma_semaphore, #tpu.memory_space<semaphore_mem>>)
    %dma_start3A_852 = arith.constant 256 : i32
    %dma_start3A_853 = arith.constant 0 : i32
    %dma_start3A_854 = tpu.memref_slice %arg8[%dma_start3A_852, %dma_start3A_853] : memref<2048x8xf32, #tpu.memory_space<vmem>> -> memref<128x8xf32, #tpu.memory_space<vmem>>
    %dma_start3A_855 = arith.constant 256 : i32
    %dma_start3A_856 = tpu.memref_slice %arg6[%dma_start3A_855] : memref<2048xi32, #tpu.memory_space<vmem>> -> memref<128xi32, #tpu.memory_space<vmem>>
    %dma_start3A_857 = arith.constant 0 : i32
    %dma_start3A_858 = arith.constant 0 : i32
    %dma_start3A_859 = tpu.memref_slice %arg2[%dma_start3A_857, %dma_start3A_858] : memref<131072x8xf32, #tpu.memory_space<hbm>> -> memref<131072x8xf32, #tpu.memory_space<hbm>>
    tpu.enqueue_indirect_dma source(%dma_start3A_859 : memref<131072x8xf32, #tpu.memory_space<hbm>>) target(%dma_start3A_854 : memref<128x8xf32, #tpu.memory_space<vmem>>) offsets(%dma_start3A_856 : memref<128xi32, #tpu.memory_space<vmem>>) semaphore(%arg10 : memref<!tpu.dma_semaphore, #tpu.memory_space<semaphore_mem>>)
    %dma_start3A_860 = arith.constant 384 : i32
    %dma_start3A_861 = arith.constant 0 : i32
    %dma_start3A_862 = tpu.memref_slice %arg8[%dma_start3A_860, %dma_start3A_861] : memref<2048x8xf32, #tpu.memory_space<vmem>> -> memref<128x8xf32, #tpu.memory_space<vmem>>
    %dma_start3A_863 = arith.constant 384 : i32
    %dma_start3A_864 = tpu.memref_slice %arg6[%dma_start3A_863] : memref<2048xi32, #tpu.memory_space<vmem>> -> memref<128xi32, #tpu.memory_space<vmem>>
    %dma_start3A_865 = arith.constant 0 : i32
    %dma_start3A_866 = arith.constant 0 : i32
    %dma_start3A_867 = tpu.memref_slice %arg2[%dma_start3A_865, %dma_start3A_866] : memref<131072x8xf32, #tpu.memory_space<hbm>> -> memref<131072x8xf32, #tpu.memory_space<hbm>>
    tpu.enqueue_indirect_dma source(%dma_start3A_867 : memref<131072x8xf32, #tpu.memory_space<hbm>>) target(%dma_start3A_862 : memref<128x8xf32, #tpu.memory_space<vmem>>) offsets(%dma_start3A_864 : memref<128xi32, #tpu.memory_space<vmem>>) semaphore(%arg10 : memref<!tpu.dma_semaphore, #tpu.memory_space<semaphore_mem>>)
    %dma_start3A_868 = arith.constant 512 : i32
    %dma_start3A_869 = arith.constant 0 : i32
    %dma_start3A_870 = tpu.memref_slice %arg8[%dma_start3A_868, %dma_start3A_869] : memref<2048x8xf32, #tpu.memory_space<vmem>> -> memref<128x8xf32, #tpu.memory_space<vmem>>
    %dma_start3A_871 = arith.constant 512 : i32
    %dma_start3A_872 = tpu.memref_slice %arg6[%dma_start3A_871] : memref<2048xi32, #tpu.memory_space<vmem>> -> memref<128xi32, #tpu.memory_space<vmem>>
    %dma_start3A_873 = arith.constant 0 : i32
    %dma_start3A_874 = arith.constant 0 : i32
    %dma_start3A_875 = tpu.memref_slice %arg2[%dma_start3A_873, %dma_start3A_874] : memref<131072x8xf32, #tpu.memory_space<hbm>> -> memref<131072x8xf32, #tpu.memory_space<hbm>>
    tpu.enqueue_indirect_dma source(%dma_start3A_875 : memref<131072x8xf32, #tpu.memory_space<hbm>>) target(%dma_start3A_870 : memref<128x8xf32, #tpu.memory_space<vmem>>) offsets(%dma_start3A_872 : memref<128xi32, #tpu.memory_space<vmem>>) semaphore(%arg10 : memref<!tpu.dma_semaphore, #tpu.memory_space<semaphore_mem>>)
    %dma_start3A_876 = arith.constant 640 : i32
    %dma_start3A_877 = arith.constant 0 : i32
    %dma_start3A_878 = tpu.memref_slice %arg8[%dma_start3A_876, %dma_start3A_877] : memref<2048x8xf32, #tpu.memory_space<vmem>> -> memref<128x8xf32, #tpu.memory_space<vmem>>
    %dma_start3A_879 = arith.constant 640 : i32
    %dma_start3A_880 = tpu.memref_slice %arg6[%dma_start3A_879] : memref<2048xi32, #tpu.memory_space<vmem>> -> memref<128xi32, #tpu.memory_space<vmem>>
    %dma_start3A_881 = arith.constant 0 : i32
    %dma_start3A_882 = arith.constant 0 : i32
    %dma_start3A_883 = tpu.memref_slice %arg2[%dma_start3A_881, %dma_start3A_882] : memref<131072x8xf32, #tpu.memory_space<hbm>> -> memref<131072x8xf32, #tpu.memory_space<hbm>>
    tpu.enqueue_indirect_dma source(%dma_start3A_883 : memref<131072x8xf32, #tpu.memory_space<hbm>>) target(%dma_start3A_878 : memref<128x8xf32, #tpu.memory_space<vmem>>) offsets(%dma_start3A_880 : memref<128xi32, #tpu.memory_space<vmem>>) semaphore(%arg10 : memref<!tpu.dma_semaphore, #tpu.memory_space<semaphore_mem>>)
    %dma_start3A_884 = arith.constant 768 : i32
    %dma_start3A_885 = arith.constant 0 : i32
    %dma_start3A_886 = tpu.memref_slice %arg8[%dma_start3A_884, %dma_start3A_885] : memref<2048x8xf32, #tpu.memory_space<vmem>> -> memref<128x8xf32, #tpu.memory_space<vmem>>
    %dma_start3A_887 = arith.constant 768 : i32
    %dma_start3A_888 = tpu.memref_slice %arg6[%dma_start3A_887] : memref<2048xi32, #tpu.memory_space<vmem>> -> memref<128xi32, #tpu.memory_space<vmem>>
    %dma_start3A_889 = arith.constant 0 : i32
    %dma_start3A_890 = arith.constant 0 : i32
    %dma_start3A_891 = tpu.memref_slice %arg2[%dma_start3A_889, %dma_start3A_890] : memref<131072x8xf32, #tpu.memory_space<hbm>> -> memref<131072x8xf32, #tpu.memory_space<hbm>>
    tpu.enqueue_indirect_dma source(%dma_start3A_891 : memref<131072x8xf32, #tpu.memory_space<hbm>>) target(%dma_start3A_886 : memref<128x8xf32, #tpu.memory_space<vmem>>) offsets(%dma_start3A_888 : memref<128xi32, #tpu.memory_space<vmem>>) semaphore(%arg10 : memref<!tpu.dma_semaphore, #tpu.memory_space<semaphore_mem>>)
    %dma_start3A_892 = arith.constant 896 : i32
    %dma_start3A_893 = arith.constant 0 : i32
    %dma_start3A_894 = tpu.memref_slice %arg8[%dma_start3A_892, %dma_start3A_893] : memref<2048x8xf32, #tpu.memory_space<vmem>> -> memref<128x8xf32, #tpu.memory_space<vmem>>
    %dma_start3A_895 = arith.constant 896 : i32
    %dma_start3A_896 = tpu.memref_slice %arg6[%dma_start3A_895] : memref<2048xi32, #tpu.memory_space<vmem>> -> memref<128xi32, #tpu.memory_space<vmem>>
    %dma_start3A_897 = arith.constant 0 : i32
    %dma_start3A_898 = arith.constant 0 : i32
    %dma_start3A_899 = tpu.memref_slice %arg2[%dma_start3A_897, %dma_start3A_898] : memref<131072x8xf32, #tpu.memory_space<hbm>> -> memref<131072x8xf32, #tpu.memory_space<hbm>>
    tpu.enqueue_indirect_dma source(%dma_start3A_899 : memref<131072x8xf32, #tpu.memory_space<hbm>>) target(%dma_start3A_894 : memref<128x8xf32, #tpu.memory_space<vmem>>) offsets(%dma_start3A_896 : memref<128xi32, #tpu.memory_space<vmem>>) semaphore(%arg10 : memref<!tpu.dma_semaphore, #tpu.memory_space<semaphore_mem>>)
    %dma_start3A_900 = arith.constant 1024 : i32
    %dma_start3A_901 = arith.constant 0 : i32
    %dma_start3A_902 = tpu.memref_slice %arg8[%dma_start3A_900, %dma_start3A_901] : memref<2048x8xf32, #tpu.memory_space<vmem>> -> memref<128x8xf32, #tpu.memory_space<vmem>>
    %dma_start3A_903 = arith.constant 1024 : i32
    %dma_start3A_904 = tpu.memref_slice %arg6[%dma_start3A_903] : memref<2048xi32, #tpu.memory_space<vmem>> -> memref<128xi32, #tpu.memory_space<vmem>>
    %dma_start3A_905 = arith.constant 0 : i32
    %dma_start3A_906 = arith.constant 0 : i32
    %dma_start3A_907 = tpu.memref_slice %arg2[%dma_start3A_905, %dma_start3A_906] : memref<131072x8xf32, #tpu.memory_space<hbm>> -> memref<131072x8xf32, #tpu.memory_space<hbm>>
    tpu.enqueue_indirect_dma source(%dma_start3A_907 : memref<131072x8xf32, #tpu.memory_space<hbm>>) target(%dma_start3A_902 : memref<128x8xf32, #tpu.memory_space<vmem>>) offsets(%dma_start3A_904 : memref<128xi32, #tpu.memory_space<vmem>>) semaphore(%arg10 : memref<!tpu.dma_semaphore, #tpu.memory_space<semaphore_mem>>)
    %dma_start3A_908 = arith.constant 1152 : i32
    %dma_start3A_909 = arith.constant 0 : i32
    %dma_start3A_910 = tpu.memref_slice %arg8[%dma_start3A_908, %dma_start3A_909] : memref<2048x8xf32, #tpu.memory_space<vmem>> -> memref<128x8xf32, #tpu.memory_space<vmem>>
    %dma_start3A_911 = arith.constant 1152 : i32
    %dma_start3A_912 = tpu.memref_slice %arg6[%dma_start3A_911] : memref<2048xi32, #tpu.memory_space<vmem>> -> memref<128xi32, #tpu.memory_space<vmem>>
    %dma_start3A_913 = arith.constant 0 : i32
    %dma_start3A_914 = arith.constant 0 : i32
    %dma_start3A_915 = tpu.memref_slice %arg2[%dma_start3A_913, %dma_start3A_914] : memref<131072x8xf32, #tpu.memory_space<hbm>> -> memref<131072x8xf32, #tpu.memory_space<hbm>>
    tpu.enqueue_indirect_dma source(%dma_start3A_915 : memref<131072x8xf32, #tpu.memory_space<hbm>>) target(%dma_start3A_910 : memref<128x8xf32, #tpu.memory_space<vmem>>) offsets(%dma_start3A_912 : memref<128xi32, #tpu.memory_space<vmem>>) semaphore(%arg10 : memref<!tpu.dma_semaphore, #tpu.memory_space<semaphore_mem>>)
    %dma_start3A_916 = arith.constant 1280 : i32
    %dma_start3A_917 = arith.constant 0 : i32
    %dma_start3A_918 = tpu.memref_slice %arg8[%dma_start3A_916, %dma_start3A_917] : memref<2048x8xf32, #tpu.memory_space<vmem>> -> memref<128x8xf32, #tpu.memory_space<vmem>>
    %dma_start3A_919 = arith.constant 1280 : i32
    %dma_start3A_920 = tpu.memref_slice %arg6[%dma_start3A_919] : memref<2048xi32, #tpu.memory_space<vmem>> -> memref<128xi32, #tpu.memory_space<vmem>>
    %dma_start3A_921 = arith.constant 0 : i32
    %dma_start3A_922 = arith.constant 0 : i32
    %dma_start3A_923 = tpu.memref_slice %arg2[%dma_start3A_921, %dma_start3A_922] : memref<131072x8xf32, #tpu.memory_space<hbm>> -> memref<131072x8xf32, #tpu.memory_space<hbm>>
    tpu.enqueue_indirect_dma source(%dma_start3A_923 : memref<131072x8xf32, #tpu.memory_space<hbm>>) target(%dma_start3A_918 : memref<128x8xf32, #tpu.memory_space<vmem>>) offsets(%dma_start3A_920 : memref<128xi32, #tpu.memory_space<vmem>>) semaphore(%arg10 : memref<!tpu.dma_semaphore, #tpu.memory_space<semaphore_mem>>)
    %dma_start3A_924 = arith.constant 1408 : i32
    %dma_start3A_925 = arith.constant 0 : i32
    %dma_start3A_926 = tpu.memref_slice %arg8[%dma_start3A_924, %dma_start3A_925] : memref<2048x8xf32, #tpu.memory_space<vmem>> -> memref<128x8xf32, #tpu.memory_space<vmem>>
    %dma_start3A_927 = arith.constant 1408 : i32
    %dma_start3A_928 = tpu.memref_slice %arg6[%dma_start3A_927] : memref<2048xi32, #tpu.memory_space<vmem>> -> memref<128xi32, #tpu.memory_space<vmem>>
    %dma_start3A_929 = arith.constant 0 : i32
    %dma_start3A_930 = arith.constant 0 : i32
    %dma_start3A_931 = tpu.memref_slice %arg2[%dma_start3A_929, %dma_start3A_930] : memref<131072x8xf32, #tpu.memory_space<hbm>> -> memref<131072x8xf32, #tpu.memory_space<hbm>>
    tpu.enqueue_indirect_dma source(%dma_start3A_931 : memref<131072x8xf32, #tpu.memory_space<hbm>>) target(%dma_start3A_926 : memref<128x8xf32, #tpu.memory_space<vmem>>) offsets(%dma_start3A_928 : memref<128xi32, #tpu.memory_space<vmem>>) semaphore(%arg10 : memref<!tpu.dma_semaphore, #tpu.memory_space<semaphore_mem>>)
    %dma_start3A_932 = arith.constant 1536 : i32
    %dma_start3A_933 = arith.constant 0 : i32
    %dma_start3A_934 = tpu.memref_slice %arg8[%dma_start3A_932, %dma_start3A_933] : memref<2048x8xf32, #tpu.memory_space<vmem>> -> memref<128x8xf32, #tpu.memory_space<vmem>>
    %dma_start3A_935 = arith.constant 1536 : i32
    %dma_start3A_936 = tpu.memref_slice %arg6[%dma_start3A_935] : memref<2048xi32, #tpu.memory_space<vmem>> -> memref<128xi32, #tpu.memory_space<vmem>>
    %dma_start3A_937 = arith.constant 0 : i32
    %dma_start3A_938 = arith.constant 0 : i32
    %dma_start3A_939 = tpu.memref_slice %arg2[%dma_start3A_937, %dma_start3A_938] : memref<131072x8xf32, #tpu.memory_space<hbm>> -> memref<131072x8xf32, #tpu.memory_space<hbm>>
    tpu.enqueue_indirect_dma source(%dma_start3A_939 : memref<131072x8xf32, #tpu.memory_space<hbm>>) target(%dma_start3A_934 : memref<128x8xf32, #tpu.memory_space<vmem>>) offsets(%dma_start3A_936 : memref<128xi32, #tpu.memory_space<vmem>>) semaphore(%arg10 : memref<!tpu.dma_semaphore, #tpu.memory_space<semaphore_mem>>)
    %dma_start3A_940 = arith.constant 1664 : i32
    %dma_start3A_941 = arith.constant 0 : i32
    %dma_start3A_942 = tpu.memref_slice %arg8[%dma_start3A_940, %dma_start3A_941] : memref<2048x8xf32, #tpu.memory_space<vmem>> -> memref<128x8xf32, #tpu.memory_space<vmem>>
    %dma_start3A_943 = arith.constant 1664 : i32
    %dma_start3A_944 = tpu.memref_slice %arg6[%dma_start3A_943] : memref<2048xi32, #tpu.memory_space<vmem>> -> memref<128xi32, #tpu.memory_space<vmem>>
    %dma_start3A_945 = arith.constant 0 : i32
    %dma_start3A_946 = arith.constant 0 : i32
    %dma_start3A_947 = tpu.memref_slice %arg2[%dma_start3A_945, %dma_start3A_946] : memref<131072x8xf32, #tpu.memory_space<hbm>> -> memref<131072x8xf32, #tpu.memory_space<hbm>>
    tpu.enqueue_indirect_dma source(%dma_start3A_947 : memref<131072x8xf32, #tpu.memory_space<hbm>>) target(%dma_start3A_942 : memref<128x8xf32, #tpu.memory_space<vmem>>) offsets(%dma_start3A_944 : memref<128xi32, #tpu.memory_space<vmem>>) semaphore(%arg10 : memref<!tpu.dma_semaphore, #tpu.memory_space<semaphore_mem>>)
    %dma_start3A_948 = arith.constant 1792 : i32
    %dma_start3A_949 = arith.constant 0 : i32
    %dma_start3A_950 = tpu.memref_slice %arg8[%dma_start3A_948, %dma_start3A_949] : memref<2048x8xf32, #tpu.memory_space<vmem>> -> memref<128x8xf32, #tpu.memory_space<vmem>>
    %dma_start3A_951 = arith.constant 1792 : i32
    %dma_start3A_952 = tpu.memref_slice %arg6[%dma_start3A_951] : memref<2048xi32, #tpu.memory_space<vmem>> -> memref<128xi32, #tpu.memory_space<vmem>>
    %dma_start3A_953 = arith.constant 0 : i32
    %dma_start3A_954 = arith.constant 0 : i32
    %dma_start3A_955 = tpu.memref_slice %arg2[%dma_start3A_953, %dma_start3A_954] : memref<131072x8xf32, #tpu.memory_space<hbm>> -> memref<131072x8xf32, #tpu.memory_space<hbm>>
    tpu.enqueue_indirect_dma source(%dma_start3A_955 : memref<131072x8xf32, #tpu.memory_space<hbm>>) target(%dma_start3A_950 : memref<128x8xf32, #tpu.memory_space<vmem>>) offsets(%dma_start3A_952 : memref<128xi32, #tpu.memory_space<vmem>>) semaphore(%arg10 : memref<!tpu.dma_semaphore, #tpu.memory_space<semaphore_mem>>)
    %dma_start3A_956 = arith.constant 1920 : i32
    %dma_start3A_957 = arith.constant 0 : i32
    %dma_start3A_958 = tpu.memref_slice %arg8[%dma_start3A_956, %dma_start3A_957] : memref<2048x8xf32, #tpu.memory_space<vmem>> -> memref<128x8xf32, #tpu.memory_space<vmem>>
    %dma_start3A_959 = arith.constant 1920 : i32
    %dma_start3A_960 = tpu.memref_slice %arg6[%dma_start3A_959] : memref<2048xi32, #tpu.memory_space<vmem>> -> memref<128xi32, #tpu.memory_space<vmem>>
    %dma_start3A_961 = arith.constant 0 : i32
    %dma_start3A_962 = arith.constant 0 : i32
    %dma_start3A_963 = tpu.memref_slice %arg2[%dma_start3A_961, %dma_start3A_962] : memref<131072x8xf32, #tpu.memory_space<hbm>> -> memref<131072x8xf32, #tpu.memory_space<hbm>>
    tpu.enqueue_indirect_dma source(%dma_start3A_963 : memref<131072x8xf32, #tpu.memory_space<hbm>>) target(%dma_start3A_958 : memref<128x8xf32, #tpu.memory_space<vmem>>) offsets(%dma_start3A_960 : memref<128xi32, #tpu.memory_space<vmem>>) semaphore(%arg10 : memref<!tpu.dma_semaphore, #tpu.memory_space<semaphore_mem>>)
    %dma_wait3A_964 = arith.constant 0 : i32
    %dma_wait3A_965 = arith.constant 0 : i32
    %dma_wait3A_966 = tpu.memref_slice %arg8[%dma_wait3A_964, %dma_wait3A_965] : memref<2048x8xf32, #tpu.memory_space<vmem>> -> memref<128x8xf32, #tpu.memory_space<vmem>>
    %dma_wait3A_967 = arith.constant 0 : i32
    %dma_wait3A_968 = tpu.memref_slice %arg6[%dma_wait3A_967] : memref<2048xi32, #tpu.memory_space<vmem>> -> memref<128xi32, #tpu.memory_space<vmem>>
    %dma_wait3A_969 = arith.constant 0 : i32
    %dma_wait3A_970 = arith.constant 0 : i32
    %dma_wait3A_971 = tpu.memref_slice %arg2[%dma_wait3A_969, %dma_wait3A_970] : memref<131072x8xf32, #tpu.memory_space<hbm>> -> memref<131072x8xf32, #tpu.memory_space<hbm>>
    tpu.wait_indirect_dma semaphore(%arg10 : memref<!tpu.dma_semaphore, #tpu.memory_space<semaphore_mem>>) src(%dma_wait3A_971 : memref<131072x8xf32, #tpu.memory_space<hbm>>) dst(%dma_wait3A_966 : memref<128x8xf32, #tpu.memory_space<vmem>>)
    %dma_wait3A_972 = arith.constant 128 : i32
    %dma_wait3A_973 = arith.constant 0 : i32
    %dma_wait3A_974 = tpu.memref_slice %arg8[%dma_wait3A_972, %dma_wait3A_973] : memref<2048x8xf32, #tpu.memory_space<vmem>> -> memref<128x8xf32, #tpu.memory_space<vmem>>
    %dma_wait3A_975 = arith.constant 128 : i32
    %dma_wait3A_976 = tpu.memref_slice %arg6[%dma_wait3A_975] : memref<2048xi32, #tpu.memory_space<vmem>> -> memref<128xi32, #tpu.memory_space<vmem>>
    %dma_wait3A_977 = arith.constant 0 : i32
    %dma_wait3A_978 = arith.constant 0 : i32
    %dma_wait3A_979 = tpu.memref_slice %arg2[%dma_wait3A_977, %dma_wait3A_978] : memref<131072x8xf32, #tpu.memory_space<hbm>> -> memref<131072x8xf32, #tpu.memory_space<hbm>>
    tpu.wait_indirect_dma semaphore(%arg10 : memref<!tpu.dma_semaphore, #tpu.memory_space<semaphore_mem>>) src(%dma_wait3A_979 : memref<131072x8xf32, #tpu.memory_space<hbm>>) dst(%dma_wait3A_974 : memref<128x8xf32, #tpu.memory_space<vmem>>)
    %dma_wait3A_980 = arith.constant 256 : i32
    %dma_wait3A_981 = arith.constant 0 : i32
    %dma_wait3A_982 = tpu.memref_slice %arg8[%dma_wait3A_980, %dma_wait3A_981] : memref<2048x8xf32, #tpu.memory_space<vmem>> -> memref<128x8xf32, #tpu.memory_space<vmem>>
    %dma_wait3A_983 = arith.constant 256 : i32
    %dma_wait3A_984 = tpu.memref_slice %arg6[%dma_wait3A_983] : memref<2048xi32, #tpu.memory_space<vmem>> -> memref<128xi32, #tpu.memory_space<vmem>>
    %dma_wait3A_985 = arith.constant 0 : i32
    %dma_wait3A_986 = arith.constant 0 : i32
    %dma_wait3A_987 = tpu.memref_slice %arg2[%dma_wait3A_985, %dma_wait3A_986] : memref<131072x8xf32, #tpu.memory_space<hbm>> -> memref<131072x8xf32, #tpu.memory_space<hbm>>
    tpu.wait_indirect_dma semaphore(%arg10 : memref<!tpu.dma_semaphore, #tpu.memory_space<semaphore_mem>>) src(%dma_wait3A_987 : memref<131072x8xf32, #tpu.memory_space<hbm>>) dst(%dma_wait3A_982 : memref<128x8xf32, #tpu.memory_space<vmem>>)
    %dma_wait3A_988 = arith.constant 384 : i32
    %dma_wait3A_989 = arith.constant 0 : i32
    %dma_wait3A_990 = tpu.memref_slice %arg8[%dma_wait3A_988, %dma_wait3A_989] : memref<2048x8xf32, #tpu.memory_space<vmem>> -> memref<128x8xf32, #tpu.memory_space<vmem>>
    %dma_wait3A_991 = arith.constant 384 : i32
    %dma_wait3A_992 = tpu.memref_slice %arg6[%dma_wait3A_991] : memref<2048xi32, #tpu.memory_space<vmem>> -> memref<128xi32, #tpu.memory_space<vmem>>
    %dma_wait3A_993 = arith.constant 0 : i32
    %dma_wait3A_994 = arith.constant 0 : i32
    %dma_wait3A_995 = tpu.memref_slice %arg2[%dma_wait3A_993, %dma_wait3A_994] : memref<131072x8xf32, #tpu.memory_space<hbm>> -> memref<131072x8xf32, #tpu.memory_space<hbm>>
    tpu.wait_indirect_dma semaphore(%arg10 : memref<!tpu.dma_semaphore, #tpu.memory_space<semaphore_mem>>) src(%dma_wait3A_995 : memref<131072x8xf32, #tpu.memory_space<hbm>>) dst(%dma_wait3A_990 : memref<128x8xf32, #tpu.memory_space<vmem>>)
    %dma_wait3A_996 = arith.constant 512 : i32
    %dma_wait3A_997 = arith.constant 0 : i32
    %dma_wait3A_998 = tpu.memref_slice %arg8[%dma_wait3A_996, %dma_wait3A_997] : memref<2048x8xf32, #tpu.memory_space<vmem>> -> memref<128x8xf32, #tpu.memory_space<vmem>>
    %dma_wait3A_999 = arith.constant 512 : i32
    %dma_wait3A_1000 = tpu.memref_slice %arg6[%dma_wait3A_999] : memref<2048xi32, #tpu.memory_space<vmem>> -> memref<128xi32, #tpu.memory_space<vmem>>
    %dma_wait3A_1001 = arith.constant 0 : i32
    %dma_wait3A_1002 = arith.constant 0 : i32
    %dma_wait3A_1003 = tpu.memref_slice %arg2[%dma_wait3A_1001, %dma_wait3A_1002] : memref<131072x8xf32, #tpu.memory_space<hbm>> -> memref<131072x8xf32, #tpu.memory_space<hbm>>
    tpu.wait_indirect_dma semaphore(%arg10 : memref<!tpu.dma_semaphore, #tpu.memory_space<semaphore_mem>>) src(%dma_wait3A_1003 : memref<131072x8xf32, #tpu.memory_space<hbm>>) dst(%dma_wait3A_998 : memref<128x8xf32, #tpu.memory_space<vmem>>)
    %dma_wait3A_1004 = arith.constant 640 : i32
    %dma_wait3A_1005 = arith.constant 0 : i32
    %dma_wait3A_1006 = tpu.memref_slice %arg8[%dma_wait3A_1004, %dma_wait3A_1005] : memref<2048x8xf32, #tpu.memory_space<vmem>> -> memref<128x8xf32, #tpu.memory_space<vmem>>
    %dma_wait3A_1007 = arith.constant 640 : i32
    %dma_wait3A_1008 = tpu.memref_slice %arg6[%dma_wait3A_1007] : memref<2048xi32, #tpu.memory_space<vmem>> -> memref<128xi32, #tpu.memory_space<vmem>>
    %dma_wait3A_1009 = arith.constant 0 : i32
    %dma_wait3A_1010 = arith.constant 0 : i32
    %dma_wait3A_1011 = tpu.memref_slice %arg2[%dma_wait3A_1009, %dma_wait3A_1010] : memref<131072x8xf32, #tpu.memory_space<hbm>> -> memref<131072x8xf32, #tpu.memory_space<hbm>>
    tpu.wait_indirect_dma semaphore(%arg10 : memref<!tpu.dma_semaphore, #tpu.memory_space<semaphore_mem>>) src(%dma_wait3A_1011 : memref<131072x8xf32, #tpu.memory_space<hbm>>) dst(%dma_wait3A_1006 : memref<128x8xf32, #tpu.memory_space<vmem>>)
    %dma_wait3A_1012 = arith.constant 768 : i32
    %dma_wait3A_1013 = arith.constant 0 : i32
    %dma_wait3A_1014 = tpu.memref_slice %arg8[%dma_wait3A_1012, %dma_wait3A_1013] : memref<2048x8xf32, #tpu.memory_space<vmem>> -> memref<128x8xf32, #tpu.memory_space<vmem>>
    %dma_wait3A_1015 = arith.constant 768 : i32
    %dma_wait3A_1016 = tpu.memref_slice %arg6[%dma_wait3A_1015] : memref<2048xi32, #tpu.memory_space<vmem>> -> memref<128xi32, #tpu.memory_space<vmem>>
    %dma_wait3A_1017 = arith.constant 0 : i32
    %dma_wait3A_1018 = arith.constant 0 : i32
    %dma_wait3A_1019 = tpu.memref_slice %arg2[%dma_wait3A_1017, %dma_wait3A_1018] : memref<131072x8xf32, #tpu.memory_space<hbm>> -> memref<131072x8xf32, #tpu.memory_space<hbm>>
    tpu.wait_indirect_dma semaphore(%arg10 : memref<!tpu.dma_semaphore, #tpu.memory_space<semaphore_mem>>) src(%dma_wait3A_1019 : memref<131072x8xf32, #tpu.memory_space<hbm>>) dst(%dma_wait3A_1014 : memref<128x8xf32, #tpu.memory_space<vmem>>)
    %dma_wait3A_1020 = arith.constant 896 : i32
    %dma_wait3A_1021 = arith.constant 0 : i32
    %dma_wait3A_1022 = tpu.memref_slice %arg8[%dma_wait3A_1020, %dma_wait3A_1021] : memref<2048x8xf32, #tpu.memory_space<vmem>> -> memref<128x8xf32, #tpu.memory_space<vmem>>
    %dma_wait3A_1023 = arith.constant 896 : i32
    %dma_wait3A_1024 = tpu.memref_slice %arg6[%dma_wait3A_1023] : memref<2048xi32, #tpu.memory_space<vmem>> -> memref<128xi32, #tpu.memory_space<vmem>>
    %dma_wait3A_1025 = arith.constant 0 : i32
    %dma_wait3A_1026 = arith.constant 0 : i32
    %dma_wait3A_1027 = tpu.memref_slice %arg2[%dma_wait3A_1025, %dma_wait3A_1026] : memref<131072x8xf32, #tpu.memory_space<hbm>> -> memref<131072x8xf32, #tpu.memory_space<hbm>>
    tpu.wait_indirect_dma semaphore(%arg10 : memref<!tpu.dma_semaphore, #tpu.memory_space<semaphore_mem>>) src(%dma_wait3A_1027 : memref<131072x8xf32, #tpu.memory_space<hbm>>) dst(%dma_wait3A_1022 : memref<128x8xf32, #tpu.memory_space<vmem>>)
    %dma_wait3A_1028 = arith.constant 1024 : i32
    %dma_wait3A_1029 = arith.constant 0 : i32
    %dma_wait3A_1030 = tpu.memref_slice %arg8[%dma_wait3A_1028, %dma_wait3A_1029] : memref<2048x8xf32, #tpu.memory_space<vmem>> -> memref<128x8xf32, #tpu.memory_space<vmem>>
    %dma_wait3A_1031 = arith.constant 1024 : i32
    %dma_wait3A_1032 = tpu.memref_slice %arg6[%dma_wait3A_1031] : memref<2048xi32, #tpu.memory_space<vmem>> -> memref<128xi32, #tpu.memory_space<vmem>>
    %dma_wait3A_1033 = arith.constant 0 : i32
    %dma_wait3A_1034 = arith.constant 0 : i32
    %dma_wait3A_1035 = tpu.memref_slice %arg2[%dma_wait3A_1033, %dma_wait3A_1034] : memref<131072x8xf32, #tpu.memory_space<hbm>> -> memref<131072x8xf32, #tpu.memory_space<hbm>>
    tpu.wait_indirect_dma semaphore(%arg10 : memref<!tpu.dma_semaphore, #tpu.memory_space<semaphore_mem>>) src(%dma_wait3A_1035 : memref<131072x8xf32, #tpu.memory_space<hbm>>) dst(%dma_wait3A_1030 : memref<128x8xf32, #tpu.memory_space<vmem>>)
    %dma_wait3A_1036 = arith.constant 1152 : i32
    %dma_wait3A_1037 = arith.constant 0 : i32
    %dma_wait3A_1038 = tpu.memref_slice %arg8[%dma_wait3A_1036, %dma_wait3A_1037] : memref<2048x8xf32, #tpu.memory_space<vmem>> -> memref<128x8xf32, #tpu.memory_space<vmem>>
    %dma_wait3A_1039 = arith.constant 1152 : i32
    %dma_wait3A_1040 = tpu.memref_slice %arg6[%dma_wait3A_1039] : memref<2048xi32, #tpu.memory_space<vmem>> -> memref<128xi32, #tpu.memory_space<vmem>>
    %dma_wait3A_1041 = arith.constant 0 : i32
    %dma_wait3A_1042 = arith.constant 0 : i32
    %dma_wait3A_1043 = tpu.memref_slice %arg2[%dma_wait3A_1041, %dma_wait3A_1042] : memref<131072x8xf32, #tpu.memory_space<hbm>> -> memref<131072x8xf32, #tpu.memory_space<hbm>>
    tpu.wait_indirect_dma semaphore(%arg10 : memref<!tpu.dma_semaphore, #tpu.memory_space<semaphore_mem>>) src(%dma_wait3A_1043 : memref<131072x8xf32, #tpu.memory_space<hbm>>) dst(%dma_wait3A_1038 : memref<128x8xf32, #tpu.memory_space<vmem>>)
    %dma_wait3A_1044 = arith.constant 1280 : i32
    %dma_wait3A_1045 = arith.constant 0 : i32
    %dma_wait3A_1046 = tpu.memref_slice %arg8[%dma_wait3A_1044, %dma_wait3A_1045] : memref<2048x8xf32, #tpu.memory_space<vmem>> -> memref<128x8xf32, #tpu.memory_space<vmem>>
    %dma_wait3A_1047 = arith.constant 1280 : i32
    %dma_wait3A_1048 = tpu.memref_slice %arg6[%dma_wait3A_1047] : memref<2048xi32, #tpu.memory_space<vmem>> -> memref<128xi32, #tpu.memory_space<vmem>>
    %dma_wait3A_1049 = arith.constant 0 : i32
    %dma_wait3A_1050 = arith.constant 0 : i32
    %dma_wait3A_1051 = tpu.memref_slice %arg2[%dma_wait3A_1049, %dma_wait3A_1050] : memref<131072x8xf32, #tpu.memory_space<hbm>> -> memref<131072x8xf32, #tpu.memory_space<hbm>>
    tpu.wait_indirect_dma semaphore(%arg10 : memref<!tpu.dma_semaphore, #tpu.memory_space<semaphore_mem>>) src(%dma_wait3A_1051 : memref<131072x8xf32, #tpu.memory_space<hbm>>) dst(%dma_wait3A_1046 : memref<128x8xf32, #tpu.memory_space<vmem>>)
    %dma_wait3A_1052 = arith.constant 1408 : i32
    %dma_wait3A_1053 = arith.constant 0 : i32
    %dma_wait3A_1054 = tpu.memref_slice %arg8[%dma_wait3A_1052, %dma_wait3A_1053] : memref<2048x8xf32, #tpu.memory_space<vmem>> -> memref<128x8xf32, #tpu.memory_space<vmem>>
    %dma_wait3A_1055 = arith.constant 1408 : i32
    %dma_wait3A_1056 = tpu.memref_slice %arg6[%dma_wait3A_1055] : memref<2048xi32, #tpu.memory_space<vmem>> -> memref<128xi32, #tpu.memory_space<vmem>>
    %dma_wait3A_1057 = arith.constant 0 : i32
    %dma_wait3A_1058 = arith.constant 0 : i32
    %dma_wait3A_1059 = tpu.memref_slice %arg2[%dma_wait3A_1057, %dma_wait3A_1058] : memref<131072x8xf32, #tpu.memory_space<hbm>> -> memref<131072x8xf32, #tpu.memory_space<hbm>>
    tpu.wait_indirect_dma semaphore(%arg10 : memref<!tpu.dma_semaphore, #tpu.memory_space<semaphore_mem>>) src(%dma_wait3A_1059 : memref<131072x8xf32, #tpu.memory_space<hbm>>) dst(%dma_wait3A_1054 : memref<128x8xf32, #tpu.memory_space<vmem>>)
    %dma_wait3A_1060 = arith.constant 1536 : i32
    %dma_wait3A_1061 = arith.constant 0 : i32
    %dma_wait3A_1062 = tpu.memref_slice %arg8[%dma_wait3A_1060, %dma_wait3A_1061] : memref<2048x8xf32, #tpu.memory_space<vmem>> -> memref<128x8xf32, #tpu.memory_space<vmem>>
    %dma_wait3A_1063 = arith.constant 1536 : i32
    %dma_wait3A_1064 = tpu.memref_slice %arg6[%dma_wait3A_1063] : memref<2048xi32, #tpu.memory_space<vmem>> -> memref<128xi32, #tpu.memory_space<vmem>>
    %dma_wait3A_1065 = arith.constant 0 : i32
    %dma_wait3A_1066 = arith.constant 0 : i32
    %dma_wait3A_1067 = tpu.memref_slice %arg2[%dma_wait3A_1065, %dma_wait3A_1066] : memref<131072x8xf32, #tpu.memory_space<hbm>> -> memref<131072x8xf32, #tpu.memory_space<hbm>>
    tpu.wait_indirect_dma semaphore(%arg10 : memref<!tpu.dma_semaphore, #tpu.memory_space<semaphore_mem>>) src(%dma_wait3A_1067 : memref<131072x8xf32, #tpu.memory_space<hbm>>) dst(%dma_wait3A_1062 : memref<128x8xf32, #tpu.memory_space<vmem>>)
    %dma_wait3A_1068 = arith.constant 1664 : i32
    %dma_wait3A_1069 = arith.constant 0 : i32
    %dma_wait3A_1070 = tpu.memref_slice %arg8[%dma_wait3A_1068, %dma_wait3A_1069] : memref<2048x8xf32, #tpu.memory_space<vmem>> -> memref<128x8xf32, #tpu.memory_space<vmem>>
    %dma_wait3A_1071 = arith.constant 1664 : i32
    %dma_wait3A_1072 = tpu.memref_slice %arg6[%dma_wait3A_1071] : memref<2048xi32, #tpu.memory_space<vmem>> -> memref<128xi32, #tpu.memory_space<vmem>>
    %dma_wait3A_1073 = arith.constant 0 : i32
    %dma_wait3A_1074 = arith.constant 0 : i32
    %dma_wait3A_1075 = tpu.memref_slice %arg2[%dma_wait3A_1073, %dma_wait3A_1074] : memref<131072x8xf32, #tpu.memory_space<hbm>> -> memref<131072x8xf32, #tpu.memory_space<hbm>>
    tpu.wait_indirect_dma semaphore(%arg10 : memref<!tpu.dma_semaphore, #tpu.memory_space<semaphore_mem>>) src(%dma_wait3A_1075 : memref<131072x8xf32, #tpu.memory_space<hbm>>) dst(%dma_wait3A_1070 : memref<128x8xf32, #tpu.memory_space<vmem>>)
    %dma_wait3A_1076 = arith.constant 1792 : i32
    %dma_wait3A_1077 = arith.constant 0 : i32
    %dma_wait3A_1078 = tpu.memref_slice %arg8[%dma_wait3A_1076, %dma_wait3A_1077] : memref<2048x8xf32, #tpu.memory_space<vmem>> -> memref<128x8xf32, #tpu.memory_space<vmem>>
    %dma_wait3A_1079 = arith.constant 1792 : i32
    %dma_wait3A_1080 = tpu.memref_slice %arg6[%dma_wait3A_1079] : memref<2048xi32, #tpu.memory_space<vmem>> -> memref<128xi32, #tpu.memory_space<vmem>>
    %dma_wait3A_1081 = arith.constant 0 : i32
    %dma_wait3A_1082 = arith.constant 0 : i32
    %dma_wait3A_1083 = tpu.memref_slice %arg2[%dma_wait3A_1081, %dma_wait3A_1082] : memref<131072x8xf32, #tpu.memory_space<hbm>> -> memref<131072x8xf32, #tpu.memory_space<hbm>>
    tpu.wait_indirect_dma semaphore(%arg10 : memref<!tpu.dma_semaphore, #tpu.memory_space<semaphore_mem>>) src(%dma_wait3A_1083 : memref<131072x8xf32, #tpu.memory_space<hbm>>) dst(%dma_wait3A_1078 : memref<128x8xf32, #tpu.memory_space<vmem>>)
    %dma_wait3A_1084 = arith.constant 1920 : i32
    %dma_wait3A_1085 = arith.constant 0 : i32
    %dma_wait3A_1086 = tpu.memref_slice %arg8[%dma_wait3A_1084, %dma_wait3A_1085] : memref<2048x8xf32, #tpu.memory_space<vmem>> -> memref<128x8xf32, #tpu.memory_space<vmem>>
    %dma_wait3A_1087 = arith.constant 1920 : i32
    %dma_wait3A_1088 = tpu.memref_slice %arg6[%dma_wait3A_1087] : memref<2048xi32, #tpu.memory_space<vmem>> -> memref<128xi32, #tpu.memory_space<vmem>>
    %dma_wait3A_1089 = arith.constant 0 : i32
    %dma_wait3A_1090 = arith.constant 0 : i32
    %dma_wait3A_1091 = tpu.memref_slice %arg2[%dma_wait3A_1089, %dma_wait3A_1090] : memref<131072x8xf32, #tpu.memory_space<hbm>> -> memref<131072x8xf32, #tpu.memory_space<hbm>>
    tpu.wait_indirect_dma semaphore(%arg10 : memref<!tpu.dma_semaphore, #tpu.memory_space<semaphore_mem>>) src(%dma_wait3A_1091 : memref<131072x8xf32, #tpu.memory_space<hbm>>) dst(%dma_wait3A_1086 : memref<128x8xf32, #tpu.memory_space<vmem>>)
    %add3A_1092 = arith.constant 79872 : i32
    %add3A_1093 = arith.addi %mul3A_2, %add3A_1092 : i32
    %dma_start3A_1094 = arith.constant 0 : i32
    %dma_start3A_1095 = tpu.memref_slice %arg4[%add3A_1093, %dma_start3A_1094] : memref<2621440x8xf32, #tpu.memory_space<hbm>> -> memref<2048x8xf32, #tpu.memory_space<hbm>>
    %dma_start3A_1096 = arith.constant 0 : i32
    %dma_start3A_1097 = tpu.memref_slice %arg4[%add3A_1093, %dma_start3A_1096] : memref<2621440x8xf32, #tpu.memory_space<hbm>> -> memref<2048x8xf32, #tpu.memory_space<hbm>>
    tpu.enqueue_dma source(%arg8 : memref<2048x8xf32, #tpu.memory_space<vmem>>) target(%dma_start3A_1097 : memref<2048x8xf32, #tpu.memory_space<hbm>>) target_semaphore(%arg11 : memref<!tpu.dma_semaphore, #tpu.memory_space<semaphore_mem>>)
    %dma_wait3A_1098 = arith.constant 0 : i32
    %dma_wait3A_1099 = arith.constant 0 : i32
    %dma_wait3A_1100 = tpu.memref_slice %arg4[%dma_wait3A_1098, %dma_wait3A_1099] : memref<2621440x8xf32, #tpu.memory_space<hbm>> -> memref<2048x8xf32, #tpu.memory_space<hbm>>
    %dma_wait3A_1101 = arith.constant 0 : i32
    %dma_wait3A_1102 = arith.constant 0 : i32
    %dma_wait3A_1103 = tpu.memref_slice %arg4[%dma_wait3A_1101, %dma_wait3A_1102] : memref<2621440x8xf32, #tpu.memory_space<hbm>> -> memref<2048x8xf32, #tpu.memory_space<hbm>>
    tpu.wait_dma2 semaphore(%arg11 : memref<!tpu.dma_semaphore, #tpu.memory_space<semaphore_mem>>) src(%arg7 : memref<2048x8xf32, #tpu.memory_space<vmem>>) dst(%dma_wait3A_1103 : memref<2048x8xf32, #tpu.memory_space<hbm>>)
    %dma_wait3A_1104 = arith.constant 0 : i32
    %dma_wait3A_1105 = arith.constant 0 : i32
    %dma_wait3A_1106 = tpu.memref_slice %arg4[%dma_wait3A_1104, %dma_wait3A_1105] : memref<2621440x8xf32, #tpu.memory_space<hbm>> -> memref<2048x8xf32, #tpu.memory_space<hbm>>
    %dma_wait3A_1107 = arith.constant 0 : i32
    %dma_wait3A_1108 = arith.constant 0 : i32
    %dma_wait3A_1109 = tpu.memref_slice %arg4[%dma_wait3A_1107, %dma_wait3A_1108] : memref<2621440x8xf32, #tpu.memory_space<hbm>> -> memref<2048x8xf32, #tpu.memory_space<hbm>>
    tpu.wait_dma2 semaphore(%arg11 : memref<!tpu.dma_semaphore, #tpu.memory_space<semaphore_mem>>) src(%arg8 : memref<2048x8xf32, #tpu.memory_space<vmem>>) dst(%dma_wait3A_1109 : memref<2048x8xf32, #tpu.memory_space<hbm>>)
    return
  }
}

module attributes {stable_mosaic.version = 14 : i64} {
  func.func @_pass_a_kernel(%arg0: i32, %arg1: memref<2048x160xf32, #tpu.memory_space<vmem>>, %arg2: memref<2048x8xf32, #tpu.memory_space<vmem>>, %arg3: memref<160x320xf32, #tpu.memory_space<vmem>>, %arg4: memref<160x320xf32, #tpu.memory_space<vmem>>, %arg5: memref<8x320xf32, #tpu.memory_space<vmem>>, %arg6: memref<8x320xf32, #tpu.memory_space<vmem>>, %arg7: memref<8x320xf32, #tpu.memory_space<vmem>>) attributes {dimension_semantics = [#tpu.dimension_semantics<arbitrary>], iteration_bounds = array<i64: 64>, scalar_prefetch = 0 : i64, scratch_operands = 0 : i64, tpu.core_type = #tpu.core_type<tc>, window_params = [{transform_indices = @transform_0, window_bounds = array<i64: 2048, 160>}, {transform_indices = @transform_1, window_bounds = array<i64: 2048, 8>}, {pipeline_mode = #tpu.pipeline_mode<synchronous>, transform_indices = @transform_2, window_bounds = array<i64: 160, 320>}, {pipeline_mode = #tpu.pipeline_mode<synchronous>, transform_indices = @transform_3, window_bounds = array<i64: 160, 320>}, {pipeline_mode = #tpu.pipeline_mode<synchronous>, transform_indices = @transform_4, window_bounds = array<i64: 8, 320>}, {pipeline_mode = #tpu.pipeline_mode<synchronous>, transform_indices = @transform_5, window_bounds = array<i64: 8, 320>}, {pipeline_mode = #tpu.pipeline_mode<synchronous>, transform_indices = @transform_6, window_bounds = array<i64: 8, 320>}]} {
    %get3A = arith.constant 0 : index
    %get3A_0 = arith.constant 0 : index
    %get3A_1 = vector.load %arg1[%get3A, %get3A_0] : memref<2048x160xf32, #tpu.memory_space<vmem>>, vector<2048x160xf32>
    %get3A_2 = arith.constant 0 : index
    %get3A_3 = arith.constant 0 : index
    %get3A_4 = vector.load %arg2[%get3A_2, %get3A_3] : memref<2048x8xf32, #tpu.memory_space<vmem>>, vector<2048x8xf32>
    %get3A_5 = arith.constant 0 : index
    %get3A_6 = arith.constant 0 : index
    %get3A_7 = vector.load %arg3[%get3A_5, %get3A_6] : memref<160x320xf32, #tpu.memory_space<vmem>>, vector<160x320xf32>
    %dot_general3A = arith.constant dense<0.000000e+00> : vector<2048x320xf32>
    %dot_general3A_8 = tpu.matmul %get3A_1, %get3A_7, %dot_general3A {dimension_numbers = #tpu.dot_dimension_numbers<[1], [0], [0], [1], [0, 0, 1, 1], [], []>, transpose_lhs_hint = false} : vector<2048x160xf32>, vector<160x320xf32>, vector<2048x320xf32> -> vector<2048x320xf32>
    %get3A_9 = arith.constant 0 : index
    %get3A_10 = arith.constant 0 : index
    %get3A_11 = vector.load %arg5[%get3A_9, %get3A_10] : memref<8x320xf32, #tpu.memory_space<vmem>>, vector<8x320xf32>
    %dot_general3A_12 = arith.constant dense<0.000000e+00> : vector<2048x320xf32>
    %dot_general3A_13 = tpu.matmul %get3A_4, %get3A_11, %dot_general3A_12 {dimension_numbers = #tpu.dot_dimension_numbers<[1], [0], [0], [1], [0, 0, 1, 1], [], []>, transpose_lhs_hint = false} : vector<2048x8xf32>, vector<8x320xf32>, vector<2048x320xf32> -> vector<2048x320xf32>
    %add3A = arith.addf %dot_general3A_8, %dot_general3A_13 : vector<2048x320xf32>
    %get3A_14 = arith.constant 0 : index
    %get3A_15 = arith.constant 0 : index
    %get3A_16 = vector.load %arg4[%get3A_14, %get3A_15] : memref<160x320xf32, #tpu.memory_space<vmem>>, vector<160x320xf32>
    %dot_general3A_17 = arith.constant dense<0.000000e+00> : vector<2048x320xf32>
    %dot_general3A_18 = tpu.matmul %get3A_1, %get3A_16, %dot_general3A_17 {dimension_numbers = #tpu.dot_dimension_numbers<[1], [0], [0], [1], [0, 0, 1, 1], [], []>, transpose_lhs_hint = false} : vector<2048x160xf32>, vector<160x320xf32>, vector<2048x320xf32> -> vector<2048x320xf32>
    %get3A_19 = arith.constant 0 : index
    %get3A_20 = arith.constant 0 : index
    %get3A_21 = vector.load %arg6[%get3A_19, %get3A_20] : memref<8x320xf32, #tpu.memory_space<vmem>>, vector<8x320xf32>
    %dot_general3A_22 = arith.constant dense<0.000000e+00> : vector<2048x320xf32>
    %dot_general3A_23 = tpu.matmul %get3A_4, %get3A_21, %dot_general3A_22 {dimension_numbers = #tpu.dot_dimension_numbers<[1], [0], [0], [1], [0, 0, 1, 1], [], []>, transpose_lhs_hint = false} : vector<2048x8xf32>, vector<8x320xf32>, vector<2048x320xf32> -> vector<2048x320xf32>
    %add3A_24 = arith.addf %dot_general3A_18, %dot_general3A_23 : vector<2048x320xf32>
    %reduce_sum3A = arith.constant dense<0.000000e+00> : vector<320xf32>
    %reduce_sum3A_25 = vector.multi_reduction <add>, %add3A, %reduce_sum3A [0] : vector<2048x320xf32> to vector<320xf32>
    %mul3A = arith.mulf %add3A, %add3A : vector<2048x320xf32>
    %reduce_sum3A_26 = arith.constant dense<0.000000e+00> : vector<320xf32>
    %reduce_sum3A_27 = vector.multi_reduction <add>, %mul3A, %reduce_sum3A_26 [0] : vector<2048x320xf32> to vector<320xf32>
    %reduce_sum3A_28 = arith.constant dense<0.000000e+00> : vector<320xf32>
    %reduce_sum3A_29 = vector.multi_reduction <add>, %add3A_24, %reduce_sum3A_28 [0] : vector<2048x320xf32> to vector<320xf32>
    %mul3A_30 = arith.mulf %add3A_24, %add3A_24 : vector<2048x320xf32>
    %reduce_sum3A_31 = arith.constant dense<0.000000e+00> : vector<320xf32>
    %reduce_sum3A_32 = vector.multi_reduction <add>, %mul3A_30, %reduce_sum3A_31 [0] : vector<2048x320xf32> to vector<320xf32>
    %stack3A = vector.shape_cast %reduce_sum3A_25 : vector<320xf32> to vector<1x320xf32>
    %stack3A_33 = vector.shape_cast %reduce_sum3A_27 : vector<320xf32> to vector<1x320xf32>
    %stack3A_34 = vector.shape_cast %reduce_sum3A_29 : vector<320xf32> to vector<1x320xf32>
    %stack3A_35 = vector.shape_cast %reduce_sum3A_32 : vector<320xf32> to vector<1x320xf32>
    %stack3A_36 = tpu.concatenate %stack3A, %stack3A_33, %stack3A_34, %stack3A_35 in 0 : vector<1x320xf32>, vector<1x320xf32>, vector<1x320xf32>, vector<1x320xf32> -> vector<4x320xf32>
    %broadcast_in_dim3A = arith.constant 0.000000e+00 : f32
    %broadcast_in_dim3A_37 = vector.broadcast %broadcast_in_dim3A : f32 to vector<4x320xf32>
    %concatenate3A = tpu.concatenate %stack3A_36, %broadcast_in_dim3A_37 in 0 : vector<4x320xf32>, vector<4x320xf32> -> vector<8x320xf32>
    %eq3A = arith.constant 0 : i32
    %eq3A_38 = arith.cmpi eq, %arg0, %eq3A : i32
    %convert_element_type3A = arith.extui %eq3A_38 : i1 to i32
    %cond3A = arith.constant 0 : i32
    %cond3A_39 = arith.cmpi ne, %convert_element_type3A, %cond3A : i32
    scf.if %cond3A_39 {
      %broadcast_in_dim3A_46 = arith.constant 0.000000e+00 : f32
      %broadcast_in_dim3A_47 = vector.broadcast %broadcast_in_dim3A_46 : f32 to vector<8x320xf32>
      %swap3A_48 = arith.constant 0 : index
      %swap3A_49 = arith.constant 0 : index
      %swap3A_50 = vector.load %arg7[%swap3A_48, %swap3A_49] : memref<8x320xf32, #tpu.memory_space<vmem>>, vector<8x320xf32>
      tpu.vector_store %arg7[%swap3A_48, %swap3A_49], %broadcast_in_dim3A_47 {strides = array<i32>} : memref<8x320xf32, #tpu.memory_space<vmem>>, vector<8x320xf32>,
    } else {
    }
    %get3A_40 = arith.constant 0 : index
    %get3A_41 = arith.constant 0 : index
    %get3A_42 = vector.load %arg7[%get3A_40, %get3A_41] : memref<8x320xf32, #tpu.memory_space<vmem>>, vector<8x320xf32>
    %add3A_43 = arith.addf %get3A_42, %concatenate3A : vector<8x320xf32>
    %swap3A = arith.constant 0 : index
    %swap3A_44 = arith.constant 0 : index
    %swap3A_45 = vector.load %arg7[%swap3A, %swap3A_44] : memref<8x320xf32, #tpu.memory_space<vmem>>, vector<8x320xf32>
    tpu.vector_store %arg7[%swap3A, %swap3A_44], %add3A_43 {strides = array<i32>} : memref<8x320xf32, #tpu.memory_space<vmem>>, vector<8x320xf32>,
    return
  }
  func.func @transform_0(%arg0: i32) -> (i32, i32) {
    %c0_i32 = arith.constant 0 : i32
    %c0_i32_0 = arith.constant 0 : i32
    return %arg0, %c0_i32 : i32, i32
  }
  func.func @transform_1(%arg0: i32) -> (i32, i32) {
    %c0_i32 = arith.constant 0 : i32
    %c0_i32_0 = arith.constant 0 : i32
    return %arg0, %c0_i32 : i32, i32
  }
  func.func @transform_2(%arg0: i32) -> (i32, i32) {
    %c0_i32 = arith.constant 0 : i32
    %c0_i32_0 = arith.constant 0 : i32
    %c0_i32_1 = arith.constant 0 : i32
    return %c0_i32, %c0_i32_0 : i32, i32
  }
  func.func @transform_3(%arg0: i32) -> (i32, i32) {
    %c0_i32 = arith.constant 0 : i32
    %c0_i32_0 = arith.constant 0 : i32
    %c0_i32_1 = arith.constant 0 : i32
    return %c0_i32, %c0_i32_0 : i32, i32
  }
  func.func @transform_4(%arg0: i32) -> (i32, i32) {
    %c0_i32 = arith.constant 0 : i32
    %c0_i32_0 = arith.constant 0 : i32
    %c0_i32_1 = arith.constant 0 : i32
    return %c0_i32, %c0_i32_0 : i32, i32
  }
  func.func @transform_5(%arg0: i32) -> (i32, i32) {
    %c0_i32 = arith.constant 0 : i32
    %c0_i32_0 = arith.constant 0 : i32
    %c0_i32_1 = arith.constant 0 : i32
    return %c0_i32, %c0_i32_0 : i32, i32
  }
  func.func @transform_6(%arg0: i32) -> (i32, i32) {
    %c0_i32 = arith.constant 0 : i32
    %c0_i32_0 = arith.constant 0 : i32
    %c0_i32_1 = arith.constant 0 : i32
    return %c0_i32, %c0_i32_0 : i32, i32
  }
}

module attributes {stable_mosaic.version = 14 : i64} {
  func.func @_pass_b_kernel(%arg0: i32, %arg1: memref<2048x160xf32, #tpu.memory_space<vmem>>, %arg2: memref<2048x8xf32, #tpu.memory_space<vmem>>, %arg3: memref<160x320xf32, #tpu.memory_space<vmem>>, %arg4: memref<160x320xf32, #tpu.memory_space<vmem>>, %arg5: memref<8x320xf32, #tpu.memory_space<vmem>>, %arg6: memref<8x320xf32, #tpu.memory_space<vmem>>, %arg7: memref<4x320xf32, #tpu.memory_space<vmem>>, %arg8: memref<320x20xf32, #tpu.memory_space<vmem>>, %arg9: memref<320x20xf32, #tpu.memory_space<vmem>>, %arg10: memref<2048x320xf32, #tpu.memory_space<vmem>>, %arg11: memref<2048x20xf32, #tpu.memory_space<vmem>>, %arg12: memref<2048x20xf32, #tpu.memory_space<vmem>>, %arg13: memref<8x128xf32, #tpu.memory_space<vmem>>) attributes {dimension_semantics = [#tpu.dimension_semantics<arbitrary>], iteration_bounds = array<i64: 64>, scalar_prefetch = 0 : i64, scratch_operands = 0 : i64, tpu.core_type = #tpu.core_type<tc>, window_params = [{transform_indices = @transform_0, window_bounds = array<i64: 2048, 160>}, {transform_indices = @transform_1, window_bounds = array<i64: 2048, 8>}, {pipeline_mode = #tpu.pipeline_mode<synchronous>, transform_indices = @transform_2, window_bounds = array<i64: 160, 320>}, {pipeline_mode = #tpu.pipeline_mode<synchronous>, transform_indices = @transform_3, window_bounds = array<i64: 160, 320>}, {pipeline_mode = #tpu.pipeline_mode<synchronous>, transform_indices = @transform_4, window_bounds = array<i64: 8, 320>}, {pipeline_mode = #tpu.pipeline_mode<synchronous>, transform_indices = @transform_5, window_bounds = array<i64: 8, 320>}, {pipeline_mode = #tpu.pipeline_mode<synchronous>, transform_indices = @transform_6, window_bounds = array<i64: 4, 320>}, {pipeline_mode = #tpu.pipeline_mode<synchronous>, transform_indices = @transform_7, window_bounds = array<i64: 320, 20>}, {pipeline_mode = #tpu.pipeline_mode<synchronous>, transform_indices = @transform_8, window_bounds = array<i64: 320, 20>}, {transform_indices = @transform_9, window_bounds = array<i64: 2048, 320>}, {transform_indices = @transform_10, window_bounds = array<i64: 2048, 20>}, {transform_indices = @transform_11, window_bounds = array<i64: 2048, 20>}, {pipeline_mode = #tpu.pipeline_mode<synchronous>, transform_indices = @transform_12, window_bounds = array<i64: 8, 128>}]} {
    %get3A = arith.constant 0 : index
    %get3A_0 = arith.constant 0 : index
    %get3A_1 = vector.load %arg1[%get3A, %get3A_0] : memref<2048x160xf32, #tpu.memory_space<vmem>>, vector<2048x160xf32>
    %get3A_2 = arith.constant 0 : index
    %get3A_3 = arith.constant 0 : index
    %get3A_4 = vector.load %arg2[%get3A_2, %get3A_3] : memref<2048x8xf32, #tpu.memory_space<vmem>>, vector<2048x8xf32>
    %get3A_5 = arith.constant 0 : index
    %get3A_6 = arith.constant 0 : index
    %get3A_7 = vector.load %arg3[%get3A_5, %get3A_6] : memref<160x320xf32, #tpu.memory_space<vmem>>, vector<160x320xf32>
    %dot_general3A = arith.constant dense<0.000000e+00> : vector<2048x320xf32>
    %dot_general3A_8 = tpu.matmul %get3A_1, %get3A_7, %dot_general3A {dimension_numbers = #tpu.dot_dimension_numbers<[1], [0], [0], [1], [0, 0, 1, 1], [], []>, transpose_lhs_hint = false} : vector<2048x160xf32>, vector<160x320xf32>, vector<2048x320xf32> -> vector<2048x320xf32>
    %get3A_9 = arith.constant 0 : index
    %get3A_10 = arith.constant 0 : index
    %get3A_11 = vector.load %arg5[%get3A_9, %get3A_10] : memref<8x320xf32, #tpu.memory_space<vmem>>, vector<8x320xf32>
    %dot_general3A_12 = arith.constant dense<0.000000e+00> : vector<2048x320xf32>
    %dot_general3A_13 = tpu.matmul %get3A_4, %get3A_11, %dot_general3A_12 {dimension_numbers = #tpu.dot_dimension_numbers<[1], [0], [0], [1], [0, 0, 1, 1], [], []>, transpose_lhs_hint = false} : vector<2048x8xf32>, vector<8x320xf32>, vector<2048x320xf32> -> vector<2048x320xf32>
    %add3A = arith.addf %dot_general3A_8, %dot_general3A_13 : vector<2048x320xf32>
    %get3A_14 = arith.constant 0 : index
    %get3A_15 = arith.constant 0 : index
    %get3A_16 = vector.load %arg4[%get3A_14, %get3A_15] : memref<160x320xf32, #tpu.memory_space<vmem>>, vector<160x320xf32>
    %dot_general3A_17 = arith.constant dense<0.000000e+00> : vector<2048x320xf32>
    %dot_general3A_18 = tpu.matmul %get3A_1, %get3A_16, %dot_general3A_17 {dimension_numbers = #tpu.dot_dimension_numbers<[1], [0], [0], [1], [0, 0, 1, 1], [], []>, transpose_lhs_hint = false} : vector<2048x160xf32>, vector<160x320xf32>, vector<2048x320xf32> -> vector<2048x320xf32>
    %get3A_19 = arith.constant 0 : index
    %get3A_20 = arith.constant 0 : index
    %get3A_21 = vector.load %arg6[%get3A_19, %get3A_20] : memref<8x320xf32, #tpu.memory_space<vmem>>, vector<8x320xf32>
    %dot_general3A_22 = arith.constant dense<0.000000e+00> : vector<2048x320xf32>
    %dot_general3A_23 = tpu.matmul %get3A_4, %get3A_21, %dot_general3A_22 {dimension_numbers = #tpu.dot_dimension_numbers<[1], [0], [0], [1], [0, 0, 1, 1], [], []>, transpose_lhs_hint = false} : vector<2048x8xf32>, vector<8x320xf32>, vector<2048x320xf32> -> vector<2048x320xf32>
    %add3A_24 = arith.addf %dot_general3A_18, %dot_general3A_23 : vector<2048x320xf32>
    %get3A_25 = arith.constant 0 : index
    %get3A_26 = arith.constant 0 : index
    %get3A_27 = vector.load %arg7[%get3A_25, %get3A_26] : memref<4x320xf32, #tpu.memory_space<vmem>>, vector<1x320xf32>
    %mul3A = vector.broadcast %get3A_27 : vector<1x320xf32> to vector<2048x320xf32>
    %mul3A_28 = arith.mulf %add3A, %mul3A : vector<2048x320xf32>
    %get3A_29 = arith.constant 1 : index
    %get3A_30 = arith.constant 0 : index
    %get3A_31 = vector.load %arg7[%get3A_29, %get3A_30] : memref<4x320xf32, #tpu.memory_space<vmem>>, vector<1x320xf32>
    %add3A_32 = vector.broadcast %get3A_31 : vector<1x320xf32> to vector<2048x320xf32>
    %add3A_33 = arith.addf %mul3A_28, %add3A_32 : vector<2048x320xf32>
    %gt3A = arith.constant 0.000000e+00 : f32
    %gt3A_34 = vector.broadcast %gt3A : f32 to vector<2048x320xf32>
    %gt3A_35 = arith.cmpf ogt, %add3A_33, %gt3A_34 : vector<2048x320xf32>
    %mul3A_36 = arith.constant 2.000000e-01 : f32
    %mul3A_37 = vector.broadcast %mul3A_36 : f32 to vector<2048x320xf32>
    %mul3A_38 = arith.mulf %mul3A_37, %add3A_33 : vector<2048x320xf32>
    %select_n3A = arith.select %gt3A_35, %add3A_33, %mul3A_38 : vector<2048x320xi1>, vector<2048x320xf32>
    %get3A_39 = arith.constant 2 : index
    %get3A_40 = arith.constant 0 : index
    %get3A_41 = vector.load %arg7[%get3A_39, %get3A_40] : memref<4x320xf32, #tpu.memory_space<vmem>>, vector<1x320xf32>
    %mul3A_42 = vector.broadcast %get3A_41 : vector<1x320xf32> to vector<2048x320xf32>
    %mul3A_43 = arith.mulf %add3A_24, %mul3A_42 : vector<2048x320xf32>
    %get3A_44 = arith.constant 3 : index
    %get3A_45 = arith.constant 0 : index
    %get3A_46 = vector.load %arg7[%get3A_44, %get3A_45] : memref<4x320xf32, #tpu.memory_space<vmem>>, vector<1x320xf32>
    %add3A_47 = vector.broadcast %get3A_46 : vector<1x320xf32> to vector<2048x320xf32>
    %add3A_48 = arith.addf %mul3A_43, %add3A_47 : vector<2048x320xf32>
    %gt3A_49 = arith.constant 0.000000e+00 : f32
    %gt3A_50 = vector.broadcast %gt3A_49 : f32 to vector<2048x320xf32>
    %gt3A_51 = arith.cmpf ogt, %add3A_48, %gt3A_50 : vector<2048x320xf32>
    %mul3A_52 = arith.constant 2.000000e-01 : f32
    %mul3A_53 = vector.broadcast %mul3A_52 : f32 to vector<2048x320xf32>
    %mul3A_54 = arith.mulf %mul3A_53, %add3A_48 : vector<2048x320xf32>
    %select_n3A_55 = arith.select %gt3A_51, %add3A_48, %mul3A_54 : vector<2048x320xi1>, vector<2048x320xf32>
    %swap3A = arith.constant 0 : index
    %swap3A_56 = arith.constant 0 : index
    %swap3A_57 = vector.load %arg10[%swap3A, %swap3A_56] : memref<2048x320xf32, #tpu.memory_space<vmem>>, vector<2048x320xf32>
    tpu.vector_store %arg10[%swap3A, %swap3A_56], %select_n3A_55 {strides = array<i32>} : memref<2048x320xf32, #tpu.memory_space<vmem>>, vector<2048x320xf32>,
    %get3A_58 = arith.constant 0 : index
    %get3A_59 = arith.constant 0 : index
    %get3A_60 = vector.load %arg8[%get3A_58, %get3A_59] : memref<320x20xf32, #tpu.memory_space<vmem>>, vector<320x20xf32>
    %dot_general3A_61 = arith.constant dense<0.000000e+00> : vector<2048x20xf32>
    %dot_general3A_62 = tpu.matmul %select_n3A, %get3A_60, %dot_general3A_61 {dimension_numbers = #tpu.dot_dimension_numbers<[1], [0], [0], [1], [0, 0, 1, 1], [], []>, transpose_lhs_hint = false} : vector<2048x320xf32>, vector<320x20xf32>, vector<2048x20xf32> -> vector<2048x20xf32>
    %get3A_63 = arith.constant 0 : index
    %get3A_64 = arith.constant 0 : index
    %get3A_65 = vector.load %arg9[%get3A_63, %get3A_64] : memref<320x20xf32, #tpu.memory_space<vmem>>, vector<320x20xf32>
    %dot_general3A_66 = arith.constant dense<0.000000e+00> : vector<2048x20xf32>
    %dot_general3A_67 = tpu.matmul %select_n3A_55, %get3A_65, %dot_general3A_66 {dimension_numbers = #tpu.dot_dimension_numbers<[1], [0], [0], [1], [0, 0, 1, 1], [], []>, transpose_lhs_hint = false} : vector<2048x320xf32>, vector<320x20xf32>, vector<2048x20xf32> -> vector<2048x20xf32>
    %swap3A_68 = arith.constant 0 : index
    %swap3A_69 = arith.constant 0 : index
    %swap3A_70 = vector.load %arg11[%swap3A_68, %swap3A_69] : memref<2048x20xf32, #tpu.memory_space<vmem>>, vector<2048x20xf32>
    tpu.vector_store %arg11[%swap3A_68, %swap3A_69], %dot_general3A_62 {strides = array<i32>} : memref<2048x20xf32, #tpu.memory_space<vmem>>, vector<2048x20xf32>,
    %swap3A_71 = arith.constant 0 : index
    %swap3A_72 = arith.constant 0 : index
    %swap3A_73 = vector.load %arg12[%swap3A_71, %swap3A_72] : memref<2048x20xf32, #tpu.memory_space<vmem>>, vector<2048x20xf32>
    tpu.vector_store %arg12[%swap3A_71, %swap3A_72], %dot_general3A_67 {strides = array<i32>} : memref<2048x20xf32, #tpu.memory_space<vmem>>, vector<2048x20xf32>,
    %reduce_sum3A = vector.shape_cast %dot_general3A_62 : vector<2048x20xf32> to vector<1x2048x20xf32>
    %reduce_sum3A_74 = arith.constant dense<0.000000e+00> : vector<1xf32>
    %reduce_sum3A_75 = vector.multi_reduction <add>, %reduce_sum3A, %reduce_sum3A_74 [1, 2] : vector<1x2048x20xf32> to vector<1xf32>
    %reduce_sum3A_76 = vector.shape_cast %reduce_sum3A_75 : vector<1xf32> to vector<1x1x1xf32>
    %reduce_sum3A_77 = vector.extract %reduce_sum3A_76[0, 0, 0] : f32 from vector<1x1x1xf32>
    %mul3A_78 = arith.mulf %dot_general3A_62, %dot_general3A_62 : vector<2048x20xf32>
    %reduce_sum3A_79 = vector.shape_cast %mul3A_78 : vector<2048x20xf32> to vector<1x2048x20xf32>
    %reduce_sum3A_80 = arith.constant dense<0.000000e+00> : vector<1xf32>
    %reduce_sum3A_81 = vector.multi_reduction <add>, %reduce_sum3A_79, %reduce_sum3A_80 [1, 2] : vector<1x2048x20xf32> to vector<1xf32>
    %reduce_sum3A_82 = vector.shape_cast %reduce_sum3A_81 : vector<1xf32> to vector<1x1x1xf32>
    %reduce_sum3A_83 = vector.extract %reduce_sum3A_82[0, 0, 0] : f32 from vector<1x1x1xf32>
    %reduce_sum3A_84 = vector.shape_cast %dot_general3A_67 : vector<2048x20xf32> to vector<1x2048x20xf32>
    %reduce_sum3A_85 = arith.constant dense<0.000000e+00> : vector<1xf32>
    %reduce_sum3A_86 = vector.multi_reduction <add>, %reduce_sum3A_84, %reduce_sum3A_85 [1, 2] : vector<1x2048x20xf32> to vector<1xf32>
    %reduce_sum3A_87 = vector.shape_cast %reduce_sum3A_86 : vector<1xf32> to vector<1x1x1xf32>
    %reduce_sum3A_88 = vector.extract %reduce_sum3A_87[0, 0, 0] : f32 from vector<1x1x1xf32>
    %mul3A_89 = arith.mulf %dot_general3A_67, %dot_general3A_67 : vector<2048x20xf32>
    %reduce_sum3A_90 = vector.shape_cast %mul3A_89 : vector<2048x20xf32> to vector<1x2048x20xf32>
    %reduce_sum3A_91 = arith.constant dense<0.000000e+00> : vector<1xf32>
    %reduce_sum3A_92 = vector.multi_reduction <add>, %reduce_sum3A_90, %reduce_sum3A_91 [1, 2] : vector<1x2048x20xf32> to vector<1xf32>
    %reduce_sum3A_93 = vector.shape_cast %reduce_sum3A_92 : vector<1xf32> to vector<1x1x1xf32>
    %reduce_sum3A_94 = vector.extract %reduce_sum3A_93[0, 0, 0] : f32 from vector<1x1x1xf32>
    %stack3A = vector.broadcast %reduce_sum3A_77 : f32 to vector<1xf32>
    %stack3A_95 = vector.broadcast %reduce_sum3A_83 : f32 to vector<1xf32>
    %stack3A_96 = vector.broadcast %reduce_sum3A_88 : f32 to vector<1xf32>
    %stack3A_97 = vector.broadcast %reduce_sum3A_94 : f32 to vector<1xf32>
    %stack3A_98 = tpu.concatenate %stack3A, %stack3A_95, %stack3A_96, %stack3A_97 in 0 : vector<1xf32>, vector<1xf32>, vector<1xf32>, vector<1xf32> -> vector<4xf32>
    %broadcast_in_dim3A = vector.shape_cast %stack3A_98 : vector<4xf32> to vector<4x1xf32>
    %broadcast_in_dim3A_99 = vector.shape_cast %broadcast_in_dim3A : vector<4x1xf32> to vector<4x1xf32>
    %broadcast_in_dim3A_100 = vector.broadcast %broadcast_in_dim3A_99 : vector<4x1xf32> to vector<4x128xf32>
    %broadcast_in_dim3A_101 = arith.constant 0.000000e+00 : f32
    %broadcast_in_dim3A_102 = vector.broadcast %broadcast_in_dim3A_101 : f32 to vector<4x128xf32>
    %concatenate3A = tpu.concatenate %broadcast_in_dim3A_100, %broadcast_in_dim3A_102 in 0 : vector<4x128xf32>, vector<4x128xf32> -> vector<8x128xf32>
    %eq3A = arith.constant 0 : i32
    %eq3A_103 = arith.cmpi eq, %arg0, %eq3A : i32
    %convert_element_type3A = arith.extui %eq3A_103 : i1 to i32
    %cond3A = arith.constant 0 : i32
    %cond3A_104 = arith.cmpi ne, %convert_element_type3A, %cond3A : i32
    scf.if %cond3A_104 {
      %broadcast_in_dim3A_112 = arith.constant 0.000000e+00 : f32
      %broadcast_in_dim3A_113 = vector.broadcast %broadcast_in_dim3A_112 : f32 to vector<8x128xf32>
      %swap3A_114 = arith.constant 0 : index
      %swap3A_115 = arith.constant 0 : index
      %swap3A_116 = vector.load %arg13[%swap3A_114, %swap3A_115] : memref<8x128xf32, #tpu.memory_space<vmem>>, vector<8x128xf32>
      tpu.vector_store %arg13[%swap3A_114, %swap3A_115], %broadcast_in_dim3A_113 {strides = array<i32>} : memref<8x128xf32, #tpu.memory_space<vmem>>, vector<8x128xf32>,
    } else {
    }
    %get3A_105 = arith.constant 0 : index
    %get3A_106 = arith.constant 0 : index
    %get3A_107 = vector.load %arg13[%get3A_105, %get3A_106] : memref<8x128xf32, #tpu.memory_space<vmem>>, vector<8x128xf32>
    %add3A_108 = arith.addf %get3A_107, %concatenate3A : vector<8x128xf32>
    %swap3A_109 = arith.constant 0 : index
    %swap3A_110 = arith.constant 0 : index
    %swap3A_111 = vector.load %arg13[%swap3A_109, %swap3A_110] : memref<8x128xf32, #tpu.memory_space<vmem>>, vector<8x128xf32>
    tpu.vector_store %arg13[%swap3A_109, %swap3A_110], %add3A_108 {strides = array<i32>} : memref<8x128xf32, #tpu.memory_space<vmem>>, vector<8x128xf32>,
    return
  }
  func.func @transform_0(%arg0: i32) -> (i32, i32) {
    %c0_i32 = arith.constant 0 : i32
    %c0_i32_0 = arith.constant 0 : i32
    return %arg0, %c0_i32 : i32, i32
  }
  func.func @transform_1(%arg0: i32) -> (i32, i32) {
    %c0_i32 = arith.constant 0 : i32
    %c0_i32_0 = arith.constant 0 : i32
    return %arg0, %c0_i32 : i32, i32
  }
  func.func @transform_2(%arg0: i32) -> (i32, i32) {
    %c0_i32 = arith.constant 0 : i32
    %c0_i32_0 = arith.constant 0 : i32
    %c0_i32_1 = arith.constant 0 : i32
    return %c0_i32, %c0_i32_0 : i32, i32
  }
  func.func @transform_3(%arg0: i32) -> (i32, i32) {
    %c0_i32 = arith.constant 0 : i32
    %c0_i32_0 = arith.constant 0 : i32
    %c0_i32_1 = arith.constant 0 : i32
    return %c0_i32, %c0_i32_0 : i32, i32
  }
  func.func @transform_4(%arg0: i32) -> (i32, i32) {
    %c0_i32 = arith.constant 0 : i32
    %c0_i32_0 = arith.constant 0 : i32
    %c0_i32_1 = arith.constant 0 : i32
    return %c0_i32, %c0_i32_0 : i32, i32
  }
  func.func @transform_5(%arg0: i32) -> (i32, i32) {
    %c0_i32 = arith.constant 0 : i32
    %c0_i32_0 = arith.constant 0 : i32
    %c0_i32_1 = arith.constant 0 : i32
    return %c0_i32, %c0_i32_0 : i32, i32
  }
  func.func @transform_6(%arg0: i32) -> (i32, i32) {
    %c0_i32 = arith.constant 0 : i32
    %c0_i32_0 = arith.constant 0 : i32
    %c0_i32_1 = arith.constant 0 : i32
    return %c0_i32, %c0_i32_0 : i32, i32
  }
  func.func @transform_7(%arg0: i32) -> (i32, i32) {
    %c0_i32 = arith.constant 0 : i32
    %c0_i32_0 = arith.constant 0 : i32
    %c0_i32_1 = arith.constant 0 : i32
    return %c0_i32, %c0_i32_0 : i32, i32
  }
  func.func @transform_8(%arg0: i32) -> (i32, i32) {
    %c0_i32 = arith.constant 0 : i32
    %c0_i32_0 = arith.constant 0 : i32
    %c0_i32_1 = arith.constant 0 : i32
    return %c0_i32, %c0_i32_0 : i32, i32
  }
  func.func @transform_9(%arg0: i32) -> (i32, i32) {
    %c0_i32 = arith.constant 0 : i32
    %c0_i32_0 = arith.constant 0 : i32
    return %arg0, %c0_i32 : i32, i32
  }
  func.func @transform_10(%arg0: i32) -> (i32, i32) {
    %c0_i32 = arith.constant 0 : i32
    %c0_i32_0 = arith.constant 0 : i32
    return %arg0, %c0_i32 : i32, i32
  }
  func.func @transform_11(%arg0: i32) -> (i32, i32) {
    %c0_i32 = arith.constant 0 : i32
    %c0_i32_0 = arith.constant 0 : i32
    return %arg0, %c0_i32 : i32, i32
  }
  func.func @transform_12(%arg0: i32) -> (i32, i32) {
    %c0_i32 = arith.constant 0 : i32
    %c0_i32_0 = arith.constant 0 : i32
    %c0_i32_1 = arith.constant 0 : i32
    return %c0_i32, %c0_i32_0 : i32, i32
  }
}

module attributes {stable_mosaic.version = 14 : i64} {
  func.func @_pass_c_kernel(%arg0: i32, %arg1: memref<2048x160xf32, #tpu.memory_space<vmem>>, %arg2: memref<2048x8xf32, #tpu.memory_space<vmem>>, %arg3: memref<160x320xf32, #tpu.memory_space<vmem>>, %arg4: memref<8x320xf32, #tpu.memory_space<vmem>>, %arg5: memref<4x320xf32, #tpu.memory_space<vmem>>, %arg6: memref<1x128xf32, #tpu.memory_space<vmem>>, %arg7: memref<2048x20xf32, #tpu.memory_space<vmem>>, %arg8: memref<2048x20xf32, #tpu.memory_space<vmem>>, %arg9: memref<20x320xf32, #tpu.memory_space<vmem>>, %arg10: memref<320x16xf32, #tpu.memory_space<vmem>>, %arg11: memref<2048x16xf32, #tpu.memory_space<vmem>>) attributes {dimension_semantics = [#tpu.dimension_semantics<arbitrary>], iteration_bounds = array<i64: 64>, scalar_prefetch = 0 : i64, scratch_operands = 0 : i64, tpu.core_type = #tpu.core_type<tc>, window_params = [{transform_indices = @transform_0, window_bounds = array<i64: 2048, 160>}, {transform_indices = @transform_1, window_bounds = array<i64: 2048, 8>}, {pipeline_mode = #tpu.pipeline_mode<synchronous>, transform_indices = @transform_2, window_bounds = array<i64: 160, 320>}, {pipeline_mode = #tpu.pipeline_mode<synchronous>, transform_indices = @transform_3, window_bounds = array<i64: 8, 320>}, {pipeline_mode = #tpu.pipeline_mode<synchronous>, transform_indices = @transform_4, window_bounds = array<i64: 4, 320>}, {pipeline_mode = #tpu.pipeline_mode<synchronous>, transform_indices = @transform_5, window_bounds = array<i64: 1, 128>}, {transform_indices = @transform_6, window_bounds = array<i64: 2048, 20>}, {transform_indices = @transform_7, window_bounds = array<i64: 2048, 20>}, {pipeline_mode = #tpu.pipeline_mode<synchronous>, transform_indices = @transform_8, window_bounds = array<i64: 20, 320>}, {pipeline_mode = #tpu.pipeline_mode<synchronous>, transform_indices = @transform_9, window_bounds = array<i64: 320, 16>}, {transform_indices = @transform_10, window_bounds = array<i64: 2048, 16>}]} {
    %get3A = arith.constant 0 : index
    %get3A_0 = arith.constant 0 : index
    %get3A_1 = vector.load %arg1[%get3A, %get3A_0] : memref<2048x160xf32, #tpu.memory_space<vmem>>, vector<2048x160xf32>
    %get3A_2 = arith.constant 0 : index
    %get3A_3 = arith.constant 0 : index
    %get3A_4 = vector.load %arg2[%get3A_2, %get3A_3] : memref<2048x8xf32, #tpu.memory_space<vmem>>, vector<2048x8xf32>
    %get3A_5 = arith.constant 0 : index
    %get3A_6 = arith.constant 0 : index
    %get3A_7 = vector.load %arg3[%get3A_5, %get3A_6] : memref<160x320xf32, #tpu.memory_space<vmem>>, vector<160x320xf32>
    %dot_general3A = arith.constant dense<0.000000e+00> : vector<2048x320xf32>
    %dot_general3A_8 = tpu.matmul %get3A_1, %get3A_7, %dot_general3A {dimension_numbers = #tpu.dot_dimension_numbers<[1], [0], [0], [1], [0, 0, 1, 1], [], []>, transpose_lhs_hint = false} : vector<2048x160xf32>, vector<160x320xf32>, vector<2048x320xf32> -> vector<2048x320xf32>
    %get3A_9 = arith.constant 0 : index
    %get3A_10 = arith.constant 0 : index
    %get3A_11 = vector.load %arg4[%get3A_9, %get3A_10] : memref<8x320xf32, #tpu.memory_space<vmem>>, vector<8x320xf32>
    %dot_general3A_12 = arith.constant dense<0.000000e+00> : vector<2048x320xf32>
    %dot_general3A_13 = tpu.matmul %get3A_4, %get3A_11, %dot_general3A_12 {dimension_numbers = #tpu.dot_dimension_numbers<[1], [0], [0], [1], [0, 0, 1, 1], [], []>, transpose_lhs_hint = false} : vector<2048x8xf32>, vector<8x320xf32>, vector<2048x320xf32> -> vector<2048x320xf32>
    %add3A = arith.addf %dot_general3A_8, %dot_general3A_13 : vector<2048x320xf32>
    %get3A_14 = arith.constant 2 : index
    %get3A_15 = arith.constant 0 : index
    %get3A_16 = vector.load %arg5[%get3A_14, %get3A_15] : memref<4x320xf32, #tpu.memory_space<vmem>>, vector<1x320xf32>
    %mul3A = vector.broadcast %get3A_16 : vector<1x320xf32> to vector<2048x320xf32>
    %mul3A_17 = arith.mulf %add3A, %mul3A : vector<2048x320xf32>
    %get3A_18 = arith.constant 3 : index
    %get3A_19 = arith.constant 0 : index
    %get3A_20 = vector.load %arg5[%get3A_18, %get3A_19] : memref<4x320xf32, #tpu.memory_space<vmem>>, vector<1x320xf32>
    %add3A_21 = vector.broadcast %get3A_20 : vector<1x320xf32> to vector<2048x320xf32>
    %add3A_22 = arith.addf %mul3A_17, %add3A_21 : vector<2048x320xf32>
    %gt3A = arith.constant 0.000000e+00 : f32
    %gt3A_23 = vector.broadcast %gt3A : f32 to vector<2048x320xf32>
    %gt3A_24 = arith.cmpf ogt, %add3A_22, %gt3A_23 : vector<2048x320xf32>
    %mul3A_25 = arith.constant 2.000000e-01 : f32
    %mul3A_26 = vector.broadcast %mul3A_25 : f32 to vector<2048x320xf32>
    %mul3A_27 = arith.mulf %mul3A_26, %add3A_22 : vector<2048x320xf32>
    %select_n3A = arith.select %gt3A_24, %add3A_22, %mul3A_27 : vector<2048x320xi1>, vector<2048x320xf32>
    %get3A_28 = arith.constant 0 : index
    %get3A_29 = arith.constant 0 : index
    %get3A_30 = vector.load %arg7[%get3A_28, %get3A_29] : memref<2048x20xf32, #tpu.memory_space<vmem>>, vector<2048x20xf32>
    %get3A_31 = arith.constant 0 : index
    %get3A_32 = arith.constant 0 : index
    %get3A_33 = vector.load %arg6[%get3A_31, %get3A_32] : memref<1x128xf32, #tpu.memory_space<vmem>>, vector<1x1xf32>
    %mul3A_34 = vector.broadcast %get3A_33 : vector<1x1xf32> to vector<2048x20xf32>
    %mul3A_35 = arith.mulf %get3A_30, %mul3A_34 : vector<2048x20xf32>
    %get3A_36 = arith.constant 0 : index
    %get3A_37 = arith.constant 1 : index
    %get3A_38 = vector.load %arg6[%get3A_36, %get3A_37] : memref<1x128xf32, #tpu.memory_space<vmem>>, vector<1x1xf32>
    %add3A_39 = vector.broadcast %get3A_38 : vector<1x1xf32> to vector<2048x20xf32>
    %add3A_40 = arith.addf %mul3A_35, %add3A_39 : vector<2048x20xf32>
    %get3A_41 = arith.constant 0 : index
    %get3A_42 = arith.constant 0 : index
    %get3A_43 = vector.load %arg8[%get3A_41, %get3A_42] : memref<2048x20xf32, #tpu.memory_space<vmem>>, vector<2048x20xf32>
    %get3A_44 = arith.constant 0 : index
    %get3A_45 = arith.constant 2 : index
    %get3A_46 = vector.load %arg6[%get3A_44, %get3A_45] : memref<1x128xf32, #tpu.memory_space<vmem>>, vector<1x1xf32>
    %mul3A_47 = vector.broadcast %get3A_46 : vector<1x1xf32> to vector<2048x20xf32>
    %mul3A_48 = arith.mulf %get3A_43, %mul3A_47 : vector<2048x20xf32>
    %get3A_49 = arith.constant 0 : index
    %get3A_50 = arith.constant 3 : index
    %get3A_51 = vector.load %arg6[%get3A_49, %get3A_50] : memref<1x128xf32, #tpu.memory_space<vmem>>, vector<1x1xf32>
    %add3A_52 = vector.broadcast %get3A_51 : vector<1x1xf32> to vector<2048x20xf32>
    %add3A_53 = arith.addf %mul3A_48, %add3A_52 : vector<2048x20xf32>
    %add3A_54 = arith.addf %add3A_40, %add3A_53 : vector<2048x20xf32>
    %gt3A_55 = arith.constant 0.000000e+00 : f32
    %gt3A_56 = vector.broadcast %gt3A_55 : f32 to vector<2048x20xf32>
    %gt3A_57 = arith.cmpf ogt, %add3A_54, %gt3A_56 : vector<2048x20xf32>
    %mul3A_58 = arith.constant 2.000000e-01 : f32
    %mul3A_59 = vector.broadcast %mul3A_58 : f32 to vector<2048x20xf32>
    %mul3A_60 = arith.mulf %mul3A_59, %add3A_54 : vector<2048x20xf32>
    %select_n3A_61 = arith.select %gt3A_57, %add3A_54, %mul3A_60 : vector<2048x20xi1>, vector<2048x20xf32>
    %reduce_max3A = arith.constant dense<0xFF800000> : vector<2048xf32>
    %reduce_max3A_62 = vector.multi_reduction <maximumf>, %select_n3A_61, %reduce_max3A [1] : vector<2048x20xf32> to vector<2048xf32>
    %broadcast_in_dim3A = vector.shape_cast %reduce_max3A_62 : vector<2048xf32> to vector<2048x1xf32>
    %sub3A = vector.broadcast %broadcast_in_dim3A : vector<2048x1xf32> to vector<2048x20xf32>
    %sub3A_63 = arith.subf %select_n3A_61, %sub3A : vector<2048x20xf32>
    %exp3A = math.exp %sub3A_63 : vector<2048x20xf32>
    %reduce_sum3A = arith.constant dense<0.000000e+00> : vector<2048xf32>
    %reduce_sum3A_64 = vector.multi_reduction <add>, %exp3A, %reduce_sum3A [1] : vector<2048x20xf32> to vector<2048xf32>
    %broadcast_in_dim3A_65 = vector.shape_cast %reduce_sum3A_64 : vector<2048xf32> to vector<2048x1xf32>
    %div3A = vector.broadcast %broadcast_in_dim3A_65 : vector<2048x1xf32> to vector<2048x20xf32>
    %div3A_66 = arith.divf %exp3A, %div3A : vector<2048x20xf32>
    %get3A_67 = arith.constant 0 : index
    %get3A_68 = arith.constant 0 : index
    %get3A_69 = vector.load %arg9[%get3A_67, %get3A_68] : memref<20x320xf32, #tpu.memory_space<vmem>>, vector<20x320xf32>
    %dot_general3A_70 = arith.constant dense<0.000000e+00> : vector<2048x320xf32>
    %dot_general3A_71 = tpu.matmul %div3A_66, %get3A_69, %dot_general3A_70 {dimension_numbers = #tpu.dot_dimension_numbers<[1], [0], [0], [1], [0, 0, 1, 1], [], []>, transpose_lhs_hint = false} : vector<2048x20xf32>, vector<20x320xf32>, vector<2048x320xf32> -> vector<2048x320xf32>
    %mul3A_72 = arith.mulf %dot_general3A_71, %select_n3A : vector<2048x320xf32>
    %get3A_73 = arith.constant 0 : index
    %get3A_74 = arith.constant 0 : index
    %get3A_75 = vector.load %arg10[%get3A_73, %get3A_74] : memref<320x16xf32, #tpu.memory_space<vmem>>, vector<320x16xf32>
    %dot_general3A_76 = arith.constant dense<0.000000e+00> : vector<2048x16xf32>
    %dot_general3A_77 = tpu.matmul %mul3A_72, %get3A_75, %dot_general3A_76 {dimension_numbers = #tpu.dot_dimension_numbers<[1], [0], [0], [1], [0, 0, 1, 1], [], []>, transpose_lhs_hint = false} : vector<2048x320xf32>, vector<320x16xf32>, vector<2048x16xf32> -> vector<2048x16xf32>
    %swap3A = arith.constant 0 : index
    %swap3A_78 = arith.constant 0 : index
    %swap3A_79 = vector.load %arg11[%swap3A, %swap3A_78] : memref<2048x16xf32, #tpu.memory_space<vmem>>, vector<2048x16xf32>
    tpu.vector_store %arg11[%swap3A, %swap3A_78], %dot_general3A_77 {strides = array<i32>} : memref<2048x16xf32, #tpu.memory_space<vmem>>, vector<2048x16xf32>,
    return
  }
  func.func @transform_0(%arg0: i32) -> (i32, i32) {
    %c0_i32 = arith.constant 0 : i32
    %c0_i32_0 = arith.constant 0 : i32
    return %arg0, %c0_i32 : i32, i32
  }
  func.func @transform_1(%arg0: i32) -> (i32, i32) {
    %c0_i32 = arith.constant 0 : i32
    %c0_i32_0 = arith.constant 0 : i32
    return %arg0, %c0_i32 : i32, i32
  }
  func.func @transform_2(%arg0: i32) -> (i32, i32) {
    %c0_i32 = arith.constant 0 : i32
    %c0_i32_0 = arith.constant 0 : i32
    %c0_i32_1 = arith.constant 0 : i32
    return %c0_i32, %c0_i32_0 : i32, i32
  }
  func.func @transform_3(%arg0: i32) -> (i32, i32) {
    %c0_i32 = arith.constant 0 : i32
    %c0_i32_0 = arith.constant 0 : i32
    %c0_i32_1 = arith.constant 0 : i32
    return %c0_i32, %c0_i32_0 : i32, i32
  }
  func.func @transform_4(%arg0: i32) -> (i32, i32) {
    %c0_i32 = arith.constant 0 : i32
    %c0_i32_0 = arith.constant 0 : i32
    %c0_i32_1 = arith.constant 0 : i32
    return %c0_i32, %c0_i32_0 : i32, i32
  }
  func.func @transform_5(%arg0: i32) -> (i32, i32) {
    %c0_i32 = arith.constant 0 : i32
    %c0_i32_0 = arith.constant 0 : i32
    %c0_i32_1 = arith.constant 0 : i32
    return %c0_i32, %c0_i32_0 : i32, i32
  }
  func.func @transform_6(%arg0: i32) -> (i32, i32) {
    %c0_i32 = arith.constant 0 : i32
    %c0_i32_0 = arith.constant 0 : i32
    return %arg0, %c0_i32 : i32, i32
  }
  func.func @transform_7(%arg0: i32) -> (i32, i32) {
    %c0_i32 = arith.constant 0 : i32
    %c0_i32_0 = arith.constant 0 : i32
    return %arg0, %c0_i32 : i32, i32
  }
  func.func @transform_8(%arg0: i32) -> (i32, i32) {
    %c0_i32 = arith.constant 0 : i32
    %c0_i32_0 = arith.constant 0 : i32
    %c0_i32_1 = arith.constant 0 : i32
    return %c0_i32, %c0_i32_0 : i32, i32
  }
  func.func @transform_9(%arg0: i32) -> (i32, i32) {
    %c0_i32 = arith.constant 0 : i32
    %c0_i32_0 = arith.constant 0 : i32
    %c0_i32_1 = arith.constant 0 : i32
    return %c0_i32, %c0_i32_0 : i32, i32
  }
  func.func @transform_10(%arg0: i32) -> (i32, i32) {
    %c0_i32 = arith.constant 0 : i32
    %c0_i32_0 = arith.constant 0 : i32
    return %arg0, %c0_i32 : i32, i32
  }
}

</mosaic_0001>

<sc_bundles>
// kernel: kernel.6.cloned.1.call-start
scs
__scs_entry_jumppad:
0x0: {  	(pc) =	sbr.rel $0x88, $3  }
0x1: {  	(tag) =	ssettag $0x0;
	lr =	simm.s32 $0x1  }
0x2: {  	[smem:$0x3F93] =	sst lr;
	_ =	strace $0xD0000000  }
0x3: {  	_ = 	snop  }
0x4: {  	_ = 	snop  }
0x5: {  	_ = 	snop  }
0x6: {  	_ = 	snop  }
0x7: {  	_ = 	snop  }
__scs_overlays_trampoline_lowered:
0x8: {  	[smem:$0x3FA2] =	sst s0  }
0x9: {  	[smem:$0x3FA3] =	sst s1  }
0xa: {  	[smem:$0x3FA4] =	sst s2  }
0xb: {  	[smem:$0x3FA5] =	sst s3  }
0xc: {  	[smem:$0x3FA6] =	sst s4  }
0xd: {  	[smem:$0x3FA7] =	sst s5  }
0xe: {  	[smem:$0x3FA8] =	sst s6  }
0xf: {  	[smem:$0x3FA9] =	sst s7  }
0x10: {  	[smem:$0x3FAA] =	sst s8  }
0x11: {  	[smem:$0x3FAB] =	sst s9;
	s0 =	simm.s32 @!p0 $0x0  }
0x12: {  	s1 =	sld [smem:$0x3F91];
	s0 =	simm.s32 @p0 $0x1  }
0x13: {  	[smem:$0x3FAC] =	sst s0;
	s0 =	simm.s32 @!p1 $0x0  }
0x14: {  	s2 =	sld [smem:$0x3F90];
	s0 =	simm.s32 @p1 $0x1  }
0x15: {  	[smem:$0x3FAD] =	sst s0;
	s0 =	simm.s32 @!p2 $0x0  }
0x16: {  	s3 =	sld [smem:$0x3FDB];
	s0 =	simm.s32 @p2 $0x1  }
0x17: {  	s4 =	simm.s32 $0x1BF5;
	[smem:$0x3FAF] =	sst s0  }
0x18: {  	s0 =	sld [smem:$0x3F92];
	_ =	swait.ge [sflag:s4], $0x0  }
0x19: {  	s7 =	sld [smem:$0x3F93]  }
0x1a: {  	s8 =	sadd.s32 $0xFFFFE003, lr  }
0x1b: {  	s9 =	sadd.s32 $0xFFFFFEF7, lr;
	s5 =	simm.s32 $0xFFFFFFFF;
	p2 =	slt.u32 s8, $0xFFFFF086  }
0x1c: {  	p1 =	slt.u32 s9, $0xF7A;
	s5 =	simm.s32 @!p2 $0x0  }
0x1d: {  	s5 =	simm.s32 @p1 $0x1;
	p0 =	seq.s32 s7, s2  }
0x1e: {  	s7 =	smul.u32 @!p0 $0xF7A, s2;
	p2 =	seq.s32 @!p0 s5, $0x0  }
0x1f: {  	s9 =	smul.u32 $0xF7A, s1;
	s8 =	simm.s32 @!p0 $0x1BF5;
	p2 =	por !p2, p0  }
0x20: {  	[sflag:s8] =	ssyncset.s32 @!p0 $0xFFFFF086;
	s6 =	sadd.s32 @!p0 s3, s7;
	s7 =	simm.s32 @!p0 $0x108  }
0x21: {  	s3 =	sadd.s32 s3, s9;
	s6 =	sadd.s32 @!p0 $0x88, s6;
	s7 =	simm.s32 @p2 $0x1082  }
0x22: {  	[simem:s7], [sflag:s8] =	dma.local @!p0 [hbm:s6], $0xF7A  }
0x23: {  	s9 =	sor.u32 $0xD0000000, s2;
	s6 =	simm.s32 $0x108;
	_ =	swait.ge @!p0 [sflag:s8], $0x0  }
0x24: {  	s3 =	sadd.s32 $0x88, s3;
	s6 =	simm.s32 @!p1 $0x1082;
	[sflag:s4] =	ssyncset.s32 $0xFFFFF086  }
0x25: {  	[simem:s6], [sflag:s4] =	dma.local [hbm:s3], $0xF7A  }
0x26: {  	[smem:$0x3F93] =	sst s1;
	(tag) =	ssettag s2;
	_ =	strace s9  }
0x27: {  	s1 =	sld [smem:$0x3FA3]  }
0x28: {  	s2 =	sld [smem:$0x3FA4]  }
0x29: {  	s4 =	sld [smem:$0x3FA6]  }
0x2a: {  	p0 =	seq.s32 s5, $0x0;
	s5 =	sld [smem:$0x3FA7]  }
0x2b: {  	s6 =	sld [smem:$0x3FA8]  }
0x2c: {  	s7 =	sld [smem:$0x3FA9]  }
0x2d: {  	s3 =	simm.s32 $0x108;
	s8 =	sld [smem:$0x3FAA]  }
0x2e: {  	s3 =	simm.s32 @!p0 $0x1082;
	s9 =	sld [smem:$0x3FAB]  }
0x2f: {  	lr =	sadd.s32 s0, s3;
	s0 =	sld [smem:$0x3FA2]  }
0x30: {  	s3 =	sld [smem:$0x3FA5]  }
0x31: {  	[smem:$0x3FAE] =	sst s10  }
0x32: {  	s10 =	sld [smem:$0x3FAC];
	_ =	sdelay $0x3  }
0x33: {  	p0 =	seq.s32 s10, $0x1;
	s10 =	sld [smem:$0x3FAE];
	_ =	sdelay $0x3  }
0x34: {  	[smem:$0x3FAE] =	sst s10  }
0x35: {  	s10 =	sld [smem:$0x3FAD];
	_ =	sdelay $0x3  }
0x36: {  	p1 =	seq.s32 s10, $0x1;
	s10 =	sld [smem:$0x3FAE];
	_ =	sdelay $0x3  }
0x37: {  	[smem:$0x3FAE] =	sst s10  }
0x38: {  	s10 =	sld [smem:$0x3FAF]  }
0x39: {  	_ = 	snop;
	(pc) =	sbr.ind lr, $3  }
0x3a: {  	_ = 	snop  }
0x3b: {  	_ = 	snop  }
0x3c: {  	p2 =	seq.s32 s10, $0x1;
	s10 =	sld [smem:$0x3FAE]  }
0x3d: {  	_ =	shalt  }
0x3e: {  	_ =	shalt  }
0x3f: {  	_ =	shalt  }
0x40: {  	_ =	shalt  }
0x41: {  	_ =	shalt  }
0x42: {  	_ =	shalt  }
0x43: {  	_ =	shalt  }
0x44: {  	_ =	shalt  }
0x45: {  	_ =	shalt  }
0x46: {  	_ =	shalt  }
0x47: {  	_ =	shalt  }
0x48: {  	_ =	shalt  }
0x49: {  	_ =	shalt  }
0x4a: {  	_ =	shalt  }
0x4b: {  	_ =	shalt  }
0x4c: {  	_ =	shalt  }
0x4d: {  	_ =	shalt  }
0x4e: {  	_ =	shalt  }
0x4f: {  	_ =	shalt  }
0x50: {  	_ =	shalt  }
0x51: {  	_ =	shalt  }
0x52: {  	_ =	shalt  }
0x53: {  	_ =	shalt  }
0x54: {  	_ =	shalt  }
0x55: {  	_ =	shalt  }
0x56: {  	_ =	shalt  }
0x57: {  	_ =	shalt  }
0x58: {  	_ =	shalt  }
0x59: {  	_ =	shalt  }
0x5a: {  	_ =	shalt  }
0x5b: {  	_ =	shalt  }
0x5c: {  	_ =	shalt  }
0x5d: {  	_ =	shalt  }
0x5e: {  	_ =	shalt  }
0x5f: {  	_ =	shalt  }
0x60: {  	_ =	shalt  }
0x61: {  	_ =	shalt  }
0x62: {  	_ =	shalt  }
0x63: {  	_ =	shalt  }
0x64: {  	_ =	shalt  }
0x65: {  	_ =	shalt  }
0x66: {  	_ =	shalt  }
0x67: {  	_ =	shalt  }
0x68: {  	_ =	shalt  }
0x69: {  	_ =	shalt  }
0x6a: {  	_ =	shalt  }
0x6b: {  	_ =	shalt  }
0x6c: {  	_ =	shalt  }
0x6d: {  	_ =	shalt  }
0x6e: {  	_ =	shalt  }
0x6f: {  	_ =	shalt  }
0x70: {  	_ =	shalt  }
0x71: {  	_ =	shalt  }
0x72: {  	_ =	shalt  }
0x73: {  	_ =	shalt  }
0x74: {  	_ =	shalt  }
0x75: {  	_ =	shalt  }
0x76: {  	_ =	shalt  }
0x77: {  	_ =	shalt  }
0x78: {  	_ =	shalt  }
0x79: {  	_ =	shalt  }
0x7a: {  	_ =	shalt  }
0x7b: {  	_ =	shalt  }
0x7c: {  	_ =	shalt  }
0x7d: {  	_ =	shalt  }
0x7e: {  	_ =	shalt  }
0x7f: {  	_ =	shalt  }
0x80: {  	_ =	shalt  }
0x81: {  	_ =	shalt  }
0x82: {  	_ =	shalt  }
0x83: {  	_ =	shalt  }
0x84: {  	_ =	shalt  }
0x85: {  	_ =	shalt  }
0x86: {  	_ =	shalt  }
0x87: {  	_ =	shalt  }
.Lfunc_end0:
.L_simem_size_0:
called_computation.2_lowered:
.L_overlay_start_0:
0x88: {  	s2 =	sld [smem:$0x3FD9]  }
0x89: {  	s3 =	sld [smem:$0x3FFE];
	_ =	sdelay $0x1  }
0x8a: {  	s1 =	srdreg.scid  }
0x8b: {  	s0 =	sand.u32 $0x1, s1  }
0x8c: {  	s14 =	sshll.u32 s0, $0xA;
	s2 =	sadd.s32 s3, s2  }
0x8d: {  	s2 =	sadd.s32 s2, s14  }
0x8e: {  	[smem:$0x3FBA] =	sst s2  }
0x8f: {  	_ = 	snop  }
0x90: {  	s2 =	sld [smem:$0x3FD0];
	_ =	sdelay $0x2  }
0x91: {  	s15 =	simm.s32 $0xA;
	s4 =	simm.s32 $0x10  }
0x92: {  	[smem:s4], [sflag:s15] =	dma.local [hbm:s2], $0x1  }
0x93: {  	_ =	swait.eq [sflag:s15], $0x1  }
0x94: {  	[sflag:s15] =	ssyncset.done $0x0  }
0x95: {  	s16 =	sld [smem:$0x10];
	[sflag:s15] =	ssyncadd.s32 $0xFFFFFFFF  }
0x96: {  	s17 =	sld [smem:$0x11];
	(tm) =	ssettm $0x1  }
0x97: {  	s18 =	sld [smem:$0x3FFB];
	_ =	sdelay $0x3  }
0x98: {  	_ =	strace s18  }
0x99: {  	s4 =	sld [smem:$0x3FFC];
	_ =	sdelay $0x3  }
0x9a: {  	_ =	strace s4  }
0x9b: {  	s4 =	sld [smem:$0x3FFD];
	_ =	sdelay $0x3  }
0x9c: {  	_ =	strace s4  }
0x9d: {  	_ =	strace $0x8FFFFFFF  }
0x9e: {  	s19 =	sld [smem:$0x3FDB];
	_ =	sdelay $0x1  }
0x9f: {  	s5 =	simm.s32 $_scs_section_size  }
0xa0: {  	s6 =	simm.s32 $_size__tile_overlayer_lowered;
	s7 =	simm.s32 $_tile_overlayer_lowered  }
0xa1: {  	s22 =	simm.s32 $0x1BFF;
	s21 =	sshll.u32 s7, $0x1;
	s4 =	sadd.s32 s5, s19  }
0xa2: {  	s8 =	simm.s32 $0x0;
	s20 =	sshll.u32 s6, $0x1;
	s6 =	sadd.s32 s21, s4  }
0xa3: {  	[timem:s8], [sflag:s22] =	dma.local [hbm:s6], s20  }
0xa4: {  	_ =	swait.ge [sflag:s22], s20  }
0xa5: {  	s5 =	ssub.s32 $0x0, s20;
	[sflag:s22] =	ssyncset.done $0x0  }
0xa6: {  	[sflag:s22] =	ssyncadd.s32 s5;
	_ =	sdelay $0x1  }
0xa7: {  	s23 =	simm.s32 $0x1B8B  }
0xa8: {  	_ =	swait.ge [sflag:s23], $0x1  }
0xa9: {  	[sflag:s23] =	ssyncset.done $0x0  }
0xaa: {  	s25 =	simm.s32 $0x1B8E;
	s24 =	sld [smem:$0x3FFE];
	[sflag:s23] =	ssyncadd.s32 $0xFFFFFFFF  }
0xab: {  	s26 =	simm.s32 $execute0_lowered;
	[smem:$0x3FD2] =	sst s25  }
0xac: {  	s6 =	sshll.u32 s26, $0x1;
	_ =	strace $0x80000046;
	[dreg:$0x1] =	wrdreg $0xFFFFFFFF  }
0xad: {  	s28 =	simm.s32 $_size_execute0_lowered;
	s4 =	sadd.s32 s4, s6;
	[dreg:$0x0] =	wrdreg $0x0  }
0xae: {  	s6 =	sshll.u32 s28, $0x1;
	[dreg:$0x2] =	wrdreg s4  }
0xaf: {  	[dreg:$0x3] =	wrdreg s6  }
0xb0: {  	[dreg:$0x4] =	wrdreg $0xC0  }
0xb1: {  	_ =	task [dreg:s8], $0x5FFFF  }
0xb2: {  	[dreg:$0x1] =	wrdreg $0xFFFFFFFF  }
0xb3: {  	[dreg:$0x0] =	wrdreg $0x60  }
0xb4: {  	[dreg:$0x2] =	wrdreg s16  }
0xb5: {  	[dreg:$0x3] =	wrdreg s24  }
0xb6: {  	[dreg:$0x4] =	wrdreg s17  }
0xb7: {  	[dreg:$0x5] =	wrdreg $0x9  }
0xb8: {  	_ =	task.clear_ibuf [dreg:s8], $0x6FFFF;
	_ =	strace $0x90000046  }
0xb9: {  	s29 =	simm.s32 $0x9;
	_ =	strace $0x80000048  }
0xba: {  	_ =	swait.ge [sflag:s29], $0x1  }
0xbb: {  	[sflag:s29] =	ssyncadd.s32 $0xFFFFFFFF  }
0xbc: {  	_ =	strace $0x90000048  }
0xbd: {  	_ =	sfence  }
0xbe: {  	s30 =	sld [smem:$0x0];
	_ =	sdelay $0x2  }
0xbf: {  	s31 =	sshll.u32 s1, $0xD;
	s1 =	sshrl.u32 s1, $0x2  }
0xc0: {  	s3 =	sand.u32 $0x4000, s31;
	s1 =	sadd.s32 s1, s30  }
0xc1: {  	s0 =	sor.u32 s3, s0;
	s1 =	sshll.u32 s1, $0x11  }
0xc2: {  	s0 =	sor.u32 s1, s0  }
0xc3: {  	s0 =	sadd.s32 $0x8F2B, s0  }
0xc4: {  	[sflag:s0] =	ssyncadd.remote.s32 $0x1  }
0xc5: {  	_ =	sfence.sel $0xFFFF  }
0xc6: {  	[dreg:$0x0] =	wrdreg $0xFFFFFFFF;
	(pc) =	sbr.abs _section_cstart, $3  }
0xc7: {  	[dreg:$0x1] =	wrdreg $0xFFFFFFFF  }
0xc8: {  	_ =	task.clear_ibuf [dreg:s8], $0x2FFFF;
	_ =	strace $0x9FFFFFFF  }
0xc9: {  	(tm) =	ssettm $0x7FFFFFFF  }
tec
execute0_lowered:
.L_overlay_start_1:
0x0: {  	(tag) =	ssettag $0x1  }
0x1: {  	s1 =	rddreg [dreg:$0x0]  }
0x2: {  	s0 =	rddreg [dreg:$0x1]  }
0x3: {  	s2 =	srdreg.scid;
	s11 =	stileid.u32  }
0x4: {  	s4 =	rddreg [dreg:$0x2];
	s15 =	simm.s32 $0x1;
	s19 =	smul.u32 $0x140000, s11  }
0x5: {  	s2 =	sand.u32 $0x1, s2;
	s3 =	sshll.u32 s11, $0x1;
	s11 =	smul.u32 $0x28000, s11  }
0x6: {  	s16 =	simm.s32 $0x800;
	s5 =	sor.u32 s2, s3;
	s22 =	smul.u32 $0xA0000, s2  }
0x7: {  	s3 =	simm.s32 $0x0;
	s6 =	ssub.s32 $0x2, s2;
	s2 =	smul.u32 $0x14000, s2  }
0x8: {  	s7 =	smul.u32 $0x14000, s5;
	[smem:$0x7FF] =	sst s3;
	s8 =	sshrl.u32 s6, $0x1  }
0x9: {  	s5 =	smul.u32 $0xA0000, s5;
	_ =	strace $0x80000047;
	s6 =	ssub.s32 s6, s8  }
0xa: {  	s26 =	sadd.s32 s22, s19;
	s2 =	sadd.s32 s2, s11;
	s17 =	sor.u32 $0x800, s7  }
0xb: {  	s9 =	sshrl.u32 s7, $0x3;
	s20 =	sadd.s32 s4, s7;
	s7 =	sadd.s32 $0x13800, s7  }
0xc: {  	s5 =	sshrl.u32 s5, $0x3;
	s6 =	smax.u32 s6, $0x1;
	s28 =	sor.u32 $0x2000, s2  }
0xd: {  	s29 =	sor.u32 $0x1800, s2;
	s2 =	sadd.s32 s4, s2;
	[dreg:$0x8] =	wrdreg s20  }
0xe: {  	s10 =	sshrl.u32 s17, $0x3;
	s12 =	sadd.s32 s0, s9;
	[dreg:$0xe] =	wrdreg s6  }
0xf: {  	s23 =	sshrl.u32 s7, $0x3;
	s8 =	sadd.s32 s4, s17;
	[dreg:$0x6] =	wrdreg s12  }
0x10: {  	s5 =	sadd.s32 s4, s5;
	s25 =	sadd.s32 s4, s7;
	[dreg:$0xa] =	wrdreg s8  }
0x11: {  	s6 =	sshrl.u32 s28, $0x3;
	s2 =	sadd.s32 $0x1800, s2;
	[dreg:$0xd] =	wrdreg s25  }
0x12: {  	s31 =	sshrl.u32 s29, $0x3;
	s18 =	sadd.s32 s0, s10;
	[dreg:$0x10] =	wrdreg s2  }
0x13: {  	s17 =	simm.s32 $0x80;
	s21 =	sadd.s32 $0x200, s12;
	[dreg:$0x7] =	wrdreg s18  }
0x14: {  	s24 =	sadd.s32 s0, s23;
	s5 =	sadd.s32 $0x13000, s5;
	[dreg:$0x9] =	wrdreg s21  }
0x15: {  	s30 =	sadd.s32 s6, s0;
	s0 =	sadd.s32 s31, s0;
	[dreg:$0xb] =	wrdreg s24  }
0x16: {  	s23 =	simm.s32 $0x2;
	[dreg:$0xc] =	wrdreg s5;
	s5 =	sor.u32 $0x8000, s26  }
0x17: {  	s2 =	simm.s32 $0x0;
	[dreg:$0x4] =	wrdreg s30;
	s5 =	sshrl.u32 s5, $0x3  }
0x18: {  	[dreg:$0x5] =	wrdreg s0;
	s18 =	simm.s32 $0x1000;
	s5 =	sadd.s32 s5, s4  }
0x19: {  	s24 =	simm.s32 $0x5000;
	s0 =	simm.s32 $0x3;
	[dreg:$0xf] =	wrdreg s5  }
.LBB2_1:
0x1a: {  	[dreg:$0x11] =	wrdreg s2  }
0x1b: {  	s5 =	rddreg [dreg:$0x6]  }
0x1c: {  	[tilespmem:s3], [sflag:$0x1] =	stream.linear.gather [hbm4b:s5+s3], $0x800, $0x38;
	[tilespmem:$0x9000] =	vst v63  }
0x1d: {  	_ =	swait.ge [sflag:s15], $0x800  }
0x1e: {  	[sflag:s15] =	ssyncset.done $0x0  }
0x1f: {  	s19 =	rddreg [dreg:$0x7];
	[sflag:s15] =	ssyncadd.s32 $0xFFFFF800  }
0x20: {  	[tilespmem:s16], [sflag:$0x1] =	stream.linear.gather [hbm4b:s19+s3], $0x800, $0x38;
	[tilespmem:$0x9000] =	vst v63  }
0x21: {  	_ = 	snop  }
0x22: {  	[tilespmem:s18], [sflag:$0x2] =	stream.indirect.gather [hbm4b:s1+s17], $0x8, s3, s17, $0xb8;
	[tilespmem:$0x9000] =	vst v63  }
0x23: {  	s4 =	simm.s32 $0x1400  }
0x24: {  	[tilespmem:s4], [sflag:$0x2] =	stream.indirect.gather [hbm4b:s1+s17], $0x8, s17, s17, $0xb8;
	[tilespmem:$0x9000] =	vst v63  }
0x25: {  	s13 =	simm.s32 $0x100;
	s8 =	simm.s32 $0x1800  }
0x26: {  	[tilespmem:s8], [sflag:$0x2] =	stream.indirect.gather [hbm4b:s1+s17], $0x8, s13, s17, $0xb8;
	[tilespmem:$0x9000] =	vst v63  }
0x27: {  	s10 =	simm.s32 $0x1C00;
	s19 =	simm.s32 $0x180  }
0x28: {  	[tilespmem:s10], [sflag:$0x2] =	stream.indirect.gather [hbm4b:s1+s17], $0x8, s19, s17, $0xb8;
	[tilespmem:$0x9000] =	vst v63  }
0x29: {  	s28 =	simm.s32 $0x200;
	s6 =	simm.s32 $0x2000  }
0x2a: {  	[tilespmem:s6], [sflag:$0x2] =	stream.indirect.gather [hbm4b:s1+s17], $0x8, s28, s17, $0xb8;
	[tilespmem:$0x9000] =	vst v63  }
0x2b: {  	s30 =	simm.s32 $0x280;
	s7 =	simm.s32 $0x2400  }
0x2c: {  	[tilespmem:s7], [sflag:$0x2] =	stream.indirect.gather [hbm4b:s1+s17], $0x8, s30, s17, $0xb8;
	[tilespmem:$0x9000] =	vst v63  }
0x2d: {  	s20 =	simm.s32 $0x300;
	s9 =	simm.s32 $0x2800  }
0x2e: {  	[tilespmem:s9], [sflag:$0x2] =	stream.indirect.gather [hbm4b:s1+s17], $0x8, s20, s17, $0xb8;
	[tilespmem:$0x9000] =	vst v63  }
0x2f: {  	s21 =	simm.s32 $0x380;
	s22 =	simm.s32 $0x2C00  }
0x30: {  	[tilespmem:s22], [sflag:$0x2] =	stream.indirect.gather [hbm4b:s1+s17], $0x8, s21, s17, $0xb8;
	[tilespmem:$0x9000] =	vst v63  }
0x31: {  	s25 =	simm.s32 $0x400;
	s26 =	simm.s32 $0x3000  }
0x32: {  	[tilespmem:s26], [sflag:$0x2] =	stream.indirect.gather [hbm4b:s1+s17], $0x8, s25, s17, $0xb8;
	[tilespmem:$0x9000] =	vst v63  }
0x33: {  	s11 =	simm.s32 $0x3400;
	s5 =	simm.s32 $0x480  }
0x34: {  	[tilespmem:s11], [sflag:$0x2] =	stream.indirect.gather [hbm4b:s1+s17], $0x8, s5, s17, $0xb8;
	[tilespmem:$0x9000] =	vst v63  }
0x35: {  	s12 =	simm.s32 $0x500;
	s14 =	simm.s32 $0x3800  }
0x36: {  	[tilespmem:s14], [sflag:$0x2] =	stream.indirect.gather [hbm4b:s1+s17], $0x8, s12, s17, $0xb8;
	[tilespmem:$0x9000] =	vst v63  }
0x37: {  	s20 =	simm.s32 $0x580;
	s11 =	simm.s32 $0x3C00  }
0x38: {  	[tilespmem:s11], [sflag:$0x2] =	stream.indirect.gather [hbm4b:s1+s17], $0x8, s20, s17, $0xb8;
	[tilespmem:$0x9000] =	vst v63  }
0x39: {  	s21 =	simm.s32 $0x600;
	s22 =	simm.s32 $0x4000  }
0x3a: {  	[tilespmem:s22], [sflag:$0x2] =	stream.indirect.gather [hbm4b:s1+s17], $0x8, s21, s17, $0xb8;
	[tilespmem:$0x9000] =	vst v63  }
0x3b: {  	s25 =	simm.s32 $0x680;
	s26 =	simm.s32 $0x4400  }
0x3c: {  	[tilespmem:s26], [sflag:$0x2] =	stream.indirect.gather [hbm4b:s1+s17], $0x8, s25, s17, $0xb8;
	[tilespmem:$0x9000] =	vst v63  }
0x3d: {  	s12 =	simm.s32 $0x700;
	s14 =	simm.s32 $0x4800  }
0x3e: {  	[tilespmem:s14], [sflag:$0x2] =	stream.indirect.gather [hbm4b:s1+s17], $0x8, s12, s17, $0xb8;
	[tilespmem:$0x9000] =	vst v63  }
0x3f: {  	s20 =	simm.s32 $0x780;
	s21 =	simm.s32 $0x4C00  }
0x40: {  	[tilespmem:s21], [sflag:$0x2] =	stream.indirect.gather [hbm4b:s1+s17], $0x8, s20, s17, $0xb8;
	[tilespmem:$0x9000] =	vst v63  }
0x41: {  	_ =	swait.ge [sflag:s23], $0x400  }
0x42: {  	[sflag:s23] =	ssyncset.done $0x0  }
0x43: {  	[sflag:s23] =	ssyncadd.s32 $0xFFFFFC00  }
0x44: {  	_ =	swait.ge [sflag:s23], $0x400  }
0x45: {  	[sflag:s23] =	ssyncset.done $0x0  }
0x46: {  	[sflag:s23] =	ssyncadd.s32 $0xFFFFFC00  }
0x47: {  	_ =	swait.ge [sflag:s23], $0x400  }
0x48: {  	[sflag:s23] =	ssyncset.done $0x0  }
0x49: {  	[sflag:s23] =	ssyncadd.s32 $0xFFFFFC00  }
0x4a: {  	_ =	swait.ge [sflag:s23], $0x400  }
0x4b: {  	[sflag:s23] =	ssyncset.done $0x0  }
0x4c: {  	[sflag:s23] =	ssyncadd.s32 $0xFFFFFC00  }
0x4d: {  	_ =	swait.ge [sflag:s23], $0x400  }
0x4e: {  	[sflag:s23] =	ssyncset.done $0x0  }
0x4f: {  	[sflag:s23] =	ssyncadd.s32 $0xFFFFFC00  }
0x50: {  	_ =	swait.ge [sflag:s23], $0x400  }
0x51: {  	[sflag:s23] =	ssyncset.done $0x0  }
0x52: {  	[sflag:s23] =	ssyncadd.s32 $0xFFFFFC00  }
0x53: {  	_ =	swait.ge [sflag:s23], $0x400  }
0x54: {  	[sflag:s23] =	ssyncset.done $0x0  }
0x55: {  	[sflag:s23] =	ssyncadd.s32 $0xFFFFFC00  }
0x56: {  	_ =	swait.ge [sflag:s23], $0x400  }
0x57: {  	[sflag:s23] =	ssyncset.done $0x0  }
0x58: {  	[sflag:s23] =	ssyncadd.s32 $0xFFFFFC00  }
0x59: {  	_ =	swait.ge [sflag:s23], $0x400  }
0x5a: {  	[sflag:s23] =	ssyncset.done $0x0  }
0x5b: {  	[sflag:s23] =	ssyncadd.s32 $0xFFFFFC00  }
0x5c: {  	_ =	swait.ge [sflag:s23], $0x400  }
0x5d: {  	[sflag:s23] =	ssyncset.done $0x0  }
0x5e: {  	[sflag:s23] =	ssyncadd.s32 $0xFFFFFC00  }
0x5f: {  	_ =	swait.ge [sflag:s23], $0x400  }
0x60: {  	[sflag:s23] =	ssyncset.done $0x0  }
0x61: {  	[sflag:s23] =	ssyncadd.s32 $0xFFFFFC00  }
0x62: {  	_ =	swait.ge [sflag:s23], $0x400  }
0x63: {  	[sflag:s23] =	ssyncset.done $0x0  }
0x64: {  	[sflag:s23] =	ssyncadd.s32 $0xFFFFFC00  }
0x65: {  	_ =	swait.ge [sflag:s23], $0x400  }
0x66: {  	[sflag:s23] =	ssyncset.done $0x0  }
0x67: {  	[sflag:s23] =	ssyncadd.s32 $0xFFFFFC00  }
0x68: {  	_ =	swait.ge [sflag:s23], $0x400  }
0x69: {  	[sflag:s23] =	ssyncset.done $0x0  }
0x6a: {  	[sflag:s23] =	ssyncadd.s32 $0xFFFFFC00  }
0x6b: {  	_ =	swait.ge [sflag:s23], $0x400  }
0x6c: {  	[sflag:s23] =	ssyncset.done $0x0  }
0x6d: {  	[sflag:s23] =	ssyncadd.s32 $0xFFFFFC00  }
0x6e: {  	_ =	swait.ge [sflag:s23], $0x400  }
0x6f: {  	[sflag:s23] =	ssyncset.done $0x0  }
0x70: {  	s22 =	rddreg [dreg:$0x8];
	[sflag:s23] =	ssyncadd.s32 $0xFFFFFC00  }
0x71: {  	[hbm4b:s22+s3] =	stream.linear.scatter [tilespmem:s18], [sflag:$0x3], $0x4000, $0x38;
	[tilespmem:$0x9000] =	vst v63  }
0x72: {  	_ =	swait.ge [sflag:s15], $0x800  }
0x73: {  	[sflag:s15] =	ssyncset.done $0x0  }
0x74: {  	s25 =	rddreg [dreg:$0x9];
	[sflag:s15] =	ssyncadd.s32 $0xFFFFF800  }
0x75: {  	[tilespmem:s3], [sflag:$0x1] =	stream.linear.gather [hbm4b:s25+s3], $0x800, $0x38;
	[tilespmem:$0x9000] =	vst v63  }
0x76: {  	_ = 	snop  }
0x77: {  	[tilespmem:s24], [sflag:$0x2] =	stream.indirect.gather [hbm4b:s1+s17], $0x8, s16, s17, $0xb8;
	[tilespmem:$0x9000] =	vst v63  }
0x78: {  	s12 =	simm.s32 $0x880;
	s21 =	simm.s32 $0x5400  }
0x79: {  	[tilespmem:s21], [sflag:$0x2] =	stream.indirect.gather [hbm4b:s1+s17], $0x8, s12, s17, $0xb8;
	[tilespmem:$0x9000] =	vst v63  }
0x7a: {  	s14 =	simm.s32 $0x900;
	s25 =	simm.s32 $0x5800  }
0x7b: {  	[tilespmem:s25], [sflag:$0x2] =	stream.indirect.gather [hbm4b:s1+s17], $0x8, s14, s17, $0xb8;
	[tilespmem:$0x9000] =	vst v63  }
0x7c: {  	s29 =	simm.s32 $0x5C00;
	s20 =	simm.s32 $0x980  }
0x7d: {  	[tilespmem:s29], [sflag:$0x2] =	stream.indirect.gather [hbm4b:s1+s17], $0x8, s20, s17, $0xb8;
	[tilespmem:$0x9000] =	vst v63  }
0x7e: {  	s26 =	simm.s32 $0x6000;
	s22 =	simm.s32 $0xA00  }
0x7f: {  	[tilespmem:s26], [sflag:$0x2] =	stream.indirect.gather [hbm4b:s1+s17], $0x8, s22, s17, $0xb8;
	[tilespmem:$0x9000] =	vst v63  }
0x80: {  	s5 =	simm.s32 $0x6400;
	s26 =	simm.s32 $0xA80  }
0x81: {  	[tilespmem:s5], [sflag:$0x2] =	stream.indirect.gather [hbm4b:s1+s17], $0x8, s26, s17, $0xb8;
	[tilespmem:$0x9000] =	vst v63  }
0x82: {  	s31 =	simm.s32 $0xB00;
	s5 =	simm.s32 $0x6800  }
0x83: {  	[tilespmem:s5], [sflag:$0x2] =	stream.indirect.gather [hbm4b:s1+s17], $0x8, s31, s17, $0xb8;
	[tilespmem:$0x9000] =	vst v63  }
0x84: {  	s2 =	simm.s32 $0xB80;
	s5 =	simm.s32 $0x6C00  }
0x85: {  	[tilespmem:s5], [sflag:$0x2] =	stream.indirect.gather [hbm4b:s1+s17], $0x8, s2, s17, $0xb8;
	[tilespmem:$0x9000] =	vst v63  }
0x86: {  	s2 =	simm.s32 $0xC00;
	s5 =	simm.s32 $0x7000  }
0x87: {  	[tilespmem:s5], [sflag:$0x2] =	stream.indirect.gather [hbm4b:s1+s17], $0x8, s2, s17, $0xb8;
	[tilespmem:$0x9000] =	vst v63  }
0x88: {  	s2 =	simm.s32 $0xC80;
	s5 =	simm.s32 $0x7400  }
0x89: {  	[tilespmem:s5], [sflag:$0x2] =	stream.indirect.gather [hbm4b:s1+s17], $0x8, s2, s17, $0xb8;
	[tilespmem:$0x9000] =	vst v63  }
0x8a: {  	s2 =	simm.s32 $0xD00;
	s5 =	simm.s32 $0x7800  }
0x8b: {  	[tilespmem:s5], [sflag:$0x2] =	stream.indirect.gather [hbm4b:s1+s17], $0x8, s2, s17, $0xb8;
	[tilespmem:$0x9000] =	vst v63  }
0x8c: {  	s2 =	simm.s32 $0xD80;
	s5 =	simm.s32 $0x7C00  }
0x8d: {  	[tilespmem:s5], [sflag:$0x2] =	stream.indirect.gather [hbm4b:s1+s17], $0x8, s2, s17, $0xb8;
	[tilespmem:$0x9000] =	vst v63  }
0x8e: {  	s2 =	simm.s32 $0xE00;
	s5 =	simm.s32 $0x8000  }
0x8f: {  	[tilespmem:s5], [sflag:$0x2] =	stream.indirect.gather [hbm4b:s1+s17], $0x8, s2, s17, $0xb8;
	[tilespmem:$0x9000] =	vst v63  }
0x90: {  	s2 =	simm.s32 $0xE80;
	s5 =	simm.s32 $0x8400  }
0x91: {  	[tilespmem:s5], [sflag:$0x2] =	stream.indirect.gather [hbm4b:s1+s17], $0x8, s2, s17, $0xb8;
	[tilespmem:$0x9000] =	vst v63  }
0x92: {  	s2 =	simm.s32 $0xF00;
	s5 =	simm.s32 $0x8800  }
0x93: {  	[tilespmem:s5], [sflag:$0x2] =	stream.indirect.gather [hbm4b:s1+s17], $0x8, s2, s17, $0xb8;
	[tilespmem:$0x9000] =	vst v63  }
0x94: {  	s2 =	simm.s32 $0xF80;
	s5 =	simm.s32 $0x8C00  }
0x95: {  	[tilespmem:s5], [sflag:$0x2] =	stream.indirect.gather [hbm4b:s1+s17], $0x8, s2, s17, $0xb8;
	[tilespmem:$0x9000] =	vst v63  }
0x96: {  	_ =	swait.ge [sflag:s23], $0x400  }
0x97: {  	[sflag:s23] =	ssyncset.done $0x0  }
0x98: {  	[sflag:s23] =	ssyncadd.s32 $0xFFFFFC00  }
0x99: {  	_ =	swait.ge [sflag:s23], $0x400  }
0x9a: {  	[sflag:s23] =	ssyncset.done $0x0  }
0x9b: {  	[sflag:s23] =	ssyncadd.s32 $0xFFFFFC00  }
0x9c: {  	_ =	swait.ge [sflag:s23], $0x400  }
0x9d: {  	[sflag:s23] =	ssyncset.done $0x0  }
0x9e: {  	[sflag:s23] =	ssyncadd.s32 $0xFFFFFC00  }
0x9f: {  	_ =	swait.ge [sflag:s23], $0x400  }
0xa0: {  	[sflag:s23] =	ssyncset.done $0x0  }
0xa1: {  	[sflag:s23] =	ssyncadd.s32 $0xFFFFFC00  }
0xa2: {  	_ =	swait.ge [sflag:s23], $0x400  }
0xa3: {  	[sflag:s23] =	ssyncset.done $0x0  }
0xa4: {  	[sflag:s23] =	ssyncadd.s32 $0xFFFFFC00  }
0xa5: {  	_ =	swait.ge [sflag:s23], $0x400  }
0xa6: {  	[sflag:s23] =	ssyncset.done $0x0  }
0xa7: {  	[sflag:s23] =	ssyncadd.s32 $0xFFFFFC00  }
0xa8: {  	_ =	swait.ge [sflag:s23], $0x400  }
0xa9: {  	[sflag:s23] =	ssyncset.done $0x0  }
0xaa: {  	[sflag:s23] =	ssyncadd.s32 $0xFFFFFC00  }
0xab: {  	_ =	swait.ge [sflag:s23], $0x400  }
0xac: {  	[sflag:s23] =	ssyncset.done $0x0  }
0xad: {  	[sflag:s23] =	ssyncadd.s32 $0xFFFFFC00  }
0xae: {  	_ =	swait.ge [sflag:s23], $0x400  }
0xaf: {  	[sflag:s23] =	ssyncset.done $0x0  }
0xb0: {  	[sflag:s23] =	ssyncadd.s32 $0xFFFFFC00  }
0xb1: {  	_ =	swait.ge [sflag:s23], $0x400  }
0xb2: {  	[sflag:s23] =	ssyncset.done $0x0  }
0xb3: {  	[sflag:s23] =	ssyncadd.s32 $0xFFFFFC00  }
0xb4: {  	_ =	swait.ge [sflag:s23], $0x400  }
0xb5: {  	[sflag:s23] =	ssyncset.done $0x0  }
0xb6: {  	[sflag:s23] =	ssyncadd.s32 $0xFFFFFC00  }
0xb7: {  	_ =	swait.ge [sflag:s23], $0x400  }
0xb8: {  	[sflag:s23] =	ssyncset.done $0x0  }
0xb9: {  	[sflag:s23] =	ssyncadd.s32 $0xFFFFFC00  }
0xba: {  	_ =	swait.ge [sflag:s23], $0x400  }
0xbb: {  	[sflag:s23] =	ssyncset.done $0x0  }
0xbc: {  	[sflag:s23] =	ssyncadd.s32 $0xFFFFFC00  }
0xbd: {  	_ =	swait.ge [sflag:s23], $0x400  }
0xbe: {  	[sflag:s23] =	ssyncset.done $0x0  }
0xbf: {  	[sflag:s23] =	ssyncadd.s32 $0xFFFFFC00  }
0xc0: {  	_ =	swait.ge [sflag:s23], $0x400  }
0xc1: {  	[sflag:s23] =	ssyncset.done $0x0  }
0xc2: {  	[sflag:s23] =	ssyncadd.s32 $0xFFFFFC00  }
0xc3: {  	_ =	swait.ge [sflag:s23], $0x400  }
0xc4: {  	[sflag:s23] =	ssyncset.done $0x0  }
0xc5: {  	s2 =	rddreg [dreg:$0xa];
	[sflag:s23] =	ssyncadd.s32 $0xFFFFFC00  }
0xc6: {  	[hbm4b:s2+s3] =	stream.linear.scatter [tilespmem:s24], [sflag:$0x3], $0x4000, $0x38;
	[tilespmem:$0x9000] =	vst v63  }
0xc7: {  	_ =	swait.ge [sflag:s15], $0x800  }
0xc8: {  	s2 =	rddreg [dreg:$0x5];
	[sflag:s15] =	ssyncset.done $0x0  }
0xc9: {  	[sflag:s15] =	ssyncadd.s32 $0xFFFFF800;
	s5 =	sadd.s32 $0x0, s2  }
0xca: {  	[tilespmem:s16], [sflag:$0x1] =	stream.linear.gather [hbm4b:s5+s3], $0x800, $0x38;
	[tilespmem:$0x9000] =	vst v63  }
0xcb: {  	_ =	swait.ge [sflag:s0], $0x4000  }
0xcc: {  	[sflag:s0] =	ssyncset.done $0x0  }
0xcd: {  	[sflag:s0] =	ssyncadd.s32 $0xFFFFC000  }
0xce: {  	[tilespmem:s18], [sflag:$0x2] =	stream.indirect.gather [hbm4b:s1+s17], $0x8, s3, s17, $0xb8;
	[tilespmem:$0x9000] =	vst v63  }
0xcf: {  	_ = 	snop  }
0xd0: {  	[tilespmem:s4], [sflag:$0x2] =	stream.indirect.gather [hbm4b:s1+s17], $0x8, s17, s17, $0xb8;
	[tilespmem:$0x9000] =	vst v63  }
0xd1: {  	_ = 	snop  }
0xd2: {  	[tilespmem:s8], [sflag:$0x2] =	stream.indirect.gather [hbm4b:s1+s17], $0x8, s13, s17, $0xb8;
	[tilespmem:$0x9000] =	vst v63  }
0xd3: {  	_ = 	snop  }
0xd4: {  	[tilespmem:s10], [sflag:$0x2] =	stream.indirect.gather [hbm4b:s1+s17], $0x8, s19, s17, $0xb8;
	[tilespmem:$0x9000] =	vst v63  }
0xd5: {  	_ = 	snop  }
0xd6: {  	[tilespmem:s6], [sflag:$0x2] =	stream.indirect.gather [hbm4b:s1+s17], $0x8, s28, s17, $0xb8;
	[tilespmem:$0x9000] =	vst v63  }
0xd7: {  	_ = 	snop  }
0xd8: {  	[tilespmem:s7], [sflag:$0x2] =	stream.indirect.gather [hbm4b:s1+s17], $0x8, s30, s17, $0xb8;
	[tilespmem:$0x9000] =	vst v63  }
0xd9: {  	s8 =	simm.s32 $0x300  }
0xda: {  	[tilespmem:s9], [sflag:$0x2] =	stream.indirect.gather [hbm4b:s1+s17], $0x8, s8, s17, $0xb8;
	[tilespmem:$0x9000] =	vst v63  }
0xdb: {  	s10 =	simm.s32 $0x2C00;
	s9 =	simm.s32 $0x380  }
0xdc: {  	[tilespmem:s10], [sflag:$0x2] =	stream.indirect.gather [hbm4b:s1+s17], $0x8, s9, s17, $0xb8;
	[tilespmem:$0x9000] =	vst v63  }
0xdd: {  	s13 =	simm.s32 $0x400;
	s19 =	simm.s32 $0x3000  }
0xde: {  	[tilespmem:s19], [sflag:$0x2] =	stream.indirect.gather [hbm4b:s1+s17], $0x8, s13, s17, $0xb8;
	[tilespmem:$0x9000] =	vst v63  }
0xdf: {  	s6 =	simm.s32 $0x480;
	s7 =	simm.s32 $0x3400  }
0xe0: {  	[tilespmem:s7], [sflag:$0x2] =	stream.indirect.gather [hbm4b:s1+s17], $0x8, s6, s17, $0xb8;
	[tilespmem:$0x9000] =	vst v63  }
0xe1: {  	s8 =	simm.s32 $0x500;
	s9 =	simm.s32 $0x3800  }
0xe2: {  	[tilespmem:s9], [sflag:$0x2] =	stream.indirect.gather [hbm4b:s1+s17], $0x8, s8, s17, $0xb8;
	[tilespmem:$0x9000] =	vst v63  }
0xe3: {  	s10 =	simm.s32 $0x580  }
0xe4: {  	[tilespmem:s11], [sflag:$0x2] =	stream.indirect.gather [hbm4b:s1+s17], $0x8, s10, s17, $0xb8;
	[tilespmem:$0x9000] =	vst v63  }
0xe5: {  	s13 =	simm.s32 $0x600;
	s19 =	simm.s32 $0x4000  }
0xe6: {  	[tilespmem:s19], [sflag:$0x2] =	stream.indirect.gather [hbm4b:s1+s17], $0x8, s13, s17, $0xb8;
	[tilespmem:$0x9000] =	vst v63  }
0xe7: {  	s7 =	simm.s32 $0x680;
	s8 =	simm.s32 $0x4400  }
0xe8: {  	[tilespmem:s8], [sflag:$0x2] =	stream.indirect.gather [hbm4b:s1+s17], $0x8, s7, s17, $0xb8;
	[tilespmem:$0x9000] =	vst v63  }
0xe9: {  	s9 =	simm.s32 $0x700;
	s10 =	simm.s32 $0x4800  }
0xea: {  	[tilespmem:s10], [sflag:$0x2] =	stream.indirect.gather [hbm4b:s1+s17], $0x8, s9, s17, $0xb8;
	[tilespmem:$0x9000] =	vst v63  }
0xeb: {  	s11 =	simm.s32 $0x780;
	s13 =	simm.s32 $0x4C00  }
0xec: {  	[tilespmem:s13], [sflag:$0x2] =	stream.indirect.gather [hbm4b:s1+s17], $0x8, s11, s17, $0xb8;
	[tilespmem:$0x9000] =	vst v63  }
0xed: {  	_ =	swait.ge [sflag:s23], $0x400  }
0xee: {  	[sflag:s23] =	ssyncset.done $0x0  }
0xef: {  	[sflag:s23] =	ssyncadd.s32 $0xFFFFFC00  }
0xf0: {  	_ =	swait.ge [sflag:s23], $0x400  }
0xf1: {  	[sflag:s23] =	ssyncset.done $0x0  }
0xf2: {  	[sflag:s23] =	ssyncadd.s32 $0xFFFFFC00  }
0xf3: {  	_ =	swait.ge [sflag:s23], $0x400  }
0xf4: {  	[sflag:s23] =	ssyncset.done $0x0  }
0xf5: {  	[sflag:s23] =	ssyncadd.s32 $0xFFFFFC00  }
0xf6: {  	_ =	swait.ge [sflag:s23], $0x400  }
0xf7: {  	[sflag:s23] =	ssyncset.done $0x0  }
0xf8: {  	[sflag:s23] =	ssyncadd.s32 $0xFFFFFC00  }
0xf9: {  	_ =	swait.ge [sflag:s23], $0x400  }
0xfa: {  	[sflag:s23] =	ssyncset.done $0x0  }
0xfb: {  	[sflag:s23] =	ssyncadd.s32 $0xFFFFFC00  }
0xfc: {  	_ =	swait.ge [sflag:s23], $0x400  }
0xfd: {  	[sflag:s23] =	ssyncset.done $0x0  }
0xfe: {  	[sflag:s23] =	ssyncadd.s32 $0xFFFFFC00  }
0xff: {  	_ =	swait.ge [sflag:s23], $0x400  }
0x100: {  	[sflag:s23] =	ssyncset.done $0x0  }
0x101: {  	[sflag:s23] =	ssyncadd.s32 $0xFFFFFC00  }
0x102: {  	_ =	swait.ge [sflag:s23], $0x400  }
0x103: {  	[sflag:s23] =	ssyncset.done $0x0  }
0x104: {  	[sflag:s23] =	ssyncadd.s32 $0xFFFFFC00  }
0x105: {  	_ =	swait.ge [sflag:s23], $0x400  }
0x106: {  	[sflag:s23] =	ssyncset.done $0x0  }
0x107: {  	[sflag:s23] =	ssyncadd.s32 $0xFFFFFC00  }
0x108: {  	_ =	swait.ge [sflag:s23], $0x400  }
0x109: {  	[sflag:s23] =	ssyncset.done $0x0  }
0x10a: {  	[sflag:s23] =	ssyncadd.s32 $0xFFFFFC00  }
0x10b: {  	_ =	swait.ge [sflag:s23], $0x400  }
0x10c: {  	[sflag:s23] =	ssyncset.done $0x0  }
0x10d: {  	[sflag:s23] =	ssyncadd.s32 $0xFFFFFC00  }
0x10e: {  	_ =	swait.ge [sflag:s23], $0x400  }
0x10f: {  	[sflag:s23] =	ssyncset.done $0x0  }
0x110: {  	[sflag:s23] =	ssyncadd.s32 $0xFFFFFC00  }
0x111: {  	_ =	swait.ge [sflag:s23], $0x400  }
0x112: {  	[sflag:s23] =	ssyncset.done $0x0  }
0x113: {  	[sflag:s23] =	ssyncadd.s32 $0xFFFFFC00  }
0x114: {  	_ =	swait.ge [sflag:s23], $0x400  }
0x115: {  	[sflag:s23] =	ssyncset.done $0x0  }
0x116: {  	[sflag:s23] =	ssyncadd.s32 $0xFFFFFC00  }
0x117: {  	_ =	swait.ge [sflag:s23], $0x400  }
0x118: {  	[sflag:s23] =	ssyncset.done $0x0  }
0x119: {  	[sflag:s23] =	ssyncadd.s32 $0xFFFFFC00  }
0x11a: {  	_ =	swait.ge [sflag:s23], $0x400  }
0x11b: {  	[sflag:s23] =	ssyncset.done $0x0  }
0x11c: {  	s6 =	rddreg [dreg:$0xf];
	[sflag:s23] =	ssyncadd.s32 $0xFFFFFC00  }
0x11d: {  	[hbm4b:s6+s3] =	stream.linear.scatter [tilespmem:s18], [sflag:$0x3], $0x4000, $0x38;
	[tilespmem:$0x9000] =	vst v63  }
0x11e: {  	_ =	swait.ge [sflag:s15], $0x800  }
0x11f: {  	s19 =	rddreg [dreg:$0x4];
	[sflag:s15] =	ssyncset.done $0x0  }
0x120: {  	[sflag:s15] =	ssyncadd.s32 $0xFFFFF800;
	s5 =	sadd.s32 $0x0, s19  }
0x121: {  	[tilespmem:s3], [sflag:$0x1] =	stream.linear.gather [hbm4b:s5+s3], $0x800, $0x38;
	[tilespmem:$0x9000] =	vst v63  }
0x122: {  	_ =	swait.ge [sflag:s0], $0x4000  }
0x123: {  	[sflag:s0] =	ssyncset.done $0x0  }
0x124: {  	[sflag:s0] =	ssyncadd.s32 $0xFFFFC000  }
0x125: {  	[tilespmem:s24], [sflag:$0x2] =	stream.indirect.gather [hbm4b:s1+s17], $0x8, s16, s17, $0xb8;
	[tilespmem:$0x9000] =	vst v63  }
0x126: {  	_ = 	snop  }
0x127: {  	[tilespmem:s21], [sflag:$0x2] =	stream.indirect.gather [hbm4b:s1+s17], $0x8, s12, s17, $0xb8;
	[tilespmem:$0x9000] =	vst v63  }
0x128: {  	_ = 	snop  }
0x129: {  	[tilespmem:s25], [sflag:$0x2] =	stream.indirect.gather [hbm4b:s1+s17], $0x8, s14, s17, $0xb8;
	[tilespmem:$0x9000] =	vst v63  }
0x12a: {  	_ = 	snop  }
0x12b: {  	[tilespmem:s29], [sflag:$0x2] =	stream.indirect.gather [hbm4b:s1+s17], $0x8, s20, s17, $0xb8;
	[tilespmem:$0x9000] =	vst v63  }
0x12c: {  	s7 =	simm.s32 $0x6000  }
0x12d: {  	[tilespmem:s7], [sflag:$0x2] =	stream.indirect.gather [hbm4b:s1+s17], $0x8, s22, s17, $0xb8;
	[tilespmem:$0x9000] =	vst v63  }
0x12e: {  	s8 =	simm.s32 $0x6400  }
0x12f: {  	[tilespmem:s8], [sflag:$0x2] =	stream.indirect.gather [hbm4b:s1+s17], $0x8, s26, s17, $0xb8;
	[tilespmem:$0x9000] =	vst v63  }
0x130: {  	s9 =	simm.s32 $0x6800  }
0x131: {  	[tilespmem:s9], [sflag:$0x2] =	stream.indirect.gather [hbm4b:s1+s17], $0x8, s31, s17, $0xb8;
	[tilespmem:$0x9000] =	vst v63  }
0x132: {  	s10 =	simm.s32 $0xB80;
	s11 =	simm.s32 $0x6C00  }
0x133: {  	[tilespmem:s11], [sflag:$0x2] =	stream.indirect.gather [hbm4b:s1+s17], $0x8, s10, s17, $0xb8;
	[tilespmem:$0x9000] =	vst v63  }
0x134: {  	s8 =	simm.s32 $0xC00;
	s9 =	simm.s32 $0x7000  }
0x135: {  	[tilespmem:s9], [sflag:$0x2] =	stream.indirect.gather [hbm4b:s1+s17], $0x8, s8, s17, $0xb8;
	[tilespmem:$0x9000] =	vst v63  }
0x136: {  	s10 =	simm.s32 $0xC80;
	s11 =	simm.s32 $0x7400  }
0x137: {  	[tilespmem:s11], [sflag:$0x2] =	stream.indirect.gather [hbm4b:s1+s17], $0x8, s10, s17, $0xb8;
	[tilespmem:$0x9000] =	vst v63  }
0x138: {  	s8 =	simm.s32 $0xD00;
	s9 =	simm.s32 $0x7800  }
0x139: {  	[tilespmem:s9], [sflag:$0x2] =	stream.indirect.gather [hbm4b:s1+s17], $0x8, s8, s17, $0xb8;
	[tilespmem:$0x9000] =	vst v63  }
0x13a: {  	s10 =	simm.s32 $0xD80;
	s11 =	simm.s32 $0x7C00  }
0x13b: {  	[tilespmem:s11], [sflag:$0x2] =	stream.indirect.gather [hbm4b:s1+s17], $0x8, s10, s17, $0xb8;
	[tilespmem:$0x9000] =	vst v63  }
0x13c: {  	s8 =	simm.s32 $0xE00;
	s9 =	simm.s32 $0x8000  }
0x13d: {  	[tilespmem:s9], [sflag:$0x2] =	stream.indirect.gather [hbm4b:s1+s17], $0x8, s8, s17, $0xb8;
	[tilespmem:$0x9000] =	vst v63  }
0x13e: {  	s10 =	simm.s32 $0xE80;
	s11 =	simm.s32 $0x8400  }
0x13f: {  	[tilespmem:s11], [sflag:$0x2] =	stream.indirect.gather [hbm4b:s1+s17], $0x8, s10, s17, $0xb8;
	[tilespmem:$0x9000] =	vst v63  }
0x140: {  	s8 =	simm.s32 $0xF00;
	s9 =	simm.s32 $0x8800  }
0x141: {  	[tilespmem:s9], [sflag:$0x2] =	stream.indirect.gather [hbm4b:s1+s17], $0x8, s8, s17, $0xb8;
	[tilespmem:$0x9000] =	vst v63  }
0x142: {  	s10 =	simm.s32 $0xF80;
	s11 =	simm.s32 $0x8C00  }
0x143: {  	[tilespmem:s11], [sflag:$0x2] =	stream.indirect.gather [hbm4b:s1+s17], $0x8, s10, s17, $0xb8;
	[tilespmem:$0x9000] =	vst v63  }
0x144: {  	_ =	swait.ge [sflag:s23], $0x400  }
0x145: {  	[sflag:s23] =	ssyncset.done $0x0  }
0x146: {  	[sflag:s23] =	ssyncadd.s32 $0xFFFFFC00  }
0x147: {  	_ =	swait.ge [sflag:s23], $0x400  }
0x148: {  	[sflag:s23] =	ssyncset.done $0x0  }
0x149: {  	[sflag:s23] =	ssyncadd.s32 $0xFFFFFC00  }
0x14a: {  	_ =	swait.ge [sflag:s23], $0x400  }
0x14b: {  	[sflag:s23] =	ssyncset.done $0x0  }
0x14c: {  	[sflag:s23] =	ssyncadd.s32 $0xFFFFFC00  }
0x14d: {  	_ =	swait.ge [sflag:s23], $0x400  }
0x14e: {  	[sflag:s23] =	ssyncset.done $0x0  }
0x14f: {  	[sflag:s23] =	ssyncadd.s32 $0xFFFFFC00  }
0x150: {  	_ =	swait.ge [sflag:s23], $0x400  }
0x151: {  	[sflag:s23] =	ssyncset.done $0x0  }
0x152: {  	[sflag:s23] =	ssyncadd.s32 $0xFFFFFC00  }
0x153: {  	_ =	swait.ge [sflag:s23], $0x400  }
0x154: {  	[sflag:s23] =	ssyncset.done $0x0  }
0x155: {  	[sflag:s23] =	ssyncadd.s32 $0xFFFFFC00  }
0x156: {  	_ =	swait.ge [sflag:s23], $0x400  }
0x157: {  	[sflag:s23] =	ssyncset.done $0x0  }
0x158: {  	[sflag:s23] =	ssyncadd.s32 $0xFFFFFC00  }
0x159: {  	_ =	swait.ge [sflag:s23], $0x400  }
0x15a: {  	[sflag:s23] =	ssyncset.done $0x0  }
0x15b: {  	[sflag:s23] =	ssyncadd.s32 $0xFFFFFC00  }
0x15c: {  	_ =	swait.ge [sflag:s23], $0x400  }
0x15d: {  	[sflag:s23] =	ssyncset.done $0x0  }
0x15e: {  	[sflag:s23] =	ssyncadd.s32 $0xFFFFFC00  }
0x15f: {  	_ =	swait.ge [sflag:s23], $0x400  }
0x160: {  	[sflag:s23] =	ssyncset.done $0x0  }
0x161: {  	[sflag:s23] =	ssyncadd.s32 $0xFFFFFC00  }
0x162: {  	_ =	swait.ge [sflag:s23], $0x400  }
0x163: {  	[sflag:s23] =	ssyncset.done $0x0  }
0x164: {  	[sflag:s23] =	ssyncadd.s32 $0xFFFFFC00  }
0x165: {  	_ =	swait.ge [sflag:s23], $0x400  }
0x166: {  	[sflag:s23] =	ssyncset.done $0x0  }
0x167: {  	[sflag:s23] =	ssyncadd.s32 $0xFFFFFC00  }
0x168: {  	_ =	swait.ge [sflag:s23], $0x400  }
0x169: {  	[sflag:s23] =	ssyncset.done $0x0  }
0x16a: {  	s2 =	simm.s32 $0x3400;
	[sflag:s23] =	ssyncadd.s32 $0xFFFFFC00  }
0x16b: {  	s4 =	simm.s32 $0x1800;
	s28 =	simm.s32 $0x5C00;
	_ =	swait.ge [sflag:s23], $0x400  }
0x16c: {  	s30 =	simm.s32 $0xA00;
	s13 =	simm.s32 $0x5400;
	[sflag:s23] =	ssyncset.done $0x0  }
0x16d: {  	s6 =	sadd.s32 $0x1000, s6;
	s19 =	simm.s32 $0x900;
	[sflag:s23] =	ssyncadd.s32 $0xFFFFFC00  }
0x16e: {  	s5 =	simm.s32 $0x200;
	s21 =	simm.s32 $0x5800;
	_ =	swait.ge [sflag:s23], $0x400  }
0x16f: {  	s12 =	simm.s32 $0x6C00;
	s25 =	simm.s32 $0x980;
	[sflag:s23] =	ssyncset.done $0x0  }
0x170: {  	s14 =	simm.s32 $0x6000;
	s20 =	simm.s32 $0xA80;
	[sflag:s23] =	ssyncadd.s32 $0xFFFFFC00  }
0x171: {  	s29 =	simm.s32 $0x6800;
	s22 =	simm.s32 $0x6400;
	_ =	swait.ge [sflag:s23], $0x400  }
0x172: {  	s26 =	simm.s32 $0xB00;
	[sflag:s23] =	ssyncset.done $0x0;
	s8 =	rddreg [dreg:$0x10]  }
0x173: {  	s31 =	simm.s32 $0xB80;
	[sflag:s23] =	ssyncadd.s32 $0xFFFFFC00;
	s7 =	sadd.s32 $0x1000, s8  }
.LBB2_2:
0x174: {  	[hbm4b:s8+s3] =	stream.linear.scatter [tilespmem:s24], [sflag:$0x3], $0x4000, $0x38;
	[tilespmem:$0x9000] =	vst v63  }
0x175: {  	_ =	swait.ge [sflag:s15], $0x800  }
0x176: {  	s9 =	smov.u32 s5;
	s10 =	rddreg [dreg:$0x5];
	[sflag:s15] =	ssyncset.done $0x0  }
0x177: {  	[sflag:s15] =	ssyncadd.s32 $0xFFFFF800;
	s10 =	sadd.s32 s9, s10  }
0x178: {  	[tilespmem:s16], [sflag:$0x1] =	stream.linear.gather [hbm4b:s10+s3], $0x800, $0x38;
	[tilespmem:$0x9000] =	vst v63  }
0x179: {  	_ =	swait.ge [sflag:s0], $0x4000  }
0x17a: {  	[sflag:s0] =	ssyncset.done $0x0  }
0x17b: {  	[sflag:s0] =	ssyncadd.s32 $0xFFFFC000  }
0x17c: {  	[tilespmem:s18], [sflag:$0x2] =	stream.indirect.gather [hbm4b:s1+s17], $0x8, s3, s17, $0xb8;
	[tilespmem:$0x9000] =	vst v63  }
0x17d: {  	s11 =	simm.s32 $0x1400  }
0x17e: {  	[tilespmem:s11], [sflag:$0x2] =	stream.indirect.gather [hbm4b:s1+s17], $0x8, s17, s17, $0xb8;
	[tilespmem:$0x9000] =	vst v63  }
0x17f: {  	s11 =	simm.s32 $0x100  }
0x180: {  	[tilespmem:s4], [sflag:$0x2] =	stream.indirect.gather [hbm4b:s1+s17], $0x8, s11, s17, $0xb8;
	[tilespmem:$0x9000] =	vst v63  }
0x181: {  	s10 =	simm.s32 $0x180;
	s11 =	simm.s32 $0x1C00  }
0x182: {  	[tilespmem:s11], [sflag:$0x2] =	stream.indirect.gather [hbm4b:s1+s17], $0x8, s10, s17, $0xb8;
	[tilespmem:$0x9000] =	vst v63  }
0x183: {  	s10 =	simm.s32 $0x200;
	s11 =	simm.s32 $0x2000  }
0x184: {  	[tilespmem:s11], [sflag:$0x2] =	stream.indirect.gather [hbm4b:s1+s17], $0x8, s10, s17, $0xb8;
	[tilespmem:$0x9000] =	vst v63  }
0x185: {  	s10 =	simm.s32 $0x280;
	s11 =	simm.s32 $0x2400  }
0x186: {  	[tilespmem:s11], [sflag:$0x2] =	stream.indirect.gather [hbm4b:s1+s17], $0x8, s10, s17, $0xb8;
	[tilespmem:$0x9000] =	vst v63  }
0x187: {  	s10 =	simm.s32 $0x300;
	s11 =	simm.s32 $0x2800  }
0x188: {  	[tilespmem:s11], [sflag:$0x2] =	stream.indirect.gather [hbm4b:s1+s17], $0x8, s10, s17, $0xb8;
	[tilespmem:$0x9000] =	vst v63  }
0x189: {  	s10 =	simm.s32 $0x380;
	s11 =	simm.s32 $0x2C00  }
0x18a: {  	[tilespmem:s11], [sflag:$0x2] =	stream.indirect.gather [hbm4b:s1+s17], $0x8, s10, s17, $0xb8;
	[tilespmem:$0x9000] =	vst v63  }
0x18b: {  	s10 =	simm.s32 $0x400;
	s11 =	simm.s32 $0x3000  }
0x18c: {  	[tilespmem:s11], [sflag:$0x2] =	stream.indirect.gather [hbm4b:s1+s17], $0x8, s10, s17, $0xb8;
	[tilespmem:$0x9000] =	vst v63  }
0x18d: {  	s11 =	simm.s32 $0x480  }
0x18e: {  	[tilespmem:s2], [sflag:$0x2] =	stream.indirect.gather [hbm4b:s1+s17], $0x8, s11, s17, $0xb8;
	[tilespmem:$0x9000] =	vst v63  }
0x18f: {  	s10 =	simm.s32 $0x500;
	s11 =	simm.s32 $0x3800  }
0x190: {  	[tilespmem:s11], [sflag:$0x2] =	stream.indirect.gather [hbm4b:s1+s17], $0x8, s10, s17, $0xb8;
	[tilespmem:$0x9000] =	vst v63  }
0x191: {  	s10 =	simm.s32 $0x580;
	s11 =	simm.s32 $0x3C00  }
0x192: {  	[tilespmem:s11], [sflag:$0x2] =	stream.indirect.gather [hbm4b:s1+s17], $0x8, s10, s17, $0xb8;
	[tilespmem:$0x9000] =	vst v63  }
0x193: {  	s10 =	simm.s32 $0x600;
	s11 =	simm.s32 $0x4000  }
0x194: {  	[tilespmem:s11], [sflag:$0x2] =	stream.indirect.gather [hbm4b:s1+s17], $0x8, s10, s17, $0xb8;
	[tilespmem:$0x9000] =	vst v63  }
0x195: {  	s10 =	simm.s32 $0x680;
	s11 =	simm.s32 $0x4400  }
0x196: {  	[tilespmem:s11], [sflag:$0x2] =	stream.indirect.gather [hbm4b:s1+s17], $0x8, s10, s17, $0xb8;
	[tilespmem:$0x9000] =	vst v63  }
0x197: {  	s10 =	simm.s32 $0x700;
	s11 =	simm.s32 $0x4800  }
0x198: {  	[tilespmem:s11], [sflag:$0x2] =	stream.indirect.gather [hbm4b:s1+s17], $0x8, s10, s17, $0xb8;
	[tilespmem:$0x9000] =	vst v63  }
0x199: {  	s10 =	simm.s32 $0x780;
	s11 =	simm.s32 $0x4C00  }
0x19a: {  	[tilespmem:s11], [sflag:$0x2] =	stream.indirect.gather [hbm4b:s1+s17], $0x8, s10, s17, $0xb8;
	[tilespmem:$0x9000] =	vst v63  }
0x19b: {  	_ =	swait.ge [sflag:s23], $0x400  }
0x19c: {  	[sflag:s23] =	ssyncset.done $0x0  }
0x19d: {  	[sflag:s23] =	ssyncadd.s32 $0xFFFFFC00  }
0x19e: {  	_ =	swait.ge [sflag:s23], $0x400  }
0x19f: {  	[sflag:s23] =	ssyncset.done $0x0  }
0x1a0: {  	[sflag:s23] =	ssyncadd.s32 $0xFFFFFC00  }
0x1a1: {  	_ =	swait.ge [sflag:s23], $0x400  }
0x1a2: {  	[sflag:s23] =	ssyncset.done $0x0  }
0x1a3: {  	[sflag:s23] =	ssyncadd.s32 $0xFFFFFC00  }
0x1a4: {  	_ =	swait.ge [sflag:s23], $0x400  }
0x1a5: {  	[sflag:s23] =	ssyncset.done $0x0  }
0x1a6: {  	[sflag:s23] =	ssyncadd.s32 $0xFFFFFC00  }
0x1a7: {  	_ =	swait.ge [sflag:s23], $0x400  }
0x1a8: {  	[sflag:s23] =	ssyncset.done $0x0  }
0x1a9: {  	[sflag:s23] =	ssyncadd.s32 $0xFFFFFC00  }
0x1aa: {  	_ =	swait.ge [sflag:s23], $0x400  }
0x1ab: {  	[sflag:s23] =	ssyncset.done $0x0  }
0x1ac: {  	[sflag:s23] =	ssyncadd.s32 $0xFFFFFC00  }
0x1ad: {  	_ =	swait.ge [sflag:s23], $0x400  }
0x1ae: {  	[sflag:s23] =	ssyncset.done $0x0  }
0x1af: {  	[sflag:s23] =	ssyncadd.s32 $0xFFFFFC00  }
0x1b0: {  	_ =	swait.ge [sflag:s23], $0x400  }
0x1b1: {  	[sflag:s23] =	ssyncset.done $0x0  }
0x1b2: {  	[sflag:s23] =	ssyncadd.s32 $0xFFFFFC00  }
0x1b3: {  	_ =	swait.ge [sflag:s23], $0x400  }
0x1b4: {  	[sflag:s23] =	ssyncset.done $0x0  }
0x1b5: {  	[sflag:s23] =	ssyncadd.s32 $0xFFFFFC00  }
0x1b6: {  	_ =	swait.ge [sflag:s23], $0x400  }
0x1b7: {  	[sflag:s23] =	ssyncset.done $0x0  }
0x1b8: {  	[sflag:s23] =	ssyncadd.s32 $0xFFFFFC00  }
0x1b9: {  	_ =	swait.ge [sflag:s23], $0x400  }
0x1ba: {  	[sflag:s23] =	ssyncset.done $0x0  }
0x1bb: {  	[sflag:s23] =	ssyncadd.s32 $0xFFFFFC00  }
0x1bc: {  	_ =	swait.ge [sflag:s23], $0x400  }
0x1bd: {  	[sflag:s23] =	ssyncset.done $0x0  }
0x1be: {  	[sflag:s23] =	ssyncadd.s32 $0xFFFFFC00  }
0x1bf: {  	_ =	swait.ge [sflag:s23], $0x400  }
0x1c0: {  	[sflag:s23] =	ssyncset.done $0x0  }
0x1c1: {  	[sflag:s23] =	ssyncadd.s32 $0xFFFFFC00  }
0x1c2: {  	_ =	swait.ge [sflag:s23], $0x400  }
0x1c3: {  	[sflag:s23] =	ssyncset.done $0x0  }
0x1c4: {  	[sflag:s23] =	ssyncadd.s32 $0xFFFFFC00  }
0x1c5: {  	_ =	swait.ge [sflag:s23], $0x400  }
0x1c6: {  	[sflag:s23] =	ssyncset.done $0x0  }
0x1c7: {  	[sflag:s23] =	ssyncadd.s32 $0xFFFFFC00  }
0x1c8: {  	_ =	swait.ge [sflag:s23], $0x400  }
0x1c9: {  	[sflag:s23] =	ssyncset.done $0x0  }
0x1ca: {  	[sflag:s23] =	ssyncadd.s32 $0xFFFFFC00  }
0x1cb: {  	[hbm4b:s6+s3] =	stream.linear.scatter [tilespmem:s18], [sflag:$0x3], $0x4000, $0x38;
	[tilespmem:$0x9000] =	vst v63  }
0x1cc: {  	_ =	swait.ge [sflag:s15], $0x800  }
0x1cd: {  	s11 =	rddreg [dreg:$0x4];
	[sflag:s15] =	ssyncset.done $0x0  }
0x1ce: {  	[sflag:s15] =	ssyncadd.s32 $0xFFFFF800;
	s9 =	sadd.s32 s9, s11  }
0x1cf: {  	[tilespmem:s3], [sflag:$0x1] =	stream.linear.gather [hbm4b:s9+s3], $0x800, $0x38;
	[tilespmem:$0x9000] =	vst v63  }
0x1d0: {  	_ =	swait.ge [sflag:s0], $0x4000  }
0x1d1: {  	[sflag:s0] =	ssyncset.done $0x0  }
0x1d2: {  	[sflag:s0] =	ssyncadd.s32 $0xFFFFC000  }
0x1d3: {  	[tilespmem:s24], [sflag:$0x2] =	stream.indirect.gather [hbm4b:s1+s17], $0x8, s16, s17, $0xb8;
	[tilespmem:$0x9000] =	vst v63  }
0x1d4: {  	s11 =	simm.s32 $0x880  }
0x1d5: {  	[tilespmem:s13], [sflag:$0x2] =	stream.indirect.gather [hbm4b:s1+s17], $0x8, s11, s17, $0xb8;
	[tilespmem:$0x9000] =	vst v63  }
0x1d6: {  	_ = 	snop  }
0x1d7: {  	[tilespmem:s21], [sflag:$0x2] =	stream.indirect.gather [hbm4b:s1+s17], $0x8, s19, s17, $0xb8;
	[tilespmem:$0x9000] =	vst v63  }
0x1d8: {  	_ = 	snop  }
0x1d9: {  	[tilespmem:s28], [sflag:$0x2] =	stream.indirect.gather [hbm4b:s1+s17], $0x8, s25, s17, $0xb8;
	[tilespmem:$0x9000] =	vst v63  }
0x1da: {  	_ = 	snop  }
0x1db: {  	[tilespmem:s14], [sflag:$0x2] =	stream.indirect.gather [hbm4b:s1+s17], $0x8, s30, s17, $0xb8;
	[tilespmem:$0x9000] =	vst v63  }
0x1dc: {  	_ = 	snop  }
0x1dd: {  	[tilespmem:s22], [sflag:$0x2] =	stream.indirect.gather [hbm4b:s1+s17], $0x8, s20, s17, $0xb8;
	[tilespmem:$0x9000] =	vst v63  }
0x1de: {  	_ = 	snop  }
0x1df: {  	[tilespmem:s29], [sflag:$0x2] =	stream.indirect.gather [hbm4b:s1+s17], $0x8, s26, s17, $0xb8;
	[tilespmem:$0x9000] =	vst v63  }
0x1e0: {  	_ = 	snop  }
0x1e1: {  	[tilespmem:s12], [sflag:$0x2] =	stream.indirect.gather [hbm4b:s1+s17], $0x8, s31, s17, $0xb8;
	[tilespmem:$0x9000] =	vst v63  }
0x1e2: {  	s10 =	simm.s32 $0xC00;
	s11 =	simm.s32 $0x7000  }
0x1e3: {  	[tilespmem:s11], [sflag:$0x2] =	stream.indirect.gather [hbm4b:s1+s17], $0x8, s10, s17, $0xb8;
	[tilespmem:$0x9000] =	vst v63  }
0x1e4: {  	s10 =	simm.s32 $0xC80;
	s11 =	simm.s32 $0x7400  }
0x1e5: {  	[tilespmem:s11], [sflag:$0x2] =	stream.indirect.gather [hbm4b:s1+s17], $0x8, s10, s17, $0xb8;
	[tilespmem:$0x9000] =	vst v63  }
0x1e6: {  	s10 =	simm.s32 $0xD00;
	s11 =	simm.s32 $0x7800  }
0x1e7: {  	[tilespmem:s11], [sflag:$0x2] =	stream.indirect.gather [hbm4b:s1+s17], $0x8, s10, s17, $0xb8;
	[tilespmem:$0x9000] =	vst v63  }
0x1e8: {  	s10 =	simm.s32 $0xD80;
	s11 =	simm.s32 $0x7C00  }
0x1e9: {  	[tilespmem:s11], [sflag:$0x2] =	stream.indirect.gather [hbm4b:s1+s17], $0x8, s10, s17, $0xb8;
	[tilespmem:$0x9000] =	vst v63  }
0x1ea: {  	s10 =	simm.s32 $0xE00;
	s11 =	simm.s32 $0x8000  }
0x1eb: {  	[tilespmem:s11], [sflag:$0x2] =	stream.indirect.gather [hbm4b:s1+s17], $0x8, s10, s17, $0xb8;
	[tilespmem:$0x9000] =	vst v63  }
0x1ec: {  	s10 =	simm.s32 $0xE80;
	s11 =	simm.s32 $0x8400  }
0x1ed: {  	[tilespmem:s11], [sflag:$0x2] =	stream.indirect.gather [hbm4b:s1+s17], $0x8, s10, s17, $0xb8;
	[tilespmem:$0x9000] =	vst v63  }
0x1ee: {  	s10 =	simm.s32 $0xF00;
	s11 =	simm.s32 $0x8800  }
0x1ef: {  	[tilespmem:s11], [sflag:$0x2] =	stream.indirect.gather [hbm4b:s1+s17], $0x8, s10, s17, $0xb8;
	[tilespmem:$0x9000] =	vst v63  }
0x1f0: {  	s10 =	simm.s32 $0xF80;
	s11 =	simm.s32 $0x8C00  }
0x1f1: {  	[tilespmem:s11], [sflag:$0x2] =	stream.indirect.gather [hbm4b:s1+s17], $0x8, s10, s17, $0xb8;
	[tilespmem:$0x9000] =	vst v63  }
0x1f2: {  	_ =	swait.ge [sflag:s23], $0x400  }
0x1f3: {  	[sflag:s23] =	ssyncset.done $0x0  }
0x1f4: {  	[sflag:s23] =	ssyncadd.s32 $0xFFFFFC00  }
0x1f5: {  	_ =	swait.ge [sflag:s23], $0x400  }
0x1f6: {  	[sflag:s23] =	ssyncset.done $0x0  }
0x1f7: {  	[sflag:s23] =	ssyncadd.s32 $0xFFFFFC00  }
0x1f8: {  	_ =	swait.ge [sflag:s23], $0x400  }
0x1f9: {  	[sflag:s23] =	ssyncset.done $0x0  }
0x1fa: {  	[sflag:s23] =	ssyncadd.s32 $0xFFFFFC00  }
0x1fb: {  	_ =	swait.ge [sflag:s23], $0x400  }
0x1fc: {  	[sflag:s23] =	ssyncset.done $0x0  }
0x1fd: {  	[sflag:s23] =	ssyncadd.s32 $0xFFFFFC00  }
0x1fe: {  	_ =	swait.ge [sflag:s23], $0x400  }
0x1ff: {  	[sflag:s23] =	ssyncset.done $0x0  }
0x200: {  	[sflag:s23] =	ssyncadd.s32 $0xFFFFFC00  }
0x201: {  	_ =	swait.ge [sflag:s23], $0x400  }
0x202: {  	[sflag:s23] =	ssyncset.done $0x0  }
0x203: {  	[sflag:s23] =	ssyncadd.s32 $0xFFFFFC00  }
0x204: {  	_ =	swait.ge [sflag:s23], $0x400  }
0x205: {  	[sflag:s23] =	ssyncset.done $0x0  }
0x206: {  	[sflag:s23] =	ssyncadd.s32 $0xFFFFFC00  }
0x207: {  	_ =	swait.ge [sflag:s23], $0x400  }
0x208: {  	[sflag:s23] =	ssyncset.done $0x0  }
0x209: {  	[sflag:s23] =	ssyncadd.s32 $0xFFFFFC00  }
0x20a: {  	_ =	swait.ge [sflag:s23], $0x400  }
0x20b: {  	[sflag:s23] =	ssyncset.done $0x0  }
0x20c: {  	[sflag:s23] =	ssyncadd.s32 $0xFFFFFC00  }
0x20d: {  	_ =	swait.ge [sflag:s23], $0x400  }
0x20e: {  	[sflag:s23] =	ssyncset.done $0x0  }
0x20f: {  	[sflag:s23] =	ssyncadd.s32 $0xFFFFFC00  }
0x210: {  	_ =	swait.ge [sflag:s23], $0x400  }
0x211: {  	[sflag:s23] =	ssyncset.done $0x0  }
0x212: {  	[sflag:s23] =	ssyncadd.s32 $0xFFFFFC00  }
0x213: {  	_ =	swait.ge [sflag:s23], $0x400  }
0x214: {  	[sflag:s23] =	ssyncset.done $0x0  }
0x215: {  	[sflag:s23] =	ssyncadd.s32 $0xFFFFFC00  }
0x216: {  	_ =	swait.ge [sflag:s23], $0x400  }
0x217: {  	[sflag:s23] =	ssyncset.done $0x0  }
0x218: {  	[sflag:s23] =	ssyncadd.s32 $0xFFFFFC00  }
0x219: {  	_ =	swait.ge [sflag:s23], $0x400  }
0x21a: {  	[sflag:s23] =	ssyncset.done $0x0  }
0x21b: {  	[sflag:s23] =	ssyncadd.s32 $0xFFFFFC00  }
0x21c: {  	p0 =	sne.s32 s5, $0x2200;
	_ =	swait.ge [sflag:s23], $0x400  }
.Ltmp0:
0x21d: {  	[sflag:s23] =	ssyncset.done $0x0;
	(pc) =	sbr.rel @p0 .LBB2_2-.Ltmp0, $4  }
0x21e: {  	[sflag:s23] =	ssyncadd.s32 $0xFFFFFC00  }
0x21f: {  	_ =	swait.ge [sflag:s23], $0x400  }
0x220: {  	s8 =	smov.u32 s7;
	s5 =	sadd.s32 $0x200, s5;
	[sflag:s23] =	ssyncset.done $0x0  }
0x221: {  	s7 =	sadd.s32 $0x1000, s7;
	s6 =	sadd.s32 $0x1000, s6;
	[sflag:s23] =	ssyncadd.s32 $0xFFFFFC00  }
0x222: {  	[hbm4b:s8+s3] =	stream.linear.scatter [tilespmem:s24], [sflag:$0x3], $0x4000, $0x38;
	[tilespmem:$0x9000] =	vst v63  }
0x223: {  	_ =	swait.ge [sflag:s15], $0x800  }
0x224: {  	[sflag:s15] =	ssyncset.done $0x0  }
0x225: {  	s5 =	rddreg [dreg:$0xb];
	[sflag:s15] =	ssyncadd.s32 $0xFFFFF800  }
0x226: {  	[tilespmem:s16], [sflag:$0x1] =	stream.linear.gather [hbm4b:s5+s3], $0x800, $0x38;
	[tilespmem:$0x9000] =	vst v63  }
0x227: {  	_ =	swait.ge [sflag:s0], $0x4000  }
0x228: {  	[sflag:s0] =	ssyncset.done $0x0  }
0x229: {  	[sflag:s0] =	ssyncadd.s32 $0xFFFFC000  }
0x22a: {  	[tilespmem:s18], [sflag:$0x2] =	stream.indirect.gather [hbm4b:s1+s17], $0x8, s3, s17, $0xb8;
	[tilespmem:$0x9000] =	vst v63  }
0x22b: {  	s6 =	simm.s32 $0x1400  }
0x22c: {  	[tilespmem:s6], [sflag:$0x2] =	stream.indirect.gather [hbm4b:s1+s17], $0x8, s17, s17, $0xb8;
	[tilespmem:$0x9000] =	vst v63  }
0x22d: {  	s7 =	simm.s32 $0x100  }
0x22e: {  	[tilespmem:s4], [sflag:$0x2] =	stream.indirect.gather [hbm4b:s1+s17], $0x8, s7, s17, $0xb8;
	[tilespmem:$0x9000] =	vst v63  }
0x22f: {  	s8 =	simm.s32 $0x180;
	s9 =	simm.s32 $0x1C00  }
0x230: {  	[tilespmem:s9], [sflag:$0x2] =	stream.indirect.gather [hbm4b:s1+s17], $0x8, s8, s17, $0xb8;
	[tilespmem:$0x9000] =	vst v63  }
0x231: {  	s10 =	simm.s32 $0x200;
	s11 =	simm.s32 $0x2000  }
0x232: {  	[tilespmem:s11], [sflag:$0x2] =	stream.indirect.gather [hbm4b:s1+s17], $0x8, s10, s17, $0xb8;
	[tilespmem:$0x9000] =	vst v63  }
0x233: {  	s6 =	simm.s32 $0x280;
	s7 =	simm.s32 $0x2400  }
0x234: {  	[tilespmem:s7], [sflag:$0x2] =	stream.indirect.gather [hbm4b:s1+s17], $0x8, s6, s17, $0xb8;
	[tilespmem:$0x9000] =	vst v63  }
0x235: {  	s8 =	simm.s32 $0x300;
	s9 =	simm.s32 $0x2800  }
0x236: {  	[tilespmem:s9], [sflag:$0x2] =	stream.indirect.gather [hbm4b:s1+s17], $0x8, s8, s17, $0xb8;
	[tilespmem:$0x9000] =	vst v63  }
0x237: {  	s10 =	simm.s32 $0x380;
	s11 =	simm.s32 $0x2C00  }
0x238: {  	[tilespmem:s11], [sflag:$0x2] =	stream.indirect.gather [hbm4b:s1+s17], $0x8, s10, s17, $0xb8;
	[tilespmem:$0x9000] =	vst v63  }
0x239: {  	s5 =	simm.s32 $0x400;
	s6 =	simm.s32 $0x3000  }
0x23a: {  	[tilespmem:s6], [sflag:$0x2] =	stream.indirect.gather [hbm4b:s1+s17], $0x8, s5, s17, $0xb8;
	[tilespmem:$0x9000] =	vst v63  }
0x23b: {  	s7 =	simm.s32 $0x480  }
0x23c: {  	[tilespmem:s2], [sflag:$0x2] =	stream.indirect.gather [hbm4b:s1+s17], $0x8, s7, s17, $0xb8;
	[tilespmem:$0x9000] =	vst v63  }
0x23d: {  	s8 =	simm.s32 $0x500;
	s9 =	simm.s32 $0x3800  }
0x23e: {  	[tilespmem:s9], [sflag:$0x2] =	stream.indirect.gather [hbm4b:s1+s17], $0x8, s8, s17, $0xb8;
	[tilespmem:$0x9000] =	vst v63  }
0x23f: {  	s10 =	simm.s32 $0x580;
	s11 =	simm.s32 $0x3C00  }
0x240: {  	[tilespmem:s11], [sflag:$0x2] =	stream.indirect.gather [hbm4b:s1+s17], $0x8, s10, s17, $0xb8;
	[tilespmem:$0x9000] =	vst v63  }
0x241: {  	s4 =	simm.s32 $0x600;
	s5 =	simm.s32 $0x4000  }
0x242: {  	[tilespmem:s5], [sflag:$0x2] =	stream.indirect.gather [hbm4b:s1+s17], $0x8, s4, s17, $0xb8;
	[tilespmem:$0x9000] =	vst v63  }
0x243: {  	s6 =	simm.s32 $0x680;
	s7 =	simm.s32 $0x4400  }
0x244: {  	[tilespmem:s7], [sflag:$0x2] =	stream.indirect.gather [hbm4b:s1+s17], $0x8, s6, s17, $0xb8;
	[tilespmem:$0x9000] =	vst v63  }
0x245: {  	s8 =	simm.s32 $0x700;
	s9 =	simm.s32 $0x4800  }
0x246: {  	[tilespmem:s9], [sflag:$0x2] =	stream.indirect.gather [hbm4b:s1+s17], $0x8, s8, s17, $0xb8;
	[tilespmem:$0x9000] =	vst v63  }
0x247: {  	s10 =	simm.s32 $0x780;
	s11 =	simm.s32 $0x4C00  }
0x248: {  	[tilespmem:s11], [sflag:$0x2] =	stream.indirect.gather [hbm4b:s1+s17], $0x8, s10, s17, $0xb8;
	[tilespmem:$0x9000] =	vst v63  }
0x249: {  	_ =	swait.ge [sflag:s23], $0x400  }
0x24a: {  	[sflag:s23] =	ssyncset.done $0x0  }
0x24b: {  	[sflag:s23] =	ssyncadd.s32 $0xFFFFFC00  }
0x24c: {  	_ =	swait.ge [sflag:s23], $0x400  }
0x24d: {  	[sflag:s23] =	ssyncset.done $0x0  }
0x24e: {  	[sflag:s23] =	ssyncadd.s32 $0xFFFFFC00  }
0x24f: {  	_ =	swait.ge [sflag:s23], $0x400  }
0x250: {  	[sflag:s23] =	ssyncset.done $0x0  }
0x251: {  	[sflag:s23] =	ssyncadd.s32 $0xFFFFFC00  }
0x252: {  	_ =	swait.ge [sflag:s23], $0x400  }
0x253: {  	[sflag:s23] =	ssyncset.done $0x0  }
0x254: {  	[sflag:s23] =	ssyncadd.s32 $0xFFFFFC00  }
0x255: {  	_ =	swait.ge [sflag:s23], $0x400  }
0x256: {  	[sflag:s23] =	ssyncset.done $0x0  }
0x257: {  	[sflag:s23] =	ssyncadd.s32 $0xFFFFFC00  }
0x258: {  	_ =	swait.ge [sflag:s23], $0x400  }
0x259: {  	[sflag:s23] =	ssyncset.done $0x0  }
0x25a: {  	[sflag:s23] =	ssyncadd.s32 $0xFFFFFC00  }
0x25b: {  	_ =	swait.ge [sflag:s23], $0x400  }
0x25c: {  	[sflag:s23] =	ssyncset.done $0x0  }
0x25d: {  	[sflag:s23] =	ssyncadd.s32 $0xFFFFFC00  }
0x25e: {  	_ =	swait.ge [sflag:s23], $0x400  }
0x25f: {  	[sflag:s23] =	ssyncset.done $0x0  }
0x260: {  	[sflag:s23] =	ssyncadd.s32 $0xFFFFFC00  }
0x261: {  	_ =	swait.ge [sflag:s23], $0x400  }
0x262: {  	[sflag:s23] =	ssyncset.done $0x0  }
0x263: {  	[sflag:s23] =	ssyncadd.s32 $0xFFFFFC00  }
0x264: {  	_ =	swait.ge [sflag:s23], $0x400  }
0x265: {  	[sflag:s23] =	ssyncset.done $0x0  }
0x266: {  	[sflag:s23] =	ssyncadd.s32 $0xFFFFFC00  }
0x267: {  	_ =	swait.ge [sflag:s23], $0x400  }
0x268: {  	[sflag:s23] =	ssyncset.done $0x0  }
0x269: {  	[sflag:s23] =	ssyncadd.s32 $0xFFFFFC00  }
0x26a: {  	_ =	swait.ge [sflag:s23], $0x400  }
0x26b: {  	[sflag:s23] =	ssyncset.done $0x0  }
0x26c: {  	[sflag:s23] =	ssyncadd.s32 $0xFFFFFC00  }
0x26d: {  	_ =	swait.ge [sflag:s23], $0x400  }
0x26e: {  	[sflag:s23] =	ssyncset.done $0x0  }
0x26f: {  	[sflag:s23] =	ssyncadd.s32 $0xFFFFFC00  }
0x270: {  	_ =	swait.ge [sflag:s23], $0x400  }
0x271: {  	[sflag:s23] =	ssyncset.done $0x0  }
0x272: {  	[sflag:s23] =	ssyncadd.s32 $0xFFFFFC00  }
0x273: {  	_ =	swait.ge [sflag:s23], $0x400  }
0x274: {  	[sflag:s23] =	ssyncset.done $0x0  }
0x275: {  	[sflag:s23] =	ssyncadd.s32 $0xFFFFFC00  }
0x276: {  	_ =	swait.ge [sflag:s23], $0x400  }
0x277: {  	[sflag:s23] =	ssyncset.done $0x0  }
0x278: {  	s4 =	rddreg [dreg:$0xc];
	[sflag:s23] =	ssyncadd.s32 $0xFFFFFC00  }
0x279: {  	[hbm4b:s4+s3] =	stream.linear.scatter [tilespmem:s18], [sflag:$0x3], $0x4000, $0x38;
	[tilespmem:$0x9000] =	vst v63  }
0x27a: {  	_ =	swait.ge [sflag:s15], $0x800  }
0x27b: {  	[sflag:s15] =	ssyncset.done $0x0  }
0x27c: {  	[sflag:s15] =	ssyncadd.s32 $0xFFFFF800  }
0x27d: {  	_ =	swait.ge [sflag:s0], $0x4000  }
0x27e: {  	[sflag:s0] =	ssyncset.done $0x0  }
0x27f: {  	[sflag:s0] =	ssyncadd.s32 $0xFFFFC000  }
0x280: {  	[tilespmem:s24], [sflag:$0x2] =	stream.indirect.gather [hbm4b:s1+s17], $0x8, s16, s17, $0xb8;
	[tilespmem:$0x9000] =	vst v63  }
0x281: {  	s5 =	simm.s32 $0x880  }
0x282: {  	[tilespmem:s13], [sflag:$0x2] =	stream.indirect.gather [hbm4b:s1+s17], $0x8, s5, s17, $0xb8;
	[tilespmem:$0x9000] =	vst v63  }
0x283: {  	_ = 	snop  }
0x284: {  	[tilespmem:s21], [sflag:$0x2] =	stream.indirect.gather [hbm4b:s1+s17], $0x8, s19, s17, $0xb8;
	[tilespmem:$0x9000] =	vst v63  }
0x285: {  	_ = 	snop  }
0x286: {  	[tilespmem:s28], [sflag:$0x2] =	stream.indirect.gather [hbm4b:s1+s17], $0x8, s25, s17, $0xb8;
	[tilespmem:$0x9000] =	vst v63  }
0x287: {  	_ = 	snop  }
0x288: {  	[tilespmem:s14], [sflag:$0x2] =	stream.indirect.gather [hbm4b:s1+s17], $0x8, s30, s17, $0xb8;
	[tilespmem:$0x9000] =	vst v63  }
0x289: {  	_ = 	snop  }
0x28a: {  	[tilespmem:s22], [sflag:$0x2] =	stream.indirect.gather [hbm4b:s1+s17], $0x8, s20, s17, $0xb8;
	[tilespmem:$0x9000] =	vst v63  }
0x28b: {  	_ = 	snop  }
0x28c: {  	[tilespmem:s29], [sflag:$0x2] =	stream.indirect.gather [hbm4b:s1+s17], $0x8, s26, s17, $0xb8;
	[tilespmem:$0x9000] =	vst v63  }
0x28d: {  	_ = 	snop  }
0x28e: {  	[tilespmem:s12], [sflag:$0x2] =	stream.indirect.gather [hbm4b:s1+s17], $0x8, s31, s17, $0xb8;
	[tilespmem:$0x9000] =	vst v63  }
0x28f: {  	s6 =	simm.s32 $0xC00;
	s7 =	simm.s32 $0x7000  }
0x290: {  	[tilespmem:s7], [sflag:$0x2] =	stream.indirect.gather [hbm4b:s1+s17], $0x8, s6, s17, $0xb8;
	[tilespmem:$0x9000] =	vst v63  }
0x291: {  	s8 =	simm.s32 $0xC80;
	s9 =	simm.s32 $0x7400  }
0x292: {  	[tilespmem:s9], [sflag:$0x2] =	stream.indirect.gather [hbm4b:s1+s17], $0x8, s8, s17, $0xb8;
	[tilespmem:$0x9000] =	vst v63  }
0x293: {  	s10 =	simm.s32 $0xD00;
	s11 =	simm.s32 $0x7800  }
0x294: {  	[tilespmem:s11], [sflag:$0x2] =	stream.indirect.gather [hbm4b:s1+s17], $0x8, s10, s17, $0xb8;
	[tilespmem:$0x9000] =	vst v63  }
0x295: {  	s13 =	simm.s32 $0x7C00;
	s12 =	simm.s32 $0xD80  }
0x296: {  	[tilespmem:s13], [sflag:$0x2] =	stream.indirect.gather [hbm4b:s1+s17], $0x8, s12, s17, $0xb8;
	[tilespmem:$0x9000] =	vst v63  }
0x297: {  	s19 =	simm.s32 $0x8000;
	s14 =	simm.s32 $0xE00  }
0x298: {  	[tilespmem:s19], [sflag:$0x2] =	stream.indirect.gather [hbm4b:s1+s17], $0x8, s14, s17, $0xb8;
	[tilespmem:$0x9000] =	vst v63  }
0x299: {  	s21 =	simm.s32 $0x8400;
	s20 =	simm.s32 $0xE80  }
0x29a: {  	[tilespmem:s21], [sflag:$0x2] =	stream.indirect.gather [hbm4b:s1+s17], $0x8, s20, s17, $0xb8;
	[tilespmem:$0x9000] =	vst v63  }
0x29b: {  	s25 =	simm.s32 $0x8800;
	s22 =	simm.s32 $0xF00  }
0x29c: {  	[tilespmem:s25], [sflag:$0x2] =	stream.indirect.gather [hbm4b:s1+s17], $0x8, s22, s17, $0xb8;
	[tilespmem:$0x9000] =	vst v63  }
0x29d: {  	s28 =	simm.s32 $0x8C00;
	s26 =	simm.s32 $0xF80  }
0x29e: {  	[tilespmem:s28], [sflag:$0x2] =	stream.indirect.gather [hbm4b:s1+s17], $0x8, s26, s17, $0xb8;
	[tilespmem:$0x9000] =	vst v63  }
0x29f: {  	_ =	swait.ge [sflag:s23], $0x400  }
0x2a0: {  	[sflag:s23] =	ssyncset.done $0x0  }
0x2a1: {  	[sflag:s23] =	ssyncadd.s32 $0xFFFFFC00  }
0x2a2: {  	_ =	swait.ge [sflag:s23], $0x400  }
0x2a3: {  	[sflag:s23] =	ssyncset.done $0x0  }
0x2a4: {  	[sflag:s23] =	ssyncadd.s32 $0xFFFFFC00  }
0x2a5: {  	_ =	swait.ge [sflag:s23], $0x400  }
0x2a6: {  	[sflag:s23] =	ssyncset.done $0x0  }
0x2a7: {  	[sflag:s23] =	ssyncadd.s32 $0xFFFFFC00  }
0x2a8: {  	_ =	swait.ge [sflag:s23], $0x400  }
0x2a9: {  	[sflag:s23] =	ssyncset.done $0x0  }
0x2aa: {  	[sflag:s23] =	ssyncadd.s32 $0xFFFFFC00  }
0x2ab: {  	_ =	swait.ge [sflag:s23], $0x400  }
0x2ac: {  	[sflag:s23] =	ssyncset.done $0x0  }
0x2ad: {  	[sflag:s23] =	ssyncadd.s32 $0xFFFFFC00  }
0x2ae: {  	_ =	swait.ge [sflag:s23], $0x400  }
0x2af: {  	[sflag:s23] =	ssyncset.done $0x0  }
0x2b0: {  	[sflag:s23] =	ssyncadd.s32 $0xFFFFFC00  }
0x2b1: {  	_ =	swait.ge [sflag:s23], $0x400  }
0x2b2: {  	[sflag:s23] =	ssyncset.done $0x0  }
0x2b3: {  	[sflag:s23] =	ssyncadd.s32 $0xFFFFFC00  }
0x2b4: {  	_ =	swait.ge [sflag:s23], $0x400  }
0x2b5: {  	[sflag:s23] =	ssyncset.done $0x0  }
0x2b6: {  	[sflag:s23] =	ssyncadd.s32 $0xFFFFFC00  }
0x2b7: {  	_ =	swait.ge [sflag:s23], $0x400  }
0x2b8: {  	[sflag:s23] =	ssyncset.done $0x0  }
0x2b9: {  	[sflag:s23] =	ssyncadd.s32 $0xFFFFFC00  }
0x2ba: {  	_ =	swait.ge [sflag:s23], $0x400  }
0x2bb: {  	[sflag:s23] =	ssyncset.done $0x0  }
0x2bc: {  	[sflag:s23] =	ssyncadd.s32 $0xFFFFFC00  }
0x2bd: {  	_ =	swait.ge [sflag:s23], $0x400  }
0x2be: {  	[sflag:s23] =	ssyncset.done $0x0  }
0x2bf: {  	[sflag:s23] =	ssyncadd.s32 $0xFFFFFC00  }
0x2c0: {  	_ =	swait.ge [sflag:s23], $0x400  }
0x2c1: {  	[sflag:s23] =	ssyncset.done $0x0  }
0x2c2: {  	[sflag:s23] =	ssyncadd.s32 $0xFFFFFC00  }
0x2c3: {  	_ =	swait.ge [sflag:s23], $0x400  }
0x2c4: {  	[sflag:s23] =	ssyncset.done $0x0  }
0x2c5: {  	[sflag:s23] =	ssyncadd.s32 $0xFFFFFC00  }
0x2c6: {  	_ =	swait.ge [sflag:s23], $0x400  }
0x2c7: {  	[sflag:s23] =	ssyncset.done $0x0  }
0x2c8: {  	[sflag:s23] =	ssyncadd.s32 $0xFFFFFC00  }
0x2c9: {  	_ =	swait.ge [sflag:s23], $0x400  }
0x2ca: {  	[sflag:s23] =	ssyncset.done $0x0  }
0x2cb: {  	[sflag:s23] =	ssyncadd.s32 $0xFFFFFC00  }
0x2cc: {  	_ =	swait.ge [sflag:s23], $0x400  }
0x2cd: {  	[sflag:s23] =	ssyncset.done $0x0  }
0x2ce: {  	s29 =	rddreg [dreg:$0xd];
	[sflag:s23] =	ssyncadd.s32 $0xFFFFFC00  }
0x2cf: {  	[hbm4b:s29+s3] =	stream.linear.scatter [tilespmem:s24], [sflag:$0x3], $0x4000, $0x38;
	[tilespmem:$0x9000] =	vst v63  }
0x2d0: {  	_ =	swait.ge [sflag:s0], $0x4000  }
0x2d1: {  	[sflag:s0] =	ssyncset.done $0x0  }
0x2d2: {  	[sflag:s0] =	ssyncadd.s32 $0xFFFFC000  }
0x2d3: {  	_ =	swait.ge [sflag:s0], $0x4000  }
0x2d4: {  	s30 =	rddreg [dreg:$0x11]  }
0x2d5: {  	s31 =	rddreg [dreg:$0xe];
	s2 =	sadd.s32 $0x1, s30  }
0x2d6: {  	p0 =	sne.s32 s2, s31  }
.Ltmp1:
0x2d7: {  	_ = 	snop;
	(pc) =	sbr.rel @p0 .LBB2_1-.Ltmp1, $3  }
0x2d8: {  	_ =	sdelay $0x1  }
0x2d9: {  	[sflag:s0] =	ssyncset.done $0x0  }
0x2da: {  	[sflag:s0] =	ssyncadd.s32 $0xFFFFC000  }
0x2db: {  	_ =	sfence.sel $0x180000  }
0x2dc: {  	[bflag:$0x0] =	sbarrier.arrive $0xFFFF  }
0x2dd: {  	_ =	strace $0x90000047  }
0x2de: {  	s0 =	stileid.u32;
	[bflag:$0x2] =	sbarrier.arrive $0xFFFF  }
0x2df: {  	p0 =	sne.s32 s0, $0x0;
	s0 =	rddreg [dreg:$0x3]  }
0x2e0: {  	s0 =	sadd.s32 @!p0 $0x100000, s0  }
0x2e1: {  	[sflag:s0] =	ssyncadd.tile.s32 @!p0 $0x1;
	_ =	shalt  }
.Lfunc_end2:
_tile_overlayer_lowered:
.L_overlay_start_2:
0x2e2: {  	(tag) =	ssettag $0x2  }
0x2e3: {  	s0 =	rddreg [dreg:$0x0];
	s2 =	stileid.u32  }
0x2e4: {  	s1 =	rddreg [dreg:$0x1];
	p0 =	sne.s32 s2, $0x0  }
0x2e5: {  	s3 =	rddreg [dreg:$0x2];
	[bflag:$0x3] =	sbarrier.arrive $0xFFFF;
	s2 =	simm.s32 @!p0 $0x1C04  }
0x2e6: {  	[timem:s3], [sflag:s2] =	dma.local @!p0 [hbm:s0], s1  }
0x2e7: {  	s0 =	simm.s32 @!p0 $0x4  }
0x2e8: {  	_ =	swait.ge @!p0 [sflag:s0], s1  }
0x2e9: {  	s1 =	ssub.s32 @!p0 $0x0, s1;
	[sflag:s0] =	ssyncset.done @!p0 $0x0  }
0x2ea: {  	[sflag:s0] =	ssyncadd.s32 @!p0 s1  }
0x2eb: {  	[bflag:$0x3] =	sbarrier.arrive $0xFFFF  }
0x2ec: {  	_ =	shalt  }

// kernel: sparse-core-data-format-call.1.cloned.1.call-start
scs
called_computation.1_lowered:
.L_overlay_start_0:
0x0: {  	s2 =	sld [smem:$0x3FD9]  }
0x1: {  	s3 =	sld [smem:$0x3FFE];
	_ =	sdelay $0x1  }
0x2: {  	s1 =	srdreg.scid  }
0x3: {  	s0 =	sand.u32 $0x1, s1  }
0x4: {  	s15 =	sshll.u32 s0, $0xA;
	s2 =	sadd.s32 s3, s2  }
0x5: {  	s2 =	sadd.s32 s2, s15  }
0x6: {  	[smem:$0x3FBA] =	sst s2  }
0x7: {  	_ = 	snop  }
0x8: {  	s2 =	sld [smem:$0x3FD0];
	_ =	sdelay $0x2  }
0x9: {  	s16 =	simm.s32 $0xA;
	s4 =	simm.s32 $0x10  }
0xa: {  	[smem:s4], [sflag:s16] =	dma.local [hbm:s2], $0x1  }
0xb: {  	_ =	swait.eq [sflag:s16], $0x1  }
0xc: {  	[sflag:s16] =	ssyncset.done $0x0  }
0xd: {  	[sflag:s16] =	ssyncadd.s32 $0xFFFFFFFF  }
0xe: {  	s17 =	sld [smem:$0x11];
	(tm) =	ssettm $0x1  }
0xf: {  	s18 =	sld [smem:$0x3FFB];
	_ =	sdelay $0x3  }
0x10: {  	_ =	strace s18  }
0x11: {  	s3 =	sld [smem:$0x3FFC];
	_ =	sdelay $0x3  }
0x12: {  	_ =	strace s3  }
0x13: {  	s3 =	sld [smem:$0x3FFD];
	_ =	sdelay $0x3  }
0x14: {  	_ =	strace s3  }
0x15: {  	_ =	strace $0x8FFFFFFF  }
0x16: {  	s19 =	sld [smem:$0x3FDB];
	_ =	sdelay $0x1  }
0x17: {  	s20 =	simm.s32 $_scs_section_size  }
0x18: {  	s5 =	simm.s32 $_size__tile_overlayer_lowered;
	s6 =	simm.s32 $_tile_overlayer_lowered  }
0x19: {  	s23 =	simm.s32 $0x1BFF;
	s22 =	sshll.u32 s6, $0x1;
	s3 =	sadd.s32 s20, s19  }
0x1a: {  	s7 =	simm.s32 $0x0;
	s21 =	sshll.u32 s5, $0x1;
	s5 =	sadd.s32 s22, s3  }
0x1b: {  	[timem:s7], [sflag:s23] =	dma.local [hbm:s5], s21  }
0x1c: {  	_ =	swait.ge [sflag:s23], s21  }
0x1d: {  	s4 =	ssub.s32 $0x0, s21;
	[sflag:s23] =	ssyncset.done $0x0  }
0x1e: {  	[sflag:s23] =	ssyncadd.s32 s4;
	_ =	sdelay $0x1  }
0x1f: {  	s24 =	simm.s32 $0x1B8B  }
0x20: {  	_ =	swait.ge [sflag:s24], $0x1  }
0x21: {  	[sflag:s24] =	ssyncset.done $0x0  }
0x22: {  	s26 =	simm.s32 $0x1B8E;
	s25 =	sld [smem:$0x3FFE];
	[sflag:s24] =	ssyncadd.s32 $0xFFFFFFFF  }
0x23: {  	s27 =	simm.s32 $execute0_lowered;
	[smem:$0x3FD2] =	sst s26  }
0x24: {  	s5 =	sshll.u32 s27, $0x1;
	_ =	strace $0x80000049;
	[dreg:$0x1] =	wrdreg $0xFFFFFFFF  }
0x25: {  	s28 =	simm.s32 $_size_execute0_lowered;
	s3 =	sadd.s32 s3, s5;
	[dreg:$0x0] =	wrdreg $0x0  }
0x26: {  	s5 =	sshll.u32 s28, $0x1;
	[dreg:$0x2] =	wrdreg s3  }
0x27: {  	[dreg:$0x3] =	wrdreg s5  }
0x28: {  	[dreg:$0x4] =	wrdreg $0xC0  }
0x29: {  	_ =	task [dreg:s7], $0x5FFFF  }
0x2a: {  	[dreg:$0x1] =	wrdreg $0xFFFFFFFF  }
0x2b: {  	[dreg:$0x0] =	wrdreg $0x60  }
0x2c: {  	[dreg:$0x2] =	wrdreg s17  }
0x2d: {  	[dreg:$0x3] =	wrdreg s25  }
0x2e: {  	[dreg:$0x4] =	wrdreg $0x9  }
0x2f: {  	_ =	task.clear_ibuf [dreg:s7], $0x5FFFF;
	_ =	strace $0x90000049  }
0x30: {  	s29 =	simm.s32 $0x9;
	_ =	strace $0x8000004B  }
0x31: {  	_ =	swait.ge [sflag:s29], $0x1  }
0x32: {  	[sflag:s29] =	ssyncadd.s32 $0xFFFFFFFF  }
0x33: {  	_ =	strace $0x9000004B  }
0x34: {  	_ =	sfence  }
0x35: {  	s30 =	sld [smem:$0x0];
	_ =	sdelay $0x2  }
0x36: {  	s31 =	sshll.u32 s1, $0xD;
	s1 =	sshrl.u32 s1, $0x2  }
0x37: {  	s3 =	sand.u32 $0x4000, s31;
	s1 =	sadd.s32 s1, s30  }
0x38: {  	s0 =	sor.u32 s3, s0;
	s1 =	sshll.u32 s1, $0x11  }
0x39: {  	s0 =	sor.u32 s1, s0  }
0x3a: {  	s0 =	sadd.s32 $0x8F2B, s0  }
0x3b: {  	[sflag:s0] =	ssyncadd.remote.s32 $0x1  }
0x3c: {  	_ =	sfence.sel $0xFFFF  }
0x3d: {  	[dreg:$0x0] =	wrdreg $0xFFFFFFFF;
	(pc) =	sbr.abs _section_cstart, $3  }
0x3e: {  	[dreg:$0x1] =	wrdreg $0xFFFFFFFF  }
0x3f: {  	_ =	task.clear_ibuf [dreg:s7], $0x2FFFF;
	_ =	strace $0x9FFFFFFF  }
0x40: {  	(tm) =	ssettm $0x7FFFFFFF  }
0x41: {  	_ =	shalt  }
tec
execute0_lowered:
.L_overlay_start_1:
0x0: {  	(tag) =	ssettag $0x1  }
0x1: {  	s0 =	srdreg.scid  }
0x2: {  	s3 =	rddreg [dreg:$0x0];
	s1 =	sshll.u32 s0, $0x4  }
0x3: {  	s6 =	rddreg [dreg:$0x1];
	s0 =	stileid.u32;
	s1 =	sand.u32 $0x10, s1  }
0x4: {  	_ =	strace $0x8000004A;
	s31 =	simm.s32 $0x2;
	s1 =	sor.u32 s0, s1  }
0x5: {  	s15 =	simm.s32 $0x0;
	s8 =	simm.s32 $0x20000;
	s2 =	sshll.u32 s1, $0x8  }
0x6: {  	s9 =	simm.s32 $0x0;
	s16 =	simm.s32 $0x0;
	s1 =	ssub.s32 $0x4000, s2  }
0x7: {  	s18 =	simm.s32 $0x0;
	s17 =	simm.s32 $0x0;
	s4 =	sand.u32 $0x1F00, s1  }
0x8: {  	s10 =	simm.s32 $0x0;
	p0 =	sne.s32 s4, $0x0;
	s4 =	simm.s32 $0x1  }
.Ltmp0:
0x9: {  	s1 =	sshrl.u32 s1, $0xD;
	s4 =	simm.s32 @!p0 $0x0;
	(pc) =	sbr.rel .LBB1_1-.Ltmp0, $4  }
0xa: {  	s12 =	simm.s32 $0x0;
	s13 =	simm.s32 $0x0;
	s1 =	sadd.s32 s4, s1  }
0xb: {  	s14 =	simm.s32 $0x0;
	s4 =	simm.s32 $0x1;
	s5 =	smul.u32 $0x28, s1  }
0xc: {  	s24 =	simm.s32 $0x0;
	s6 =	sadd.s32 $0x652200, s6;
	[sflag:s4] =	ssyncpa.u1 $0x0  }
0xd: {  	s11 =	smov.u32 s2;
	[sflag:s31] =	ssyncpa.u1 $0x0;
	s7 =	sor.u32 $0x1, s5  }
.LBB1_7:
0xe: {  	s1 =	sadd.s32 $0x2000, s11  }
0xf: {  	s15 =	sadd.s32 $0x8, s10;
	s19 =	smov.u32 s10;
	p1 =	sgt.s32 s1, $0x3FFF  }
0x10: {  	s19 =	smov.u32 @p1 s15  }
0x11: {  	s20 =	smov.u32 s12;
	s15 =	sadd.s32 $0x8, s12;
	p2 =	sgt.s32 s19, $0x7  }
0x12: {  	s20 =	smov.u32 @p2 s15  }
0x13: {  	s15 =	simm.s32 $0x1;
	p3 =	sgt.s32 s20, $0x7  }
0x14: {  	s15 =	simm.s32 @!p3 $0x0  }
0x15: {  	p0 =	slt.u32 s14, $0x2;
	s22 =	sadd.s32 s15, s13  }
0x16: {  	s16 =	smov.u32 s10;
	s1 =	smov.u32 @p1 s2;
	p1 =	sgt.s32 s22, $0x27  }
0x17: {  	s21 =	simm.s32 @!p0 $0x2;
	s22 =	simm.s32 @p1 $0x0;
	p1 =	sne.s32 s14, s7  }
.Ltmp1:
0x18: {  	s18 =	smov.u32 s12;
	_ =	swait.ge @!p0 [sflag:s21], $0x4000;
	(pc) =	sbr.rel @!p1 .LBB1_8-.Ltmp1, $4  }
0x19: {  	s17 =	smov.u32 s13;
	[sflag:s21] =	ssyncset.done @!p0 $0x0;
	s19 =	simm.s32 @p2 $0x0  }
0x1a: {  	s9 =	sadd.s32 $0x4000, s9;
	[sflag:s21] =	ssyncadd.s32 @!p0 $0xFFFFC000;
	s10 =	smov.u32 s19  }
0x1b: {  	s20 =	simm.s32 @p3 $0x0;
	s15 =	smov.u32 s11;
	s11 =	smov.u32 s1  }
0x1c: {  	s12 =	smov.u32 s20;
	s14 =	sadd.s32 $0x1, s14;
	s13 =	smov.u32 s22  }
.LBB1_1:
0x1d: {  	p0 =	sge.u32 s14, s5  }
0x1e: {  	s31 =	sadd.s32 $0xFFFFFFFF, s14;
	s1 =	sxor.u32 @!p0 $0xFFFFFFFF, s14  }
0x1f: {  	s19 =	sshll.u32 @!p0 s10, $0x7;
	s20 =	sand.u32 @!p0 $0x78, s11;
	s21 =	sshll.u32 @!p0 s11, $0x3  }
0x20: {  	s22 =	sand.u32 @!p0 $0x3800, s11;
	s1 =	sshll.u32 @!p0 s1, $0xE;
	s19 =	sand.u32 @!p0 $0x380, s19  }
0x21: {  	s21 =	sand.u32 @!p0 $0x3C00, s21;
	s19 =	sor.u32 @!p0 s19, s20;
	s20 =	sshll.u32 @!p0 s13, $0x11  }
0x22: {  	s19 =	sor.u32 @!p0 s21, s19;
	s21 =	sshll.u32 @!p0 s12, $0xE;
	s20 =	sadd.s32 @!p0 s3, s20  }
0x23: {  	s1 =	sand.u32 @!p0 $0x4000, s1;
	s20 =	sadd.s32 @!p0 s21, s20;
	s21 =	sand.u32 @!p0 $0x7, s11  }
0x24: {  	s19 =	sshrl.u32 @!p0 s19, $0x3;
	s20 =	sadd.s32 @!p0 s22, s20;
	s21 =	sshll.u32 @!p0 s21, $0x12  }
0x25: {  	s19 =	sadd.s32 @!p0 s19, s20;
	s20 =	sor.u32 @!p0 $0x800, s21;
	s21 =	simm.s32 @!p0 $0x20000  }
0x26: {  	[tilespmem:s1], [sflag:$0x1] =	stream.strided.gather @!p0 [hbm4b:s19+s20], $0x4000, s21, s20, $0x38;
	[tilespmem:$0x10000] =	vst v63  }
0x27: {  	p0 =	sge.u32 s31, s5  }
.Ltmp2:
0x28: {  	_ = 	snop;
	(pc) =	sbr.rel @p0 .LBB1_7-.Ltmp2, $1  }
0x29: {  	_ =	sdelay $0x3  }
0x2a: {  	s1 =	sshll.u32 s9, $0x2;
	_ =	swait.ge [sflag:s4], $0x4000;
	s19 =	sshll.u32 s14, $0xE  }
0x2b: {  	p0 =	por $0x0, $0x0;
	s25 =	simm.s32 $0x0;
	s26 =	simm.s32 $0x0  }
0x2c: {  	s1 =	sand.u32 $0x10000, s1;
	[sflag:s4] =	ssyncset.done $0x0;
	s22 =	sand.u32 $0x4000, s19  }
0x2d: {  	s1 =	sshrl.u32 s1, $0x2;
	[sflag:s4] =	ssyncadd.s32 $0xFFFFC000;
	s19 =	sor.u32 $0x8000, s22  }
0x2e: {  	s20 =	sor.u32 $0x40, s1;
	s21 =	sor.u32 $0x8410, s1;
	s23 =	sadd.s32 $0x8400, s1  }
.LBB1_3:
0x2f: {  	v1 =	vld [tilespmem:s20+$0xFFFFFFD0]  }
0x30: {  	v2 =	vld [tilespmem:s20+$0x430]  }
0x31: {  	s1 =	sshll.u32 s26, $0xB;
	v4 =	vld [tilespmem:s20+$0xFFFFFFE0]  }
0x32: {  	v7 =	vld [tilespmem:s20+$0xFFFFFFF0];
	v0 =	vmov s1  }
0x33: {  	v8 =	vld [tilespmem:s20+$0x0]  }
0x34: {  	v9 =	vld [tilespmem:s20+$0x10];
	s1 =	sand.u32 $0x300, s24  }
0x35: {  	s27 =	sand.u32 $0x80, s24;
	v10 =	vld [tilespmem:s20+$0x20];
	s1 =	sadd.s32 s1, s22  }
0x36: {  	v11 =	vld [tilespmem:s20+$0x30];
	s1 =	sadd.s32 s27, s1;
	s27 =	simm.s32 $0x1;
	[tilespmem:s21+$0x60] =	vst v2  }
0x37: {  	s27 =	simm.s32 @!p0 $0x0;
	[tilespmem:s21+$0xFFFFFC00] =	vst v1;
	v3 =	vld.idx.msk [tilespmem:v0+s1+$0x400 ss:$0x1], $0xffff;
	s1 =	sshll.u32 s25, $0x2  }
0x38: {  	v6 =	vld [tilespmem:s20+$0x3D0];
	s27 =	sshll.u32 s27, $0x9;
	[tilespmem:s21+$0xFFFFFC10] =	vst v4;
	s1 =	sand.u32 $0xFFFFFC00, s1  }
0x39: {  	v5 =	vld [tilespmem:s20+$0x3E0];
	[tilespmem:s21+$0xFFFFFC20] =	vst v7;
	s1 =	sor.u32 s27, s1  }
0x3a: {  	[tilespmem:s21+$0xFFFFFC30] =	vst v8;
	v4 =	vld [tilespmem:s20+$0x400];
	s1 =	sshrl.u32 s1, $0x2  }
0x3b: {  	[tilespmem:s21+$0xFFFFFC40] =	vst v9;
	v1 =	vld [tilespmem:s20+$0x410];
	s27 =	sadd.s32 s1, s23  }
0x3c: {  	[tilespmem:s27+$0x0] =	vst v3;
	v3 =	vld [tilespmem:s20+$0x3F0]  }
0x3d: {  	s31 =	simm.s32 $0x80;
	s30 =	simm.s32 $0x100;
	[tilespmem:s21+$0xFFFFFC50] =	vst v10;
	v2 =	vld [tilespmem:s20+$0x420]  }
0x3e: {  	s28 =	sadd.s32 $0x80, s20;
	s29 =	smov.u32 s21;
	v7 =	vld [tilespmem:s20+$0xFFFFFFC0];
	[tilespmem:s21+$0xFFFFFC60] =	vst v11;
	s1 =	sand.u32 $0x300, s31  }
.LBB1_4:
0x3f: {  	p1 =	sne.s32 s30, $0x380;
	v8 =	vld [tilespmem:s28+$0xFFFFFFD0];
	s31 =	sand.u32 $0x80, s31;
	s1 =	sadd.s32 s1, s22;
	[tilespmem:s29+$0x0] =	vst v6  }
0x40: {  	s1 =	sadd.s32 s31, s1;
	v6 =	vld [tilespmem:s28+$0x430];
	[tilespmem:s29+$0x10] =	vst v5;
	s31 =	smov.u32 s30  }
0x41: {  	v5 =	vld.idx.msk [tilespmem:v0+s1+$0x400 ss:$0x1], $0xffff;
	[tilespmem:s29+$0x20] =	vst v3  }
0x42: {  	v3 =	vld [tilespmem:s28+$0xFFFFFFE0];
	[tilespmem:s29+$0x30] =	vst v4  }
0x43: {  	v4 =	vld [tilespmem:s28+$0xFFFFFFF0];
	[tilespmem:s29+$0xFFFFFBF0] =	vst v7  }
0x44: {  	v7 =	vld [tilespmem:s28+$0x0];
	[tilespmem:s29+$0x40] =	vst v1  }
0x45: {  	v1 =	vld [tilespmem:s28+$0x10];
	[tilespmem:s29+$0x50] =	vst v2;
	s29 =	sadd.s32 $0x800, s29  }
0x46: {  	s27 =	sadd.s32 $0x800, s27;
	v2 =	vld [tilespmem:s28+$0x20];
	[tilespmem:s29+$0x60] =	vst v6  }
0x47: {  	v9 =	vld [tilespmem:s28+$0x30];
	[tilespmem:s27+$0x0] =	vst v5  }
0x48: {  	[tilespmem:s29+$0xFFFFFC00] =	vst v8;
	v6 =	vld [tilespmem:s28+$0x3D0]  }
0x49: {  	[tilespmem:s29+$0xFFFFFC10] =	vst v3;
	v5 =	vld [tilespmem:s28+$0x3E0]  }
.Ltmp3:
0x4a: {  	[tilespmem:s29+$0xFFFFFC20] =	vst v4;
	v3 =	vld [tilespmem:s28+$0x3F0];
	(pc) =	sbr.rel @p1 .LBB1_4-.Ltmp3, $4  }
0x4b: {  	[tilespmem:s29+$0xFFFFFC30] =	vst v7;
	v4 =	vld [tilespmem:s28+$0x400]  }
0x4c: {  	[tilespmem:s29+$0xFFFFFC40] =	vst v1;
	v1 =	vld [tilespmem:s28+$0x410]  }
0x4d: {  	[tilespmem:s29+$0xFFFFFC50] =	vst v2;
	v2 =	vld [tilespmem:s28+$0x420]  }
0x4e: {  	s30 =	sadd.s32 $0x80, s30;
	s1 =	sand.u32 $0x300, s31;
	v7 =	vld [tilespmem:s28+$0xFFFFFFC0];
	[tilespmem:s29+$0xFFFFFC60] =	vst v9;
	s28 =	sadd.s32 $0x80, s28  }
0x4f: {  	[tilespmem:s29+$0x0] =	vst v6  }
0x50: {  	[tilespmem:s29+$0x10] =	vst v5  }
0x51: {  	v49 =	vld [tilespmem:s28+$0x430];
	[tilespmem:s29+$0x20] =	vst v3  }
0x52: {  	v50 =	vld [tilespmem:s28+$0xFFFFFFD0];
	[tilespmem:s29+$0x30] =	vst v4  }
0x53: {  	v51 =	vld [tilespmem:s28+$0xFFFFFFE0];
	[tilespmem:s29+$0x40] =	vst v1  }
0x54: {  	v52 =	vld [tilespmem:s28+$0xFFFFFFF0];
	[tilespmem:s29+$0x50] =	vst v2  }
0x55: {  	s30 =	sand.u32 $0x80, s31;
	s31 =	sadd.s32 $0x800, s29;
	v53 =	vld [tilespmem:s28+$0x0];
	[tilespmem:s29+$0xFFFFFBF0] =	vst v7  }
0x56: {  	v54 =	vld [tilespmem:s28+$0x10];
	[tilespmem:s31+$0x60] =	vst v49  }
0x57: {  	v55 =	vld [tilespmem:s28+$0x20];
	[tilespmem:s31+$0xFFFFFC00] =	vst v50  }
0x58: {  	v56 =	vld [tilespmem:s28+$0x30];
	[tilespmem:s31+$0xFFFFFC10] =	vst v51  }
0x59: {  	v57 =	vld [tilespmem:s28+$0x3D0];
	[tilespmem:s31+$0xFFFFFC20] =	vst v52  }
0x5a: {  	v58 =	vld [tilespmem:s28+$0x3E0];
	[tilespmem:s31+$0xFFFFFC30] =	vst v53  }
0x5b: {  	v59 =	vld [tilespmem:s28+$0x3F0];
	[tilespmem:s31+$0xFFFFFC40] =	vst v54  }
0x5c: {  	v60 =	vld [tilespmem:s28+$0x400];
	[tilespmem:s31+$0xFFFFFC50] =	vst v55  }
0x5d: {  	v61 =	vld [tilespmem:s28+$0xFFFFFFC0];
	[tilespmem:s31+$0xFFFFFC60] =	vst v56  }
0x5e: {  	s1 =	sadd.s32 s1, s22;
	v62 =	vld [tilespmem:s28+$0x410];
	[tilespmem:s31+$0x0] =	vst v57  }
0x5f: {  	v63 =	vld [tilespmem:s28+$0x420];
	s26 =	sadd.s32 $0x1, s26;
	s1 =	sadd.s32 s30, s1;
	[tilespmem:s31+$0x10] =	vst v58  }
0x60: {  	p1 =	sne.s32 s26, $0x8;
	v0 =	vld.idx.msk [tilespmem:v0+s1+$0x400 ss:$0x1], $0xffff;
	[tilespmem:s31+$0x20] =	vst v59  }
.Ltmp4:
0x61: {  	[tilespmem:s31+$0x30] =	vst v60;
	(pc) =	sbr.rel @p1 .LBB1_3-.Ltmp4, $4  }
0x62: {  	[tilespmem:s31+$0xFFFFFBF0] =	vst v61  }
0x63: {  	[tilespmem:s31+$0x40] =	vst v62  }
0x64: {  	s27 =	sadd.s32 $0x800, s27;
	s20 =	sadd.s32 $0x800, s20;
	[tilespmem:s31+$0x50] =	vst v63  }
0x65: {  	s25 =	sadd.s32 $0x80, s25;
	p0 =	por !p0, !p0;
	s21 =	sadd.s32 $0x80, s21;
	[tilespmem:s27+$0x0] =	vst v0  }
0x66: {  	s1 =	sshll.u32 s18, $0x7;
	s29 =	sand.u32 $0x78, s15  }
0x67: {  	s20 =	sshll.u32 s15, $0x3;
	s17 =	sshll.u32 s17, $0x11;
	s16 =	sshll.u32 s16, $0xE  }
0x68: {  	s30 =	sand.u32 $0x3800, s15;
	s1 =	sand.u32 $0x380, s1;
	s20 =	sand.u32 $0x3C00, s20  }
.Ltmp5:
0x69: {  	s17 =	sadd.s32 s6, s17;
	s1 =	sor.u32 s1, s29;
	(pc) =	sbr.rel .LBB1_7-.Ltmp5, $4  }
0x6a: {  	s31 =	sand.u32 $0x7, s15;
	s16 =	sadd.s32 s16, s17;
	s1 =	sor.u32 s20, s1  }
0x6b: {  	s15 =	sshll.u32 s31, $0x12;
	s16 =	sadd.s32 s30, s16;
	s1 =	sshrl.u32 s1, $0x3  }
0x6c: {  	s15 =	sor.u32 $0x800, s15;
	s1 =	sadd.s32 s1, s16  }
0x6d: {  	[hbm4b:s1+s15] =	stream.strided.scatter [tilespmem:s19], [sflag:$0x2], $0x4000, s8, s15, $0x38;
	[tilespmem:$0x10000] =	vst v63  }
.LBB1_8:
0x6e: {  	_ =	sfence.sel $0x180000  }
0x6f: {  	s1 =	simm.s32 $0x1;
	[bflag:$0x0] =	sbarrier.arrive $0xFFFF  }
0x70: {  	s31 =	simm.s32 $0x2;
	[sflag:s1] =	ssyncpa.u1 $0x1  }
0x71: {  	[sflag:s31] =	ssyncpa.u1 $0x1  }
0x72: {  	_ =	strace $0x9000004A  }
0x73: {  	[bflag:$0x2] =	sbarrier.arrive $0xFFFF  }
0x74: {  	p0 =	sne.s32 s0, $0x0;
	s0 =	rddreg [dreg:$0x2]  }
0x75: {  	s0 =	sadd.s32 @!p0 $0x100000, s0  }
0x76: {  	[sflag:s0] =	ssyncadd.tile.s32 @!p0 $0x1;
	_ =	shalt  }
.Lfunc_end1:
_tile_overlayer_lowered:
.L_overlay_start_2:
0x77: {  	(tag) =	ssettag $0x2  }
0x78: {  	s0 =	rddreg [dreg:$0x0];
	s2 =	stileid.u32  }
0x79: {  	s1 =	rddreg [dreg:$0x1];
	p0 =	sne.s32 s2, $0x0  }
0x7a: {  	s3 =	rddreg [dreg:$0x2];
	[bflag:$0x3] =	sbarrier.arrive $0xFFFF;
	s2 =	simm.s32 @!p0 $0x1C01  }
0x7b: {  	[timem:s3], [sflag:s2] =	dma.local @!p0 [hbm:s0], s1  }
0x7c: {  	s0 =	simm.s32 @!p0 $0x1  }
0x7d: {  	_ =	swait.ge @!p0 [sflag:s0], s1  }
0x7e: {  	s1 =	ssub.s32 @!p0 $0x0, s1;
	[sflag:s0] =	ssyncset.done @!p0 $0x0  }
0x7f: {  	[sflag:s0] =	ssyncadd.s32 @!p0 s1  }
0x80: {  	[bflag:$0x3] =	sbarrier.arrive $0xFFFF  }
0x81: {  	_ =	shalt  }

// kernel: sparse-core-data-format-call.cloned.1.call-start
scs
called_computation_lowered:
.L_overlay_start_0:
0x0: {  	s2 =	sld [smem:$0x3FD9]  }
0x1: {  	s3 =	sld [smem:$0x3FFE];
	_ =	sdelay $0x1  }
0x2: {  	s1 =	srdreg.scid  }
0x3: {  	s0 =	sand.u32 $0x1, s1  }
0x4: {  	s15 =	sshll.u32 s0, $0xA;
	s2 =	sadd.s32 s3, s2  }
0x5: {  	s2 =	sadd.s32 s2, s15  }
0x6: {  	[smem:$0x3FBA] =	sst s2  }
0x7: {  	_ = 	snop  }
0x8: {  	s2 =	sld [smem:$0x3FD0];
	_ =	sdelay $0x2  }
0x9: {  	s16 =	simm.s32 $0xA;
	s4 =	simm.s32 $0x10  }
0xa: {  	[smem:s4], [sflag:s16] =	dma.local [hbm:s2], $0x1  }
0xb: {  	_ =	swait.eq [sflag:s16], $0x1  }
0xc: {  	[sflag:s16] =	ssyncset.done $0x0  }
0xd: {  	[sflag:s16] =	ssyncadd.s32 $0xFFFFFFFF  }
0xe: {  	s17 =	sld [smem:$0x11];
	(tm) =	ssettm $0x1  }
0xf: {  	s18 =	sld [smem:$0x3FFB];
	_ =	sdelay $0x3  }
0x10: {  	_ =	strace s18  }
0x11: {  	s3 =	sld [smem:$0x3FFC];
	_ =	sdelay $0x3  }
0x12: {  	_ =	strace s3  }
0x13: {  	s3 =	sld [smem:$0x3FFD];
	_ =	sdelay $0x3  }
0x14: {  	_ =	strace s3  }
0x15: {  	_ =	strace $0x8FFFFFFF  }
0x16: {  	s19 =	sld [smem:$0x3FDB];
	_ =	sdelay $0x1  }
0x17: {  	s20 =	simm.s32 $_scs_section_size  }
0x18: {  	s5 =	simm.s32 $_size__tile_overlayer_lowered;
	s6 =	simm.s32 $_tile_overlayer_lowered  }
0x19: {  	s23 =	simm.s32 $0x1BFF;
	s22 =	sshll.u32 s6, $0x1;
	s3 =	sadd.s32 s20, s19  }
0x1a: {  	s7 =	simm.s32 $0x0;
	s21 =	sshll.u32 s5, $0x1;
	s5 =	sadd.s32 s22, s3  }
0x1b: {  	[timem:s7], [sflag:s23] =	dma.local [hbm:s5], s21  }
0x1c: {  	_ =	swait.ge [sflag:s23], s21  }
0x1d: {  	s4 =	ssub.s32 $0x0, s21;
	[sflag:s23] =	ssyncset.done $0x0  }
0x1e: {  	[sflag:s23] =	ssyncadd.s32 s4;
	_ =	sdelay $0x1  }
0x1f: {  	s24 =	simm.s32 $0x1B8B  }
0x20: {  	_ =	swait.ge [sflag:s24], $0x1  }
0x21: {  	[sflag:s24] =	ssyncset.done $0x0  }
0x22: {  	s26 =	simm.s32 $0x1B8E;
	s25 =	sld [smem:$0x3FFE];
	[sflag:s24] =	ssyncadd.s32 $0xFFFFFFFF  }
0x23: {  	s27 =	simm.s32 $execute0_lowered;
	[smem:$0x3FD2] =	sst s26  }
0x24: {  	s5 =	sshll.u32 s27, $0x1;
	_ =	strace $0x8000004C;
	[dreg:$0x1] =	wrdreg $0xFFFFFFFF  }
0x25: {  	s28 =	simm.s32 $_size_execute0_lowered;
	s3 =	sadd.s32 s3, s5;
	[dreg:$0x0] =	wrdreg $0x0  }
0x26: {  	s5 =	sshll.u32 s28, $0x1;
	[dreg:$0x2] =	wrdreg s3  }
0x27: {  	[dreg:$0x3] =	wrdreg s5  }
0x28: {  	[dreg:$0x4] =	wrdreg $0xC0  }
0x29: {  	_ =	task [dreg:s7], $0x5FFFF  }
0x2a: {  	[dreg:$0x1] =	wrdreg $0xFFFFFFFF  }
0x2b: {  	[dreg:$0x0] =	wrdreg $0x60  }
0x2c: {  	[dreg:$0x2] =	wrdreg s25  }
0x2d: {  	[dreg:$0x3] =	wrdreg s17  }
0x2e: {  	[dreg:$0x4] =	wrdreg $0x9  }
0x2f: {  	_ =	task.clear_ibuf [dreg:s7], $0x5FFFF;
	_ =	strace $0x9000004C  }
0x30: {  	s29 =	simm.s32 $0x9;
	_ =	strace $0x8000004E  }
0x31: {  	_ =	swait.ge [sflag:s29], $0x1  }
0x32: {  	[sflag:s29] =	ssyncadd.s32 $0xFFFFFFFF  }
0x33: {  	_ =	strace $0x9000004E  }
0x34: {  	_ =	sfence  }
0x35: {  	s30 =	sld [smem:$0x0];
	_ =	sdelay $0x2  }
0x36: {  	s31 =	sshll.u32 s1, $0xD;
	s1 =	sshrl.u32 s1, $0x2  }
0x37: {  	s3 =	sand.u32 $0x4000, s31;
	s1 =	sadd.s32 s1, s30  }
0x38: {  	s0 =	sor.u32 s3, s0;
	s1 =	sshll.u32 s1, $0x11  }
0x39: {  	s0 =	sor.u32 s1, s0  }
0x3a: {  	s0 =	sadd.s32 $0x8F2B, s0  }
0x3b: {  	[sflag:s0] =	ssyncadd.remote.s32 $0x1  }
0x3c: {  	_ =	sfence.sel $0xFFFF  }
0x3d: {  	[dreg:$0x0] =	wrdreg $0xFFFFFFFF;
	(pc) =	sbr.abs _section_cstart, $3  }
0x3e: {  	[dreg:$0x1] =	wrdreg $0xFFFFFFFF  }
0x3f: {  	_ =	task.clear_ibuf [dreg:s7], $0x2FFFF;
	_ =	strace $0x9FFFFFFF  }
0x40: {  	(tm) =	ssettm $0x7FFFFFFF  }
0x41: {  	_ =	shalt  }
tec
execute0_lowered:
.L_overlay_start_1:
0x0: {  	(tag) =	ssettag $0x1  }
0x1: {  	s2 =	stileid.u32;
	s0 =	srdreg.scid  }
0x2: {  	s7 =	rddreg [dreg:$0x0];
	s1 =	sshll.u32 s2, $0x7;
	s0 =	sshll.u32 s0, $0xB  }
0x3: {  	s31 =	simm.s32 $0x2;
	s2 =	sshll.u32 s2, $0x3;
	s0 =	sor.u32 s1, s0  }
0x4: {  	s16 =	simm.s32 $0x0;
	s1 =	sand.u32 $0x8, s2;
	s2 =	sand.u32 $0xF00, s0  }
0x5: {  	s9 =	simm.s32 $0x500000;
	s30 =	ssub.s32 $0x10, s1;
	s3 =	ssub.s32 $0x4000, s2  }
0x6: {  	s10 =	simm.s32 $0x0;
	s4 =	sshrl.u32 s30, $0x4;
	s5 =	sand.u32 $0xF00, s3  }
0x7: {  	s0 =	sshrl.u32 s30, $0x3;
	p0 =	sne.s32 s5, $0x0;
	s5 =	simm.s32 $0x1  }
0x8: {  	s0 =	sand.u32 $0x1, s0;
	s3 =	sshrl.u32 s3, $0xC;
	s5 =	simm.s32 @!p0 $0x0  }
0x9: {  	s17 =	simm.s32 $0x0;
	s0 =	sadd.s32 s4, s0;
	s3 =	sadd.s32 s5, s3  }
0xa: {  	s19 =	simm.s32 $0x0;
	s18 =	simm.s32 $0x0;
	s0 =	smul.u32 s3, s0  }
.Ltmp0:
0xb: {  	s12 =	simm.s32 $0x0;
	s14 =	simm.s32 $0x0;
	(pc) =	sbr.rel .LBB1_1-.Ltmp0, $4  }
0xc: {  	s15 =	simm.s32 $0x0;
	s25 =	simm.s32 $0x0;
	s4 =	rddreg [dreg:$0x1]  }
0xd: {  	_ =	strace $0x8000004D;
	s5 =	simm.s32 $0x1;
	s6 =	smul.u32 $0x14, s0  }
0xe: {  	s7 =	sadd.s32 $0x652200, s7;
	s13 =	smov.u32 s1;
	[sflag:s5] =	ssyncpa.u1 $0x0  }
0xf: {  	s11 =	smov.u32 s2;
	[sflag:s31] =	ssyncpa.u1 $0x0;
	s8 =	sor.u32 $0x1, s6  }
.LBB1_7:
0x10: {  	s0 =	sadd.s32 $0x1000, s11  }
0x11: {  	s3 =	sadd.s32 $0x8, s12;
	s20 =	smov.u32 s12;
	p1 =	sgt.s32 s0, $0x3FFF  }
0x12: {  	s20 =	smov.u32 @p1 s3  }
0x13: {  	s21 =	smov.u32 s13;
	s3 =	sadd.s32 $0x10, s13;
	p2 =	sgt.s32 s20, $0x7  }
0x14: {  	s21 =	smov.u32 @p2 s3  }
0x15: {  	s3 =	simm.s32 $0x1;
	p3 =	sgt.s32 s21, $0xF  }
0x16: {  	s3 =	simm.s32 @!p3 $0x0  }
0x17: {  	p0 =	slt.u32 s15, $0x2;
	s3 =	sadd.s32 s3, s14  }
0x18: {  	s16 =	smov.u32 s11;
	s0 =	smov.u32 @p1 s2;
	p1 =	sgt.s32 s3, $0x13  }
0x19: {  	s17 =	smov.u32 s12;
	s3 =	simm.s32 @p1 $0x0;
	p1 =	sne.s32 s15, s8  }
.Ltmp1:
0x1a: {  	s19 =	smov.u32 s13;
	s22 =	simm.s32 @!p0 $0x2;
	(pc) =	sbr.rel @!p1 .LBB1_8-.Ltmp1, $4  }
0x1b: {  	s18 =	smov.u32 s14;
	s10 =	sadd.s32 $0x4000, s10;
	_ =	swait.ge @!p0 [sflag:s22], $0x4000  }
0x1c: {  	[sflag:s22] =	ssyncset.done @!p0 $0x0;
	s11 =	smov.u32 s0;
	s20 =	simm.s32 @p2 $0x0  }
0x1d: {  	[sflag:s22] =	ssyncadd.s32 @!p0 $0xFFFFC000;
	s12 =	smov.u32 s20;
	s21 =	smov.u32 @p3 s1  }
0x1e: {  	s13 =	smov.u32 s21;
	s15 =	sadd.s32 $0x1, s15;
	s14 =	smov.u32 s3  }
.LBB1_1:
0x1f: {  	p0 =	sge.u32 s15, s6  }
0x20: {  	s31 =	sadd.s32 $0xFFFFFFFF, s15;
	s0 =	sxor.u32 @!p0 $0xFFFFFFFF, s15  }
0x21: {  	s3 =	sshll.u32 @!p0 s12, $0x7;
	s20 =	sand.u32 @!p0 $0x78, s11;
	s21 =	sshll.u32 @!p0 s11, $0x3  }
0x22: {  	s22 =	sand.u32 @!p0 $0x3800, s11;
	s0 =	sshll.u32 @!p0 s0, $0xE;
	s3 =	sand.u32 @!p0 $0x380, s3  }
0x23: {  	s21 =	sand.u32 @!p0 $0x3C00, s21;
	s3 =	sor.u32 @!p0 s3, s20;
	s20 =	sshll.u32 @!p0 s14, $0x12  }
0x24: {  	s3 =	sor.u32 @!p0 s21, s3;
	s21 =	sshll.u32 @!p0 s13, $0xE;
	s20 =	sadd.s32 @!p0 s7, s20  }
0x25: {  	s0 =	sand.u32 @!p0 $0x4000, s0;
	s20 =	sadd.s32 @!p0 s21, s20;
	s21 =	sand.u32 @!p0 $0x7, s11  }
0x26: {  	s3 =	sshrl.u32 @!p0 s3, $0x3;
	s20 =	sadd.s32 @!p0 s22, s20;
	s21 =	sshll.u32 @!p0 s21, $0x12  }
0x27: {  	s3 =	sadd.s32 @!p0 s3, s20;
	s20 =	sor.u32 @!p0 $0x800, s21;
	s21 =	simm.s32 @!p0 $0x20000  }
0x28: {  	[tilespmem:s0], [sflag:$0x1] =	stream.strided.gather @!p0 [hbm4b:s3+s20], $0x4000, s21, s20, $0x38;
	[tilespmem:$0x10000] =	vst v63  }
0x29: {  	p0 =	sge.u32 s31, s6  }
.Ltmp2:
0x2a: {  	_ = 	snop;
	(pc) =	sbr.rel @p0 .LBB1_7-.Ltmp2, $1  }
0x2b: {  	_ =	sdelay $0x3  }
0x2c: {  	s0 =	sshll.u32 s10, $0x2;
	_ =	swait.ge [sflag:s5], $0x4000;
	s3 =	sshll.u32 s15, $0xE  }
0x2d: {  	p0 =	por $0x0, $0x0;
	s26 =	simm.s32 $0x0;
	s27 =	simm.s32 $0x0  }
0x2e: {  	s0 =	sand.u32 $0x10000, s0;
	[sflag:s5] =	ssyncset.done $0x0;
	s23 =	sand.u32 $0x4000, s3  }
0x2f: {  	s0 =	sshrl.u32 s0, $0x2;
	[sflag:s5] =	ssyncadd.s32 $0xFFFFC000;
	s20 =	sor.u32 $0x8000, s23  }
0x30: {  	s21 =	sor.u32 $0x40, s0;
	s22 =	sor.u32 $0x8410, s0;
	s24 =	sadd.s32 $0x8400, s0  }
.LBB1_3:
0x31: {  	v1 =	vld [tilespmem:s21+$0xFFFFFFD0]  }
0x32: {  	v2 =	vld [tilespmem:s21+$0x430]  }
0x33: {  	s0 =	sshll.u32 s27, $0xB;
	v4 =	vld [tilespmem:s21+$0xFFFFFFE0]  }
0x34: {  	v7 =	vld [tilespmem:s21+$0xFFFFFFF0];
	v0 =	vmov s0  }
0x35: {  	v8 =	vld [tilespmem:s21+$0x0]  }
0x36: {  	v9 =	vld [tilespmem:s21+$0x10];
	s0 =	sand.u32 $0x300, s25  }
0x37: {  	s3 =	sand.u32 $0x80, s25;
	v10 =	vld [tilespmem:s21+$0x20];
	s0 =	sadd.s32 s0, s23  }
0x38: {  	v11 =	vld [tilespmem:s21+$0x30];
	s0 =	sadd.s32 s3, s0;
	s3 =	simm.s32 $0x1;
	[tilespmem:s22+$0x60] =	vst v2  }
0x39: {  	s3 =	simm.s32 @!p0 $0x0;
	[tilespmem:s22+$0xFFFFFC00] =	vst v1;
	v3 =	vld.idx.msk [tilespmem:v0+s0+$0x400 ss:$0x1], $0xffff;
	s0 =	sshll.u32 s26, $0x2  }
0x3a: {  	v6 =	vld [tilespmem:s21+$0x3D0];
	s3 =	sshll.u32 s3, $0x9;
	[tilespmem:s22+$0xFFFFFC10] =	vst v4;
	s0 =	sand.u32 $0xFFFFFC00, s0  }
0x3b: {  	v5 =	vld [tilespmem:s21+$0x3E0];
	[tilespmem:s22+$0xFFFFFC20] =	vst v7;
	s0 =	sor.u32 s3, s0  }
0x3c: {  	[tilespmem:s22+$0xFFFFFC30] =	vst v8;
	v4 =	vld [tilespmem:s21+$0x400];
	s0 =	sshrl.u32 s0, $0x2  }
0x3d: {  	[tilespmem:s22+$0xFFFFFC40] =	vst v9;
	v1 =	vld [tilespmem:s21+$0x410];
	s28 =	sadd.s32 s0, s24  }
0x3e: {  	[tilespmem:s28+$0x0] =	vst v3;
	v3 =	vld [tilespmem:s21+$0x3F0]  }
0x3f: {  	s31 =	simm.s32 $0x100;
	[tilespmem:s22+$0xFFFFFC50] =	vst v10;
	v2 =	vld [tilespmem:s21+$0x420];
	s3 =	simm.s32 $0x80  }
0x40: {  	s29 =	sadd.s32 $0x80, s21;
	s30 =	smov.u32 s22;
	v7 =	vld [tilespmem:s21+$0xFFFFFFC0];
	[tilespmem:s22+$0xFFFFFC60] =	vst v11;
	s0 =	sand.u32 $0x300, s3  }
.LBB1_4:
0x41: {  	p1 =	sne.s32 s31, $0x380;
	v8 =	vld [tilespmem:s29+$0xFFFFFFD0];
	s3 =	sand.u32 $0x80, s3;
	s0 =	sadd.s32 s0, s23;
	[tilespmem:s30+$0x0] =	vst v6  }
0x42: {  	s0 =	sadd.s32 s3, s0;
	v6 =	vld [tilespmem:s29+$0x430];
	[tilespmem:s30+$0x10] =	vst v5;
	s3 =	smov.u32 s31  }
0x43: {  	v5 =	vld.idx.msk [tilespmem:v0+s0+$0x400 ss:$0x1], $0xffff;
	[tilespmem:s30+$0x20] =	vst v3  }
0x44: {  	v3 =	vld [tilespmem:s29+$0xFFFFFFE0];
	[tilespmem:s30+$0x30] =	vst v4  }
0x45: {  	v4 =	vld [tilespmem:s29+$0xFFFFFFF0];
	[tilespmem:s30+$0xFFFFFBF0] =	vst v7  }
0x46: {  	v7 =	vld [tilespmem:s29+$0x0];
	[tilespmem:s30+$0x40] =	vst v1  }
0x47: {  	v1 =	vld [tilespmem:s29+$0x10];
	[tilespmem:s30+$0x50] =	vst v2;
	s30 =	sadd.s32 $0x800, s30  }
0x48: {  	s28 =	sadd.s32 $0x800, s28;
	v2 =	vld [tilespmem:s29+$0x20];
	[tilespmem:s30+$0x60] =	vst v6  }
0x49: {  	v9 =	vld [tilespmem:s29+$0x30];
	[tilespmem:s28+$0x0] =	vst v5  }
0x4a: {  	[tilespmem:s30+$0xFFFFFC00] =	vst v8;
	v6 =	vld [tilespmem:s29+$0x3D0]  }
0x4b: {  	[tilespmem:s30+$0xFFFFFC10] =	vst v3;
	v5 =	vld [tilespmem:s29+$0x3E0]  }
.Ltmp3:
0x4c: {  	[tilespmem:s30+$0xFFFFFC20] =	vst v4;
	v3 =	vld [tilespmem:s29+$0x3F0];
	(pc) =	sbr.rel @p1 .LBB1_4-.Ltmp3, $4  }
0x4d: {  	[tilespmem:s30+$0xFFFFFC30] =	vst v7;
	v4 =	vld [tilespmem:s29+$0x400]  }
0x4e: {  	[tilespmem:s30+$0xFFFFFC40] =	vst v1;
	v1 =	vld [tilespmem:s29+$0x410]  }
0x4f: {  	[tilespmem:s30+$0xFFFFFC50] =	vst v2;
	v2 =	vld [tilespmem:s29+$0x420]  }
0x50: {  	s31 =	sadd.s32 $0x80, s31;
	s0 =	sand.u32 $0x300, s3;
	v7 =	vld [tilespmem:s29+$0xFFFFFFC0];
	[tilespmem:s30+$0xFFFFFC60] =	vst v9;
	s29 =	sadd.s32 $0x80, s29  }
0x51: {  	[tilespmem:s30+$0x0] =	vst v6  }
0x52: {  	[tilespmem:s30+$0x10] =	vst v5  }
0x53: {  	v49 =	vld [tilespmem:s29+$0x430];
	[tilespmem:s30+$0x20] =	vst v3  }
0x54: {  	v50 =	vld [tilespmem:s29+$0xFFFFFFD0];
	[tilespmem:s30+$0x30] =	vst v4  }
0x55: {  	v51 =	vld [tilespmem:s29+$0xFFFFFFE0];
	[tilespmem:s30+$0x40] =	vst v1  }
0x56: {  	v52 =	vld [tilespmem:s29+$0xFFFFFFF0];
	[tilespmem:s30+$0x50] =	vst v2  }
0x57: {  	v53 =	vld [tilespmem:s29+$0x0];
	[tilespmem:s30+$0xFFFFFBF0] =	vst v7;
	s30 =	sadd.s32 $0x800, s30  }
0x58: {  	v54 =	vld [tilespmem:s29+$0x10];
	[tilespmem:s30+$0x60] =	vst v49  }
0x59: {  	v55 =	vld [tilespmem:s29+$0x20];
	[tilespmem:s30+$0xFFFFFC00] =	vst v50  }
0x5a: {  	v56 =	vld [tilespmem:s29+$0x30];
	[tilespmem:s30+$0xFFFFFC10] =	vst v51  }
0x5b: {  	v57 =	vld [tilespmem:s29+$0x3D0];
	[tilespmem:s30+$0xFFFFFC20] =	vst v52  }
0x5c: {  	v58 =	vld [tilespmem:s29+$0x3E0];
	[tilespmem:s30+$0xFFFFFC30] =	vst v53  }
0x5d: {  	v59 =	vld [tilespmem:s29+$0x3F0];
	[tilespmem:s30+$0xFFFFFC40] =	vst v54  }
0x5e: {  	v60 =	vld [tilespmem:s29+$0x400];
	[tilespmem:s30+$0xFFFFFC50] =	vst v55  }
0x5f: {  	v61 =	vld [tilespmem:s29+$0xFFFFFFC0];
	[tilespmem:s30+$0xFFFFFC60] =	vst v56  }
0x60: {  	s3 =	sand.u32 $0x80, s3;
	s0 =	sadd.s32 s0, s23;
	v62 =	vld [tilespmem:s29+$0x410];
	[tilespmem:s30+$0x0] =	vst v57  }
0x61: {  	v63 =	vld [tilespmem:s29+$0x420];
	s27 =	sadd.s32 $0x1, s27;
	s0 =	sadd.s32 s3, s0;
	[tilespmem:s30+$0x10] =	vst v58  }
0x62: {  	p1 =	sne.s32 s27, $0x8;
	v0 =	vld.idx.msk [tilespmem:v0+s0+$0x400 ss:$0x1], $0xffff;
	[tilespmem:s30+$0x20] =	vst v59  }
.Ltmp4:
0x63: {  	[tilespmem:s30+$0x30] =	vst v60;
	(pc) =	sbr.rel @p1 .LBB1_3-.Ltmp4, $4  }
0x64: {  	[tilespmem:s30+$0xFFFFFBF0] =	vst v61  }
0x65: {  	[tilespmem:s30+$0x40] =	vst v62  }
0x66: {  	s31 =	sadd.s32 $0x800, s28;
	s21 =	sadd.s32 $0x800, s21;
	[tilespmem:s30+$0x50] =	vst v63  }
0x67: {  	s26 =	sadd.s32 $0x80, s26;
	p0 =	por !p0, !p0;
	s22 =	sadd.s32 $0x80, s22;
	[tilespmem:s31+$0x0] =	vst v0  }
0x68: {  	s0 =	sand.u32 $0x78, s16;
	s3 =	sshll.u32 s19, $0xE;
	s21 =	sshll.u32 s16, $0x3  }
0x69: {  	s29 =	sshll.u32 s19, $0x7;
	s17 =	smul.u32 $0xA0000, s17;
	s18 =	sshll.u32 s18, $0xF  }
0x6a: {  	s30 =	sand.u32 $0x7, s16;
	s3 =	sand.u32 $0x20000, s3;
	s19 =	sand.u32 $0x380, s29  }
0x6b: {  	s18 =	sadd.s32 s4, s18;
	s3 =	sadd.s32 s3, s21;
	s21 =	sand.u32 $0x3C00, s21  }
.Ltmp5:
0x6c: {  	s0 =	sor.u32 s19, s0;
	s3 =	sshrl.u32 s3, $0x3;
	(pc) =	sbr.rel .LBB1_7-.Ltmp5, $4  }
0x6d: {  	s17 =	sadd.s32 s17, s18;
	s0 =	sor.u32 s21, s0;
	s3 =	sand.u32 $0x7800, s3  }
0x6e: {  	s16 =	sshll.u32 s30, $0x12;
	s0 =	sshrl.u32 s0, $0x3;
	s3 =	sadd.s32 s3, s17  }
0x6f: {  	s31 =	sor.u32 $0x800, s16;
	s0 =	sadd.s32 s0, s3  }
0x70: {  	[hbm4b:s0+s31] =	stream.strided.scatter [tilespmem:s20], [sflag:$0x2], $0x4000, s9, s31, $0x38;
	[tilespmem:$0x10000] =	vst v63  }
.LBB1_8:
0x71: {  	_ =	sfence.sel $0x180000  }
0x72: {  	s0 =	simm.s32 $0x1;
	[bflag:$0x0] =	sbarrier.arrive $0xFFFF  }
0x73: {  	s30 =	simm.s32 $0x2;
	[sflag:s0] =	ssyncpa.u1 $0x1  }
0x74: {  	[sflag:s30] =	ssyncpa.u1 $0x1  }
0x75: {  	_ =	strace $0x9000004D  }
0x76: {  	s31 =	stileid.u32;
	[bflag:$0x2] =	sbarrier.arrive $0xFFFF  }
0x77: {  	p0 =	sne.s32 s31, $0x0;
	s0 =	rddreg [dreg:$0x2]  }
0x78: {  	s0 =	sadd.s32 @!p0 $0x100000, s0  }
0x79: {  	[sflag:s0] =	ssyncadd.tile.s32 @!p0 $0x1;
	_ =	shalt  }
.Lfunc_end1:
_tile_overlayer_lowered:
.L_overlay_start_2:
0x7a: {  	(tag) =	ssettag $0x2  }
0x7b: {  	s0 =	rddreg [dreg:$0x0];
	s2 =	stileid.u32  }
0x7c: {  	s1 =	rddreg [dreg:$0x1];
	p0 =	sne.s32 s2, $0x0  }
0x7d: {  	s3 =	rddreg [dreg:$0x2];
	[bflag:$0x3] =	sbarrier.arrive $0xFFFF;
	s2 =	simm.s32 @!p0 $0x1C01  }
0x7e: {  	[timem:s3], [sflag:s2] =	dma.local @!p0 [hbm:s0], s1  }
0x7f: {  	s0 =	simm.s32 @!p0 $0x1  }
0x80: {  	_ =	swait.ge @!p0 [sflag:s0], s1  }
0x81: {  	s1 =	ssub.s32 @!p0 $0x0, s1;
	[sflag:s0] =	ssyncset.done @!p0 $0x0  }
0x82: {  	[sflag:s0] =	ssyncadd.s32 @!p0 s1  }
0x83: {  	[bflag:$0x3] =	sbarrier.arrive $0xFFFF  }
0x84: {  	_ =	shalt  }

</sc_bundles>
